<compile_context>
chip_gen: v7x
topology: tpu7x:2x2x1
jax: 0.10.2.dev20260603
libtpu: 0.0.44.dev20260713+nightly
codegen_flags: <defaults>
</compile_context>

<pallas_src>
import jax
import jax.numpy as jnp
from jax import lax
from jax.experimental import pallas as pl
from jax.experimental.pallas import tpu as pltpu, tpu_sc as plsc

MAX_NUM_TILES = 4
NUM_PATCHES = 1025
HIDDEN = 1280
BATCH = 8
NPH = NUM_PATCHES * HIDDEN
NSUB = 32


def _body(hid_t, tbl, tbl8, emb, rid, gat, out_t,
          tbuf, t8buf, ebuf, hb0, hb1, ob0, ob1,
          rid_v, gat_v,
          st, sh0, sh1, so0, so1):
    wid = lax.axis_index("s") * 2 + lax.axis_index("c")

    pltpu.sync_copy(rid, rid_v)
    pltpu.sync_copy(gat, gat_v)
    ridv = rid_v[...]
    graw = gat_v[...]
    ax = jnp.abs(graw)
    ex = jnp.exp(ax * 2.0)
    tpos = 1.0 - 2.0 / (ex + 1.0)
    gv = jnp.where(graw < 0.0, -tpos, tpos)
    omgv = 1.0 - gv
    lanes = lax.iota(jnp.int32, 16)
    any8 = jnp.max(ridv) == 8

    hb = (hb0, hb1)
    ob = (ob0, ob1)
    sh = (sh0, sh1)
    so = (so0, so1)

    n_k = jnp.where(wid == 0, 33, 32)

    def p_of(k):
        return wid + NSUB * k

    def start_tbl(k):
        p = p_of(k)
        c0 = p * HIDDEN
        for t in range(MAX_NUM_TILES):
            pltpu.async_copy(
                tbl.at[pl.ds(0, 8), pl.ds(t * NPH + c0, HIDDEN)],
                tbuf.at[t], st)
        pltpu.async_copy(emb.at[pl.ds((p // 8) * 8, 8)], ebuf, st)

        @pl.when(any8)
        def _():
            pltpu.async_copy(tbl8.at[p], t8buf, st)

    def wait_tbl():
        for t in range(MAX_NUM_TILES):
            pltpu.make_async_copy(
                tbl.at[pl.ds(0, 8), pl.ds(0, HIDDEN)], tbuf.at[t],
                st).wait()
        pltpu.make_async_copy(emb.at[pl.ds(0, 8)], ebuf, st).wait()

        @pl.when(any8)
        def _():
            pltpu.make_async_copy(tbl8.at[0], t8buf, st).wait()

    def start_h(k, b, s):
        pltpu.async_copy(hid_t.at[b, p_of(k)], hb[s], sh[s])

    def wait_h(s):
        pltpu.make_async_copy(hid_t.at[0, 0], hb[s], sh[s]).wait()

    def start_o(k, b, s):
        pltpu.async_copy(ob[s], out_t.at[b, p_of(k)], so[s])

    def wait_o(s):
        pltpu.make_async_copy(ob[s], out_t.at[0, 0], so[s]).wait()

    def compute(k, b, s_h):
        idb = jnp.sum(jnp.where(lanes == b, ridv, 0))
        pm8 = p_of(k) % 8
        hbuf, obuf = hb[s_h], ob[s_h]

        @pl.when(idb < 8)
        def _():
            for t in range(MAX_NUM_TILES):
                @plsc.parallel_loop(0, HIDDEN, step=16, unroll=8)
                def _(c, t=t):
                    obuf[t, pl.ds(c, 16)] = (
                        hbuf[t, pl.ds(c, 16)]
                        + omgv * ebuf[pm8, pl.ds(c, 16)]
                        + gv * tbuf[t, idb, pl.ds(c, 16)])

        @pl.when(idb == 8)
        def _():
            for t in range(MAX_NUM_TILES):
                @plsc.parallel_loop(0, HIDDEN, step=16, unroll=8)
                def _(c, t=t):
                    obuf[t, pl.ds(c, 16)] = (
                        hbuf[t, pl.ds(c, 16)]
                        + omgv * ebuf[pm8, pl.ds(c, 16)]
                        + gv * t8buf[t, pl.ds(c, 16)])

    start_tbl(0)
    start_h(0, 0, 0)

    def chunk(k, carry):
        wait_tbl()

        def bpair(q, carry2, k=k):
            for sb in (0, 1):
                b = 2 * q + sb
                wait_h(sb)
                if sb == 0:
                    start_h(k, b + 1, 1)
                else:
                    @pl.when(q < 3)
                    def _(k=k, b=b):
                        start_h(k, b + 1, 0)

                    @pl.when((q == 3) & (k + 1 < n_k))
                    def _(k=k):
                        start_h(k + 1, 0, 0)
                @pl.when((q >= 1) | (k > 0))
                def _(sb=sb):
                    wait_o(sb)
                compute(k, b, sb)
                start_o(k, b, sb)
            return carry2

        lax.fori_loop(0, BATCH // 2, bpair, 0)

        @pl.when(k + 1 < n_k)
        def _(k=k):
            start_tbl(k + 1)
        return carry

    lax.fori_loop(0, n_k, chunk, 0)
    wait_o(0)
    wait_o(1)


_PB = 25


def _stage8_body(t0_ref, t1_ref, t2_ref, t3_ref, o_ref):
    for t, t_ref in enumerate((t0_ref, t1_ref, t2_ref, t3_ref)):
        for r in range(_PB):
            o_ref[r, t, :] = t_ref[0, pl.ds(r * HIDDEN, HIDDEN)]


def _stage_row8(tile_table):
    return pl.pallas_call(
        _stage8_body,
        grid=(NUM_PATCHES // _PB,),
        in_specs=[pl.BlockSpec((8, _PB * HIDDEN),
                               lambda pb, t=t: (1, 41 * t + pb))
                  for t in range(MAX_NUM_TILES)],
        out_specs=pl.BlockSpec((_PB, MAX_NUM_TILES, HIDDEN),
                               lambda pb: (pb, 0, 0)),
        out_shape=jax.ShapeDtypeStruct(
            (NUM_PATCHES, MAX_NUM_TILES, HIDDEN), jnp.float32),
    )(tile_table, tile_table, tile_table, tile_table)


@jax.jit
def kernel(hidden_state, aspect_ratio_ids, gate, embedding, tile_table):
    hid_t = jnp.transpose(hidden_state, (0, 2, 1, 3))
    tbl8 = _stage_row8(tile_table)
    rid = jnp.zeros((16,), jnp.int32).at[:BATCH].set(
        aspect_ratio_ids.astype(jnp.int32))
    gat = jnp.broadcast_to(gate.astype(jnp.float32), (16,))

    run = pl.kernel(
        _body,
        out_type=jax.ShapeDtypeStruct(
            (BATCH, NUM_PATCHES, MAX_NUM_TILES, HIDDEN), jnp.float32),
        mesh=plsc.VectorSubcoreMesh(
            core_axis_name="c", subcore_axis_name="s",
            num_cores=2, num_subcores=16),
        compiler_params=pltpu.CompilerParams(needs_layout_passes=False),
        scratch_types=[
            pltpu.VMEM((MAX_NUM_TILES, 8, HIDDEN), jnp.float32),
            pltpu.VMEM((MAX_NUM_TILES, HIDDEN), jnp.float32),
            pltpu.VMEM((8, HIDDEN), jnp.float32),
            pltpu.VMEM((MAX_NUM_TILES, HIDDEN), jnp.float32),
            pltpu.VMEM((MAX_NUM_TILES, HIDDEN), jnp.float32),
            pltpu.VMEM((MAX_NUM_TILES, HIDDEN), jnp.float32),
            pltpu.VMEM((MAX_NUM_TILES, HIDDEN), jnp.float32),
            pltpu.VMEM((16,), jnp.int32),
            pltpu.VMEM((16,), jnp.float32),
            pltpu.SemaphoreType.DMA,
            pltpu.SemaphoreType.DMA,
            pltpu.SemaphoreType.DMA,
            pltpu.SemaphoreType.DMA,
            pltpu.SemaphoreType.DMA,
        ],
    )
    out_t = run(hid_t, tile_table, tbl8, embedding, rid, gat)
    return jnp.transpose(out_t, (0, 2, 1, 3))

# --- scband reference (transcript-rebuilt; emitter-appended) ---
"""Pipeline reference for scband-mllama-precomputed-position-embedding-63041529971055 (READ-ONLY COPY).

The authoritative reference and input builder live on the scoring server;
editing this copy changes nothing except your own understanding.
"""

import jax, jax.numpy as jnp
import numpy as np

MAX_NUM_TILES = 4
MAX_ASPECT_RATIO_ID = 8
IMAGE_SIZE = 448
PATCH_SIZE = 14
HIDDEN_SIZE = 1280
NUM_PATCHES = (IMAGE_SIZE // PATCH_SIZE) ** 2 + 1  # 1025
BATCH = 8


def setup_inputs(seed: int = 0) -> dict:
    key = jax.random.key(seed)
    k1, k2, k3, k4, k5 = jax.random.split(key, 5)
    hidden_state = jax.random.normal(k1, (BATCH, MAX_NUM_TILES, NUM_PATCHES, HIDDEN_SIZE), dtype=jnp.float32)
    aspect_ratio_ids = jax.random.randint(k2, (BATCH,), 0, MAX_ASPECT_RATIO_ID + 1, dtype=jnp.int64 if jax.config.jax_enable_x64 else jnp.int32)
    scale = HIDDEN_SIZE ** (-0.5)
    embedding = scale * jax.random.normal(k3, (NUM_PATCHES, HIDDEN_SIZE), dtype=jnp.float32)
    tile_table = jax.random.normal(k4, (MAX_ASPECT_RATIO_ID + 1, MAX_NUM_TILES * NUM_PATCHES * HIDDEN_SIZE), dtype=jnp.float32) * 0.02
    gate = jax.random.normal(k5, (1,), dtype=jnp.float32) * 0.1
    return {"hidden_state": hidden_state, "aspect_ratio_ids": aspect_ratio_ids, "gate": gate, "embedding": embedding, "tile_table": tile_table}


def reference(hidden_state, aspect_ratio_ids, gate, embedding, tile_table):
    g = jnp.tanh(gate)
    gated_position_embedding = (1.0 - g) * embedding
    h = hidden_state + gated_position_embedding.reshape(1, 1, NUM_PATCHES, HIDDEN_SIZE)
    tile_pe = jnp.take(tile_table, aspect_ratio_ids, axis=0)
    batch_size = hidden_state.shape[0]
    tile_pe = tile_pe.reshape(batch_size, MAX_NUM_TILES, NUM_PATCHES, HIDDEN_SIZE)
    gated_tile_pe = g * tile_pe
    h = h + gated_tile_pe
    return h

if __name__ == "__main__":
    import jax
    _d = setup_inputs()
    print(jax.jit(kernel)(*tuple(_d.values())))

</pallas_src>

<mosaic_0001>
#map = affine_map<(d0, d1) -> (0, 0, 0, 0)>
#map1 = affine_map<(d0, d1) -> (0, 0)>
#map2 = affine_map<(d0, d1) -> (0, 0, 0)>
#map3 = affine_map<(d0, d1) -> (0)>
module attributes {stable_mosaic.version = 14 : i64} {
  func.func @_body(%arg0: i32, %arg1: i32, %arg2: memref<8x1025x4x1280xf32, #tpu.memory_space<hbm>>, %arg3: memref<9x5248000xf32, #tpu.memory_space<hbm>>, %arg4: memref<1025x4x1280xf32, #tpu.memory_space<hbm>>, %arg5: memref<1025x1280xf32, #tpu.memory_space<hbm>>, %arg6: memref<16xi32, #tpu.memory_space<hbm>>, %arg7: memref<16xf32, #tpu.memory_space<hbm>>, %arg8: memref<8x1025x4x1280xf32, #tpu.memory_space<hbm>>, %arg9: memref<4x8x1280xf32, #tpu.memory_space<vmem>>, %arg10: memref<4x1280xf32, #tpu.memory_space<vmem>>, %arg11: memref<8x1280xf32, #tpu.memory_space<vmem>>, %arg12: memref<4x1280xf32, #tpu.memory_space<vmem>>, %arg13: memref<4x1280xf32, #tpu.memory_space<vmem>>, %arg14: memref<4x1280xf32, #tpu.memory_space<vmem>>, %arg15: memref<4x1280xf32, #tpu.memory_space<vmem>>, %arg16: memref<16xi32, #tpu.memory_space<vmem>>, %arg17: memref<16xf32, #tpu.memory_space<vmem>>, %arg18: memref<!tpu.dma_semaphore, #tpu.memory_space<semaphore_mem>>, %arg19: memref<!tpu.dma_semaphore, #tpu.memory_space<semaphore_mem>>, %arg20: memref<!tpu.dma_semaphore, #tpu.memory_space<semaphore_mem>>, %arg21: memref<!tpu.dma_semaphore, #tpu.memory_space<semaphore_mem>>, %arg22: memref<!tpu.dma_semaphore, #tpu.memory_space<semaphore_mem>>) attributes {dimension_semantics = [#tpu.dimension_semantics<core_parallel>, #tpu.dimension_semantics<subcore_parallel>], iteration_bounds = array<i64: 2, 16>, scalar_prefetch = 0 : i64, scratch_operands = 14 : i64, tpu.core_type = #tpu.core_type<sc_vector_subcore>, window_params = [{transform_indices = #map}, {transform_indices = #map1}, {transform_indices = #map2}, {transform_indices = #map1}, {transform_indices = #map3}, {transform_indices = #map3}, {transform_indices = #map}]} {
    %mul3A = arith.constant 2 : i32
    %mul3A_0 = arith.muli %arg1, %mul3A : i32
    %add3A = arith.addi %mul3A_0, %arg0 : i32
    "tpu.region"() ({
      %run_scoped3A = tpu.sem_alloc : memref<!tpu.dma_semaphore, #tpu.memory_space<semaphore_mem>>
      tpu.enqueue_dma source(%arg6 : memref<16xi32, #tpu.memory_space<hbm>>) target(%arg16 : memref<16xi32, #tpu.memory_space<vmem>>) target_semaphore(%run_scoped3A : memref<!tpu.dma_semaphore, #tpu.memory_space<semaphore_mem>>)
      tpu.wait_dma2 semaphore(%run_scoped3A : memref<!tpu.dma_semaphore, #tpu.memory_space<semaphore_mem>>) src(%arg6 : memref<16xi32, #tpu.memory_space<hbm>>) dst(%arg16 : memref<16xi32, #tpu.memory_space<vmem>>)
      tpu.yield
    }) : () -> ()
    "tpu.region"() ({
      %run_scoped3A = tpu.sem_alloc : memref<!tpu.dma_semaphore, #tpu.memory_space<semaphore_mem>>
      tpu.enqueue_dma source(%arg7 : memref<16xf32, #tpu.memory_space<hbm>>) target(%arg17 : memref<16xf32, #tpu.memory_space<vmem>>) target_semaphore(%run_scoped3A : memref<!tpu.dma_semaphore, #tpu.memory_space<semaphore_mem>>)
      tpu.wait_dma2 semaphore(%run_scoped3A : memref<!tpu.dma_semaphore, #tpu.memory_space<semaphore_mem>>) src(%arg7 : memref<16xf32, #tpu.memory_space<hbm>>) dst(%arg17 : memref<16xf32, #tpu.memory_space<vmem>>)
      tpu.yield
    }) : () -> ()
    %get3A = arith.constant 0 : index
    %get3A_1 = tpu.vector_load %arg16[%get3A] {strides = array<i32>} : memref<16xi32, #tpu.memory_space<vmem>>, vector<16xi32>,
    %get3A_2 = arith.constant 0 : index
    %get3A_3 = tpu.vector_load %arg17[%get3A_2] {strides = array<i32>} : memref<16xf32, #tpu.memory_space<vmem>>, vector<16xf32>,
    %abs3A = math.absf %get3A_3 : vector<16xf32>
    %mul3A_4 = arith.constant 2.000000e+00 : f32
    %mul3A_5 = vector.broadcast %mul3A_4 : f32 to vector<16xf32>
    %mul3A_6 = arith.mulf %abs3A, %mul3A_5 : vector<16xf32>
    %exp3A = math.exp %mul3A_6 : vector<16xf32>
    %add3A_7 = arith.constant 1.000000e+00 : f32
    %add3A_8 = vector.broadcast %add3A_7 : f32 to vector<16xf32>
    %add3A_9 = arith.addf %exp3A, %add3A_8 : vector<16xf32>
    %div3A = arith.constant 2.000000e+00 : f32
    %div3A_10 = vector.broadcast %div3A : f32 to vector<16xf32>
    %div3A_11 = arith.divf %div3A_10, %add3A_9 : vector<16xf32>
    %sub3A = arith.constant 1.000000e+00 : f32
    %sub3A_12 = vector.broadcast %sub3A : f32 to vector<16xf32>
    %sub3A_13 = arith.subf %sub3A_12, %div3A_11 : vector<16xf32>
    %lt3A = arith.constant 0.000000e+00 : f32
    %lt3A_14 = vector.broadcast %lt3A : f32 to vector<16xf32>
    %lt3A_15 = arith.cmpf olt, %get3A_3, %lt3A_14 : vector<16xf32>
    %neg3A = arith.constant 0.000000e+00 : f32
    %neg3A_16 = vector.broadcast %neg3A : f32 to vector<16xf32>
    %neg3A_17 = arith.subf %neg3A_16, %sub3A_13 : vector<16xf32>
    %select_n3A = arith.select %lt3A_15, %neg3A_17, %sub3A_13 : vector<16xi1>, vector<16xf32>
    %sub3A_18 = arith.constant 1.000000e+00 : f32
    %sub3A_19 = vector.broadcast %sub3A_18 : f32 to vector<16xf32>
    %sub3A_20 = arith.subf %sub3A_19, %select_n3A : vector<16xf32>
    %iota3A = tpu.iota {dimensions = array<i32: 0>} : vector<16xi32>
    %reduce_max3A = arith.constant true
    %reduce_max3A_21 = vector.broadcast %reduce_max3A : i1 to vector<16xi1>
    %reduce_max3A_22 = arith.constant -2147483648 : i32
    %reduce_max3A_23 = vector.broadcast %reduce_max3A_22 : i32 to vector<16xi32>
    %reduce_max3A_24 = arith.xori %get3A_1, %reduce_max3A_23 : vector<16xi32>
    %reduce_max3A_25 = tpu.scan <max>, %reduce_max3A_24 masked %reduce_max3A_21 : vector<16xi32>, vector<16xi1> -> vector<16xi32>
    %reduce_max3A_26 = arith.xori %reduce_max3A_25, %reduce_max3A_23 : vector<16xi32>
    %reduce_max3A_27 = vector.extract %reduce_max3A_26[15] : i32 from vector<16xi32>
    %eq3A = arith.constant 8 : i32
    %eq3A_28 = arith.cmpi eq, %reduce_max3A_27, %eq3A : i32
    %eq3A_29 = arith.constant 0 : i32
    %eq3A_30 = arith.cmpi eq, %add3A, %eq3A_29 : i32
    %jit3A = arith.constant 33 : i32
    %jit3A_31 = arith.constant 32 : i32
    %select_n3A_32 = arith.select %eq3A_30, %jit3A, %jit3A_31 : i32
    %add3A_33 = arith.constant 0 : i32
    %add3A_34 = arith.addi %add3A, %add3A_33 : i32
    %mul3A_35 = arith.constant 1280 : i32
    %mul3A_36 = arith.muli %add3A_34, %mul3A_35 : i32
    %add3A_37 = arith.constant 0 : i32
    %add3A_38 = arith.addi %add3A_37, %mul3A_36 : i32
    %dma_start3A = arith.constant 0 : i32
    %dma_start3A_39 = arith.constant 0 : i32
    %dma_start3A_40 = arith.constant 0 : i32
    %dma_start3A_41 = tpu.memref_slice %arg9[%dma_start3A, %dma_start3A_39, %dma_start3A_40] : memref<4x8x1280xf32, #tpu.memory_space<vmem>> -> memref<1x8x1280xf32, #tpu.memory_space<vmem>>
    %dma_start3A_42 = tpu.memref_squeeze %dma_start3A_41 : memref<1x8x1280xf32, #tpu.memory_space<vmem>> -> memref<8x1280xf32, #tpu.memory_space<vmem>>
    %dma_start3A_43 = arith.constant 0 : i32
    %dma_start3A_44 = tpu.memref_slice %arg3[%dma_start3A_43, %add3A_38] : memref<9x5248000xf32, #tpu.memory_space<hbm>> -> memref<8x1280xf32, #tpu.memory_space<hbm>>
    %dma_start3A_45 = arith.constant 0 : i32
    %dma_start3A_46 = arith.constant 0 : i32
    %dma_start3A_47 = tpu.memref_slice %arg9[%dma_start3A, %dma_start3A_45, %dma_start3A_46] : memref<4x8x1280xf32, #tpu.memory_space<vmem>> -> memref<1x8x1280xf32, #tpu.memory_space<vmem>>
    %dma_start3A_48 = tpu.memref_squeeze %dma_start3A_47 : memref<1x8x1280xf32, #tpu.memory_space<vmem>> -> memref<8x1280xf32, #tpu.memory_space<vmem>>
    %dma_start3A_49 = arith.constant 0 : i32
    %dma_start3A_50 = tpu.memref_slice %arg3[%dma_start3A_49, %add3A_38] : memref<9x5248000xf32, #tpu.memory_space<hbm>> -> memref<8x1280xf32, #tpu.memory_space<hbm>>
    tpu.enqueue_dma source(%dma_start3A_50 : memref<8x1280xf32, #tpu.memory_space<hbm>>) target(%dma_start3A_48 : memref<8x1280xf32, #tpu.memory_space<vmem>>) target_semaphore(%arg18 : memref<!tpu.dma_semaphore, #tpu.memory_space<semaphore_mem>>)
    %add3A_51 = arith.constant 1312000 : i32
    %add3A_52 = arith.addi %add3A_51, %mul3A_36 : i32
    %dma_start3A_53 = arith.constant 1 : i32
    %dma_start3A_54 = arith.constant 0 : i32
    %dma_start3A_55 = arith.constant 0 : i32
    %dma_start3A_56 = tpu.memref_slice %arg9[%dma_start3A_53, %dma_start3A_54, %dma_start3A_55] : memref<4x8x1280xf32, #tpu.memory_space<vmem>> -> memref<1x8x1280xf32, #tpu.memory_space<vmem>>
    %dma_start3A_57 = tpu.memref_squeeze %dma_start3A_56 : memref<1x8x1280xf32, #tpu.memory_space<vmem>> -> memref<8x1280xf32, #tpu.memory_space<vmem>>
    %dma_start3A_58 = arith.constant 0 : i32
    %dma_start3A_59 = tpu.memref_slice %arg3[%dma_start3A_58, %add3A_52] : memref<9x5248000xf32, #tpu.memory_space<hbm>> -> memref<8x1280xf32, #tpu.memory_space<hbm>>
    %dma_start3A_60 = arith.constant 0 : i32
    %dma_start3A_61 = arith.constant 0 : i32
    %dma_start3A_62 = tpu.memref_slice %arg9[%dma_start3A_53, %dma_start3A_60, %dma_start3A_61] : memref<4x8x1280xf32, #tpu.memory_space<vmem>> -> memref<1x8x1280xf32, #tpu.memory_space<vmem>>
    %dma_start3A_63 = tpu.memref_squeeze %dma_start3A_62 : memref<1x8x1280xf32, #tpu.memory_space<vmem>> -> memref<8x1280xf32, #tpu.memory_space<vmem>>
    %dma_start3A_64 = arith.constant 0 : i32
    %dma_start3A_65 = tpu.memref_slice %arg3[%dma_start3A_64, %add3A_52] : memref<9x5248000xf32, #tpu.memory_space<hbm>> -> memref<8x1280xf32, #tpu.memory_space<hbm>>
    tpu.enqueue_dma source(%dma_start3A_65 : memref<8x1280xf32, #tpu.memory_space<hbm>>) target(%dma_start3A_63 : memref<8x1280xf32, #tpu.memory_space<vmem>>) target_semaphore(%arg18 : memref<!tpu.dma_semaphore, #tpu.memory_space<semaphore_mem>>)
    %add3A_66 = arith.constant 2624000 : i32
    %add3A_67 = arith.addi %add3A_66, %mul3A_36 : i32
    %dma_start3A_68 = arith.constant 2 : i32
    %dma_start3A_69 = arith.constant 0 : i32
    %dma_start3A_70 = arith.constant 0 : i32
    %dma_start3A_71 = tpu.memref_slice %arg9[%dma_start3A_68, %dma_start3A_69, %dma_start3A_70] : memref<4x8x1280xf32, #tpu.memory_space<vmem>> -> memref<1x8x1280xf32, #tpu.memory_space<vmem>>
    %dma_start3A_72 = tpu.memref_squeeze %dma_start3A_71 : memref<1x8x1280xf32, #tpu.memory_space<vmem>> -> memref<8x1280xf32, #tpu.memory_space<vmem>>
    %dma_start3A_73 = arith.constant 0 : i32
    %dma_start3A_74 = tpu.memref_slice %arg3[%dma_start3A_73, %add3A_67] : memref<9x5248000xf32, #tpu.memory_space<hbm>> -> memref<8x1280xf32, #tpu.memory_space<hbm>>
    %dma_start3A_75 = arith.constant 0 : i32
    %dma_start3A_76 = arith.constant 0 : i32
    %dma_start3A_77 = tpu.memref_slice %arg9[%dma_start3A_68, %dma_start3A_75, %dma_start3A_76] : memref<4x8x1280xf32, #tpu.memory_space<vmem>> -> memref<1x8x1280xf32, #tpu.memory_space<vmem>>
    %dma_start3A_78 = tpu.memref_squeeze %dma_start3A_77 : memref<1x8x1280xf32, #tpu.memory_space<vmem>> -> memref<8x1280xf32, #tpu.memory_space<vmem>>
    %dma_start3A_79 = arith.constant 0 : i32
    %dma_start3A_80 = tpu.memref_slice %arg3[%dma_start3A_79, %add3A_67] : memref<9x5248000xf32, #tpu.memory_space<hbm>> -> memref<8x1280xf32, #tpu.memory_space<hbm>>
    tpu.enqueue_dma source(%dma_start3A_80 : memref<8x1280xf32, #tpu.memory_space<hbm>>) target(%dma_start3A_78 : memref<8x1280xf32, #tpu.memory_space<vmem>>) target_semaphore(%arg18 : memref<!tpu.dma_semaphore, #tpu.memory_space<semaphore_mem>>)
    %add3A_81 = arith.constant 3936000 : i32
    %add3A_82 = arith.addi %add3A_81, %mul3A_36 : i32
    %dma_start3A_83 = arith.constant 3 : i32
    %dma_start3A_84 = arith.constant 0 : i32
    %dma_start3A_85 = arith.constant 0 : i32
    %dma_start3A_86 = tpu.memref_slice %arg9[%dma_start3A_83, %dma_start3A_84, %dma_start3A_85] : memref<4x8x1280xf32, #tpu.memory_space<vmem>> -> memref<1x8x1280xf32, #tpu.memory_space<vmem>>
    %dma_start3A_87 = tpu.memref_squeeze %dma_start3A_86 : memref<1x8x1280xf32, #tpu.memory_space<vmem>> -> memref<8x1280xf32, #tpu.memory_space<vmem>>
    %dma_start3A_88 = arith.constant 0 : i32
    %dma_start3A_89 = tpu.memref_slice %arg3[%dma_start3A_88, %add3A_82] : memref<9x5248000xf32, #tpu.memory_space<hbm>> -> memref<8x1280xf32, #tpu.memory_space<hbm>>
    %dma_start3A_90 = arith.constant 0 : i32
    %dma_start3A_91 = arith.constant 0 : i32
    %dma_start3A_92 = tpu.memref_slice %arg9[%dma_start3A_83, %dma_start3A_90, %dma_start3A_91] : memref<4x8x1280xf32, #tpu.memory_space<vmem>> -> memref<1x8x1280xf32, #tpu.memory_space<vmem>>
    %dma_start3A_93 = tpu.memref_squeeze %dma_start3A_92 : memref<1x8x1280xf32, #tpu.memory_space<vmem>> -> memref<8x1280xf32, #tpu.memory_space<vmem>>
    %dma_start3A_94 = arith.constant 0 : i32
    %dma_start3A_95 = tpu.memref_slice %arg3[%dma_start3A_94, %add3A_82] : memref<9x5248000xf32, #tpu.memory_space<hbm>> -> memref<8x1280xf32, #tpu.memory_space<hbm>>
    tpu.enqueue_dma source(%dma_start3A_95 : memref<8x1280xf32, #tpu.memory_space<hbm>>) target(%dma_start3A_93 : memref<8x1280xf32, #tpu.memory_space<vmem>>) target_semaphore(%arg18 : memref<!tpu.dma_semaphore, #tpu.memory_space<semaphore_mem>>)
    %jit3A_96 = arith.constant 8 : i32
    %div3A_97 = arith.divsi %add3A_34, %jit3A_96 : i32
    %sign3A = arith.constant 0 : i32
    %sign3A_98 = arith.cmpi sgt, %add3A_34, %sign3A : i32
    %sign3A_99 = arith.extui %sign3A_98 : i1 to i32
    %sign3A_100 = arith.constant 0 : i32
    %sign3A_101 = arith.cmpi slt, %add3A_34, %sign3A_100 : i32
    %sign3A_102 = arith.extui %sign3A_101 : i1 to i32
    %sign3A_103 = arith.subi %sign3A_99, %sign3A_102 : i32
    %sign3A_104 = arith.constant 0 : i32
    %sign3A_105 = arith.cmpi sgt, %jit3A_96, %sign3A_104 : i32
    %sign3A_106 = arith.extui %sign3A_105 : i1 to i32
    %sign3A_107 = arith.constant 0 : i32
    %sign3A_108 = arith.cmpi slt, %jit3A_96, %sign3A_107 : i32
    %sign3A_109 = arith.extui %sign3A_108 : i1 to i32
    %sign3A_110 = arith.subi %sign3A_106, %sign3A_109 : i32
    %ne3A = arith.cmpi ne, %sign3A_103, %sign3A_110 : i32
    %rem3A = arith.remsi %add3A_34, %jit3A_96 : i32
    %ne3A_111 = arith.constant 0 : i32
    %ne3A_112 = arith.cmpi ne, %rem3A, %ne3A_111 : i32
    %and3A = arith.andi %ne3A, %ne3A_112 : i1
    %sub3A_113 = arith.constant 1 : i32
    %sub3A_114 = arith.subi %div3A_97, %sub3A_113 : i32
    %select_n3A_115 = arith.select %and3A, %sub3A_114, %div3A_97 : i32
    %mul3A_116 = arith.constant 8 : i32
    %mul3A_117 = arith.muli %select_n3A_115, %mul3A_116 : i32
    %dma_start3A_118 = arith.constant 0 : i32
    %dma_start3A_119 = tpu.memref_slice %arg5[%mul3A_117, %dma_start3A_118] : memref<1025x1280xf32, #tpu.memory_space<hbm>> -> memref<8x1280xf32, #tpu.memory_space<hbm>>
    %dma_start3A_120 = arith.constant 0 : i32
    %dma_start3A_121 = tpu.memref_slice %arg5[%mul3A_117, %dma_start3A_120] : memref<1025x1280xf32, #tpu.memory_space<hbm>> -> memref<8x1280xf32, #tpu.memory_space<hbm>>
    tpu.enqueue_dma source(%dma_start3A_121 : memref<8x1280xf32, #tpu.memory_space<hbm>>) target(%arg11 : memref<8x1280xf32, #tpu.memory_space<vmem>>) target_semaphore(%arg18 : memref<!tpu.dma_semaphore, #tpu.memory_space<semaphore_mem>>)
    %convert_element_type3A = arith.extui %eq3A_28 : i1 to i32
    %cond3A = arith.constant 0 : i32
    %cond3A_122 = arith.cmpi ne, %convert_element_type3A, %cond3A : i32
    scf.if %cond3A_122 {
      %dma_start3A_162 = arith.constant 0 : i32
      %dma_start3A_163 = arith.constant 0 : i32
      %dma_start3A_164 = tpu.memref_slice %arg4[%add3A_34, %dma_start3A_162, %dma_start3A_163] : memref<1025x4x1280xf32, #tpu.memory_space<hbm>> -> memref<1x4x1280xf32, #tpu.memory_space<hbm>>
      %dma_start3A_165 = tpu.memref_squeeze %dma_start3A_164 : memref<1x4x1280xf32, #tpu.memory_space<hbm>> -> memref<4x1280xf32, #tpu.memory_space<hbm>>
      %dma_start3A_166 = arith.constant 0 : i32
      %dma_start3A_167 = arith.constant 0 : i32
      %dma_start3A_168 = tpu.memref_slice %arg4[%add3A_34, %dma_start3A_166, %dma_start3A_167] : memref<1025x4x1280xf32, #tpu.memory_space<hbm>> -> memref<1x4x1280xf32, #tpu.memory_space<hbm>>
      %dma_start3A_169 = tpu.memref_squeeze %dma_start3A_168 : memref<1x4x1280xf32, #tpu.memory_space<hbm>> -> memref<4x1280xf32, #tpu.memory_space<hbm>>
      tpu.enqueue_dma source(%dma_start3A_169 : memref<4x1280xf32, #tpu.memory_space<hbm>>) target(%arg10 : memref<4x1280xf32, #tpu.memory_space<vmem>>) target_semaphore(%arg18 : memref<!tpu.dma_semaphore, #tpu.memory_space<semaphore_mem>>)
    } else {
    }
    %add3A_123 = arith.constant 0 : i32
    %add3A_124 = arith.addi %add3A, %add3A_123 : i32
    %dma_start3A_125 = arith.constant 0 : i32
    %dma_start3A_126 = arith.constant 0 : i32
    %dma_start3A_127 = arith.constant 0 : i32
    %dma_start3A_128 = tpu.memref_slice %arg2[%dma_start3A_125, %add3A_124, %dma_start3A_126, %dma_start3A_127] : memref<8x1025x4x1280xf32, #tpu.memory_space<hbm>> -> memref<1x1x4x1280xf32, #tpu.memory_space<hbm>>
    %dma_start3A_129 = tpu.memref_squeeze %dma_start3A_128 : memref<1x1x4x1280xf32, #tpu.memory_space<hbm>> -> memref<4x1280xf32, #tpu.memory_space<hbm>>
    %dma_start3A_130 = arith.constant 0 : i32
    %dma_start3A_131 = arith.constant 0 : i32
    %dma_start3A_132 = tpu.memref_slice %arg2[%dma_start3A_125, %add3A_124, %dma_start3A_130, %dma_start3A_131] : memref<8x1025x4x1280xf32, #tpu.memory_space<hbm>> -> memref<1x1x4x1280xf32, #tpu.memory_space<hbm>>
    %dma_start3A_133 = tpu.memref_squeeze %dma_start3A_132 : memref<1x1x4x1280xf32, #tpu.memory_space<hbm>> -> memref<4x1280xf32, #tpu.memory_space<hbm>>
    tpu.enqueue_dma source(%dma_start3A_133 : memref<4x1280xf32, #tpu.memory_space<hbm>>) target(%arg12 : memref<4x1280xf32, #tpu.memory_space<vmem>>) target_semaphore(%arg19 : memref<!tpu.dma_semaphore, #tpu.memory_space<semaphore_mem>>)
    %while3A = arith.constant 0 : i32
    %while3A_134 = arith.constant 0 : i32
    %while3A_135 = arith.subi %select_n3A_32, %while3A_134 : i32
    %while3A_136 = arith.addi %while3A_134, %while3A_135 : i32
    %while3A_137 = arith.constant 1 : i32
    %while3A_138 = arith.divsi %while3A_135, %while3A_137 : i32
    %while3A_139 = arith.muli %while3A_138, %while3A_137 : i32
    %while3A_140 = arith.addi %while3A_134, %while3A_139 : i32
    %while3A_141 = arith.constant 1 : i32
    scf.for %while3A_162 = %while3A_134 to %while3A_140 step %while3A_141  : i32 {
      %dma_wait3A_163 = arith.constant 0 : i32
      %dma_wait3A_164 = arith.constant 0 : i32
      %dma_wait3A_165 = arith.constant 0 : i32
      %dma_wait3A_166 = tpu.memref_slice %arg9[%dma_wait3A_163, %dma_wait3A_164, %dma_wait3A_165] : memref<4x8x1280xf32, #tpu.memory_space<vmem>> -> memref<1x8x1280xf32, #tpu.memory_space<vmem>>
      %dma_wait3A_167 = tpu.memref_squeeze %dma_wait3A_166 : memref<1x8x1280xf32, #tpu.memory_space<vmem>> -> memref<8x1280xf32, #tpu.memory_space<vmem>>
      %dma_wait3A_168 = arith.constant 0 : i32
      %dma_wait3A_169 = arith.constant 0 : i32
      %dma_wait3A_170 = tpu.memref_slice %arg3[%dma_wait3A_168, %dma_wait3A_169] : memref<9x5248000xf32, #tpu.memory_space<hbm>> -> memref<8x1280xf32, #tpu.memory_space<hbm>>
      %dma_wait3A_171 = arith.constant 0 : i32
      %dma_wait3A_172 = arith.constant 0 : i32
      %dma_wait3A_173 = tpu.memref_slice %arg9[%dma_wait3A_163, %dma_wait3A_171, %dma_wait3A_172] : memref<4x8x1280xf32, #tpu.memory_space<vmem>> -> memref<1x8x1280xf32, #tpu.memory_space<vmem>>
      %dma_wait3A_174 = tpu.memref_squeeze %dma_wait3A_173 : memref<1x8x1280xf32, #tpu.memory_space<vmem>> -> memref<8x1280xf32, #tpu.memory_space<vmem>>
      %dma_wait3A_175 = arith.constant 0 : i32
      %dma_wait3A_176 = arith.constant 0 : i32
      %dma_wait3A_177 = tpu.memref_slice %arg3[%dma_wait3A_175, %dma_wait3A_176] : memref<9x5248000xf32, #tpu.memory_space<hbm>> -> memref<8x1280xf32, #tpu.memory_space<hbm>>
      tpu.wait_dma2 semaphore(%arg18 : memref<!tpu.dma_semaphore, #tpu.memory_space<semaphore_mem>>) src(%dma_wait3A_177 : memref<8x1280xf32, #tpu.memory_space<hbm>>) dst(%dma_wait3A_174 : memref<8x1280xf32, #tpu.memory_space<vmem>>)
      %dma_wait3A_178 = arith.constant 1 : i32
      %dma_wait3A_179 = arith.constant 0 : i32
      %dma_wait3A_180 = arith.constant 0 : i32
      %dma_wait3A_181 = tpu.memref_slice %arg9[%dma_wait3A_178, %dma_wait3A_179, %dma_wait3A_180] : memref<4x8x1280xf32, #tpu.memory_space<vmem>> -> memref<1x8x1280xf32, #tpu.memory_space<vmem>>
      %dma_wait3A_182 = tpu.memref_squeeze %dma_wait3A_181 : memref<1x8x1280xf32, #tpu.memory_space<vmem>> -> memref<8x1280xf32, #tpu.memory_space<vmem>>
      %dma_wait3A_183 = arith.constant 0 : i32
      %dma_wait3A_184 = arith.constant 0 : i32
      %dma_wait3A_185 = tpu.memref_slice %arg3[%dma_wait3A_183, %dma_wait3A_184] : memref<9x5248000xf32, #tpu.memory_space<hbm>> -> memref<8x1280xf32, #tpu.memory_space<hbm>>
      %dma_wait3A_186 = arith.constant 0 : i32
      %dma_wait3A_187 = arith.constant 0 : i32
      %dma_wait3A_188 = tpu.memref_slice %arg9[%dma_wait3A_178, %dma_wait3A_186, %dma_wait3A_187] : memref<4x8x1280xf32, #tpu.memory_space<vmem>> -> memref<1x8x1280xf32, #tpu.memory_space<vmem>>
      %dma_wait3A_189 = tpu.memref_squeeze %dma_wait3A_188 : memref<1x8x1280xf32, #tpu.memory_space<vmem>> -> memref<8x1280xf32, #tpu.memory_space<vmem>>
      %dma_wait3A_190 = arith.constant 0 : i32
      %dma_wait3A_191 = arith.constant 0 : i32
      %dma_wait3A_192 = tpu.memref_slice %arg3[%dma_wait3A_190, %dma_wait3A_191] : memref<9x5248000xf32, #tpu.memory_space<hbm>> -> memref<8x1280xf32, #tpu.memory_space<hbm>>
      tpu.wait_dma2 semaphore(%arg18 : memref<!tpu.dma_semaphore, #tpu.memory_space<semaphore_mem>>) src(%dma_wait3A_192 : memref<8x1280xf32, #tpu.memory_space<hbm>>) dst(%dma_wait3A_189 : memref<8x1280xf32, #tpu.memory_space<vmem>>)
      %dma_wait3A_193 = arith.constant 2 : i32
      %dma_wait3A_194 = arith.constant 0 : i32
      %dma_wait3A_195 = arith.constant 0 : i32
      %dma_wait3A_196 = tpu.memref_slice %arg9[%dma_wait3A_193, %dma_wait3A_194, %dma_wait3A_195] : memref<4x8x1280xf32, #tpu.memory_space<vmem>> -> memref<1x8x1280xf32, #tpu.memory_space<vmem>>
      %dma_wait3A_197 = tpu.memref_squeeze %dma_wait3A_196 : memref<1x8x1280xf32, #tpu.memory_space<vmem>> -> memref<8x1280xf32, #tpu.memory_space<vmem>>
      %dma_wait3A_198 = arith.constant 0 : i32
      %dma_wait3A_199 = arith.constant 0 : i32
      %dma_wait3A_200 = tpu.memref_slice %arg3[%dma_wait3A_198, %dma_wait3A_199] : memref<9x5248000xf32, #tpu.memory_space<hbm>> -> memref<8x1280xf32, #tpu.memory_space<hbm>>
      %dma_wait3A_201 = arith.constant 0 : i32
      %dma_wait3A_202 = arith.constant 0 : i32
      %dma_wait3A_203 = tpu.memref_slice %arg9[%dma_wait3A_193, %dma_wait3A_201, %dma_wait3A_202] : memref<4x8x1280xf32, #tpu.memory_space<vmem>> -> memref<1x8x1280xf32, #tpu.memory_space<vmem>>
      %dma_wait3A_204 = tpu.memref_squeeze %dma_wait3A_203 : memref<1x8x1280xf32, #tpu.memory_space<vmem>> -> memref<8x1280xf32, #tpu.memory_space<vmem>>
      %dma_wait3A_205 = arith.constant 0 : i32
      %dma_wait3A_206 = arith.constant 0 : i32
      %dma_wait3A_207 = tpu.memref_slice %arg3[%dma_wait3A_205, %dma_wait3A_206] : memref<9x5248000xf32, #tpu.memory_space<hbm>> -> memref<8x1280xf32, #tpu.memory_space<hbm>>
      tpu.wait_dma2 semaphore(%arg18 : memref<!tpu.dma_semaphore, #tpu.memory_space<semaphore_mem>>) src(%dma_wait3A_207 : memref<8x1280xf32, #tpu.memory_space<hbm>>) dst(%dma_wait3A_204 : memref<8x1280xf32, #tpu.memory_space<vmem>>)
      %dma_wait3A_208 = arith.constant 3 : i32
      %dma_wait3A_209 = arith.constant 0 : i32
      %dma_wait3A_210 = arith.constant 0 : i32
      %dma_wait3A_211 = tpu.memref_slice %arg9[%dma_wait3A_208, %dma_wait3A_209, %dma_wait3A_210] : memref<4x8x1280xf32, #tpu.memory_space<vmem>> -> memref<1x8x1280xf32, #tpu.memory_space<vmem>>
      %dma_wait3A_212 = tpu.memref_squeeze %dma_wait3A_211 : memref<1x8x1280xf32, #tpu.memory_space<vmem>> -> memref<8x1280xf32, #tpu.memory_space<vmem>>
      %dma_wait3A_213 = arith.constant 0 : i32
      %dma_wait3A_214 = arith.constant 0 : i32
      %dma_wait3A_215 = tpu.memref_slice %arg3[%dma_wait3A_213, %dma_wait3A_214] : memref<9x5248000xf32, #tpu.memory_space<hbm>> -> memref<8x1280xf32, #tpu.memory_space<hbm>>
      %dma_wait3A_216 = arith.constant 0 : i32
      %dma_wait3A_217 = arith.constant 0 : i32
      %dma_wait3A_218 = tpu.memref_slice %arg9[%dma_wait3A_208, %dma_wait3A_216, %dma_wait3A_217] : memref<4x8x1280xf32, #tpu.memory_space<vmem>> -> memref<1x8x1280xf32, #tpu.memory_space<vmem>>
      %dma_wait3A_219 = tpu.memref_squeeze %dma_wait3A_218 : memref<1x8x1280xf32, #tpu.memory_space<vmem>> -> memref<8x1280xf32, #tpu.memory_space<vmem>>
      %dma_wait3A_220 = arith.constant 0 : i32
      %dma_wait3A_221 = arith.constant 0 : i32
      %dma_wait3A_222 = tpu.memref_slice %arg3[%dma_wait3A_220, %dma_wait3A_221] : memref<9x5248000xf32, #tpu.memory_space<hbm>> -> memref<8x1280xf32, #tpu.memory_space<hbm>>
      tpu.wait_dma2 semaphore(%arg18 : memref<!tpu.dma_semaphore, #tpu.memory_space<semaphore_mem>>) src(%dma_wait3A_222 : memref<8x1280xf32, #tpu.memory_space<hbm>>) dst(%dma_wait3A_219 : memref<8x1280xf32, #tpu.memory_space<vmem>>)
      %dma_wait3A_223 = arith.constant 0 : i32
      %dma_wait3A_224 = arith.constant 0 : i32
      %dma_wait3A_225 = tpu.memref_slice %arg5[%dma_wait3A_223, %dma_wait3A_224] : memref<1025x1280xf32, #tpu.memory_space<hbm>> -> memref<8x1280xf32, #tpu.memory_space<hbm>>
      %dma_wait3A_226 = arith.constant 0 : i32
      %dma_wait3A_227 = arith.constant 0 : i32
      %dma_wait3A_228 = tpu.memref_slice %arg5[%dma_wait3A_226, %dma_wait3A_227] : memref<1025x1280xf32, #tpu.memory_space<hbm>> -> memref<8x1280xf32, #tpu.memory_space<hbm>>
      tpu.wait_dma2 semaphore(%arg18 : memref<!tpu.dma_semaphore, #tpu.memory_space<semaphore_mem>>) src(%dma_wait3A_228 : memref<8x1280xf32, #tpu.memory_space<hbm>>) dst(%arg11 : memref<8x1280xf32, #tpu.memory_space<vmem>>)
      %convert_element_type3A_229 = arith.extui %eq3A_28 : i1 to i32
      %cond3A_230 = arith.constant 0 : i32
      %cond3A_231 = arith.cmpi ne, %convert_element_type3A_229, %cond3A_230 : i32
      scf.if %cond3A_231 {
        %dma_wait3A_243 = arith.constant 0 : i32
        %dma_wait3A_244 = arith.constant 0 : i32
        %dma_wait3A_245 = arith.constant 0 : i32
        %dma_wait3A_246 = tpu.memref_slice %arg4[%dma_wait3A_243, %dma_wait3A_244, %dma_wait3A_245] : memref<1025x4x1280xf32, #tpu.memory_space<hbm>> -> memref<1x4x1280xf32, #tpu.memory_space<hbm>>
        %dma_wait3A_247 = tpu.memref_squeeze %dma_wait3A_246 : memref<1x4x1280xf32, #tpu.memory_space<hbm>> -> memref<4x1280xf32, #tpu.memory_space<hbm>>
        %dma_wait3A_248 = arith.constant 0 : i32
        %dma_wait3A_249 = arith.constant 0 : i32
        %dma_wait3A_250 = tpu.memref_slice %arg4[%dma_wait3A_243, %dma_wait3A_248, %dma_wait3A_249] : memref<1025x4x1280xf32, #tpu.memory_space<hbm>> -> memref<1x4x1280xf32, #tpu.memory_space<hbm>>
        %dma_wait3A_251 = tpu.memref_squeeze %dma_wait3A_250 : memref<1x4x1280xf32, #tpu.memory_space<hbm>> -> memref<4x1280xf32, #tpu.memory_space<hbm>>
        tpu.wait_dma2 semaphore(%arg18 : memref<!tpu.dma_semaphore, #tpu.memory_space<semaphore_mem>>) src(%dma_wait3A_251 : memref<4x1280xf32, #tpu.memory_space<hbm>>) dst(%arg10 : memref<4x1280xf32, #tpu.memory_space<vmem>>)
      } else {
      }
      %scan3A = arith.constant 0 : i32
      %scan3A_232 = arith.constant 0 : i32
      %scan3A_233 = arith.constant 4 : i32
      %scan3A_234 = arith.addi %scan3A_232, %scan3A_233 : i32
      %scan3A_235 = arith.constant 1 : i32
      scf.for %scan3A_243 = %scan3A_232 to %scan3A_234 step %scan3A_235  : i32 {
        %mul3A_244 = arith.constant 2 : i32
        %mul3A_245 = arith.muli %mul3A_244, %scan3A_243 : i32
        %add3A_246 = arith.constant 0 : i32
        %add3A_247 = arith.addi %mul3A_245, %add3A_246 : i32
        %dma_wait3A_248 = arith.constant 0 : i32
        %dma_wait3A_249 = arith.constant 0 : i32
        %dma_wait3A_250 = arith.constant 0 : i32
        %dma_wait3A_251 = arith.constant 0 : i32
        %dma_wait3A_252 = tpu.memref_slice %arg2[%dma_wait3A_248, %dma_wait3A_249, %dma_wait3A_250, %dma_wait3A_251] : memref<8x1025x4x1280xf32, #tpu.memory_space<hbm>> -> memref<1x1x4x1280xf32, #tpu.memory_space<hbm>>
        %dma_wait3A_253 = tpu.memref_squeeze %dma_wait3A_252 : memref<1x1x4x1280xf32, #tpu.memory_space<hbm>> -> memref<4x1280xf32, #tpu.memory_space<hbm>>
        %dma_wait3A_254 = arith.constant 0 : i32
        %dma_wait3A_255 = arith.constant 0 : i32
        %dma_wait3A_256 = tpu.memref_slice %arg2[%dma_wait3A_248, %dma_wait3A_249, %dma_wait3A_254, %dma_wait3A_255] : memref<8x1025x4x1280xf32, #tpu.memory_space<hbm>> -> memref<1x1x4x1280xf32, #tpu.memory_space<hbm>>
        %dma_wait3A_257 = tpu.memref_squeeze %dma_wait3A_256 : memref<1x1x4x1280xf32, #tpu.memory_space<hbm>> -> memref<4x1280xf32, #tpu.memory_space<hbm>>
        tpu.wait_dma2 semaphore(%arg19 : memref<!tpu.dma_semaphore, #tpu.memory_space<semaphore_mem>>) src(%dma_wait3A_257 : memref<4x1280xf32, #tpu.memory_space<hbm>>) dst(%arg12 : memref<4x1280xf32, #tpu.memory_space<vmem>>)
        %add3A_258 = arith.constant 1 : i32
        %add3A_259 = arith.addi %add3A_247, %add3A_258 : i32
        %mul3A_260 = arith.constant 32 : i32
        %mul3A_261 = arith.muli %mul3A_260, %while3A_162 : i32
        %add3A_262 = arith.addi %add3A, %mul3A_261 : i32
        %dma_start3A_263 = arith.constant 0 : i32
        %dma_start3A_264 = arith.constant 0 : i32
        %dma_start3A_265 = tpu.memref_slice %arg2[%add3A_259, %add3A_262, %dma_start3A_263, %dma_start3A_264] : memref<8x1025x4x1280xf32, #tpu.memory_space<hbm>> -> memref<1x1x4x1280xf32, #tpu.memory_space<hbm>>
        %dma_start3A_266 = tpu.memref_squeeze %dma_start3A_265 : memref<1x1x4x1280xf32, #tpu.memory_space<hbm>> -> memref<4x1280xf32, #tpu.memory_space<hbm>>
        %dma_start3A_267 = arith.constant 0 : i32
        %dma_start3A_268 = arith.constant 0 : i32
        %dma_start3A_269 = tpu.memref_slice %arg2[%add3A_259, %add3A_262, %dma_start3A_267, %dma_start3A_268] : memref<8x1025x4x1280xf32, #tpu.memory_space<hbm>> -> memref<1x1x4x1280xf32, #tpu.memory_space<hbm>>
        %dma_start3A_270 = tpu.memref_squeeze %dma_start3A_269 : memref<1x1x4x1280xf32, #tpu.memory_space<hbm>> -> memref<4x1280xf32, #tpu.memory_space<hbm>>
        tpu.enqueue_dma source(%dma_start3A_270 : memref<4x1280xf32, #tpu.memory_space<hbm>>) target(%arg13 : memref<4x1280xf32, #tpu.memory_space<vmem>>) target_semaphore(%arg20 : memref<!tpu.dma_semaphore, #tpu.memory_space<semaphore_mem>>)
        %ge3A = arith.constant 1 : i32
        %ge3A_271 = arith.cmpi sge, %scan3A_243, %ge3A : i32
        %gt3A = arith.constant 0 : i32
        %gt3A_272 = arith.cmpi sgt, %while3A_162, %gt3A : i32
        %or3A = arith.ori %ge3A_271, %gt3A_272 : i1
        %convert_element_type3A_273 = arith.extui %or3A : i1 to i32
        %cond3A_274 = arith.constant 0 : i32
        %cond3A_275 = arith.cmpi ne, %convert_element_type3A_273, %cond3A_274 : i32
        scf.if %cond3A_275 {
          %dma_wait3A_408 = arith.constant 0 : i32
          %dma_wait3A_409 = arith.constant 0 : i32
          %dma_wait3A_410 = arith.constant 0 : i32
          %dma_wait3A_411 = arith.constant 0 : i32
          %dma_wait3A_412 = tpu.memref_slice %arg8[%dma_wait3A_408, %dma_wait3A_409, %dma_wait3A_410, %dma_wait3A_411] : memref<8x1025x4x1280xf32, #tpu.memory_space<hbm>> -> memref<1x1x4x1280xf32, #tpu.memory_space<hbm>>
          %dma_wait3A_413 = tpu.memref_squeeze %dma_wait3A_412 : memref<1x1x4x1280xf32, #tpu.memory_space<hbm>> -> memref<4x1280xf32, #tpu.memory_space<hbm>>
          %dma_wait3A_414 = arith.constant 0 : i32
          %dma_wait3A_415 = arith.constant 0 : i32
          %dma_wait3A_416 = tpu.memref_slice %arg8[%dma_wait3A_408, %dma_wait3A_409, %dma_wait3A_414, %dma_wait3A_415] : memref<8x1025x4x1280xf32, #tpu.memory_space<hbm>> -> memref<1x1x4x1280xf32, #tpu.memory_space<hbm>>
          %dma_wait3A_417 = tpu.memref_squeeze %dma_wait3A_416 : memref<1x1x4x1280xf32, #tpu.memory_space<hbm>> -> memref<4x1280xf32, #tpu.memory_space<hbm>>
          tpu.wait_dma2 semaphore(%arg21 : memref<!tpu.dma_semaphore, #tpu.memory_space<semaphore_mem>>) src(%arg14 : memref<4x1280xf32, #tpu.memory_space<vmem>>) dst(%dma_wait3A_417 : memref<4x1280xf32, #tpu.memory_space<hbm>>)
        } else {
        }
        %eq3A_276 = vector.broadcast %add3A_247 : i32 to vector<16xi32>
        %eq3A_277 = arith.cmpi eq, %iota3A, %eq3A_276 : vector<16xi32>
        %jit3A_278 = arith.constant 0 : i32
        %broadcast_in_dim3A = vector.broadcast %jit3A_278 : i32 to vector<16xi32>
        %select_n3A_279 = arith.select %eq3A_277, %get3A_1, %broadcast_in_dim3A : vector<16xi1>, vector<16xi32>
        %reduce_sum3A = arith.constant true
        %reduce_sum3A_280 = vector.broadcast %reduce_sum3A : i1 to vector<16xi1>
        %reduce_sum3A_281 = tpu.scan <sum>, %select_n3A_279 masked %reduce_sum3A_280 : vector<16xi32>, vector<16xi1> -> vector<16xi32>
        %reduce_sum3A_282 = vector.extract %reduce_sum3A_281[15] : i32 from vector<16xi32>
        %mul3A_283 = arith.constant 32 : i32
        %mul3A_284 = arith.muli %mul3A_283, %while3A_162 : i32
        %add3A_285 = arith.addi %add3A, %mul3A_284 : i32
        %jit3A_286 = arith.constant 8 : i32
        %eq3A_287 = arith.constant 0 : i32
        %eq3A_288 = arith.cmpi eq, %jit3A_286, %eq3A_287 : i32
        %jit3A_289 = arith.constant 1 : i32
        %select_n3A_290 = arith.select %eq3A_288, %jit3A_289, %jit3A_286 : i32
        %rem3A_291 = arith.remsi %add3A_285, %select_n3A_290 : i32
        %ne3A_292 = arith.constant 0 : i32
        %ne3A_293 = arith.cmpi ne, %rem3A_291, %ne3A_292 : i32
        %lt3A_294 = arith.constant 0 : i32
        %lt3A_295 = arith.cmpi slt, %rem3A_291, %lt3A_294 : i32
        %lt3A_296 = arith.constant 0 : i32
        %lt3A_297 = arith.cmpi slt, %select_n3A_290, %lt3A_296 : i32
        %ne3A_298 = arith.xori %lt3A_295, %lt3A_297 : i1
        %and3A_299 = arith.andi %ne3A_298, %ne3A_293 : i1
        %add3A_300 = arith.addi %rem3A_291, %select_n3A_290 : i32
        %select_n3A_301 = arith.select %and3A_299, %add3A_300, %rem3A_291 : i32
        %lt3A_302 = arith.constant 8 : i32
        %lt3A_303 = arith.cmpi slt, %reduce_sum3A_282, %lt3A_302 : i32
        %convert_element_type3A_304 = arith.extui %lt3A_303 : i1 to i32
        %cond3A_305 = arith.constant 0 : i32
        %cond3A_306 = arith.cmpi ne, %convert_element_type3A_304, %cond3A_305 : i32
        scf.if %cond3A_306 {
          %parallel_loop3A = arith.constant 0 : i32
          %parallel_loop3A_408 = arith.constant 1280 : i32
          %parallel_loop3A_409 = arith.constant 16 : i32
          scf.for %parallel_loop3A_419 = %parallel_loop3A to %parallel_loop3A_408 step %parallel_loop3A_409  : i32 {
            %parallel_loop3A_420 = arith.constant 0 : i32
            %parallel_loop3A_421 = arith.index_cast %parallel_loop3A_420 : i32 to index
            %parallel_loop3A_422 = arith.index_cast %parallel_loop3A_419 : i32 to index
            %parallel_loop3A_423 = tpu.vector_load %arg12[%parallel_loop3A_421, %parallel_loop3A_422] {strides = array<i32>} : memref<4x1280xf32, #tpu.memory_space<vmem>>, vector<16xf32>,
            %parallel_loop3A_424 = arith.index_cast %select_n3A_301 : i32 to index
            %parallel_loop3A_425 = arith.index_cast %parallel_loop3A_419 : i32 to index
            %parallel_loop3A_426 = tpu.vector_load %arg11[%parallel_loop3A_424, %parallel_loop3A_425] {strides = array<i32>} : memref<8x1280xf32, #tpu.memory_space<vmem>>, vector<16xf32>,
            %parallel_loop3A_427 = arith.mulf %sub3A_20, %parallel_loop3A_426 : vector<16xf32>
            %parallel_loop3A_428 = arith.addf %parallel_loop3A_423, %parallel_loop3A_427 : vector<16xf32>
            %parallel_loop3A_429 = arith.constant 0 : i32
            %parallel_loop3A_430 = arith.index_cast %parallel_loop3A_429 : i32 to index
            %parallel_loop3A_431 = arith.index_cast %reduce_sum3A_282 : i32 to index
            %parallel_loop3A_432 = arith.index_cast %parallel_loop3A_419 : i32 to index
            %parallel_loop3A_433 = tpu.vector_load %arg9[%parallel_loop3A_430, %parallel_loop3A_431, %parallel_loop3A_432] {strides = array<i32>} : memref<4x8x1280xf32, #tpu.memory_space<vmem>>, vector<16xf32>,
            %parallel_loop3A_434 = arith.mulf %select_n3A, %parallel_loop3A_433 : vector<16xf32>
            %parallel_loop3A_435 = arith.addf %parallel_loop3A_428, %parallel_loop3A_434 : vector<16xf32>
            %parallel_loop3A_436 = arith.constant 0 : i32
            %parallel_loop3A_437 = arith.index_cast %parallel_loop3A_436 : i32 to index
            %parallel_loop3A_438 = arith.index_cast %parallel_loop3A_419 : i32 to index
            %parallel_loop3A_439 = tpu.vector_load %arg14[%parallel_loop3A_437, %parallel_loop3A_438] {strides = array<i32>} : memref<4x1280xf32, #tpu.memory_space<vmem>>, vector<16xf32>,
            tpu.vector_store %arg14[%parallel_loop3A_437, %parallel_loop3A_438], %parallel_loop3A_435 {strides = array<i32>} : memref<4x1280xf32, #tpu.memory_space<vmem>>, vector<16xf32>,
          } {sc.loop_unroll_factor = 8 : i64, sc.parallel_access}
          %parallel_loop3A_410 = arith.constant 0 : i32
          %parallel_loop3A_411 = arith.constant 1280 : i32
          %parallel_loop3A_412 = arith.constant 16 : i32
          scf.for %parallel_loop3A_419 = %parallel_loop3A_410 to %parallel_loop3A_411 step %parallel_loop3A_412  : i32 {
            %parallel_loop3A_420 = arith.constant 1 : i32
            %parallel_loop3A_421 = arith.index_cast %parallel_loop3A_420 : i32 to index
            %parallel_loop3A_422 = arith.index_cast %parallel_loop3A_419 : i32 to index
            %parallel_loop3A_423 = tpu.vector_load %arg12[%parallel_loop3A_421, %parallel_loop3A_422] {strides = array<i32>} : memref<4x1280xf32, #tpu.memory_space<vmem>>, vector<16xf32>,
            %parallel_loop3A_424 = arith.index_cast %select_n3A_301 : i32 to index
            %parallel_loop3A_425 = arith.index_cast %parallel_loop3A_419 : i32 to index
            %parallel_loop3A_426 = tpu.vector_load %arg11[%parallel_loop3A_424, %parallel_loop3A_425] {strides = array<i32>} : memref<8x1280xf32, #tpu.memory_space<vmem>>, vector<16xf32>,
            %parallel_loop3A_427 = arith.mulf %sub3A_20, %parallel_loop3A_426 : vector<16xf32>
            %parallel_loop3A_428 = arith.addf %parallel_loop3A_423, %parallel_loop3A_427 : vector<16xf32>
            %parallel_loop3A_429 = arith.constant 1 : i32
            %parallel_loop3A_430 = arith.index_cast %parallel_loop3A_429 : i32 to index
            %parallel_loop3A_431 = arith.index_cast %reduce_sum3A_282 : i32 to index
            %parallel_loop3A_432 = arith.index_cast %parallel_loop3A_419 : i32 to index
            %parallel_loop3A_433 = tpu.vector_load %arg9[%parallel_loop3A_430, %parallel_loop3A_431, %parallel_loop3A_432] {strides = array<i32>} : memref<4x8x1280xf32, #tpu.memory_space<vmem>>, vector<16xf32>,
            %parallel_loop3A_434 = arith.mulf %select_n3A, %parallel_loop3A_433 : vector<16xf32>
            %parallel_loop3A_435 = arith.addf %parallel_loop3A_428, %parallel_loop3A_434 : vector<16xf32>
            %parallel_loop3A_436 = arith.constant 1 : i32
            %parallel_loop3A_437 = arith.index_cast %parallel_loop3A_436 : i32 to index
            %parallel_loop3A_438 = arith.index_cast %parallel_loop3A_419 : i32 to index
            %parallel_loop3A_439 = tpu.vector_load %arg14[%parallel_loop3A_437, %parallel_loop3A_438] {strides = array<i32>} : memref<4x1280xf32, #tpu.memory_space<vmem>>, vector<16xf32>,
            tpu.vector_store %arg14[%parallel_loop3A_437, %parallel_loop3A_438], %parallel_loop3A_435 {strides = array<i32>} : memref<4x1280xf32, #tpu.memory_space<vmem>>, vector<16xf32>,
          } {sc.loop_unroll_factor = 8 : i64, sc.parallel_access}
          %parallel_loop3A_413 = arith.constant 0 : i32
          %parallel_loop3A_414 = arith.constant 1280 : i32
          %parallel_loop3A_415 = arith.constant 16 : i32
          scf.for %parallel_loop3A_419 = %parallel_loop3A_413 to %parallel_loop3A_414 step %parallel_loop3A_415  : i32 {
            %parallel_loop3A_420 = arith.constant 2 : i32
            %parallel_loop3A_421 = arith.index_cast %parallel_loop3A_420 : i32 to index
            %parallel_loop3A_422 = arith.index_cast %parallel_loop3A_419 : i32 to index
            %parallel_loop3A_423 = tpu.vector_load %arg12[%parallel_loop3A_421, %parallel_loop3A_422] {strides = array<i32>} : memref<4x1280xf32, #tpu.memory_space<vmem>>, vector<16xf32>,
            %parallel_loop3A_424 = arith.index_cast %select_n3A_301 : i32 to index
            %parallel_loop3A_425 = arith.index_cast %parallel_loop3A_419 : i32 to index
            %parallel_loop3A_426 = tpu.vector_load %arg11[%parallel_loop3A_424, %parallel_loop3A_425] {strides = array<i32>} : memref<8x1280xf32, #tpu.memory_space<vmem>>, vector<16xf32>,
            %parallel_loop3A_427 = arith.mulf %sub3A_20, %parallel_loop3A_426 : vector<16xf32>
            %parallel_loop3A_428 = arith.addf %parallel_loop3A_423, %parallel_loop3A_427 : vector<16xf32>
            %parallel_loop3A_429 = arith.constant 2 : i32
            %parallel_loop3A_430 = arith.index_cast %parallel_loop3A_429 : i32 to index
            %parallel_loop3A_431 = arith.index_cast %reduce_sum3A_282 : i32 to index
            %parallel_loop3A_432 = arith.index_cast %parallel_loop3A_419 : i32 to index
            %parallel_loop3A_433 = tpu.vector_load %arg9[%parallel_loop3A_430, %parallel_loop3A_431, %parallel_loop3A_432] {strides = array<i32>} : memref<4x8x1280xf32, #tpu.memory_space<vmem>>, vector<16xf32>,
            %parallel_loop3A_434 = arith.mulf %select_n3A, %parallel_loop3A_433 : vector<16xf32>
            %parallel_loop3A_435 = arith.addf %parallel_loop3A_428, %parallel_loop3A_434 : vector<16xf32>
            %parallel_loop3A_436 = arith.constant 2 : i32
            %parallel_loop3A_437 = arith.index_cast %parallel_loop3A_436 : i32 to index
            %parallel_loop3A_438 = arith.index_cast %parallel_loop3A_419 : i32 to index
            %parallel_loop3A_439 = tpu.vector_load %arg14[%parallel_loop3A_437, %parallel_loop3A_438] {strides = array<i32>} : memref<4x1280xf32, #tpu.memory_space<vmem>>, vector<16xf32>,
            tpu.vector_store %arg14[%parallel_loop3A_437, %parallel_loop3A_438], %parallel_loop3A_435 {strides = array<i32>} : memref<4x1280xf32, #tpu.memory_space<vmem>>, vector<16xf32>,
          } {sc.loop_unroll_factor = 8 : i64, sc.parallel_access}
          %parallel_loop3A_416 = arith.constant 0 : i32
          %parallel_loop3A_417 = arith.constant 1280 : i32
          %parallel_loop3A_418 = arith.constant 16 : i32
          scf.for %parallel_loop3A_419 = %parallel_loop3A_416 to %parallel_loop3A_417 step %parallel_loop3A_418  : i32 {
            %parallel_loop3A_420 = arith.constant 3 : i32
            %parallel_loop3A_421 = arith.index_cast %parallel_loop3A_420 : i32 to index
            %parallel_loop3A_422 = arith.index_cast %parallel_loop3A_419 : i32 to index
            %parallel_loop3A_423 = tpu.vector_load %arg12[%parallel_loop3A_421, %parallel_loop3A_422] {strides = array<i32>} : memref<4x1280xf32, #tpu.memory_space<vmem>>, vector<16xf32>,
            %parallel_loop3A_424 = arith.index_cast %select_n3A_301 : i32 to index
            %parallel_loop3A_425 = arith.index_cast %parallel_loop3A_419 : i32 to index
            %parallel_loop3A_426 = tpu.vector_load %arg11[%parallel_loop3A_424, %parallel_loop3A_425] {strides = array<i32>} : memref<8x1280xf32, #tpu.memory_space<vmem>>, vector<16xf32>,
            %parallel_loop3A_427 = arith.mulf %sub3A_20, %parallel_loop3A_426 : vector<16xf32>
            %parallel_loop3A_428 = arith.addf %parallel_loop3A_423, %parallel_loop3A_427 : vector<16xf32>
            %parallel_loop3A_429 = arith.constant 3 : i32
            %parallel_loop3A_430 = arith.index_cast %parallel_loop3A_429 : i32 to index
            %parallel_loop3A_431 = arith.index_cast %reduce_sum3A_282 : i32 to index
            %parallel_loop3A_432 = arith.index_cast %parallel_loop3A_419 : i32 to index
            %parallel_loop3A_433 = tpu.vector_load %arg9[%parallel_loop3A_430, %parallel_loop3A_431, %parallel_loop3A_432] {strides = array<i32>} : memref<4x8x1280xf32, #tpu.memory_space<vmem>>, vector<16xf32>,
            %parallel_loop3A_434 = arith.mulf %select_n3A, %parallel_loop3A_433 : vector<16xf32>
            %parallel_loop3A_435 = arith.addf %parallel_loop3A_428, %parallel_loop3A_434 : vector<16xf32>
            %parallel_loop3A_436 = arith.constant 3 : i32
            %parallel_loop3A_437 = arith.index_cast %parallel_loop3A_436 : i32 to index
            %parallel_loop3A_438 = arith.index_cast %parallel_loop3A_419 : i32 to index
            %parallel_loop3A_439 = tpu.vector_load %arg14[%parallel_loop3A_437, %parallel_loop3A_438] {strides = array<i32>} : memref<4x1280xf32, #tpu.memory_space<vmem>>, vector<16xf32>,
            tpu.vector_store %arg14[%parallel_loop3A_437, %parallel_loop3A_438], %parallel_loop3A_435 {strides = array<i32>} : memref<4x1280xf32, #tpu.memory_space<vmem>>, vector<16xf32>,
          } {sc.loop_unroll_factor = 8 : i64, sc.parallel_access}
        } else {
        }
        %eq3A_307 = arith.constant 8 : i32
        %eq3A_308 = arith.cmpi eq, %reduce_sum3A_282, %eq3A_307 : i32
        %convert_element_type3A_309 = arith.extui %eq3A_308 : i1 to i32
        %cond3A_310 = arith.constant 0 : i32
        %cond3A_311 = arith.cmpi ne, %convert_element_type3A_309, %cond3A_310 : i32
        scf.if %cond3A_311 {
          %parallel_loop3A = arith.constant 0 : i32
          %parallel_loop3A_408 = arith.constant 1280 : i32
          %parallel_loop3A_409 = arith.constant 16 : i32
          scf.for %parallel_loop3A_419 = %parallel_loop3A to %parallel_loop3A_408 step %parallel_loop3A_409  : i32 {
            %parallel_loop3A_420 = arith.constant 0 : i32
            %parallel_loop3A_421 = arith.index_cast %parallel_loop3A_420 : i32 to index
            %parallel_loop3A_422 = arith.index_cast %parallel_loop3A_419 : i32 to index
            %parallel_loop3A_423 = tpu.vector_load %arg12[%parallel_loop3A_421, %parallel_loop3A_422] {strides = array<i32>} : memref<4x1280xf32, #tpu.memory_space<vmem>>, vector<16xf32>,
            %parallel_loop3A_424 = arith.index_cast %select_n3A_301 : i32 to index
            %parallel_loop3A_425 = arith.index_cast %parallel_loop3A_419 : i32 to index
            %parallel_loop3A_426 = tpu.vector_load %arg11[%parallel_loop3A_424, %parallel_loop3A_425] {strides = array<i32>} : memref<8x1280xf32, #tpu.memory_space<vmem>>, vector<16xf32>,
            %parallel_loop3A_427 = arith.mulf %sub3A_20, %parallel_loop3A_426 : vector<16xf32>
            %parallel_loop3A_428 = arith.addf %parallel_loop3A_423, %parallel_loop3A_427 : vector<16xf32>
            %parallel_loop3A_429 = arith.constant 0 : i32
            %parallel_loop3A_430 = arith.index_cast %parallel_loop3A_429 : i32 to index
            %parallel_loop3A_431 = arith.index_cast %parallel_loop3A_419 : i32 to index
            %parallel_loop3A_432 = tpu.vector_load %arg10[%parallel_loop3A_430, %parallel_loop3A_431] {strides = array<i32>} : memref<4x1280xf32, #tpu.memory_space<vmem>>, vector<16xf32>,
            %parallel_loop3A_433 = arith.mulf %select_n3A, %parallel_loop3A_432 : vector<16xf32>
            %parallel_loop3A_434 = arith.addf %parallel_loop3A_428, %parallel_loop3A_433 : vector<16xf32>
            %parallel_loop3A_435 = arith.constant 0 : i32
            %parallel_loop3A_436 = arith.index_cast %parallel_loop3A_435 : i32 to index
            %parallel_loop3A_437 = arith.index_cast %parallel_loop3A_419 : i32 to index
            %parallel_loop3A_438 = tpu.vector_load %arg14[%parallel_loop3A_436, %parallel_loop3A_437] {strides = array<i32>} : memref<4x1280xf32, #tpu.memory_space<vmem>>, vector<16xf32>,
            tpu.vector_store %arg14[%parallel_loop3A_436, %parallel_loop3A_437], %parallel_loop3A_434 {strides = array<i32>} : memref<4x1280xf32, #tpu.memory_space<vmem>>, vector<16xf32>,
          } {sc.loop_unroll_factor = 8 : i64, sc.parallel_access}
          %parallel_loop3A_410 = arith.constant 0 : i32
          %parallel_loop3A_411 = arith.constant 1280 : i32
          %parallel_loop3A_412 = arith.constant 16 : i32
          scf.for %parallel_loop3A_419 = %parallel_loop3A_410 to %parallel_loop3A_411 step %parallel_loop3A_412  : i32 {
            %parallel_loop3A_420 = arith.constant 1 : i32
            %parallel_loop3A_421 = arith.index_cast %parallel_loop3A_420 : i32 to index
            %parallel_loop3A_422 = arith.index_cast %parallel_loop3A_419 : i32 to index
            %parallel_loop3A_423 = tpu.vector_load %arg12[%parallel_loop3A_421, %parallel_loop3A_422] {strides = array<i32>} : memref<4x1280xf32, #tpu.memory_space<vmem>>, vector<16xf32>,
            %parallel_loop3A_424 = arith.index_cast %select_n3A_301 : i32 to index
            %parallel_loop3A_425 = arith.index_cast %parallel_loop3A_419 : i32 to index
            %parallel_loop3A_426 = tpu.vector_load %arg11[%parallel_loop3A_424, %parallel_loop3A_425] {strides = array<i32>} : memref<8x1280xf32, #tpu.memory_space<vmem>>, vector<16xf32>,
            %parallel_loop3A_427 = arith.mulf %sub3A_20, %parallel_loop3A_426 : vector<16xf32>
            %parallel_loop3A_428 = arith.addf %parallel_loop3A_423, %parallel_loop3A_427 : vector<16xf32>
            %parallel_loop3A_429 = arith.constant 1 : i32
            %parallel_loop3A_430 = arith.index_cast %parallel_loop3A_429 : i32 to index
            %parallel_loop3A_431 = arith.index_cast %parallel_loop3A_419 : i32 to index
            %parallel_loop3A_432 = tpu.vector_load %arg10[%parallel_loop3A_430, %parallel_loop3A_431] {strides = array<i32>} : memref<4x1280xf32, #tpu.memory_space<vmem>>, vector<16xf32>,
            %parallel_loop3A_433 = arith.mulf %select_n3A, %parallel_loop3A_432 : vector<16xf32>
            %parallel_loop3A_434 = arith.addf %parallel_loop3A_428, %parallel_loop3A_433 : vector<16xf32>
            %parallel_loop3A_435 = arith.constant 1 : i32
            %parallel_loop3A_436 = arith.index_cast %parallel_loop3A_435 : i32 to index
            %parallel_loop3A_437 = arith.index_cast %parallel_loop3A_419 : i32 to index
            %parallel_loop3A_438 = tpu.vector_load %arg14[%parallel_loop3A_436, %parallel_loop3A_437] {strides = array<i32>} : memref<4x1280xf32, #tpu.memory_space<vmem>>, vector<16xf32>,
            tpu.vector_store %arg14[%parallel_loop3A_436, %parallel_loop3A_437], %parallel_loop3A_434 {strides = array<i32>} : memref<4x1280xf32, #tpu.memory_space<vmem>>, vector<16xf32>,
          } {sc.loop_unroll_factor = 8 : i64, sc.parallel_access}
          %parallel_loop3A_413 = arith.constant 0 : i32
          %parallel_loop3A_414 = arith.constant 1280 : i32
          %parallel_loop3A_415 = arith.constant 16 : i32
          scf.for %parallel_loop3A_419 = %parallel_loop3A_413 to %parallel_loop3A_414 step %parallel_loop3A_415  : i32 {
            %parallel_loop3A_420 = arith.constant 2 : i32
            %parallel_loop3A_421 = arith.index_cast %parallel_loop3A_420 : i32 to index
            %parallel_loop3A_422 = arith.index_cast %parallel_loop3A_419 : i32 to index
            %parallel_loop3A_423 = tpu.vector_load %arg12[%parallel_loop3A_421, %parallel_loop3A_422] {strides = array<i32>} : memref<4x1280xf32, #tpu.memory_space<vmem>>, vector<16xf32>,
            %parallel_loop3A_424 = arith.index_cast %select_n3A_301 : i32 to index
            %parallel_loop3A_425 = arith.index_cast %parallel_loop3A_419 : i32 to index
            %parallel_loop3A_426 = tpu.vector_load %arg11[%parallel_loop3A_424, %parallel_loop3A_425] {strides = array<i32>} : memref<8x1280xf32, #tpu.memory_space<vmem>>, vector<16xf32>,
            %parallel_loop3A_427 = arith.mulf %sub3A_20, %parallel_loop3A_426 : vector<16xf32>
            %parallel_loop3A_428 = arith.addf %parallel_loop3A_423, %parallel_loop3A_427 : vector<16xf32>
            %parallel_loop3A_429 = arith.constant 2 : i32
            %parallel_loop3A_430 = arith.index_cast %parallel_loop3A_429 : i32 to index
            %parallel_loop3A_431 = arith.index_cast %parallel_loop3A_419 : i32 to index
            %parallel_loop3A_432 = tpu.vector_load %arg10[%parallel_loop3A_430, %parallel_loop3A_431] {strides = array<i32>} : memref<4x1280xf32, #tpu.memory_space<vmem>>, vector<16xf32>,
            %parallel_loop3A_433 = arith.mulf %select_n3A, %parallel_loop3A_432 : vector<16xf32>
            %parallel_loop3A_434 = arith.addf %parallel_loop3A_428, %parallel_loop3A_433 : vector<16xf32>
            %parallel_loop3A_435 = arith.constant 2 : i32
            %parallel_loop3A_436 = arith.index_cast %parallel_loop3A_435 : i32 to index
            %parallel_loop3A_437 = arith.index_cast %parallel_loop3A_419 : i32 to index
            %parallel_loop3A_438 = tpu.vector_load %arg14[%parallel_loop3A_436, %parallel_loop3A_437] {strides = array<i32>} : memref<4x1280xf32, #tpu.memory_space<vmem>>, vector<16xf32>,
            tpu.vector_store %arg14[%parallel_loop3A_436, %parallel_loop3A_437], %parallel_loop3A_434 {strides = array<i32>} : memref<4x1280xf32, #tpu.memory_space<vmem>>, vector<16xf32>,
          } {sc.loop_unroll_factor = 8 : i64, sc.parallel_access}
          %parallel_loop3A_416 = arith.constant 0 : i32
          %parallel_loop3A_417 = arith.constant 1280 : i32
          %parallel_loop3A_418 = arith.constant 16 : i32
          scf.for %parallel_loop3A_419 = %parallel_loop3A_416 to %parallel_loop3A_417 step %parallel_loop3A_418  : i32 {
            %parallel_loop3A_420 = arith.constant 3 : i32
            %parallel_loop3A_421 = arith.index_cast %parallel_loop3A_420 : i32 to index
            %parallel_loop3A_422 = arith.index_cast %parallel_loop3A_419 : i32 to index
            %parallel_loop3A_423 = tpu.vector_load %arg12[%parallel_loop3A_421, %parallel_loop3A_422] {strides = array<i32>} : memref<4x1280xf32, #tpu.memory_space<vmem>>, vector<16xf32>,
            %parallel_loop3A_424 = arith.index_cast %select_n3A_301 : i32 to index
            %parallel_loop3A_425 = arith.index_cast %parallel_loop3A_419 : i32 to index
            %parallel_loop3A_426 = tpu.vector_load %arg11[%parallel_loop3A_424, %parallel_loop3A_425] {strides = array<i32>} : memref<8x1280xf32, #tpu.memory_space<vmem>>, vector<16xf32>,
            %parallel_loop3A_427 = arith.mulf %sub3A_20, %parallel_loop3A_426 : vector<16xf32>
            %parallel_loop3A_428 = arith.addf %parallel_loop3A_423, %parallel_loop3A_427 : vector<16xf32>
            %parallel_loop3A_429 = arith.constant 3 : i32
            %parallel_loop3A_430 = arith.index_cast %parallel_loop3A_429 : i32 to index
            %parallel_loop3A_431 = arith.index_cast %parallel_loop3A_419 : i32 to index
            %parallel_loop3A_432 = tpu.vector_load %arg10[%parallel_loop3A_430, %parallel_loop3A_431] {strides = array<i32>} : memref<4x1280xf32, #tpu.memory_space<vmem>>, vector<16xf32>,
            %parallel_loop3A_433 = arith.mulf %select_n3A, %parallel_loop3A_432 : vector<16xf32>
            %parallel_loop3A_434 = arith.addf %parallel_loop3A_428, %parallel_loop3A_433 : vector<16xf32>
            %parallel_loop3A_435 = arith.constant 3 : i32
            %parallel_loop3A_436 = arith.index_cast %parallel_loop3A_435 : i32 to index
            %parallel_loop3A_437 = arith.index_cast %parallel_loop3A_419 : i32 to index
            %parallel_loop3A_438 = tpu.vector_load %arg14[%parallel_loop3A_436, %parallel_loop3A_437] {strides = array<i32>} : memref<4x1280xf32, #tpu.memory_space<vmem>>, vector<16xf32>,
            tpu.vector_store %arg14[%parallel_loop3A_436, %parallel_loop3A_437], %parallel_loop3A_434 {strides = array<i32>} : memref<4x1280xf32, #tpu.memory_space<vmem>>, vector<16xf32>,
          } {sc.loop_unroll_factor = 8 : i64, sc.parallel_access}
        } else {
        }
        %mul3A_312 = arith.constant 32 : i32
        %mul3A_313 = arith.muli %mul3A_312, %while3A_162 : i32
        %add3A_314 = arith.addi %add3A, %mul3A_313 : i32
        %dma_start3A_315 = arith.constant 0 : i32
        %dma_start3A_316 = arith.constant 0 : i32
        %dma_start3A_317 = tpu.memref_slice %arg8[%add3A_247, %add3A_314, %dma_start3A_315, %dma_start3A_316] : memref<8x1025x4x1280xf32, #tpu.memory_space<hbm>> -> memref<1x1x4x1280xf32, #tpu.memory_space<hbm>>
        %dma_start3A_318 = tpu.memref_squeeze %dma_start3A_317 : memref<1x1x4x1280xf32, #tpu.memory_space<hbm>> -> memref<4x1280xf32, #tpu.memory_space<hbm>>
        %dma_start3A_319 = arith.constant 0 : i32
        %dma_start3A_320 = arith.constant 0 : i32
        %dma_start3A_321 = tpu.memref_slice %arg8[%add3A_247, %add3A_314, %dma_start3A_319, %dma_start3A_320] : memref<8x1025x4x1280xf32, #tpu.memory_space<hbm>> -> memref<1x1x4x1280xf32, #tpu.memory_space<hbm>>
        %dma_start3A_322 = tpu.memref_squeeze %dma_start3A_321 : memref<1x1x4x1280xf32, #tpu.memory_space<hbm>> -> memref<4x1280xf32, #tpu.memory_space<hbm>>
        tpu.enqueue_dma source(%arg14 : memref<4x1280xf32, #tpu.memory_space<vmem>>) target(%dma_start3A_322 : memref<4x1280xf32, #tpu.memory_space<hbm>>) target_semaphore(%arg21 : memref<!tpu.dma_semaphore, #tpu.memory_space<semaphore_mem>>)
        %mul3A_323 = arith.constant 2 : i32
        %mul3A_324 = arith.muli %mul3A_323, %scan3A_243 : i32
        %add3A_325 = arith.constant 1 : i32
        %add3A_326 = arith.addi %mul3A_324, %add3A_325 : i32
        %dma_wait3A_327 = arith.constant 0 : i32
        %dma_wait3A_328 = arith.constant 0 : i32
        %dma_wait3A_329 = arith.constant 0 : i32
        %dma_wait3A_330 = arith.constant 0 : i32
        %dma_wait3A_331 = tpu.memref_slice %arg2[%dma_wait3A_327, %dma_wait3A_328, %dma_wait3A_329, %dma_wait3A_330] : memref<8x1025x4x1280xf32, #tpu.memory_space<hbm>> -> memref<1x1x4x1280xf32, #tpu.memory_space<hbm>>
        %dma_wait3A_332 = tpu.memref_squeeze %dma_wait3A_331 : memref<1x1x4x1280xf32, #tpu.memory_space<hbm>> -> memref<4x1280xf32, #tpu.memory_space<hbm>>
        %dma_wait3A_333 = arith.constant 0 : i32
        %dma_wait3A_334 = arith.constant 0 : i32
        %dma_wait3A_335 = tpu.memref_slice %arg2[%dma_wait3A_327, %dma_wait3A_328, %dma_wait3A_333, %dma_wait3A_334] : memref<8x1025x4x1280xf32, #tpu.memory_space<hbm>> -> memref<1x1x4x1280xf32, #tpu.memory_space<hbm>>
        %dma_wait3A_336 = tpu.memref_squeeze %dma_wait3A_335 : memref<1x1x4x1280xf32, #tpu.memory_space<hbm>> -> memref<4x1280xf32, #tpu.memory_space<hbm>>
        tpu.wait_dma2 semaphore(%arg20 : memref<!tpu.dma_semaphore, #tpu.memory_space<semaphore_mem>>) src(%dma_wait3A_336 : memref<4x1280xf32, #tpu.memory_space<hbm>>) dst(%arg13 : memref<4x1280xf32, #tpu.memory_space<vmem>>)
        %lt3A_337 = arith.constant 3 : i32
        %lt3A_338 = arith.cmpi slt, %scan3A_243, %lt3A_337 : i32
        %convert_element_type3A_339 = arith.extui %lt3A_338 : i1 to i32
        %cond3A_340 = arith.constant 0 : i32
        %cond3A_341 = arith.cmpi ne, %convert_element_type3A_339, %cond3A_340 : i32
        scf.if %cond3A_341 {
          %add3A_408 = arith.constant 1 : i32
          %add3A_409 = arith.addi %add3A_326, %add3A_408 : i32
          %mul3A_410 = arith.constant 32 : i32
          %mul3A_411 = arith.muli %mul3A_410, %while3A_162 : i32
          %add3A_412 = arith.addi %add3A, %mul3A_411 : i32
          %dma_start3A_413 = arith.constant 0 : i32
          %dma_start3A_414 = arith.constant 0 : i32
          %dma_start3A_415 = tpu.memref_slice %arg2[%add3A_409, %add3A_412, %dma_start3A_413, %dma_start3A_414] : memref<8x1025x4x1280xf32, #tpu.memory_space<hbm>> -> memref<1x1x4x1280xf32, #tpu.memory_space<hbm>>
          %dma_start3A_416 = tpu.memref_squeeze %dma_start3A_415 : memref<1x1x4x1280xf32, #tpu.memory_space<hbm>> -> memref<4x1280xf32, #tpu.memory_space<hbm>>
          %dma_start3A_417 = arith.constant 0 : i32
          %dma_start3A_418 = arith.constant 0 : i32
          %dma_start3A_419 = tpu.memref_slice %arg2[%add3A_409, %add3A_412, %dma_start3A_417, %dma_start3A_418] : memref<8x1025x4x1280xf32, #tpu.memory_space<hbm>> -> memref<1x1x4x1280xf32, #tpu.memory_space<hbm>>
          %dma_start3A_420 = tpu.memref_squeeze %dma_start3A_419 : memref<1x1x4x1280xf32, #tpu.memory_space<hbm>> -> memref<4x1280xf32, #tpu.memory_space<hbm>>
          tpu.enqueue_dma source(%dma_start3A_420 : memref<4x1280xf32, #tpu.memory_space<hbm>>) target(%arg12 : memref<4x1280xf32, #tpu.memory_space<vmem>>) target_semaphore(%arg19 : memref<!tpu.dma_semaphore, #tpu.memory_space<semaphore_mem>>)
        } else {
        }
        %eq3A_342 = arith.constant 3 : i32
        %eq3A_343 = arith.cmpi eq, %scan3A_243, %eq3A_342 : i32
        %add3A_344 = arith.constant 1 : i32
        %add3A_345 = arith.addi %while3A_162, %add3A_344 : i32
        %lt3A_346 = arith.cmpi slt, %add3A_345, %select_n3A_32 : i32
        %and3A_347 = arith.andi %eq3A_343, %lt3A_346 : i1
        %convert_element_type3A_348 = arith.extui %and3A_347 : i1 to i32
        %cond3A_349 = arith.constant 0 : i32
        %cond3A_350 = arith.cmpi ne, %convert_element_type3A_348, %cond3A_349 : i32
        scf.if %cond3A_350 {
          %add3A_408 = arith.constant 1 : i32
          %add3A_409 = arith.addi %while3A_162, %add3A_408 : i32
          %mul3A_410 = arith.constant 32 : i32
          %mul3A_411 = arith.muli %mul3A_410, %add3A_409 : i32
          %add3A_412 = arith.addi %add3A, %mul3A_411 : i32
          %dma_start3A_413 = arith.constant 0 : i32
          %dma_start3A_414 = arith.constant 0 : i32
          %dma_start3A_415 = arith.constant 0 : i32
          %dma_start3A_416 = tpu.memref_slice %arg2[%dma_start3A_413, %add3A_412, %dma_start3A_414, %dma_start3A_415] : memref<8x1025x4x1280xf32, #tpu.memory_space<hbm>> -> memref<1x1x4x1280xf32, #tpu.memory_space<hbm>>
          %dma_start3A_417 = tpu.memref_squeeze %dma_start3A_416 : memref<1x1x4x1280xf32, #tpu.memory_space<hbm>> -> memref<4x1280xf32, #tpu.memory_space<hbm>>
          %dma_start3A_418 = arith.constant 0 : i32
          %dma_start3A_419 = arith.constant 0 : i32
          %dma_start3A_420 = tpu.memref_slice %arg2[%dma_start3A_413, %add3A_412, %dma_start3A_418, %dma_start3A_419] : memref<8x1025x4x1280xf32, #tpu.memory_space<hbm>> -> memref<1x1x4x1280xf32, #tpu.memory_space<hbm>>
          %dma_start3A_421 = tpu.memref_squeeze %dma_start3A_420 : memref<1x1x4x1280xf32, #tpu.memory_space<hbm>> -> memref<4x1280xf32, #tpu.memory_space<hbm>>
          tpu.enqueue_dma source(%dma_start3A_421 : memref<4x1280xf32, #tpu.memory_space<hbm>>) target(%arg12 : memref<4x1280xf32, #tpu.memory_space<vmem>>) target_semaphore(%arg19 : memref<!tpu.dma_semaphore, #tpu.memory_space<semaphore_mem>>)
        } else {
        }
        %ge3A_351 = arith.constant 1 : i32
        %ge3A_352 = arith.cmpi sge, %scan3A_243, %ge3A_351 : i32
        %gt3A_353 = arith.constant 0 : i32
        %gt3A_354 = arith.cmpi sgt, %while3A_162, %gt3A_353 : i32
        %or3A_355 = arith.ori %ge3A_352, %gt3A_354 : i1
        %convert_element_type3A_356 = arith.extui %or3A_355 : i1 to i32
        %cond3A_357 = arith.constant 0 : i32
        %cond3A_358 = arith.cmpi ne, %convert_element_type3A_356, %cond3A_357 : i32
        scf.if %cond3A_358 {
          %dma_wait3A_408 = arith.constant 0 : i32
          %dma_wait3A_409 = arith.constant 0 : i32
          %dma_wait3A_410 = arith.constant 0 : i32
          %dma_wait3A_411 = arith.constant 0 : i32
          %dma_wait3A_412 = tpu.memref_slice %arg8[%dma_wait3A_408, %dma_wait3A_409, %dma_wait3A_410, %dma_wait3A_411] : memref<8x1025x4x1280xf32, #tpu.memory_space<hbm>> -> memref<1x1x4x1280xf32, #tpu.memory_space<hbm>>
          %dma_wait3A_413 = tpu.memref_squeeze %dma_wait3A_412 : memref<1x1x4x1280xf32, #tpu.memory_space<hbm>> -> memref<4x1280xf32, #tpu.memory_space<hbm>>
          %dma_wait3A_414 = arith.constant 0 : i32
          %dma_wait3A_415 = arith.constant 0 : i32
          %dma_wait3A_416 = tpu.memref_slice %arg8[%dma_wait3A_408, %dma_wait3A_409, %dma_wait3A_414, %dma_wait3A_415] : memref<8x1025x4x1280xf32, #tpu.memory_space<hbm>> -> memref<1x1x4x1280xf32, #tpu.memory_space<hbm>>
          %dma_wait3A_417 = tpu.memref_squeeze %dma_wait3A_416 : memref<1x1x4x1280xf32, #tpu.memory_space<hbm>> -> memref<4x1280xf32, #tpu.memory_space<hbm>>
          tpu.wait_dma2 semaphore(%arg22 : memref<!tpu.dma_semaphore, #tpu.memory_space<semaphore_mem>>) src(%arg15 : memref<4x1280xf32, #tpu.memory_space<vmem>>) dst(%dma_wait3A_417 : memref<4x1280xf32, #tpu.memory_space<hbm>>)
        } else {
        }
        %eq3A_359 = vector.broadcast %add3A_326 : i32 to vector<16xi32>
        %eq3A_360 = arith.cmpi eq, %iota3A, %eq3A_359 : vector<16xi32>
        %jit3A_361 = arith.constant 0 : i32
        %broadcast_in_dim3A_362 = vector.broadcast %jit3A_361 : i32 to vector<16xi32>
        %select_n3A_363 = arith.select %eq3A_360, %get3A_1, %broadcast_in_dim3A_362 : vector<16xi1>, vector<16xi32>
        %reduce_sum3A_364 = arith.constant true
        %reduce_sum3A_365 = vector.broadcast %reduce_sum3A_364 : i1 to vector<16xi1>
        %reduce_sum3A_366 = tpu.scan <sum>, %select_n3A_363 masked %reduce_sum3A_365 : vector<16xi32>, vector<16xi1> -> vector<16xi32>
        %reduce_sum3A_367 = vector.extract %reduce_sum3A_366[15] : i32 from vector<16xi32>
        %mul3A_368 = arith.constant 32 : i32
        %mul3A_369 = arith.muli %mul3A_368, %while3A_162 : i32
        %add3A_370 = arith.addi %add3A, %mul3A_369 : i32
        %jit3A_371 = arith.constant 8 : i32
        %eq3A_372 = arith.constant 0 : i32
        %eq3A_373 = arith.cmpi eq, %jit3A_371, %eq3A_372 : i32
        %jit3A_374 = arith.constant 1 : i32
        %select_n3A_375 = arith.select %eq3A_373, %jit3A_374, %jit3A_371 : i32
        %rem3A_376 = arith.remsi %add3A_370, %select_n3A_375 : i32
        %ne3A_377 = arith.constant 0 : i32
        %ne3A_378 = arith.cmpi ne, %rem3A_376, %ne3A_377 : i32
        %lt3A_379 = arith.constant 0 : i32
        %lt3A_380 = arith.cmpi slt, %rem3A_376, %lt3A_379 : i32
        %lt3A_381 = arith.constant 0 : i32
        %lt3A_382 = arith.cmpi slt, %select_n3A_375, %lt3A_381 : i32
        %ne3A_383 = arith.xori %lt3A_380, %lt3A_382 : i1
        %and3A_384 = arith.andi %ne3A_383, %ne3A_378 : i1
        %add3A_385 = arith.addi %rem3A_376, %select_n3A_375 : i32
        %select_n3A_386 = arith.select %and3A_384, %add3A_385, %rem3A_376 : i32
        %lt3A_387 = arith.constant 8 : i32
        %lt3A_388 = arith.cmpi slt, %reduce_sum3A_367, %lt3A_387 : i32
        %convert_element_type3A_389 = arith.extui %lt3A_388 : i1 to i32
        %cond3A_390 = arith.constant 0 : i32
        %cond3A_391 = arith.cmpi ne, %convert_element_type3A_389, %cond3A_390 : i32
        scf.if %cond3A_391 {
          %parallel_loop3A = arith.constant 0 : i32
          %parallel_loop3A_408 = arith.constant 1280 : i32
          %parallel_loop3A_409 = arith.constant 16 : i32
          scf.for %parallel_loop3A_419 = %parallel_loop3A to %parallel_loop3A_408 step %parallel_loop3A_409  : i32 {
            %parallel_loop3A_420 = arith.constant 0 : i32
            %parallel_loop3A_421 = arith.index_cast %parallel_loop3A_420 : i32 to index
            %parallel_loop3A_422 = arith.index_cast %parallel_loop3A_419 : i32 to index
            %parallel_loop3A_423 = tpu.vector_load %arg13[%parallel_loop3A_421, %parallel_loop3A_422] {strides = array<i32>} : memref<4x1280xf32, #tpu.memory_space<vmem>>, vector<16xf32>,
            %parallel_loop3A_424 = arith.index_cast %select_n3A_386 : i32 to index
            %parallel_loop3A_425 = arith.index_cast %parallel_loop3A_419 : i32 to index
            %parallel_loop3A_426 = tpu.vector_load %arg11[%parallel_loop3A_424, %parallel_loop3A_425] {strides = array<i32>} : memref<8x1280xf32, #tpu.memory_space<vmem>>, vector<16xf32>,
            %parallel_loop3A_427 = arith.mulf %sub3A_20, %parallel_loop3A_426 : vector<16xf32>
            %parallel_loop3A_428 = arith.addf %parallel_loop3A_423, %parallel_loop3A_427 : vector<16xf32>
            %parallel_loop3A_429 = arith.constant 0 : i32
            %parallel_loop3A_430 = arith.index_cast %parallel_loop3A_429 : i32 to index
            %parallel_loop3A_431 = arith.index_cast %reduce_sum3A_367 : i32 to index
            %parallel_loop3A_432 = arith.index_cast %parallel_loop3A_419 : i32 to index
            %parallel_loop3A_433 = tpu.vector_load %arg9[%parallel_loop3A_430, %parallel_loop3A_431, %parallel_loop3A_432] {strides = array<i32>} : memref<4x8x1280xf32, #tpu.memory_space<vmem>>, vector<16xf32>,
            %parallel_loop3A_434 = arith.mulf %select_n3A, %parallel_loop3A_433 : vector<16xf32>
            %parallel_loop3A_435 = arith.addf %parallel_loop3A_428, %parallel_loop3A_434 : vector<16xf32>
            %parallel_loop3A_436 = arith.constant 0 : i32
            %parallel_loop3A_437 = arith.index_cast %parallel_loop3A_436 : i32 to index
            %parallel_loop3A_438 = arith.index_cast %parallel_loop3A_419 : i32 to index
            %parallel_loop3A_439 = tpu.vector_load %arg15[%parallel_loop3A_437, %parallel_loop3A_438] {strides = array<i32>} : memref<4x1280xf32, #tpu.memory_space<vmem>>, vector<16xf32>,
            tpu.vector_store %arg15[%parallel_loop3A_437, %parallel_loop3A_438], %parallel_loop3A_435 {strides = array<i32>} : memref<4x1280xf32, #tpu.memory_space<vmem>>, vector<16xf32>,
          } {sc.loop_unroll_factor = 8 : i64, sc.parallel_access}
          %parallel_loop3A_410 = arith.constant 0 : i32
          %parallel_loop3A_411 = arith.constant 1280 : i32
          %parallel_loop3A_412 = arith.constant 16 : i32
          scf.for %parallel_loop3A_419 = %parallel_loop3A_410 to %parallel_loop3A_411 step %parallel_loop3A_412  : i32 {
            %parallel_loop3A_420 = arith.constant 1 : i32
            %parallel_loop3A_421 = arith.index_cast %parallel_loop3A_420 : i32 to index
            %parallel_loop3A_422 = arith.index_cast %parallel_loop3A_419 : i32 to index
            %parallel_loop3A_423 = tpu.vector_load %arg13[%parallel_loop3A_421, %parallel_loop3A_422] {strides = array<i32>} : memref<4x1280xf32, #tpu.memory_space<vmem>>, vector<16xf32>,
            %parallel_loop3A_424 = arith.index_cast %select_n3A_386 : i32 to index
            %parallel_loop3A_425 = arith.index_cast %parallel_loop3A_419 : i32 to index
            %parallel_loop3A_426 = tpu.vector_load %arg11[%parallel_loop3A_424, %parallel_loop3A_425] {strides = array<i32>} : memref<8x1280xf32, #tpu.memory_space<vmem>>, vector<16xf32>,
            %parallel_loop3A_427 = arith.mulf %sub3A_20, %parallel_loop3A_426 : vector<16xf32>
            %parallel_loop3A_428 = arith.addf %parallel_loop3A_423, %parallel_loop3A_427 : vector<16xf32>
            %parallel_loop3A_429 = arith.constant 1 : i32
            %parallel_loop3A_430 = arith.index_cast %parallel_loop3A_429 : i32 to index
            %parallel_loop3A_431 = arith.index_cast %reduce_sum3A_367 : i32 to index
            %parallel_loop3A_432 = arith.index_cast %parallel_loop3A_419 : i32 to index
            %parallel_loop3A_433 = tpu.vector_load %arg9[%parallel_loop3A_430, %parallel_loop3A_431, %parallel_loop3A_432] {strides = array<i32>} : memref<4x8x1280xf32, #tpu.memory_space<vmem>>, vector<16xf32>,
            %parallel_loop3A_434 = arith.mulf %select_n3A, %parallel_loop3A_433 : vector<16xf32>
            %parallel_loop3A_435 = arith.addf %parallel_loop3A_428, %parallel_loop3A_434 : vector<16xf32>
            %parallel_loop3A_436 = arith.constant 1 : i32
            %parallel_loop3A_437 = arith.index_cast %parallel_loop3A_436 : i32 to index
            %parallel_loop3A_438 = arith.index_cast %parallel_loop3A_419 : i32 to index
            %parallel_loop3A_439 = tpu.vector_load %arg15[%parallel_loop3A_437, %parallel_loop3A_438] {strides = array<i32>} : memref<4x1280xf32, #tpu.memory_space<vmem>>, vector<16xf32>,
            tpu.vector_store %arg15[%parallel_loop3A_437, %parallel_loop3A_438], %parallel_loop3A_435 {strides = array<i32>} : memref<4x1280xf32, #tpu.memory_space<vmem>>, vector<16xf32>,
          } {sc.loop_unroll_factor = 8 : i64, sc.parallel_access}
          %parallel_loop3A_413 = arith.constant 0 : i32
          %parallel_loop3A_414 = arith.constant 1280 : i32
          %parallel_loop3A_415 = arith.constant 16 : i32
          scf.for %parallel_loop3A_419 = %parallel_loop3A_413 to %parallel_loop3A_414 step %parallel_loop3A_415  : i32 {
            %parallel_loop3A_420 = arith.constant 2 : i32
            %parallel_loop3A_421 = arith.index_cast %parallel_loop3A_420 : i32 to index
            %parallel_loop3A_422 = arith.index_cast %parallel_loop3A_419 : i32 to index
            %parallel_loop3A_423 = tpu.vector_load %arg13[%parallel_loop3A_421, %parallel_loop3A_422] {strides = array<i32>} : memref<4x1280xf32, #tpu.memory_space<vmem>>, vector<16xf32>,
            %parallel_loop3A_424 = arith.index_cast %select_n3A_386 : i32 to index
            %parallel_loop3A_425 = arith.index_cast %parallel_loop3A_419 : i32 to index
            %parallel_loop3A_426 = tpu.vector_load %arg11[%parallel_loop3A_424, %parallel_loop3A_425] {strides = array<i32>} : memref<8x1280xf32, #tpu.memory_space<vmem>>, vector<16xf32>,
            %parallel_loop3A_427 = arith.mulf %sub3A_20, %parallel_loop3A_426 : vector<16xf32>
            %parallel_loop3A_428 = arith.addf %parallel_loop3A_423, %parallel_loop3A_427 : vector<16xf32>
            %parallel_loop3A_429 = arith.constant 2 : i32
            %parallel_loop3A_430 = arith.index_cast %parallel_loop3A_429 : i32 to index
            %parallel_loop3A_431 = arith.index_cast %reduce_sum3A_367 : i32 to index
            %parallel_loop3A_432 = arith.index_cast %parallel_loop3A_419 : i32 to index
            %parallel_loop3A_433 = tpu.vector_load %arg9[%parallel_loop3A_430, %parallel_loop3A_431, %parallel_loop3A_432] {strides = array<i32>} : memref<4x8x1280xf32, #tpu.memory_space<vmem>>, vector<16xf32>,
            %parallel_loop3A_434 = arith.mulf %select_n3A, %parallel_loop3A_433 : vector<16xf32>
            %parallel_loop3A_435 = arith.addf %parallel_loop3A_428, %parallel_loop3A_434 : vector<16xf32>
            %parallel_loop3A_436 = arith.constant 2 : i32
            %parallel_loop3A_437 = arith.index_cast %parallel_loop3A_436 : i32 to index
            %parallel_loop3A_438 = arith.index_cast %parallel_loop3A_419 : i32 to index
            %parallel_loop3A_439 = tpu.vector_load %arg15[%parallel_loop3A_437, %parallel_loop3A_438] {strides = array<i32>} : memref<4x1280xf32, #tpu.memory_space<vmem>>, vector<16xf32>,
            tpu.vector_store %arg15[%parallel_loop3A_437, %parallel_loop3A_438], %parallel_loop3A_435 {strides = array<i32>} : memref<4x1280xf32, #tpu.memory_space<vmem>>, vector<16xf32>,
          } {sc.loop_unroll_factor = 8 : i64, sc.parallel_access}
          %parallel_loop3A_416 = arith.constant 0 : i32
          %parallel_loop3A_417 = arith.constant 1280 : i32
          %parallel_loop3A_418 = arith.constant 16 : i32
          scf.for %parallel_loop3A_419 = %parallel_loop3A_416 to %parallel_loop3A_417 step %parallel_loop3A_418  : i32 {
            %parallel_loop3A_420 = arith.constant 3 : i32
            %parallel_loop3A_421 = arith.index_cast %parallel_loop3A_420 : i32 to index
            %parallel_loop3A_422 = arith.index_cast %parallel_loop3A_419 : i32 to index
            %parallel_loop3A_423 = tpu.vector_load %arg13[%parallel_loop3A_421, %parallel_loop3A_422] {strides = array<i32>} : memref<4x1280xf32, #tpu.memory_space<vmem>>, vector<16xf32>,
            %parallel_loop3A_424 = arith.index_cast %select_n3A_386 : i32 to index
            %parallel_loop3A_425 = arith.index_cast %parallel_loop3A_419 : i32 to index
            %parallel_loop3A_426 = tpu.vector_load %arg11[%parallel_loop3A_424, %parallel_loop3A_425] {strides = array<i32>} : memref<8x1280xf32, #tpu.memory_space<vmem>>, vector<16xf32>,
            %parallel_loop3A_427 = arith.mulf %sub3A_20, %parallel_loop3A_426 : vector<16xf32>
            %parallel_loop3A_428 = arith.addf %parallel_loop3A_423, %parallel_loop3A_427 : vector<16xf32>
            %parallel_loop3A_429 = arith.constant 3 : i32
            %parallel_loop3A_430 = arith.index_cast %parallel_loop3A_429 : i32 to index
            %parallel_loop3A_431 = arith.index_cast %reduce_sum3A_367 : i32 to index
            %parallel_loop3A_432 = arith.index_cast %parallel_loop3A_419 : i32 to index
            %parallel_loop3A_433 = tpu.vector_load %arg9[%parallel_loop3A_430, %parallel_loop3A_431, %parallel_loop3A_432] {strides = array<i32>} : memref<4x8x1280xf32, #tpu.memory_space<vmem>>, vector<16xf32>,
            %parallel_loop3A_434 = arith.mulf %select_n3A, %parallel_loop3A_433 : vector<16xf32>
            %parallel_loop3A_435 = arith.addf %parallel_loop3A_428, %parallel_loop3A_434 : vector<16xf32>
            %parallel_loop3A_436 = arith.constant 3 : i32
            %parallel_loop3A_437 = arith.index_cast %parallel_loop3A_436 : i32 to index
            %parallel_loop3A_438 = arith.index_cast %parallel_loop3A_419 : i32 to index
            %parallel_loop3A_439 = tpu.vector_load %arg15[%parallel_loop3A_437, %parallel_loop3A_438] {strides = array<i32>} : memref<4x1280xf32, #tpu.memory_space<vmem>>, vector<16xf32>,
            tpu.vector_store %arg15[%parallel_loop3A_437, %parallel_loop3A_438], %parallel_loop3A_435 {strides = array<i32>} : memref<4x1280xf32, #tpu.memory_space<vmem>>, vector<16xf32>,
          } {sc.loop_unroll_factor = 8 : i64, sc.parallel_access}
        } else {
        }
        %eq3A_392 = arith.constant 8 : i32
        %eq3A_393 = arith.cmpi eq, %reduce_sum3A_367, %eq3A_392 : i32
        %convert_element_type3A_394 = arith.extui %eq3A_393 : i1 to i32
        %cond3A_395 = arith.constant 0 : i32
        %cond3A_396 = arith.cmpi ne, %convert_element_type3A_394, %cond3A_395 : i32
        scf.if %cond3A_396 {
          %parallel_loop3A = arith.constant 0 : i32
          %parallel_loop3A_408 = arith.constant 1280 : i32
          %parallel_loop3A_409 = arith.constant 16 : i32
          scf.for %parallel_loop3A_419 = %parallel_loop3A to %parallel_loop3A_408 step %parallel_loop3A_409  : i32 {
            %parallel_loop3A_420 = arith.constant 0 : i32
            %parallel_loop3A_421 = arith.index_cast %parallel_loop3A_420 : i32 to index
            %parallel_loop3A_422 = arith.index_cast %parallel_loop3A_419 : i32 to index
            %parallel_loop3A_423 = tpu.vector_load %arg13[%parallel_loop3A_421, %parallel_loop3A_422] {strides = array<i32>} : memref<4x1280xf32, #tpu.memory_space<vmem>>, vector<16xf32>,
            %parallel_loop3A_424 = arith.index_cast %select_n3A_386 : i32 to index
            %parallel_loop3A_425 = arith.index_cast %parallel_loop3A_419 : i32 to index
            %parallel_loop3A_426 = tpu.vector_load %arg11[%parallel_loop3A_424, %parallel_loop3A_425] {strides = array<i32>} : memref<8x1280xf32, #tpu.memory_space<vmem>>, vector<16xf32>,
            %parallel_loop3A_427 = arith.mulf %sub3A_20, %parallel_loop3A_426 : vector<16xf32>
            %parallel_loop3A_428 = arith.addf %parallel_loop3A_423, %parallel_loop3A_427 : vector<16xf32>
            %parallel_loop3A_429 = arith.constant 0 : i32
            %parallel_loop3A_430 = arith.index_cast %parallel_loop3A_429 : i32 to index
            %parallel_loop3A_431 = arith.index_cast %parallel_loop3A_419 : i32 to index
            %parallel_loop3A_432 = tpu.vector_load %arg10[%parallel_loop3A_430, %parallel_loop3A_431] {strides = array<i32>} : memref<4x1280xf32, #tpu.memory_space<vmem>>, vector<16xf32>,
            %parallel_loop3A_433 = arith.mulf %select_n3A, %parallel_loop3A_432 : vector<16xf32>
            %parallel_loop3A_434 = arith.addf %parallel_loop3A_428, %parallel_loop3A_433 : vector<16xf32>
            %parallel_loop3A_435 = arith.constant 0 : i32
            %parallel_loop3A_436 = arith.index_cast %parallel_loop3A_435 : i32 to index
            %parallel_loop3A_437 = arith.index_cast %parallel_loop3A_419 : i32 to index
            %parallel_loop3A_438 = tpu.vector_load %arg15[%parallel_loop3A_436, %parallel_loop3A_437] {strides = array<i32>} : memref<4x1280xf32, #tpu.memory_space<vmem>>, vector<16xf32>,
            tpu.vector_store %arg15[%parallel_loop3A_436, %parallel_loop3A_437], %parallel_loop3A_434 {strides = array<i32>} : memref<4x1280xf32, #tpu.memory_space<vmem>>, vector<16xf32>,
          } {sc.loop_unroll_factor = 8 : i64, sc.parallel_access}
          %parallel_loop3A_410 = arith.constant 0 : i32
          %parallel_loop3A_411 = arith.constant 1280 : i32
          %parallel_loop3A_412 = arith.constant 16 : i32
          scf.for %parallel_loop3A_419 = %parallel_loop3A_410 to %parallel_loop3A_411 step %parallel_loop3A_412  : i32 {
            %parallel_loop3A_420 = arith.constant 1 : i32
            %parallel_loop3A_421 = arith.index_cast %parallel_loop3A_420 : i32 to index
            %parallel_loop3A_422 = arith.index_cast %parallel_loop3A_419 : i32 to index
            %parallel_loop3A_423 = tpu.vector_load %arg13[%parallel_loop3A_421, %parallel_loop3A_422] {strides = array<i32>} : memref<4x1280xf32, #tpu.memory_space<vmem>>, vector<16xf32>,
            %parallel_loop3A_424 = arith.index_cast %select_n3A_386 : i32 to index
            %parallel_loop3A_425 = arith.index_cast %parallel_loop3A_419 : i32 to index
            %parallel_loop3A_426 = tpu.vector_load %arg11[%parallel_loop3A_424, %parallel_loop3A_425] {strides = array<i32>} : memref<8x1280xf32, #tpu.memory_space<vmem>>, vector<16xf32>,
            %parallel_loop3A_427 = arith.mulf %sub3A_20, %parallel_loop3A_426 : vector<16xf32>
            %parallel_loop3A_428 = arith.addf %parallel_loop3A_423, %parallel_loop3A_427 : vector<16xf32>
            %parallel_loop3A_429 = arith.constant 1 : i32
            %parallel_loop3A_430 = arith.index_cast %parallel_loop3A_429 : i32 to index
            %parallel_loop3A_431 = arith.index_cast %parallel_loop3A_419 : i32 to index
            %parallel_loop3A_432 = tpu.vector_load %arg10[%parallel_loop3A_430, %parallel_loop3A_431] {strides = array<i32>} : memref<4x1280xf32, #tpu.memory_space<vmem>>, vector<16xf32>,
            %parallel_loop3A_433 = arith.mulf %select_n3A, %parallel_loop3A_432 : vector<16xf32>
            %parallel_loop3A_434 = arith.addf %parallel_loop3A_428, %parallel_loop3A_433 : vector<16xf32>
            %parallel_loop3A_435 = arith.constant 1 : i32
            %parallel_loop3A_436 = arith.index_cast %parallel_loop3A_435 : i32 to index
            %parallel_loop3A_437 = arith.index_cast %parallel_loop3A_419 : i32 to index
            %parallel_loop3A_438 = tpu.vector_load %arg15[%parallel_loop3A_436, %parallel_loop3A_437] {strides = array<i32>} : memref<4x1280xf32, #tpu.memory_space<vmem>>, vector<16xf32>,
            tpu.vector_store %arg15[%parallel_loop3A_436, %parallel_loop3A_437], %parallel_loop3A_434 {strides = array<i32>} : memref<4x1280xf32, #tpu.memory_space<vmem>>, vector<16xf32>,
          } {sc.loop_unroll_factor = 8 : i64, sc.parallel_access}
          %parallel_loop3A_413 = arith.constant 0 : i32
          %parallel_loop3A_414 = arith.constant 1280 : i32
          %parallel_loop3A_415 = arith.constant 16 : i32
          scf.for %parallel_loop3A_419 = %parallel_loop3A_413 to %parallel_loop3A_414 step %parallel_loop3A_415  : i32 {
            %parallel_loop3A_420 = arith.constant 2 : i32
            %parallel_loop3A_421 = arith.index_cast %parallel_loop3A_420 : i32 to index
            %parallel_loop3A_422 = arith.index_cast %parallel_loop3A_419 : i32 to index
            %parallel_loop3A_423 = tpu.vector_load %arg13[%parallel_loop3A_421, %parallel_loop3A_422] {strides = array<i32>} : memref<4x1280xf32, #tpu.memory_space<vmem>>, vector<16xf32>,
            %parallel_loop3A_424 = arith.index_cast %select_n3A_386 : i32 to index
            %parallel_loop3A_425 = arith.index_cast %parallel_loop3A_419 : i32 to index
            %parallel_loop3A_426 = tpu.vector_load %arg11[%parallel_loop3A_424, %parallel_loop3A_425] {strides = array<i32>} : memref<8x1280xf32, #tpu.memory_space<vmem>>, vector<16xf32>,
            %parallel_loop3A_427 = arith.mulf %sub3A_20, %parallel_loop3A_426 : vector<16xf32>
            %parallel_loop3A_428 = arith.addf %parallel_loop3A_423, %parallel_loop3A_427 : vector<16xf32>
            %parallel_loop3A_429 = arith.constant 2 : i32
            %parallel_loop3A_430 = arith.index_cast %parallel_loop3A_429 : i32 to index
            %parallel_loop3A_431 = arith.index_cast %parallel_loop3A_419 : i32 to index
            %parallel_loop3A_432 = tpu.vector_load %arg10[%parallel_loop3A_430, %parallel_loop3A_431] {strides = array<i32>} : memref<4x1280xf32, #tpu.memory_space<vmem>>, vector<16xf32>,
            %parallel_loop3A_433 = arith.mulf %select_n3A, %parallel_loop3A_432 : vector<16xf32>
            %parallel_loop3A_434 = arith.addf %parallel_loop3A_428, %parallel_loop3A_433 : vector<16xf32>
            %parallel_loop3A_435 = arith.constant 2 : i32
            %parallel_loop3A_436 = arith.index_cast %parallel_loop3A_435 : i32 to index
            %parallel_loop3A_437 = arith.index_cast %parallel_loop3A_419 : i32 to index
            %parallel_loop3A_438 = tpu.vector_load %arg15[%parallel_loop3A_436, %parallel_loop3A_437] {strides = array<i32>} : memref<4x1280xf32, #tpu.memory_space<vmem>>, vector<16xf32>,
            tpu.vector_store %arg15[%parallel_loop3A_436, %parallel_loop3A_437], %parallel_loop3A_434 {strides = array<i32>} : memref<4x1280xf32, #tpu.memory_space<vmem>>, vector<16xf32>,
          } {sc.loop_unroll_factor = 8 : i64, sc.parallel_access}
          %parallel_loop3A_416 = arith.constant 0 : i32
          %parallel_loop3A_417 = arith.constant 1280 : i32
          %parallel_loop3A_418 = arith.constant 16 : i32
          scf.for %parallel_loop3A_419 = %parallel_loop3A_416 to %parallel_loop3A_417 step %parallel_loop3A_418  : i32 {
            %parallel_loop3A_420 = arith.constant 3 : i32
            %parallel_loop3A_421 = arith.index_cast %parallel_loop3A_420 : i32 to index
            %parallel_loop3A_422 = arith.index_cast %parallel_loop3A_419 : i32 to index
            %parallel_loop3A_423 = tpu.vector_load %arg13[%parallel_loop3A_421, %parallel_loop3A_422] {strides = array<i32>} : memref<4x1280xf32, #tpu.memory_space<vmem>>, vector<16xf32>,
            %parallel_loop3A_424 = arith.index_cast %select_n3A_386 : i32 to index
            %parallel_loop3A_425 = arith.index_cast %parallel_loop3A_419 : i32 to index
            %parallel_loop3A_426 = tpu.vector_load %arg11[%parallel_loop3A_424, %parallel_loop3A_425] {strides = array<i32>} : memref<8x1280xf32, #tpu.memory_space<vmem>>, vector<16xf32>,
            %parallel_loop3A_427 = arith.mulf %sub3A_20, %parallel_loop3A_426 : vector<16xf32>
            %parallel_loop3A_428 = arith.addf %parallel_loop3A_423, %parallel_loop3A_427 : vector<16xf32>
            %parallel_loop3A_429 = arith.constant 3 : i32
            %parallel_loop3A_430 = arith.index_cast %parallel_loop3A_429 : i32 to index
            %parallel_loop3A_431 = arith.index_cast %parallel_loop3A_419 : i32 to index
            %parallel_loop3A_432 = tpu.vector_load %arg10[%parallel_loop3A_430, %parallel_loop3A_431] {strides = array<i32>} : memref<4x1280xf32, #tpu.memory_space<vmem>>, vector<16xf32>,
            %parallel_loop3A_433 = arith.mulf %select_n3A, %parallel_loop3A_432 : vector<16xf32>
            %parallel_loop3A_434 = arith.addf %parallel_loop3A_428, %parallel_loop3A_433 : vector<16xf32>
            %parallel_loop3A_435 = arith.constant 3 : i32
            %parallel_loop3A_436 = arith.index_cast %parallel_loop3A_435 : i32 to index
            %parallel_loop3A_437 = arith.index_cast %parallel_loop3A_419 : i32 to index
            %parallel_loop3A_438 = tpu.vector_load %arg15[%parallel_loop3A_436, %parallel_loop3A_437] {strides = array<i32>} : memref<4x1280xf32, #tpu.memory_space<vmem>>, vector<16xf32>,
            tpu.vector_store %arg15[%parallel_loop3A_436, %parallel_loop3A_437], %parallel_loop3A_434 {strides = array<i32>} : memref<4x1280xf32, #tpu.memory_space<vmem>>, vector<16xf32>,
          } {sc.loop_unroll_factor = 8 : i64, sc.parallel_access}
        } else {
        }
        %mul3A_397 = arith.constant 32 : i32
        %mul3A_398 = arith.muli %mul3A_397, %while3A_162 : i32
        %add3A_399 = arith.addi %add3A, %mul3A_398 : i32
        %dma_start3A_400 = arith.constant 0 : i32
        %dma_start3A_401 = arith.constant 0 : i32
        %dma_start3A_402 = tpu.memref_slice %arg8[%add3A_326, %add3A_399, %dma_start3A_400, %dma_start3A_401] : memref<8x1025x4x1280xf32, #tpu.memory_space<hbm>> -> memref<1x1x4x1280xf32, #tpu.memory_space<hbm>>
        %dma_start3A_403 = tpu.memref_squeeze %dma_start3A_402 : memref<1x1x4x1280xf32, #tpu.memory_space<hbm>> -> memref<4x1280xf32, #tpu.memory_space<hbm>>
        %dma_start3A_404 = arith.constant 0 : i32
        %dma_start3A_405 = arith.constant 0 : i32
        %dma_start3A_406 = tpu.memref_slice %arg8[%add3A_326, %add3A_399, %dma_start3A_404, %dma_start3A_405] : memref<8x1025x4x1280xf32, #tpu.memory_space<hbm>> -> memref<1x1x4x1280xf32, #tpu.memory_space<hbm>>
        %dma_start3A_407 = tpu.memref_squeeze %dma_start3A_406 : memref<1x1x4x1280xf32, #tpu.memory_space<hbm>> -> memref<4x1280xf32, #tpu.memory_space<hbm>>
        tpu.enqueue_dma source(%arg15 : memref<4x1280xf32, #tpu.memory_space<vmem>>) target(%dma_start3A_407 : memref<4x1280xf32, #tpu.memory_space<hbm>>) target_semaphore(%arg22 : memref<!tpu.dma_semaphore, #tpu.memory_space<semaphore_mem>>)
      }
      %scan3A_236 = arith.constant 4 : i32
      %add3A_237 = arith.constant 1 : i32
      %add3A_238 = arith.addi %while3A_162, %add3A_237 : i32
      %lt3A_239 = arith.cmpi slt, %add3A_238, %select_n3A_32 : i32
      %convert_element_type3A_240 = arith.extui %lt3A_239 : i1 to i32
      %cond3A_241 = arith.constant 0 : i32
      %cond3A_242 = arith.cmpi ne, %convert_element_type3A_240, %cond3A_241 : i32
      scf.if %cond3A_242 {
        %add3A_243 = arith.constant 1 : i32
        %add3A_244 = arith.addi %while3A_162, %add3A_243 : i32
        %mul3A_245 = arith.constant 32 : i32
        %mul3A_246 = arith.muli %mul3A_245, %add3A_244 : i32
        %add3A_247 = arith.addi %add3A, %mul3A_246 : i32
        %mul3A_248 = arith.constant 1280 : i32
        %mul3A_249 = arith.muli %add3A_247, %mul3A_248 : i32
        %add3A_250 = arith.constant 0 : i32
        %add3A_251 = arith.addi %add3A_250, %mul3A_249 : i32
        %dma_start3A_252 = arith.constant 0 : i32
        %dma_start3A_253 = arith.constant 0 : i32
        %dma_start3A_254 = arith.constant 0 : i32
        %dma_start3A_255 = tpu.memref_slice %arg9[%dma_start3A_252, %dma_start3A_253, %dma_start3A_254] : memref<4x8x1280xf32, #tpu.memory_space<vmem>> -> memref<1x8x1280xf32, #tpu.memory_space<vmem>>
        %dma_start3A_256 = tpu.memref_squeeze %dma_start3A_255 : memref<1x8x1280xf32, #tpu.memory_space<vmem>> -> memref<8x1280xf32, #tpu.memory_space<vmem>>
        %dma_start3A_257 = arith.constant 0 : i32
        %dma_start3A_258 = tpu.memref_slice %arg3[%dma_start3A_257, %add3A_251] : memref<9x5248000xf32, #tpu.memory_space<hbm>> -> memref<8x1280xf32, #tpu.memory_space<hbm>>
        %dma_start3A_259 = arith.constant 0 : i32
        %dma_start3A_260 = arith.constant 0 : i32
        %dma_start3A_261 = tpu.memref_slice %arg9[%dma_start3A_252, %dma_start3A_259, %dma_start3A_260] : memref<4x8x1280xf32, #tpu.memory_space<vmem>> -> memref<1x8x1280xf32, #tpu.memory_space<vmem>>
        %dma_start3A_262 = tpu.memref_squeeze %dma_start3A_261 : memref<1x8x1280xf32, #tpu.memory_space<vmem>> -> memref<8x1280xf32, #tpu.memory_space<vmem>>
        %dma_start3A_263 = arith.constant 0 : i32
        %dma_start3A_264 = tpu.memref_slice %arg3[%dma_start3A_263, %add3A_251] : memref<9x5248000xf32, #tpu.memory_space<hbm>> -> memref<8x1280xf32, #tpu.memory_space<hbm>>
        tpu.enqueue_dma source(%dma_start3A_264 : memref<8x1280xf32, #tpu.memory_space<hbm>>) target(%dma_start3A_262 : memref<8x1280xf32, #tpu.memory_space<vmem>>) target_semaphore(%arg18 : memref<!tpu.dma_semaphore, #tpu.memory_space<semaphore_mem>>)
        %add3A_265 = arith.constant 1312000 : i32
        %add3A_266 = arith.addi %add3A_265, %mul3A_249 : i32
        %dma_start3A_267 = arith.constant 1 : i32
        %dma_start3A_268 = arith.constant 0 : i32
        %dma_start3A_269 = arith.constant 0 : i32
        %dma_start3A_270 = tpu.memref_slice %arg9[%dma_start3A_267, %dma_start3A_268, %dma_start3A_269] : memref<4x8x1280xf32, #tpu.memory_space<vmem>> -> memref<1x8x1280xf32, #tpu.memory_space<vmem>>
        %dma_start3A_271 = tpu.memref_squeeze %dma_start3A_270 : memref<1x8x1280xf32, #tpu.memory_space<vmem>> -> memref<8x1280xf32, #tpu.memory_space<vmem>>
        %dma_start3A_272 = arith.constant 0 : i32
        %dma_start3A_273 = tpu.memref_slice %arg3[%dma_start3A_272, %add3A_266] : memref<9x5248000xf32, #tpu.memory_space<hbm>> -> memref<8x1280xf32, #tpu.memory_space<hbm>>
        %dma_start3A_274 = arith.constant 0 : i32
        %dma_start3A_275 = arith.constant 0 : i32
        %dma_start3A_276 = tpu.memref_slice %arg9[%dma_start3A_267, %dma_start3A_274, %dma_start3A_275] : memref<4x8x1280xf32, #tpu.memory_space<vmem>> -> memref<1x8x1280xf32, #tpu.memory_space<vmem>>
        %dma_start3A_277 = tpu.memref_squeeze %dma_start3A_276 : memref<1x8x1280xf32, #tpu.memory_space<vmem>> -> memref<8x1280xf32, #tpu.memory_space<vmem>>
        %dma_start3A_278 = arith.constant 0 : i32
        %dma_start3A_279 = tpu.memref_slice %arg3[%dma_start3A_278, %add3A_266] : memref<9x5248000xf32, #tpu.memory_space<hbm>> -> memref<8x1280xf32, #tpu.memory_space<hbm>>
        tpu.enqueue_dma source(%dma_start3A_279 : memref<8x1280xf32, #tpu.memory_space<hbm>>) target(%dma_start3A_277 : memref<8x1280xf32, #tpu.memory_space<vmem>>) target_semaphore(%arg18 : memref<!tpu.dma_semaphore, #tpu.memory_space<semaphore_mem>>)
        %add3A_280 = arith.constant 2624000 : i32
        %add3A_281 = arith.addi %add3A_280, %mul3A_249 : i32
        %dma_start3A_282 = arith.constant 2 : i32
        %dma_start3A_283 = arith.constant 0 : i32
        %dma_start3A_284 = arith.constant 0 : i32
        %dma_start3A_285 = tpu.memref_slice %arg9[%dma_start3A_282, %dma_start3A_283, %dma_start3A_284] : memref<4x8x1280xf32, #tpu.memory_space<vmem>> -> memref<1x8x1280xf32, #tpu.memory_space<vmem>>
        %dma_start3A_286 = tpu.memref_squeeze %dma_start3A_285 : memref<1x8x1280xf32, #tpu.memory_space<vmem>> -> memref<8x1280xf32, #tpu.memory_space<vmem>>
        %dma_start3A_287 = arith.constant 0 : i32
        %dma_start3A_288 = tpu.memref_slice %arg3[%dma_start3A_287, %add3A_281] : memref<9x5248000xf32, #tpu.memory_space<hbm>> -> memref<8x1280xf32, #tpu.memory_space<hbm>>
        %dma_start3A_289 = arith.constant 0 : i32
        %dma_start3A_290 = arith.constant 0 : i32
        %dma_start3A_291 = tpu.memref_slice %arg9[%dma_start3A_282, %dma_start3A_289, %dma_start3A_290] : memref<4x8x1280xf32, #tpu.memory_space<vmem>> -> memref<1x8x1280xf32, #tpu.memory_space<vmem>>
        %dma_start3A_292 = tpu.memref_squeeze %dma_start3A_291 : memref<1x8x1280xf32, #tpu.memory_space<vmem>> -> memref<8x1280xf32, #tpu.memory_space<vmem>>
        %dma_start3A_293 = arith.constant 0 : i32
        %dma_start3A_294 = tpu.memref_slice %arg3[%dma_start3A_293, %add3A_281] : memref<9x5248000xf32, #tpu.memory_space<hbm>> -> memref<8x1280xf32, #tpu.memory_space<hbm>>
        tpu.enqueue_dma source(%dma_start3A_294 : memref<8x1280xf32, #tpu.memory_space<hbm>>) target(%dma_start3A_292 : memref<8x1280xf32, #tpu.memory_space<vmem>>) target_semaphore(%arg18 : memref<!tpu.dma_semaphore, #tpu.memory_space<semaphore_mem>>)
        %add3A_295 = arith.constant 3936000 : i32
        %add3A_296 = arith.addi %add3A_295, %mul3A_249 : i32
        %dma_start3A_297 = arith.constant 3 : i32
        %dma_start3A_298 = arith.constant 0 : i32
        %dma_start3A_299 = arith.constant 0 : i32
        %dma_start3A_300 = tpu.memref_slice %arg9[%dma_start3A_297, %dma_start3A_298, %dma_start3A_299] : memref<4x8x1280xf32, #tpu.memory_space<vmem>> -> memref<1x8x1280xf32, #tpu.memory_space<vmem>>
        %dma_start3A_301 = tpu.memref_squeeze %dma_start3A_300 : memref<1x8x1280xf32, #tpu.memory_space<vmem>> -> memref<8x1280xf32, #tpu.memory_space<vmem>>
        %dma_start3A_302 = arith.constant 0 : i32
        %dma_start3A_303 = tpu.memref_slice %arg3[%dma_start3A_302, %add3A_296] : memref<9x5248000xf32, #tpu.memory_space<hbm>> -> memref<8x1280xf32, #tpu.memory_space<hbm>>
        %dma_start3A_304 = arith.constant 0 : i32
        %dma_start3A_305 = arith.constant 0 : i32
        %dma_start3A_306 = tpu.memref_slice %arg9[%dma_start3A_297, %dma_start3A_304, %dma_start3A_305] : memref<4x8x1280xf32, #tpu.memory_space<vmem>> -> memref<1x8x1280xf32, #tpu.memory_space<vmem>>
        %dma_start3A_307 = tpu.memref_squeeze %dma_start3A_306 : memref<1x8x1280xf32, #tpu.memory_space<vmem>> -> memref<8x1280xf32, #tpu.memory_space<vmem>>
        %dma_start3A_308 = arith.constant 0 : i32
        %dma_start3A_309 = tpu.memref_slice %arg3[%dma_start3A_308, %add3A_296] : memref<9x5248000xf32, #tpu.memory_space<hbm>> -> memref<8x1280xf32, #tpu.memory_space<hbm>>
        tpu.enqueue_dma source(%dma_start3A_309 : memref<8x1280xf32, #tpu.memory_space<hbm>>) target(%dma_start3A_307 : memref<8x1280xf32, #tpu.memory_space<vmem>>) target_semaphore(%arg18 : memref<!tpu.dma_semaphore, #tpu.memory_space<semaphore_mem>>)
        %jit3A_310 = arith.constant 8 : i32
        %div3A_311 = arith.divsi %add3A_247, %jit3A_310 : i32
        %sign3A_312 = arith.constant 0 : i32
        %sign3A_313 = arith.cmpi sgt, %add3A_247, %sign3A_312 : i32
        %sign3A_314 = arith.extui %sign3A_313 : i1 to i32
        %sign3A_315 = arith.constant 0 : i32
        %sign3A_316 = arith.cmpi slt, %add3A_247, %sign3A_315 : i32
        %sign3A_317 = arith.extui %sign3A_316 : i1 to i32
        %sign3A_318 = arith.subi %sign3A_314, %sign3A_317 : i32
        %sign3A_319 = arith.constant 0 : i32
        %sign3A_320 = arith.cmpi sgt, %jit3A_310, %sign3A_319 : i32
        %sign3A_321 = arith.extui %sign3A_320 : i1 to i32
        %sign3A_322 = arith.constant 0 : i32
        %sign3A_323 = arith.cmpi slt, %jit3A_310, %sign3A_322 : i32
        %sign3A_324 = arith.extui %sign3A_323 : i1 to i32
        %sign3A_325 = arith.subi %sign3A_321, %sign3A_324 : i32
        %ne3A_326 = arith.cmpi ne, %sign3A_318, %sign3A_325 : i32
        %rem3A_327 = arith.remsi %add3A_247, %jit3A_310 : i32
        %ne3A_328 = arith.constant 0 : i32
        %ne3A_329 = arith.cmpi ne, %rem3A_327, %ne3A_328 : i32
        %and3A_330 = arith.andi %ne3A_326, %ne3A_329 : i1
        %sub3A_331 = arith.constant 1 : i32
        %sub3A_332 = arith.subi %div3A_311, %sub3A_331 : i32
        %select_n3A_333 = arith.select %and3A_330, %sub3A_332, %div3A_311 : i32
        %mul3A_334 = arith.constant 8 : i32
        %mul3A_335 = arith.muli %select_n3A_333, %mul3A_334 : i32
        %dma_start3A_336 = arith.constant 0 : i32
        %dma_start3A_337 = tpu.memref_slice %arg5[%mul3A_335, %dma_start3A_336] : memref<1025x1280xf32, #tpu.memory_space<hbm>> -> memref<8x1280xf32, #tpu.memory_space<hbm>>
        %dma_start3A_338 = arith.constant 0 : i32
        %dma_start3A_339 = tpu.memref_slice %arg5[%mul3A_335, %dma_start3A_338] : memref<1025x1280xf32, #tpu.memory_space<hbm>> -> memref<8x1280xf32, #tpu.memory_space<hbm>>
        tpu.enqueue_dma source(%dma_start3A_339 : memref<8x1280xf32, #tpu.memory_space<hbm>>) target(%arg11 : memref<8x1280xf32, #tpu.memory_space<vmem>>) target_semaphore(%arg18 : memref<!tpu.dma_semaphore, #tpu.memory_space<semaphore_mem>>)
        %convert_element_type3A_340 = arith.extui %eq3A_28 : i1 to i32
        %cond3A_341 = arith.constant 0 : i32
        %cond3A_342 = arith.cmpi ne, %convert_element_type3A_340, %cond3A_341 : i32
        scf.if %cond3A_342 {
          %dma_start3A_343 = arith.constant 0 : i32
          %dma_start3A_344 = arith.constant 0 : i32
          %dma_start3A_345 = tpu.memref_slice %arg4[%add3A_247, %dma_start3A_343, %dma_start3A_344] : memref<1025x4x1280xf32, #tpu.memory_space<hbm>> -> memref<1x4x1280xf32, #tpu.memory_space<hbm>>
          %dma_start3A_346 = tpu.memref_squeeze %dma_start3A_345 : memref<1x4x1280xf32, #tpu.memory_space<hbm>> -> memref<4x1280xf32, #tpu.memory_space<hbm>>
          %dma_start3A_347 = arith.constant 0 : i32
          %dma_start3A_348 = arith.constant 0 : i32
          %dma_start3A_349 = tpu.memref_slice %arg4[%add3A_247, %dma_start3A_347, %dma_start3A_348] : memref<1025x4x1280xf32, #tpu.memory_space<hbm>> -> memref<1x4x1280xf32, #tpu.memory_space<hbm>>
          %dma_start3A_350 = tpu.memref_squeeze %dma_start3A_349 : memref<1x4x1280xf32, #tpu.memory_space<hbm>> -> memref<4x1280xf32, #tpu.memory_space<hbm>>
          tpu.enqueue_dma source(%dma_start3A_350 : memref<4x1280xf32, #tpu.memory_space<hbm>>) target(%arg10 : memref<4x1280xf32, #tpu.memory_space<vmem>>) target_semaphore(%arg18 : memref<!tpu.dma_semaphore, #tpu.memory_space<semaphore_mem>>)
        } else {
        }
      } else {
      }
    }
    %while3A_142 = arith.constant 1 : i32
    scf.for %while3A_162 = %while3A_140 to %while3A_136 step %while3A_142  : i32 {
      %dma_wait3A_163 = arith.constant 0 : i32
      %dma_wait3A_164 = arith.constant 0 : i32
      %dma_wait3A_165 = arith.constant 0 : i32
      %dma_wait3A_166 = tpu.memref_slice %arg9[%dma_wait3A_163, %dma_wait3A_164, %dma_wait3A_165] : memref<4x8x1280xf32, #tpu.memory_space<vmem>> -> memref<1x8x1280xf32, #tpu.memory_space<vmem>>
      %dma_wait3A_167 = tpu.memref_squeeze %dma_wait3A_166 : memref<1x8x1280xf32, #tpu.memory_space<vmem>> -> memref<8x1280xf32, #tpu.memory_space<vmem>>
      %dma_wait3A_168 = arith.constant 0 : i32
      %dma_wait3A_169 = arith.constant 0 : i32
      %dma_wait3A_170 = tpu.memref_slice %arg3[%dma_wait3A_168, %dma_wait3A_169] : memref<9x5248000xf32, #tpu.memory_space<hbm>> -> memref<8x1280xf32, #tpu.memory_space<hbm>>
      %dma_wait3A_171 = arith.constant 0 : i32
      %dma_wait3A_172 = arith.constant 0 : i32
      %dma_wait3A_173 = tpu.memref_slice %arg9[%dma_wait3A_163, %dma_wait3A_171, %dma_wait3A_172] : memref<4x8x1280xf32, #tpu.memory_space<vmem>> -> memref<1x8x1280xf32, #tpu.memory_space<vmem>>
      %dma_wait3A_174 = tpu.memref_squeeze %dma_wait3A_173 : memref<1x8x1280xf32, #tpu.memory_space<vmem>> -> memref<8x1280xf32, #tpu.memory_space<vmem>>
      %dma_wait3A_175 = arith.constant 0 : i32
      %dma_wait3A_176 = arith.constant 0 : i32
      %dma_wait3A_177 = tpu.memref_slice %arg3[%dma_wait3A_175, %dma_wait3A_176] : memref<9x5248000xf32, #tpu.memory_space<hbm>> -> memref<8x1280xf32, #tpu.memory_space<hbm>>
      tpu.wait_dma2 semaphore(%arg18 : memref<!tpu.dma_semaphore, #tpu.memory_space<semaphore_mem>>) src(%dma_wait3A_177 : memref<8x1280xf32, #tpu.memory_space<hbm>>) dst(%dma_wait3A_174 : memref<8x1280xf32, #tpu.memory_space<vmem>>)
      %dma_wait3A_178 = arith.constant 1 : i32
      %dma_wait3A_179 = arith.constant 0 : i32
      %dma_wait3A_180 = arith.constant 0 : i32
      %dma_wait3A_181 = tpu.memref_slice %arg9[%dma_wait3A_178, %dma_wait3A_179, %dma_wait3A_180] : memref<4x8x1280xf32, #tpu.memory_space<vmem>> -> memref<1x8x1280xf32, #tpu.memory_space<vmem>>
      %dma_wait3A_182 = tpu.memref_squeeze %dma_wait3A_181 : memref<1x8x1280xf32, #tpu.memory_space<vmem>> -> memref<8x1280xf32, #tpu.memory_space<vmem>>
      %dma_wait3A_183 = arith.constant 0 : i32
      %dma_wait3A_184 = arith.constant 0 : i32
      %dma_wait3A_185 = tpu.memref_slice %arg3[%dma_wait3A_183, %dma_wait3A_184] : memref<9x5248000xf32, #tpu.memory_space<hbm>> -> memref<8x1280xf32, #tpu.memory_space<hbm>>
      %dma_wait3A_186 = arith.constant 0 : i32
      %dma_wait3A_187 = arith.constant 0 : i32
      %dma_wait3A_188 = tpu.memref_slice %arg9[%dma_wait3A_178, %dma_wait3A_186, %dma_wait3A_187] : memref<4x8x1280xf32, #tpu.memory_space<vmem>> -> memref<1x8x1280xf32, #tpu.memory_space<vmem>>
      %dma_wait3A_189 = tpu.memref_squeeze %dma_wait3A_188 : memref<1x8x1280xf32, #tpu.memory_space<vmem>> -> memref<8x1280xf32, #tpu.memory_space<vmem>>
      %dma_wait3A_190 = arith.constant 0 : i32
      %dma_wait3A_191 = arith.constant 0 : i32
      %dma_wait3A_192 = tpu.memref_slice %arg3[%dma_wait3A_190, %dma_wait3A_191] : memref<9x5248000xf32, #tpu.memory_space<hbm>> -> memref<8x1280xf32, #tpu.memory_space<hbm>>
      tpu.wait_dma2 semaphore(%arg18 : memref<!tpu.dma_semaphore, #tpu.memory_space<semaphore_mem>>) src(%dma_wait3A_192 : memref<8x1280xf32, #tpu.memory_space<hbm>>) dst(%dma_wait3A_189 : memref<8x1280xf32, #tpu.memory_space<vmem>>)
      %dma_wait3A_193 = arith.constant 2 : i32
      %dma_wait3A_194 = arith.constant 0 : i32
      %dma_wait3A_195 = arith.constant 0 : i32
      %dma_wait3A_196 = tpu.memref_slice %arg9[%dma_wait3A_193, %dma_wait3A_194, %dma_wait3A_195] : memref<4x8x1280xf32, #tpu.memory_space<vmem>> -> memref<1x8x1280xf32, #tpu.memory_space<vmem>>
      %dma_wait3A_197 = tpu.memref_squeeze %dma_wait3A_196 : memref<1x8x1280xf32, #tpu.memory_space<vmem>> -> memref<8x1280xf32, #tpu.memory_space<vmem>>
      %dma_wait3A_198 = arith.constant 0 : i32
      %dma_wait3A_199 = arith.constant 0 : i32
      %dma_wait3A_200 = tpu.memref_slice %arg3[%dma_wait3A_198, %dma_wait3A_199] : memref<9x5248000xf32, #tpu.memory_space<hbm>> -> memref<8x1280xf32, #tpu.memory_space<hbm>>
      %dma_wait3A_201 = arith.constant 0 : i32
      %dma_wait3A_202 = arith.constant 0 : i32
      %dma_wait3A_203 = tpu.memref_slice %arg9[%dma_wait3A_193, %dma_wait3A_201, %dma_wait3A_202] : memref<4x8x1280xf32, #tpu.memory_space<vmem>> -> memref<1x8x1280xf32, #tpu.memory_space<vmem>>
      %dma_wait3A_204 = tpu.memref_squeeze %dma_wait3A_203 : memref<1x8x1280xf32, #tpu.memory_space<vmem>> -> memref<8x1280xf32, #tpu.memory_space<vmem>>
      %dma_wait3A_205 = arith.constant 0 : i32
      %dma_wait3A_206 = arith.constant 0 : i32
      %dma_wait3A_207 = tpu.memref_slice %arg3[%dma_wait3A_205, %dma_wait3A_206] : memref<9x5248000xf32, #tpu.memory_space<hbm>> -> memref<8x1280xf32, #tpu.memory_space<hbm>>
      tpu.wait_dma2 semaphore(%arg18 : memref<!tpu.dma_semaphore, #tpu.memory_space<semaphore_mem>>) src(%dma_wait3A_207 : memref<8x1280xf32, #tpu.memory_space<hbm>>) dst(%dma_wait3A_204 : memref<8x1280xf32, #tpu.memory_space<vmem>>)
      %dma_wait3A_208 = arith.constant 3 : i32
      %dma_wait3A_209 = arith.constant 0 : i32
      %dma_wait3A_210 = arith.constant 0 : i32
      %dma_wait3A_211 = tpu.memref_slice %arg9[%dma_wait3A_208, %dma_wait3A_209, %dma_wait3A_210] : memref<4x8x1280xf32, #tpu.memory_space<vmem>> -> memref<1x8x1280xf32, #tpu.memory_space<vmem>>
      %dma_wait3A_212 = tpu.memref_squeeze %dma_wait3A_211 : memref<1x8x1280xf32, #tpu.memory_space<vmem>> -> memref<8x1280xf32, #tpu.memory_space<vmem>>
      %dma_wait3A_213 = arith.constant 0 : i32
      %dma_wait3A_214 = arith.constant 0 : i32
      %dma_wait3A_215 = tpu.memref_slice %arg3[%dma_wait3A_213, %dma_wait3A_214] : memref<9x5248000xf32, #tpu.memory_space<hbm>> -> memref<8x1280xf32, #tpu.memory_space<hbm>>
      %dma_wait3A_216 = arith.constant 0 : i32
      %dma_wait3A_217 = arith.constant 0 : i32
      %dma_wait3A_218 = tpu.memref_slice %arg9[%dma_wait3A_208, %dma_wait3A_216, %dma_wait3A_217] : memref<4x8x1280xf32, #tpu.memory_space<vmem>> -> memref<1x8x1280xf32, #tpu.memory_space<vmem>>
      %dma_wait3A_219 = tpu.memref_squeeze %dma_wait3A_218 : memref<1x8x1280xf32, #tpu.memory_space<vmem>> -> memref<8x1280xf32, #tpu.memory_space<vmem>>
      %dma_wait3A_220 = arith.constant 0 : i32
      %dma_wait3A_221 = arith.constant 0 : i32
      %dma_wait3A_222 = tpu.memref_slice %arg3[%dma_wait3A_220, %dma_wait3A_221] : memref<9x5248000xf32, #tpu.memory_space<hbm>> -> memref<8x1280xf32, #tpu.memory_space<hbm>>
      tpu.wait_dma2 semaphore(%arg18 : memref<!tpu.dma_semaphore, #tpu.memory_space<semaphore_mem>>) src(%dma_wait3A_222 : memref<8x1280xf32, #tpu.memory_space<hbm>>) dst(%dma_wait3A_219 : memref<8x1280xf32, #tpu.memory_space<vmem>>)
      %dma_wait3A_223 = arith.constant 0 : i32
      %dma_wait3A_224 = arith.constant 0 : i32
      %dma_wait3A_225 = tpu.memref_slice %arg5[%dma_wait3A_223, %dma_wait3A_224] : memref<1025x1280xf32, #tpu.memory_space<hbm>> -> memref<8x1280xf32, #tpu.memory_space<hbm>>
      %dma_wait3A_226 = arith.constant 0 : i32
      %dma_wait3A_227 = arith.constant 0 : i32
      %dma_wait3A_228 = tpu.memref_slice %arg5[%dma_wait3A_226, %dma_wait3A_227] : memref<1025x1280xf32, #tpu.memory_space<hbm>> -> memref<8x1280xf32, #tpu.memory_space<hbm>>
      tpu.wait_dma2 semaphore(%arg18 : memref<!tpu.dma_semaphore, #tpu.memory_space<semaphore_mem>>) src(%dma_wait3A_228 : memref<8x1280xf32, #tpu.memory_space<hbm>>) dst(%arg11 : memref<8x1280xf32, #tpu.memory_space<vmem>>)
      %convert_element_type3A_229 = arith.extui %eq3A_28 : i1 to i32
      %cond3A_230 = arith.constant 0 : i32
      %cond3A_231 = arith.cmpi ne, %convert_element_type3A_229, %cond3A_230 : i32
      scf.if %cond3A_231 {
        %dma_wait3A_243 = arith.constant 0 : i32
        %dma_wait3A_244 = arith.constant 0 : i32
        %dma_wait3A_245 = arith.constant 0 : i32
        %dma_wait3A_246 = tpu.memref_slice %arg4[%dma_wait3A_243, %dma_wait3A_244, %dma_wait3A_245] : memref<1025x4x1280xf32, #tpu.memory_space<hbm>> -> memref<1x4x1280xf32, #tpu.memory_space<hbm>>
        %dma_wait3A_247 = tpu.memref_squeeze %dma_wait3A_246 : memref<1x4x1280xf32, #tpu.memory_space<hbm>> -> memref<4x1280xf32, #tpu.memory_space<hbm>>
        %dma_wait3A_248 = arith.constant 0 : i32
        %dma_wait3A_249 = arith.constant 0 : i32
        %dma_wait3A_250 = tpu.memref_slice %arg4[%dma_wait3A_243, %dma_wait3A_248, %dma_wait3A_249] : memref<1025x4x1280xf32, #tpu.memory_space<hbm>> -> memref<1x4x1280xf32, #tpu.memory_space<hbm>>
        %dma_wait3A_251 = tpu.memref_squeeze %dma_wait3A_250 : memref<1x4x1280xf32, #tpu.memory_space<hbm>> -> memref<4x1280xf32, #tpu.memory_space<hbm>>
        tpu.wait_dma2 semaphore(%arg18 : memref<!tpu.dma_semaphore, #tpu.memory_space<semaphore_mem>>) src(%dma_wait3A_251 : memref<4x1280xf32, #tpu.memory_space<hbm>>) dst(%arg10 : memref<4x1280xf32, #tpu.memory_space<vmem>>)
      } else {
      }
      %scan3A = arith.constant 0 : i32
      %scan3A_232 = arith.constant 0 : i32
      %scan3A_233 = arith.constant 4 : i32
      %scan3A_234 = arith.addi %scan3A_232, %scan3A_233 : i32
      %scan3A_235 = arith.constant 1 : i32
      scf.for %scan3A_243 = %scan3A_232 to %scan3A_234 step %scan3A_235  : i32 {
        %mul3A_244 = arith.constant 2 : i32
        %mul3A_245 = arith.muli %mul3A_244, %scan3A_243 : i32
        %add3A_246 = arith.constant 0 : i32
        %add3A_247 = arith.addi %mul3A_245, %add3A_246 : i32
        %dma_wait3A_248 = arith.constant 0 : i32
        %dma_wait3A_249 = arith.constant 0 : i32
        %dma_wait3A_250 = arith.constant 0 : i32
        %dma_wait3A_251 = arith.constant 0 : i32
        %dma_wait3A_252 = tpu.memref_slice %arg2[%dma_wait3A_248, %dma_wait3A_249, %dma_wait3A_250, %dma_wait3A_251] : memref<8x1025x4x1280xf32, #tpu.memory_space<hbm>> -> memref<1x1x4x1280xf32, #tpu.memory_space<hbm>>
        %dma_wait3A_253 = tpu.memref_squeeze %dma_wait3A_252 : memref<1x1x4x1280xf32, #tpu.memory_space<hbm>> -> memref<4x1280xf32, #tpu.memory_space<hbm>>
        %dma_wait3A_254 = arith.constant 0 : i32
        %dma_wait3A_255 = arith.constant 0 : i32
        %dma_wait3A_256 = tpu.memref_slice %arg2[%dma_wait3A_248, %dma_wait3A_249, %dma_wait3A_254, %dma_wait3A_255] : memref<8x1025x4x1280xf32, #tpu.memory_space<hbm>> -> memref<1x1x4x1280xf32, #tpu.memory_space<hbm>>
        %dma_wait3A_257 = tpu.memref_squeeze %dma_wait3A_256 : memref<1x1x4x1280xf32, #tpu.memory_space<hbm>> -> memref<4x1280xf32, #tpu.memory_space<hbm>>
        tpu.wait_dma2 semaphore(%arg19 : memref<!tpu.dma_semaphore, #tpu.memory_space<semaphore_mem>>) src(%dma_wait3A_257 : memref<4x1280xf32, #tpu.memory_space<hbm>>) dst(%arg12 : memref<4x1280xf32, #tpu.memory_space<vmem>>)
        %add3A_258 = arith.constant 1 : i32
        %add3A_259 = arith.addi %add3A_247, %add3A_258 : i32
        %mul3A_260 = arith.constant 32 : i32
        %mul3A_261 = arith.muli %mul3A_260, %while3A_162 : i32
        %add3A_262 = arith.addi %add3A, %mul3A_261 : i32
        %dma_start3A_263 = arith.constant 0 : i32
        %dma_start3A_264 = arith.constant 0 : i32
        %dma_start3A_265 = tpu.memref_slice %arg2[%add3A_259, %add3A_262, %dma_start3A_263, %dma_start3A_264] : memref<8x1025x4x1280xf32, #tpu.memory_space<hbm>> -> memref<1x1x4x1280xf32, #tpu.memory_space<hbm>>
        %dma_start3A_266 = tpu.memref_squeeze %dma_start3A_265 : memref<1x1x4x1280xf32, #tpu.memory_space<hbm>> -> memref<4x1280xf32, #tpu.memory_space<hbm>>
        %dma_start3A_267 = arith.constant 0 : i32
        %dma_start3A_268 = arith.constant 0 : i32
        %dma_start3A_269 = tpu.memref_slice %arg2[%add3A_259, %add3A_262, %dma_start3A_267, %dma_start3A_268] : memref<8x1025x4x1280xf32, #tpu.memory_space<hbm>> -> memref<1x1x4x1280xf32, #tpu.memory_space<hbm>>
        %dma_start3A_270 = tpu.memref_squeeze %dma_start3A_269 : memref<1x1x4x1280xf32, #tpu.memory_space<hbm>> -> memref<4x1280xf32, #tpu.memory_space<hbm>>
        tpu.enqueue_dma source(%dma_start3A_270 : memref<4x1280xf32, #tpu.memory_space<hbm>>) target(%arg13 : memref<4x1280xf32, #tpu.memory_space<vmem>>) target_semaphore(%arg20 : memref<!tpu.dma_semaphore, #tpu.memory_space<semaphore_mem>>)
        %ge3A = arith.constant 1 : i32
        %ge3A_271 = arith.cmpi sge, %scan3A_243, %ge3A : i32
        %gt3A = arith.constant 0 : i32
        %gt3A_272 = arith.cmpi sgt, %while3A_162, %gt3A : i32
        %or3A = arith.ori %ge3A_271, %gt3A_272 : i1
        %convert_element_type3A_273 = arith.extui %or3A : i1 to i32
        %cond3A_274 = arith.constant 0 : i32
        %cond3A_275 = arith.cmpi ne, %convert_element_type3A_273, %cond3A_274 : i32
        scf.if %cond3A_275 {
          %dma_wait3A_408 = arith.constant 0 : i32
          %dma_wait3A_409 = arith.constant 0 : i32
          %dma_wait3A_410 = arith.constant 0 : i32
          %dma_wait3A_411 = arith.constant 0 : i32
          %dma_wait3A_412 = tpu.memref_slice %arg8[%dma_wait3A_408, %dma_wait3A_409, %dma_wait3A_410, %dma_wait3A_411] : memref<8x1025x4x1280xf32, #tpu.memory_space<hbm>> -> memref<1x1x4x1280xf32, #tpu.memory_space<hbm>>
          %dma_wait3A_413 = tpu.memref_squeeze %dma_wait3A_412 : memref<1x1x4x1280xf32, #tpu.memory_space<hbm>> -> memref<4x1280xf32, #tpu.memory_space<hbm>>
          %dma_wait3A_414 = arith.constant 0 : i32
          %dma_wait3A_415 = arith.constant 0 : i32
          %dma_wait3A_416 = tpu.memref_slice %arg8[%dma_wait3A_408, %dma_wait3A_409, %dma_wait3A_414, %dma_wait3A_415] : memref<8x1025x4x1280xf32, #tpu.memory_space<hbm>> -> memref<1x1x4x1280xf32, #tpu.memory_space<hbm>>
          %dma_wait3A_417 = tpu.memref_squeeze %dma_wait3A_416 : memref<1x1x4x1280xf32, #tpu.memory_space<hbm>> -> memref<4x1280xf32, #tpu.memory_space<hbm>>
          tpu.wait_dma2 semaphore(%arg21 : memref<!tpu.dma_semaphore, #tpu.memory_space<semaphore_mem>>) src(%arg14 : memref<4x1280xf32, #tpu.memory_space<vmem>>) dst(%dma_wait3A_417 : memref<4x1280xf32, #tpu.memory_space<hbm>>)
        } else {
        }
        %eq3A_276 = vector.broadcast %add3A_247 : i32 to vector<16xi32>
        %eq3A_277 = arith.cmpi eq, %iota3A, %eq3A_276 : vector<16xi32>
        %jit3A_278 = arith.constant 0 : i32
        %broadcast_in_dim3A = vector.broadcast %jit3A_278 : i32 to vector<16xi32>
        %select_n3A_279 = arith.select %eq3A_277, %get3A_1, %broadcast_in_dim3A : vector<16xi1>, vector<16xi32>
        %reduce_sum3A = arith.constant true
        %reduce_sum3A_280 = vector.broadcast %reduce_sum3A : i1 to vector<16xi1>
        %reduce_sum3A_281 = tpu.scan <sum>, %select_n3A_279 masked %reduce_sum3A_280 : vector<16xi32>, vector<16xi1> -> vector<16xi32>
        %reduce_sum3A_282 = vector.extract %reduce_sum3A_281[15] : i32 from vector<16xi32>
        %mul3A_283 = arith.constant 32 : i32
        %mul3A_284 = arith.muli %mul3A_283, %while3A_162 : i32
        %add3A_285 = arith.addi %add3A, %mul3A_284 : i32
        %jit3A_286 = arith.constant 8 : i32
        %eq3A_287 = arith.constant 0 : i32
        %eq3A_288 = arith.cmpi eq, %jit3A_286, %eq3A_287 : i32
        %jit3A_289 = arith.constant 1 : i32
        %select_n3A_290 = arith.select %eq3A_288, %jit3A_289, %jit3A_286 : i32
        %rem3A_291 = arith.remsi %add3A_285, %select_n3A_290 : i32
        %ne3A_292 = arith.constant 0 : i32
        %ne3A_293 = arith.cmpi ne, %rem3A_291, %ne3A_292 : i32
        %lt3A_294 = arith.constant 0 : i32
        %lt3A_295 = arith.cmpi slt, %rem3A_291, %lt3A_294 : i32
        %lt3A_296 = arith.constant 0 : i32
        %lt3A_297 = arith.cmpi slt, %select_n3A_290, %lt3A_296 : i32
        %ne3A_298 = arith.xori %lt3A_295, %lt3A_297 : i1
        %and3A_299 = arith.andi %ne3A_298, %ne3A_293 : i1
        %add3A_300 = arith.addi %rem3A_291, %select_n3A_290 : i32
        %select_n3A_301 = arith.select %and3A_299, %add3A_300, %rem3A_291 : i32
        %lt3A_302 = arith.constant 8 : i32
        %lt3A_303 = arith.cmpi slt, %reduce_sum3A_282, %lt3A_302 : i32
        %convert_element_type3A_304 = arith.extui %lt3A_303 : i1 to i32
        %cond3A_305 = arith.constant 0 : i32
        %cond3A_306 = arith.cmpi ne, %convert_element_type3A_304, %cond3A_305 : i32
        scf.if %cond3A_306 {
          %parallel_loop3A = arith.constant 0 : i32
          %parallel_loop3A_408 = arith.constant 1280 : i32
          %parallel_loop3A_409 = arith.constant 16 : i32
          scf.for %parallel_loop3A_419 = %parallel_loop3A to %parallel_loop3A_408 step %parallel_loop3A_409  : i32 {
            %parallel_loop3A_420 = arith.constant 0 : i32
            %parallel_loop3A_421 = arith.index_cast %parallel_loop3A_420 : i32 to index
            %parallel_loop3A_422 = arith.index_cast %parallel_loop3A_419 : i32 to index
            %parallel_loop3A_423 = tpu.vector_load %arg12[%parallel_loop3A_421, %parallel_loop3A_422] {strides = array<i32>} : memref<4x1280xf32, #tpu.memory_space<vmem>>, vector<16xf32>,
            %parallel_loop3A_424 = arith.index_cast %select_n3A_301 : i32 to index
            %parallel_loop3A_425 = arith.index_cast %parallel_loop3A_419 : i32 to index
            %parallel_loop3A_426 = tpu.vector_load %arg11[%parallel_loop3A_424, %parallel_loop3A_425] {strides = array<i32>} : memref<8x1280xf32, #tpu.memory_space<vmem>>, vector<16xf32>,
            %parallel_loop3A_427 = arith.mulf %sub3A_20, %parallel_loop3A_426 : vector<16xf32>
            %parallel_loop3A_428 = arith.addf %parallel_loop3A_423, %parallel_loop3A_427 : vector<16xf32>
            %parallel_loop3A_429 = arith.constant 0 : i32
            %parallel_loop3A_430 = arith.index_cast %parallel_loop3A_429 : i32 to index
            %parallel_loop3A_431 = arith.index_cast %reduce_sum3A_282 : i32 to index
            %parallel_loop3A_432 = arith.index_cast %parallel_loop3A_419 : i32 to index
            %parallel_loop3A_433 = tpu.vector_load %arg9[%parallel_loop3A_430, %parallel_loop3A_431, %parallel_loop3A_432] {strides = array<i32>} : memref<4x8x1280xf32, #tpu.memory_space<vmem>>, vector<16xf32>,
            %parallel_loop3A_434 = arith.mulf %select_n3A, %parallel_loop3A_433 : vector<16xf32>
            %parallel_loop3A_435 = arith.addf %parallel_loop3A_428, %parallel_loop3A_434 : vector<16xf32>
            %parallel_loop3A_436 = arith.constant 0 : i32
            %parallel_loop3A_437 = arith.index_cast %parallel_loop3A_436 : i32 to index
            %parallel_loop3A_438 = arith.index_cast %parallel_loop3A_419 : i32 to index
            %parallel_loop3A_439 = tpu.vector_load %arg14[%parallel_loop3A_437, %parallel_loop3A_438] {strides = array<i32>} : memref<4x1280xf32, #tpu.memory_space<vmem>>, vector<16xf32>,
            tpu.vector_store %arg14[%parallel_loop3A_437, %parallel_loop3A_438], %parallel_loop3A_435 {strides = array<i32>} : memref<4x1280xf32, #tpu.memory_space<vmem>>, vector<16xf32>,
          } {sc.loop_unroll_factor = 8 : i64, sc.parallel_access}
          %parallel_loop3A_410 = arith.constant 0 : i32
          %parallel_loop3A_411 = arith.constant 1280 : i32
          %parallel_loop3A_412 = arith.constant 16 : i32
          scf.for %parallel_loop3A_419 = %parallel_loop3A_410 to %parallel_loop3A_411 step %parallel_loop3A_412  : i32 {
            %parallel_loop3A_420 = arith.constant 1 : i32
            %parallel_loop3A_421 = arith.index_cast %parallel_loop3A_420 : i32 to index
            %parallel_loop3A_422 = arith.index_cast %parallel_loop3A_419 : i32 to index
            %parallel_loop3A_423 = tpu.vector_load %arg12[%parallel_loop3A_421, %parallel_loop3A_422] {strides = array<i32>} : memref<4x1280xf32, #tpu.memory_space<vmem>>, vector<16xf32>,
            %parallel_loop3A_424 = arith.index_cast %select_n3A_301 : i32 to index
            %parallel_loop3A_425 = arith.index_cast %parallel_loop3A_419 : i32 to index
            %parallel_loop3A_426 = tpu.vector_load %arg11[%parallel_loop3A_424, %parallel_loop3A_425] {strides = array<i32>} : memref<8x1280xf32, #tpu.memory_space<vmem>>, vector<16xf32>,
            %parallel_loop3A_427 = arith.mulf %sub3A_20, %parallel_loop3A_426 : vector<16xf32>
            %parallel_loop3A_428 = arith.addf %parallel_loop3A_423, %parallel_loop3A_427 : vector<16xf32>
            %parallel_loop3A_429 = arith.constant 1 : i32
            %parallel_loop3A_430 = arith.index_cast %parallel_loop3A_429 : i32 to index
            %parallel_loop3A_431 = arith.index_cast %reduce_sum3A_282 : i32 to index
            %parallel_loop3A_432 = arith.index_cast %parallel_loop3A_419 : i32 to index
            %parallel_loop3A_433 = tpu.vector_load %arg9[%parallel_loop3A_430, %parallel_loop3A_431, %parallel_loop3A_432] {strides = array<i32>} : memref<4x8x1280xf32, #tpu.memory_space<vmem>>, vector<16xf32>,
            %parallel_loop3A_434 = arith.mulf %select_n3A, %parallel_loop3A_433 : vector<16xf32>
            %parallel_loop3A_435 = arith.addf %parallel_loop3A_428, %parallel_loop3A_434 : vector<16xf32>
            %parallel_loop3A_436 = arith.constant 1 : i32
            %parallel_loop3A_437 = arith.index_cast %parallel_loop3A_436 : i32 to index
            %parallel_loop3A_438 = arith.index_cast %parallel_loop3A_419 : i32 to index
            %parallel_loop3A_439 = tpu.vector_load %arg14[%parallel_loop3A_437, %parallel_loop3A_438] {strides = array<i32>} : memref<4x1280xf32, #tpu.memory_space<vmem>>, vector<16xf32>,
            tpu.vector_store %arg14[%parallel_loop3A_437, %parallel_loop3A_438], %parallel_loop3A_435 {strides = array<i32>} : memref<4x1280xf32, #tpu.memory_space<vmem>>, vector<16xf32>,
          } {sc.loop_unroll_factor = 8 : i64, sc.parallel_access}
          %parallel_loop3A_413 = arith.constant 0 : i32
          %parallel_loop3A_414 = arith.constant 1280 : i32
          %parallel_loop3A_415 = arith.constant 16 : i32
          scf.for %parallel_loop3A_419 = %parallel_loop3A_413 to %parallel_loop3A_414 step %parallel_loop3A_415  : i32 {
            %parallel_loop3A_420 = arith.constant 2 : i32
            %parallel_loop3A_421 = arith.index_cast %parallel_loop3A_420 : i32 to index
            %parallel_loop3A_422 = arith.index_cast %parallel_loop3A_419 : i32 to index
            %parallel_loop3A_423 = tpu.vector_load %arg12[%parallel_loop3A_421, %parallel_loop3A_422] {strides = array<i32>} : memref<4x1280xf32, #tpu.memory_space<vmem>>, vector<16xf32>,
            %parallel_loop3A_424 = arith.index_cast %select_n3A_301 : i32 to index
            %parallel_loop3A_425 = arith.index_cast %parallel_loop3A_419 : i32 to index
            %parallel_loop3A_426 = tpu.vector_load %arg11[%parallel_loop3A_424, %parallel_loop3A_425] {strides = array<i32>} : memref<8x1280xf32, #tpu.memory_space<vmem>>, vector<16xf32>,
            %parallel_loop3A_427 = arith.mulf %sub3A_20, %parallel_loop3A_426 : vector<16xf32>
            %parallel_loop3A_428 = arith.addf %parallel_loop3A_423, %parallel_loop3A_427 : vector<16xf32>
            %parallel_loop3A_429 = arith.constant 2 : i32
            %parallel_loop3A_430 = arith.index_cast %parallel_loop3A_429 : i32 to index
            %parallel_loop3A_431 = arith.index_cast %reduce_sum3A_282 : i32 to index
            %parallel_loop3A_432 = arith.index_cast %parallel_loop3A_419 : i32 to index
            %parallel_loop3A_433 = tpu.vector_load %arg9[%parallel_loop3A_430, %parallel_loop3A_431, %parallel_loop3A_432] {strides = array<i32>} : memref<4x8x1280xf32, #tpu.memory_space<vmem>>, vector<16xf32>,
            %parallel_loop3A_434 = arith.mulf %select_n3A, %parallel_loop3A_433 : vector<16xf32>
            %parallel_loop3A_435 = arith.addf %parallel_loop3A_428, %parallel_loop3A_434 : vector<16xf32>
            %parallel_loop3A_436 = arith.constant 2 : i32
            %parallel_loop3A_437 = arith.index_cast %parallel_loop3A_436 : i32 to index
            %parallel_loop3A_438 = arith.index_cast %parallel_loop3A_419 : i32 to index
            %parallel_loop3A_439 = tpu.vector_load %arg14[%parallel_loop3A_437, %parallel_loop3A_438] {strides = array<i32>} : memref<4x1280xf32, #tpu.memory_space<vmem>>, vector<16xf32>,
            tpu.vector_store %arg14[%parallel_loop3A_437, %parallel_loop3A_438], %parallel_loop3A_435 {strides = array<i32>} : memref<4x1280xf32, #tpu.memory_space<vmem>>, vector<16xf32>,
          } {sc.loop_unroll_factor = 8 : i64, sc.parallel_access}
          %parallel_loop3A_416 = arith.constant 0 : i32
          %parallel_loop3A_417 = arith.constant 1280 : i32
          %parallel_loop3A_418 = arith.constant 16 : i32
          scf.for %parallel_loop3A_419 = %parallel_loop3A_416 to %parallel_loop3A_417 step %parallel_loop3A_418  : i32 {
            %parallel_loop3A_420 = arith.constant 3 : i32
            %parallel_loop3A_421 = arith.index_cast %parallel_loop3A_420 : i32 to index
            %parallel_loop3A_422 = arith.index_cast %parallel_loop3A_419 : i32 to index
            %parallel_loop3A_423 = tpu.vector_load %arg12[%parallel_loop3A_421, %parallel_loop3A_422] {strides = array<i32>} : memref<4x1280xf32, #tpu.memory_space<vmem>>, vector<16xf32>,
            %parallel_loop3A_424 = arith.index_cast %select_n3A_301 : i32 to index
            %parallel_loop3A_425 = arith.index_cast %parallel_loop3A_419 : i32 to index
            %parallel_loop3A_426 = tpu.vector_load %arg11[%parallel_loop3A_424, %parallel_loop3A_425] {strides = array<i32>} : memref<8x1280xf32, #tpu.memory_space<vmem>>, vector<16xf32>,
            %parallel_loop3A_427 = arith.mulf %sub3A_20, %parallel_loop3A_426 : vector<16xf32>
            %parallel_loop3A_428 = arith.addf %parallel_loop3A_423, %parallel_loop3A_427 : vector<16xf32>
            %parallel_loop3A_429 = arith.constant 3 : i32
            %parallel_loop3A_430 = arith.index_cast %parallel_loop3A_429 : i32 to index
            %parallel_loop3A_431 = arith.index_cast %reduce_sum3A_282 : i32 to index
            %parallel_loop3A_432 = arith.index_cast %parallel_loop3A_419 : i32 to index
            %parallel_loop3A_433 = tpu.vector_load %arg9[%parallel_loop3A_430, %parallel_loop3A_431, %parallel_loop3A_432] {strides = array<i32>} : memref<4x8x1280xf32, #tpu.memory_space<vmem>>, vector<16xf32>,
            %parallel_loop3A_434 = arith.mulf %select_n3A, %parallel_loop3A_433 : vector<16xf32>
            %parallel_loop3A_435 = arith.addf %parallel_loop3A_428, %parallel_loop3A_434 : vector<16xf32>
            %parallel_loop3A_436 = arith.constant 3 : i32
            %parallel_loop3A_437 = arith.index_cast %parallel_loop3A_436 : i32 to index
            %parallel_loop3A_438 = arith.index_cast %parallel_loop3A_419 : i32 to index
            %parallel_loop3A_439 = tpu.vector_load %arg14[%parallel_loop3A_437, %parallel_loop3A_438] {strides = array<i32>} : memref<4x1280xf32, #tpu.memory_space<vmem>>, vector<16xf32>,
            tpu.vector_store %arg14[%parallel_loop3A_437, %parallel_loop3A_438], %parallel_loop3A_435 {strides = array<i32>} : memref<4x1280xf32, #tpu.memory_space<vmem>>, vector<16xf32>,
          } {sc.loop_unroll_factor = 8 : i64, sc.parallel_access}
        } else {
        }
        %eq3A_307 = arith.constant 8 : i32
        %eq3A_308 = arith.cmpi eq, %reduce_sum3A_282, %eq3A_307 : i32
        %convert_element_type3A_309 = arith.extui %eq3A_308 : i1 to i32
        %cond3A_310 = arith.constant 0 : i32
        %cond3A_311 = arith.cmpi ne, %convert_element_type3A_309, %cond3A_310 : i32
        scf.if %cond3A_311 {
          %parallel_loop3A = arith.constant 0 : i32
          %parallel_loop3A_408 = arith.constant 1280 : i32
          %parallel_loop3A_409 = arith.constant 16 : i32
          scf.for %parallel_loop3A_419 = %parallel_loop3A to %parallel_loop3A_408 step %parallel_loop3A_409  : i32 {
            %parallel_loop3A_420 = arith.constant 0 : i32
            %parallel_loop3A_421 = arith.index_cast %parallel_loop3A_420 : i32 to index
            %parallel_loop3A_422 = arith.index_cast %parallel_loop3A_419 : i32 to index
            %parallel_loop3A_423 = tpu.vector_load %arg12[%parallel_loop3A_421, %parallel_loop3A_422] {strides = array<i32>} : memref<4x1280xf32, #tpu.memory_space<vmem>>, vector<16xf32>,
            %parallel_loop3A_424 = arith.index_cast %select_n3A_301 : i32 to index
            %parallel_loop3A_425 = arith.index_cast %parallel_loop3A_419 : i32 to index
            %parallel_loop3A_426 = tpu.vector_load %arg11[%parallel_loop3A_424, %parallel_loop3A_425] {strides = array<i32>} : memref<8x1280xf32, #tpu.memory_space<vmem>>, vector<16xf32>,
            %parallel_loop3A_427 = arith.mulf %sub3A_20, %parallel_loop3A_426 : vector<16xf32>
            %parallel_loop3A_428 = arith.addf %parallel_loop3A_423, %parallel_loop3A_427 : vector<16xf32>
            %parallel_loop3A_429 = arith.constant 0 : i32
            %parallel_loop3A_430 = arith.index_cast %parallel_loop3A_429 : i32 to index
            %parallel_loop3A_431 = arith.index_cast %parallel_loop3A_419 : i32 to index
            %parallel_loop3A_432 = tpu.vector_load %arg10[%parallel_loop3A_430, %parallel_loop3A_431] {strides = array<i32>} : memref<4x1280xf32, #tpu.memory_space<vmem>>, vector<16xf32>,
            %parallel_loop3A_433 = arith.mulf %select_n3A, %parallel_loop3A_432 : vector<16xf32>
            %parallel_loop3A_434 = arith.addf %parallel_loop3A_428, %parallel_loop3A_433 : vector<16xf32>
            %parallel_loop3A_435 = arith.constant 0 : i32
            %parallel_loop3A_436 = arith.index_cast %parallel_loop3A_435 : i32 to index
            %parallel_loop3A_437 = arith.index_cast %parallel_loop3A_419 : i32 to index
            %parallel_loop3A_438 = tpu.vector_load %arg14[%parallel_loop3A_436, %parallel_loop3A_437] {strides = array<i32>} : memref<4x1280xf32, #tpu.memory_space<vmem>>, vector<16xf32>,
            tpu.vector_store %arg14[%parallel_loop3A_436, %parallel_loop3A_437], %parallel_loop3A_434 {strides = array<i32>} : memref<4x1280xf32, #tpu.memory_space<vmem>>, vector<16xf32>,
          } {sc.loop_unroll_factor = 8 : i64, sc.parallel_access}
          %parallel_loop3A_410 = arith.constant 0 : i32
          %parallel_loop3A_411 = arith.constant 1280 : i32
          %parallel_loop3A_412 = arith.constant 16 : i32
          scf.for %parallel_loop3A_419 = %parallel_loop3A_410 to %parallel_loop3A_411 step %parallel_loop3A_412  : i32 {
            %parallel_loop3A_420 = arith.constant 1 : i32
            %parallel_loop3A_421 = arith.index_cast %parallel_loop3A_420 : i32 to index
            %parallel_loop3A_422 = arith.index_cast %parallel_loop3A_419 : i32 to index
            %parallel_loop3A_423 = tpu.vector_load %arg12[%parallel_loop3A_421, %parallel_loop3A_422] {strides = array<i32>} : memref<4x1280xf32, #tpu.memory_space<vmem>>, vector<16xf32>,
            %parallel_loop3A_424 = arith.index_cast %select_n3A_301 : i32 to index
            %parallel_loop3A_425 = arith.index_cast %parallel_loop3A_419 : i32 to index
            %parallel_loop3A_426 = tpu.vector_load %arg11[%parallel_loop3A_424, %parallel_loop3A_425] {strides = array<i32>} : memref<8x1280xf32, #tpu.memory_space<vmem>>, vector<16xf32>,
            %parallel_loop3A_427 = arith.mulf %sub3A_20, %parallel_loop3A_426 : vector<16xf32>
            %parallel_loop3A_428 = arith.addf %parallel_loop3A_423, %parallel_loop3A_427 : vector<16xf32>
            %parallel_loop3A_429 = arith.constant 1 : i32
            %parallel_loop3A_430 = arith.index_cast %parallel_loop3A_429 : i32 to index
            %parallel_loop3A_431 = arith.index_cast %parallel_loop3A_419 : i32 to index
            %parallel_loop3A_432 = tpu.vector_load %arg10[%parallel_loop3A_430, %parallel_loop3A_431] {strides = array<i32>} : memref<4x1280xf32, #tpu.memory_space<vmem>>, vector<16xf32>,
            %parallel_loop3A_433 = arith.mulf %select_n3A, %parallel_loop3A_432 : vector<16xf32>
            %parallel_loop3A_434 = arith.addf %parallel_loop3A_428, %parallel_loop3A_433 : vector<16xf32>
            %parallel_loop3A_435 = arith.constant 1 : i32
            %parallel_loop3A_436 = arith.index_cast %parallel_loop3A_435 : i32 to index
            %parallel_loop3A_437 = arith.index_cast %parallel_loop3A_419 : i32 to index
            %parallel_loop3A_438 = tpu.vector_load %arg14[%parallel_loop3A_436, %parallel_loop3A_437] {strides = array<i32>} : memref<4x1280xf32, #tpu.memory_space<vmem>>, vector<16xf32>,
            tpu.vector_store %arg14[%parallel_loop3A_436, %parallel_loop3A_437], %parallel_loop3A_434 {strides = array<i32>} : memref<4x1280xf32, #tpu.memory_space<vmem>>, vector<16xf32>,
          } {sc.loop_unroll_factor = 8 : i64, sc.parallel_access}
          %parallel_loop3A_413 = arith.constant 0 : i32
          %parallel_loop3A_414 = arith.constant 1280 : i32
          %parallel_loop3A_415 = arith.constant 16 : i32
          scf.for %parallel_loop3A_419 = %parallel_loop3A_413 to %parallel_loop3A_414 step %parallel_loop3A_415  : i32 {
            %parallel_loop3A_420 = arith.constant 2 : i32
            %parallel_loop3A_421 = arith.index_cast %parallel_loop3A_420 : i32 to index
            %parallel_loop3A_422 = arith.index_cast %parallel_loop3A_419 : i32 to index
            %parallel_loop3A_423 = tpu.vector_load %arg12[%parallel_loop3A_421, %parallel_loop3A_422] {strides = array<i32>} : memref<4x1280xf32, #tpu.memory_space<vmem>>, vector<16xf32>,
            %parallel_loop3A_424 = arith.index_cast %select_n3A_301 : i32 to index
            %parallel_loop3A_425 = arith.index_cast %parallel_loop3A_419 : i32 to index
            %parallel_loop3A_426 = tpu.vector_load %arg11[%parallel_loop3A_424, %parallel_loop3A_425] {strides = array<i32>} : memref<8x1280xf32, #tpu.memory_space<vmem>>, vector<16xf32>,
            %parallel_loop3A_427 = arith.mulf %sub3A_20, %parallel_loop3A_426 : vector<16xf32>
            %parallel_loop3A_428 = arith.addf %parallel_loop3A_423, %parallel_loop3A_427 : vector<16xf32>
            %parallel_loop3A_429 = arith.constant 2 : i32
            %parallel_loop3A_430 = arith.index_cast %parallel_loop3A_429 : i32 to index
            %parallel_loop3A_431 = arith.index_cast %parallel_loop3A_419 : i32 to index
            %parallel_loop3A_432 = tpu.vector_load %arg10[%parallel_loop3A_430, %parallel_loop3A_431] {strides = array<i32>} : memref<4x1280xf32, #tpu.memory_space<vmem>>, vector<16xf32>,
            %parallel_loop3A_433 = arith.mulf %select_n3A, %parallel_loop3A_432 : vector<16xf32>
            %parallel_loop3A_434 = arith.addf %parallel_loop3A_428, %parallel_loop3A_433 : vector<16xf32>
            %parallel_loop3A_435 = arith.constant 2 : i32
            %parallel_loop3A_436 = arith.index_cast %parallel_loop3A_435 : i32 to index
            %parallel_loop3A_437 = arith.index_cast %parallel_loop3A_419 : i32 to index
            %parallel_loop3A_438 = tpu.vector_load %arg14[%parallel_loop3A_436, %parallel_loop3A_437] {strides = array<i32>} : memref<4x1280xf32, #tpu.memory_space<vmem>>, vector<16xf32>,
            tpu.vector_store %arg14[%parallel_loop3A_436, %parallel_loop3A_437], %parallel_loop3A_434 {strides = array<i32>} : memref<4x1280xf32, #tpu.memory_space<vmem>>, vector<16xf32>,
          } {sc.loop_unroll_factor = 8 : i64, sc.parallel_access}
          %parallel_loop3A_416 = arith.constant 0 : i32
          %parallel_loop3A_417 = arith.constant 1280 : i32
          %parallel_loop3A_418 = arith.constant 16 : i32
          scf.for %parallel_loop3A_419 = %parallel_loop3A_416 to %parallel_loop3A_417 step %parallel_loop3A_418  : i32 {
            %parallel_loop3A_420 = arith.constant 3 : i32
            %parallel_loop3A_421 = arith.index_cast %parallel_loop3A_420 : i32 to index
            %parallel_loop3A_422 = arith.index_cast %parallel_loop3A_419 : i32 to index
            %parallel_loop3A_423 = tpu.vector_load %arg12[%parallel_loop3A_421, %parallel_loop3A_422] {strides = array<i32>} : memref<4x1280xf32, #tpu.memory_space<vmem>>, vector<16xf32>,
            %parallel_loop3A_424 = arith.index_cast %select_n3A_301 : i32 to index
            %parallel_loop3A_425 = arith.index_cast %parallel_loop3A_419 : i32 to index
            %parallel_loop3A_426 = tpu.vector_load %arg11[%parallel_loop3A_424, %parallel_loop3A_425] {strides = array<i32>} : memref<8x1280xf32, #tpu.memory_space<vmem>>, vector<16xf32>,
            %parallel_loop3A_427 = arith.mulf %sub3A_20, %parallel_loop3A_426 : vector<16xf32>
            %parallel_loop3A_428 = arith.addf %parallel_loop3A_423, %parallel_loop3A_427 : vector<16xf32>
            %parallel_loop3A_429 = arith.constant 3 : i32
            %parallel_loop3A_430 = arith.index_cast %parallel_loop3A_429 : i32 to index
            %parallel_loop3A_431 = arith.index_cast %parallel_loop3A_419 : i32 to index
            %parallel_loop3A_432 = tpu.vector_load %arg10[%parallel_loop3A_430, %parallel_loop3A_431] {strides = array<i32>} : memref<4x1280xf32, #tpu.memory_space<vmem>>, vector<16xf32>,
            %parallel_loop3A_433 = arith.mulf %select_n3A, %parallel_loop3A_432 : vector<16xf32>
            %parallel_loop3A_434 = arith.addf %parallel_loop3A_428, %parallel_loop3A_433 : vector<16xf32>
            %parallel_loop3A_435 = arith.constant 3 : i32
            %parallel_loop3A_436 = arith.index_cast %parallel_loop3A_435 : i32 to index
            %parallel_loop3A_437 = arith.index_cast %parallel_loop3A_419 : i32 to index
            %parallel_loop3A_438 = tpu.vector_load %arg14[%parallel_loop3A_436, %parallel_loop3A_437] {strides = array<i32>} : memref<4x1280xf32, #tpu.memory_space<vmem>>, vector<16xf32>,
            tpu.vector_store %arg14[%parallel_loop3A_436, %parallel_loop3A_437], %parallel_loop3A_434 {strides = array<i32>} : memref<4x1280xf32, #tpu.memory_space<vmem>>, vector<16xf32>,
          } {sc.loop_unroll_factor = 8 : i64, sc.parallel_access}
        } else {
        }
        %mul3A_312 = arith.constant 32 : i32
        %mul3A_313 = arith.muli %mul3A_312, %while3A_162 : i32
        %add3A_314 = arith.addi %add3A, %mul3A_313 : i32
        %dma_start3A_315 = arith.constant 0 : i32
        %dma_start3A_316 = arith.constant 0 : i32
        %dma_start3A_317 = tpu.memref_slice %arg8[%add3A_247, %add3A_314, %dma_start3A_315, %dma_start3A_316] : memref<8x1025x4x1280xf32, #tpu.memory_space<hbm>> -> memref<1x1x4x1280xf32, #tpu.memory_space<hbm>>
        %dma_start3A_318 = tpu.memref_squeeze %dma_start3A_317 : memref<1x1x4x1280xf32, #tpu.memory_space<hbm>> -> memref<4x1280xf32, #tpu.memory_space<hbm>>
        %dma_start3A_319 = arith.constant 0 : i32
        %dma_start3A_320 = arith.constant 0 : i32
        %dma_start3A_321 = tpu.memref_slice %arg8[%add3A_247, %add3A_314, %dma_start3A_319, %dma_start3A_320] : memref<8x1025x4x1280xf32, #tpu.memory_space<hbm>> -> memref<1x1x4x1280xf32, #tpu.memory_space<hbm>>
        %dma_start3A_322 = tpu.memref_squeeze %dma_start3A_321 : memref<1x1x4x1280xf32, #tpu.memory_space<hbm>> -> memref<4x1280xf32, #tpu.memory_space<hbm>>
        tpu.enqueue_dma source(%arg14 : memref<4x1280xf32, #tpu.memory_space<vmem>>) target(%dma_start3A_322 : memref<4x1280xf32, #tpu.memory_space<hbm>>) target_semaphore(%arg21 : memref<!tpu.dma_semaphore, #tpu.memory_space<semaphore_mem>>)
        %mul3A_323 = arith.constant 2 : i32
        %mul3A_324 = arith.muli %mul3A_323, %scan3A_243 : i32
        %add3A_325 = arith.constant 1 : i32
        %add3A_326 = arith.addi %mul3A_324, %add3A_325 : i32
        %dma_wait3A_327 = arith.constant 0 : i32
        %dma_wait3A_328 = arith.constant 0 : i32
        %dma_wait3A_329 = arith.constant 0 : i32
        %dma_wait3A_330 = arith.constant 0 : i32
        %dma_wait3A_331 = tpu.memref_slice %arg2[%dma_wait3A_327, %dma_wait3A_328, %dma_wait3A_329, %dma_wait3A_330] : memref<8x1025x4x1280xf32, #tpu.memory_space<hbm>> -> memref<1x1x4x1280xf32, #tpu.memory_space<hbm>>
        %dma_wait3A_332 = tpu.memref_squeeze %dma_wait3A_331 : memref<1x1x4x1280xf32, #tpu.memory_space<hbm>> -> memref<4x1280xf32, #tpu.memory_space<hbm>>
        %dma_wait3A_333 = arith.constant 0 : i32
        %dma_wait3A_334 = arith.constant 0 : i32
        %dma_wait3A_335 = tpu.memref_slice %arg2[%dma_wait3A_327, %dma_wait3A_328, %dma_wait3A_333, %dma_wait3A_334] : memref<8x1025x4x1280xf32, #tpu.memory_space<hbm>> -> memref<1x1x4x1280xf32, #tpu.memory_space<hbm>>
        %dma_wait3A_336 = tpu.memref_squeeze %dma_wait3A_335 : memref<1x1x4x1280xf32, #tpu.memory_space<hbm>> -> memref<4x1280xf32, #tpu.memory_space<hbm>>
        tpu.wait_dma2 semaphore(%arg20 : memref<!tpu.dma_semaphore, #tpu.memory_space<semaphore_mem>>) src(%dma_wait3A_336 : memref<4x1280xf32, #tpu.memory_space<hbm>>) dst(%arg13 : memref<4x1280xf32, #tpu.memory_space<vmem>>)
        %lt3A_337 = arith.constant 3 : i32
        %lt3A_338 = arith.cmpi slt, %scan3A_243, %lt3A_337 : i32
        %convert_element_type3A_339 = arith.extui %lt3A_338 : i1 to i32
        %cond3A_340 = arith.constant 0 : i32
        %cond3A_341 = arith.cmpi ne, %convert_element_type3A_339, %cond3A_340 : i32
        scf.if %cond3A_341 {
          %add3A_408 = arith.constant 1 : i32
          %add3A_409 = arith.addi %add3A_326, %add3A_408 : i32
          %mul3A_410 = arith.constant 32 : i32
          %mul3A_411 = arith.muli %mul3A_410, %while3A_162 : i32
          %add3A_412 = arith.addi %add3A, %mul3A_411 : i32
          %dma_start3A_413 = arith.constant 0 : i32
          %dma_start3A_414 = arith.constant 0 : i32
          %dma_start3A_415 = tpu.memref_slice %arg2[%add3A_409, %add3A_412, %dma_start3A_413, %dma_start3A_414] : memref<8x1025x4x1280xf32, #tpu.memory_space<hbm>> -> memref<1x1x4x1280xf32, #tpu.memory_space<hbm>>
          %dma_start3A_416 = tpu.memref_squeeze %dma_start3A_415 : memref<1x1x4x1280xf32, #tpu.memory_space<hbm>> -> memref<4x1280xf32, #tpu.memory_space<hbm>>
          %dma_start3A_417 = arith.constant 0 : i32
          %dma_start3A_418 = arith.constant 0 : i32
          %dma_start3A_419 = tpu.memref_slice %arg2[%add3A_409, %add3A_412, %dma_start3A_417, %dma_start3A_418] : memref<8x1025x4x1280xf32, #tpu.memory_space<hbm>> -> memref<1x1x4x1280xf32, #tpu.memory_space<hbm>>
          %dma_start3A_420 = tpu.memref_squeeze %dma_start3A_419 : memref<1x1x4x1280xf32, #tpu.memory_space<hbm>> -> memref<4x1280xf32, #tpu.memory_space<hbm>>
          tpu.enqueue_dma source(%dma_start3A_420 : memref<4x1280xf32, #tpu.memory_space<hbm>>) target(%arg12 : memref<4x1280xf32, #tpu.memory_space<vmem>>) target_semaphore(%arg19 : memref<!tpu.dma_semaphore, #tpu.memory_space<semaphore_mem>>)
        } else {
        }
        %eq3A_342 = arith.constant 3 : i32
        %eq3A_343 = arith.cmpi eq, %scan3A_243, %eq3A_342 : i32
        %add3A_344 = arith.constant 1 : i32
        %add3A_345 = arith.addi %while3A_162, %add3A_344 : i32
        %lt3A_346 = arith.cmpi slt, %add3A_345, %select_n3A_32 : i32
        %and3A_347 = arith.andi %eq3A_343, %lt3A_346 : i1
        %convert_element_type3A_348 = arith.extui %and3A_347 : i1 to i32
        %cond3A_349 = arith.constant 0 : i32
        %cond3A_350 = arith.cmpi ne, %convert_element_type3A_348, %cond3A_349 : i32
        scf.if %cond3A_350 {
          %add3A_408 = arith.constant 1 : i32
          %add3A_409 = arith.addi %while3A_162, %add3A_408 : i32
          %mul3A_410 = arith.constant 32 : i32
          %mul3A_411 = arith.muli %mul3A_410, %add3A_409 : i32
          %add3A_412 = arith.addi %add3A, %mul3A_411 : i32
          %dma_start3A_413 = arith.constant 0 : i32
          %dma_start3A_414 = arith.constant 0 : i32
          %dma_start3A_415 = arith.constant 0 : i32
          %dma_start3A_416 = tpu.memref_slice %arg2[%dma_start3A_413, %add3A_412, %dma_start3A_414, %dma_start3A_415] : memref<8x1025x4x1280xf32, #tpu.memory_space<hbm>> -> memref<1x1x4x1280xf32, #tpu.memory_space<hbm>>
          %dma_start3A_417 = tpu.memref_squeeze %dma_start3A_416 : memref<1x1x4x1280xf32, #tpu.memory_space<hbm>> -> memref<4x1280xf32, #tpu.memory_space<hbm>>
          %dma_start3A_418 = arith.constant 0 : i32
          %dma_start3A_419 = arith.constant 0 : i32
          %dma_start3A_420 = tpu.memref_slice %arg2[%dma_start3A_413, %add3A_412, %dma_start3A_418, %dma_start3A_419] : memref<8x1025x4x1280xf32, #tpu.memory_space<hbm>> -> memref<1x1x4x1280xf32, #tpu.memory_space<hbm>>
          %dma_start3A_421 = tpu.memref_squeeze %dma_start3A_420 : memref<1x1x4x1280xf32, #tpu.memory_space<hbm>> -> memref<4x1280xf32, #tpu.memory_space<hbm>>
          tpu.enqueue_dma source(%dma_start3A_421 : memref<4x1280xf32, #tpu.memory_space<hbm>>) target(%arg12 : memref<4x1280xf32, #tpu.memory_space<vmem>>) target_semaphore(%arg19 : memref<!tpu.dma_semaphore, #tpu.memory_space<semaphore_mem>>)
        } else {
        }
        %ge3A_351 = arith.constant 1 : i32
        %ge3A_352 = arith.cmpi sge, %scan3A_243, %ge3A_351 : i32
        %gt3A_353 = arith.constant 0 : i32
        %gt3A_354 = arith.cmpi sgt, %while3A_162, %gt3A_353 : i32
        %or3A_355 = arith.ori %ge3A_352, %gt3A_354 : i1
        %convert_element_type3A_356 = arith.extui %or3A_355 : i1 to i32
        %cond3A_357 = arith.constant 0 : i32
        %cond3A_358 = arith.cmpi ne, %convert_element_type3A_356, %cond3A_357 : i32
        scf.if %cond3A_358 {
          %dma_wait3A_408 = arith.constant 0 : i32
          %dma_wait3A_409 = arith.constant 0 : i32
          %dma_wait3A_410 = arith.constant 0 : i32
          %dma_wait3A_411 = arith.constant 0 : i32
          %dma_wait3A_412 = tpu.memref_slice %arg8[%dma_wait3A_408, %dma_wait3A_409, %dma_wait3A_410, %dma_wait3A_411] : memref<8x1025x4x1280xf32, #tpu.memory_space<hbm>> -> memref<1x1x4x1280xf32, #tpu.memory_space<hbm>>
          %dma_wait3A_413 = tpu.memref_squeeze %dma_wait3A_412 : memref<1x1x4x1280xf32, #tpu.memory_space<hbm>> -> memref<4x1280xf32, #tpu.memory_space<hbm>>
          %dma_wait3A_414 = arith.constant 0 : i32
          %dma_wait3A_415 = arith.constant 0 : i32
          %dma_wait3A_416 = tpu.memref_slice %arg8[%dma_wait3A_408, %dma_wait3A_409, %dma_wait3A_414, %dma_wait3A_415] : memref<8x1025x4x1280xf32, #tpu.memory_space<hbm>> -> memref<1x1x4x1280xf32, #tpu.memory_space<hbm>>
          %dma_wait3A_417 = tpu.memref_squeeze %dma_wait3A_416 : memref<1x1x4x1280xf32, #tpu.memory_space<hbm>> -> memref<4x1280xf32, #tpu.memory_space<hbm>>
          tpu.wait_dma2 semaphore(%arg22 : memref<!tpu.dma_semaphore, #tpu.memory_space<semaphore_mem>>) src(%arg15 : memref<4x1280xf32, #tpu.memory_space<vmem>>) dst(%dma_wait3A_417 : memref<4x1280xf32, #tpu.memory_space<hbm>>)
        } else {
        }
        %eq3A_359 = vector.broadcast %add3A_326 : i32 to vector<16xi32>
        %eq3A_360 = arith.cmpi eq, %iota3A, %eq3A_359 : vector<16xi32>
        %jit3A_361 = arith.constant 0 : i32
        %broadcast_in_dim3A_362 = vector.broadcast %jit3A_361 : i32 to vector<16xi32>
        %select_n3A_363 = arith.select %eq3A_360, %get3A_1, %broadcast_in_dim3A_362 : vector<16xi1>, vector<16xi32>
        %reduce_sum3A_364 = arith.constant true
        %reduce_sum3A_365 = vector.broadcast %reduce_sum3A_364 : i1 to vector<16xi1>
        %reduce_sum3A_366 = tpu.scan <sum>, %select_n3A_363 masked %reduce_sum3A_365 : vector<16xi32>, vector<16xi1> -> vector<16xi32>
        %reduce_sum3A_367 = vector.extract %reduce_sum3A_366[15] : i32 from vector<16xi32>
        %mul3A_368 = arith.constant 32 : i32
        %mul3A_369 = arith.muli %mul3A_368, %while3A_162 : i32
        %add3A_370 = arith.addi %add3A, %mul3A_369 : i32
        %jit3A_371 = arith.constant 8 : i32
        %eq3A_372 = arith.constant 0 : i32
        %eq3A_373 = arith.cmpi eq, %jit3A_371, %eq3A_372 : i32
        %jit3A_374 = arith.constant 1 : i32
        %select_n3A_375 = arith.select %eq3A_373, %jit3A_374, %jit3A_371 : i32
        %rem3A_376 = arith.remsi %add3A_370, %select_n3A_375 : i32
        %ne3A_377 = arith.constant 0 : i32
        %ne3A_378 = arith.cmpi ne, %rem3A_376, %ne3A_377 : i32
        %lt3A_379 = arith.constant 0 : i32
        %lt3A_380 = arith.cmpi slt, %rem3A_376, %lt3A_379 : i32
        %lt3A_381 = arith.constant 0 : i32
        %lt3A_382 = arith.cmpi slt, %select_n3A_375, %lt3A_381 : i32
        %ne3A_383 = arith.xori %lt3A_380, %lt3A_382 : i1
        %and3A_384 = arith.andi %ne3A_383, %ne3A_378 : i1
        %add3A_385 = arith.addi %rem3A_376, %select_n3A_375 : i32
        %select_n3A_386 = arith.select %and3A_384, %add3A_385, %rem3A_376 : i32
        %lt3A_387 = arith.constant 8 : i32
        %lt3A_388 = arith.cmpi slt, %reduce_sum3A_367, %lt3A_387 : i32
        %convert_element_type3A_389 = arith.extui %lt3A_388 : i1 to i32
        %cond3A_390 = arith.constant 0 : i32
        %cond3A_391 = arith.cmpi ne, %convert_element_type3A_389, %cond3A_390 : i32
        scf.if %cond3A_391 {
          %parallel_loop3A = arith.constant 0 : i32
          %parallel_loop3A_408 = arith.constant 1280 : i32
          %parallel_loop3A_409 = arith.constant 16 : i32
          scf.for %parallel_loop3A_419 = %parallel_loop3A to %parallel_loop3A_408 step %parallel_loop3A_409  : i32 {
            %parallel_loop3A_420 = arith.constant 0 : i32
            %parallel_loop3A_421 = arith.index_cast %parallel_loop3A_420 : i32 to index
            %parallel_loop3A_422 = arith.index_cast %parallel_loop3A_419 : i32 to index
            %parallel_loop3A_423 = tpu.vector_load %arg13[%parallel_loop3A_421, %parallel_loop3A_422] {strides = array<i32>} : memref<4x1280xf32, #tpu.memory_space<vmem>>, vector<16xf32>,
            %parallel_loop3A_424 = arith.index_cast %select_n3A_386 : i32 to index
            %parallel_loop3A_425 = arith.index_cast %parallel_loop3A_419 : i32 to index
            %parallel_loop3A_426 = tpu.vector_load %arg11[%parallel_loop3A_424, %parallel_loop3A_425] {strides = array<i32>} : memref<8x1280xf32, #tpu.memory_space<vmem>>, vector<16xf32>,
            %parallel_loop3A_427 = arith.mulf %sub3A_20, %parallel_loop3A_426 : vector<16xf32>
            %parallel_loop3A_428 = arith.addf %parallel_loop3A_423, %parallel_loop3A_427 : vector<16xf32>
            %parallel_loop3A_429 = arith.constant 0 : i32
            %parallel_loop3A_430 = arith.index_cast %parallel_loop3A_429 : i32 to index
            %parallel_loop3A_431 = arith.index_cast %reduce_sum3A_367 : i32 to index
            %parallel_loop3A_432 = arith.index_cast %parallel_loop3A_419 : i32 to index
            %parallel_loop3A_433 = tpu.vector_load %arg9[%parallel_loop3A_430, %parallel_loop3A_431, %parallel_loop3A_432] {strides = array<i32>} : memref<4x8x1280xf32, #tpu.memory_space<vmem>>, vector<16xf32>,
            %parallel_loop3A_434 = arith.mulf %select_n3A, %parallel_loop3A_433 : vector<16xf32>
            %parallel_loop3A_435 = arith.addf %parallel_loop3A_428, %parallel_loop3A_434 : vector<16xf32>
            %parallel_loop3A_436 = arith.constant 0 : i32
            %parallel_loop3A_437 = arith.index_cast %parallel_loop3A_436 : i32 to index
            %parallel_loop3A_438 = arith.index_cast %parallel_loop3A_419 : i32 to index
            %parallel_loop3A_439 = tpu.vector_load %arg15[%parallel_loop3A_437, %parallel_loop3A_438] {strides = array<i32>} : memref<4x1280xf32, #tpu.memory_space<vmem>>, vector<16xf32>,
            tpu.vector_store %arg15[%parallel_loop3A_437, %parallel_loop3A_438], %parallel_loop3A_435 {strides = array<i32>} : memref<4x1280xf32, #tpu.memory_space<vmem>>, vector<16xf32>,
          } {sc.loop_unroll_factor = 8 : i64, sc.parallel_access}
          %parallel_loop3A_410 = arith.constant 0 : i32
          %parallel_loop3A_411 = arith.constant 1280 : i32
          %parallel_loop3A_412 = arith.constant 16 : i32
          scf.for %parallel_loop3A_419 = %parallel_loop3A_410 to %parallel_loop3A_411 step %parallel_loop3A_412  : i32 {
            %parallel_loop3A_420 = arith.constant 1 : i32
            %parallel_loop3A_421 = arith.index_cast %parallel_loop3A_420 : i32 to index
            %parallel_loop3A_422 = arith.index_cast %parallel_loop3A_419 : i32 to index
            %parallel_loop3A_423 = tpu.vector_load %arg13[%parallel_loop3A_421, %parallel_loop3A_422] {strides = array<i32>} : memref<4x1280xf32, #tpu.memory_space<vmem>>, vector<16xf32>,
            %parallel_loop3A_424 = arith.index_cast %select_n3A_386 : i32 to index
            %parallel_loop3A_425 = arith.index_cast %parallel_loop3A_419 : i32 to index
            %parallel_loop3A_426 = tpu.vector_load %arg11[%parallel_loop3A_424, %parallel_loop3A_425] {strides = array<i32>} : memref<8x1280xf32, #tpu.memory_space<vmem>>, vector<16xf32>,
            %parallel_loop3A_427 = arith.mulf %sub3A_20, %parallel_loop3A_426 : vector<16xf32>
            %parallel_loop3A_428 = arith.addf %parallel_loop3A_423, %parallel_loop3A_427 : vector<16xf32>
            %parallel_loop3A_429 = arith.constant 1 : i32
            %parallel_loop3A_430 = arith.index_cast %parallel_loop3A_429 : i32 to index
            %parallel_loop3A_431 = arith.index_cast %reduce_sum3A_367 : i32 to index
            %parallel_loop3A_432 = arith.index_cast %parallel_loop3A_419 : i32 to index
            %parallel_loop3A_433 = tpu.vector_load %arg9[%parallel_loop3A_430, %parallel_loop3A_431, %parallel_loop3A_432] {strides = array<i32>} : memref<4x8x1280xf32, #tpu.memory_space<vmem>>, vector<16xf32>,
            %parallel_loop3A_434 = arith.mulf %select_n3A, %parallel_loop3A_433 : vector<16xf32>
            %parallel_loop3A_435 = arith.addf %parallel_loop3A_428, %parallel_loop3A_434 : vector<16xf32>
            %parallel_loop3A_436 = arith.constant 1 : i32
            %parallel_loop3A_437 = arith.index_cast %parallel_loop3A_436 : i32 to index
            %parallel_loop3A_438 = arith.index_cast %parallel_loop3A_419 : i32 to index
            %parallel_loop3A_439 = tpu.vector_load %arg15[%parallel_loop3A_437, %parallel_loop3A_438] {strides = array<i32>} : memref<4x1280xf32, #tpu.memory_space<vmem>>, vector<16xf32>,
            tpu.vector_store %arg15[%parallel_loop3A_437, %parallel_loop3A_438], %parallel_loop3A_435 {strides = array<i32>} : memref<4x1280xf32, #tpu.memory_space<vmem>>, vector<16xf32>,
          } {sc.loop_unroll_factor = 8 : i64, sc.parallel_access}
          %parallel_loop3A_413 = arith.constant 0 : i32
          %parallel_loop3A_414 = arith.constant 1280 : i32
          %parallel_loop3A_415 = arith.constant 16 : i32
          scf.for %parallel_loop3A_419 = %parallel_loop3A_413 to %parallel_loop3A_414 step %parallel_loop3A_415  : i32 {
            %parallel_loop3A_420 = arith.constant 2 : i32
            %parallel_loop3A_421 = arith.index_cast %parallel_loop3A_420 : i32 to index
            %parallel_loop3A_422 = arith.index_cast %parallel_loop3A_419 : i32 to index
            %parallel_loop3A_423 = tpu.vector_load %arg13[%parallel_loop3A_421, %parallel_loop3A_422] {strides = array<i32>} : memref<4x1280xf32, #tpu.memory_space<vmem>>, vector<16xf32>,
            %parallel_loop3A_424 = arith.index_cast %select_n3A_386 : i32 to index
            %parallel_loop3A_425 = arith.index_cast %parallel_loop3A_419 : i32 to index
            %parallel_loop3A_426 = tpu.vector_load %arg11[%parallel_loop3A_424, %parallel_loop3A_425] {strides = array<i32>} : memref<8x1280xf32, #tpu.memory_space<vmem>>, vector<16xf32>,
            %parallel_loop3A_427 = arith.mulf %sub3A_20, %parallel_loop3A_426 : vector<16xf32>
            %parallel_loop3A_428 = arith.addf %parallel_loop3A_423, %parallel_loop3A_427 : vector<16xf32>
            %parallel_loop3A_429 = arith.constant 2 : i32
            %parallel_loop3A_430 = arith.index_cast %parallel_loop3A_429 : i32 to index
            %parallel_loop3A_431 = arith.index_cast %reduce_sum3A_367 : i32 to index
            %parallel_loop3A_432 = arith.index_cast %parallel_loop3A_419 : i32 to index
            %parallel_loop3A_433 = tpu.vector_load %arg9[%parallel_loop3A_430, %parallel_loop3A_431, %parallel_loop3A_432] {strides = array<i32>} : memref<4x8x1280xf32, #tpu.memory_space<vmem>>, vector<16xf32>,
            %parallel_loop3A_434 = arith.mulf %select_n3A, %parallel_loop3A_433 : vector<16xf32>
            %parallel_loop3A_435 = arith.addf %parallel_loop3A_428, %parallel_loop3A_434 : vector<16xf32>
            %parallel_loop3A_436 = arith.constant 2 : i32
            %parallel_loop3A_437 = arith.index_cast %parallel_loop3A_436 : i32 to index
            %parallel_loop3A_438 = arith.index_cast %parallel_loop3A_419 : i32 to index
            %parallel_loop3A_439 = tpu.vector_load %arg15[%parallel_loop3A_437, %parallel_loop3A_438] {strides = array<i32>} : memref<4x1280xf32, #tpu.memory_space<vmem>>, vector<16xf32>,
            tpu.vector_store %arg15[%parallel_loop3A_437, %parallel_loop3A_438], %parallel_loop3A_435 {strides = array<i32>} : memref<4x1280xf32, #tpu.memory_space<vmem>>, vector<16xf32>,
          } {sc.loop_unroll_factor = 8 : i64, sc.parallel_access}
          %parallel_loop3A_416 = arith.constant 0 : i32
          %parallel_loop3A_417 = arith.constant 1280 : i32
          %parallel_loop3A_418 = arith.constant 16 : i32
          scf.for %parallel_loop3A_419 = %parallel_loop3A_416 to %parallel_loop3A_417 step %parallel_loop3A_418  : i32 {
            %parallel_loop3A_420 = arith.constant 3 : i32
            %parallel_loop3A_421 = arith.index_cast %parallel_loop3A_420 : i32 to index
            %parallel_loop3A_422 = arith.index_cast %parallel_loop3A_419 : i32 to index
            %parallel_loop3A_423 = tpu.vector_load %arg13[%parallel_loop3A_421, %parallel_loop3A_422] {strides = array<i32>} : memref<4x1280xf32, #tpu.memory_space<vmem>>, vector<16xf32>,
            %parallel_loop3A_424 = arith.index_cast %select_n3A_386 : i32 to index
            %parallel_loop3A_425 = arith.index_cast %parallel_loop3A_419 : i32 to index
            %parallel_loop3A_426 = tpu.vector_load %arg11[%parallel_loop3A_424, %parallel_loop3A_425] {strides = array<i32>} : memref<8x1280xf32, #tpu.memory_space<vmem>>, vector<16xf32>,
            %parallel_loop3A_427 = arith.mulf %sub3A_20, %parallel_loop3A_426 : vector<16xf32>
            %parallel_loop3A_428 = arith.addf %parallel_loop3A_423, %parallel_loop3A_427 : vector<16xf32>
            %parallel_loop3A_429 = arith.constant 3 : i32
            %parallel_loop3A_430 = arith.index_cast %parallel_loop3A_429 : i32 to index
            %parallel_loop3A_431 = arith.index_cast %reduce_sum3A_367 : i32 to index
            %parallel_loop3A_432 = arith.index_cast %parallel_loop3A_419 : i32 to index
            %parallel_loop3A_433 = tpu.vector_load %arg9[%parallel_loop3A_430, %parallel_loop3A_431, %parallel_loop3A_432] {strides = array<i32>} : memref<4x8x1280xf32, #tpu.memory_space<vmem>>, vector<16xf32>,
            %parallel_loop3A_434 = arith.mulf %select_n3A, %parallel_loop3A_433 : vector<16xf32>
            %parallel_loop3A_435 = arith.addf %parallel_loop3A_428, %parallel_loop3A_434 : vector<16xf32>
            %parallel_loop3A_436 = arith.constant 3 : i32
            %parallel_loop3A_437 = arith.index_cast %parallel_loop3A_436 : i32 to index
            %parallel_loop3A_438 = arith.index_cast %parallel_loop3A_419 : i32 to index
            %parallel_loop3A_439 = tpu.vector_load %arg15[%parallel_loop3A_437, %parallel_loop3A_438] {strides = array<i32>} : memref<4x1280xf32, #tpu.memory_space<vmem>>, vector<16xf32>,
            tpu.vector_store %arg15[%parallel_loop3A_437, %parallel_loop3A_438], %parallel_loop3A_435 {strides = array<i32>} : memref<4x1280xf32, #tpu.memory_space<vmem>>, vector<16xf32>,
          } {sc.loop_unroll_factor = 8 : i64, sc.parallel_access}
        } else {
        }
        %eq3A_392 = arith.constant 8 : i32
        %eq3A_393 = arith.cmpi eq, %reduce_sum3A_367, %eq3A_392 : i32
        %convert_element_type3A_394 = arith.extui %eq3A_393 : i1 to i32
        %cond3A_395 = arith.constant 0 : i32
        %cond3A_396 = arith.cmpi ne, %convert_element_type3A_394, %cond3A_395 : i32
        scf.if %cond3A_396 {
          %parallel_loop3A = arith.constant 0 : i32
          %parallel_loop3A_408 = arith.constant 1280 : i32
          %parallel_loop3A_409 = arith.constant 16 : i32
          scf.for %parallel_loop3A_419 = %parallel_loop3A to %parallel_loop3A_408 step %parallel_loop3A_409  : i32 {
            %parallel_loop3A_420 = arith.constant 0 : i32
            %parallel_loop3A_421 = arith.index_cast %parallel_loop3A_420 : i32 to index
            %parallel_loop3A_422 = arith.index_cast %parallel_loop3A_419 : i32 to index
            %parallel_loop3A_423 = tpu.vector_load %arg13[%parallel_loop3A_421, %parallel_loop3A_422] {strides = array<i32>} : memref<4x1280xf32, #tpu.memory_space<vmem>>, vector<16xf32>,
            %parallel_loop3A_424 = arith.index_cast %select_n3A_386 : i32 to index
            %parallel_loop3A_425 = arith.index_cast %parallel_loop3A_419 : i32 to index
            %parallel_loop3A_426 = tpu.vector_load %arg11[%parallel_loop3A_424, %parallel_loop3A_425] {strides = array<i32>} : memref<8x1280xf32, #tpu.memory_space<vmem>>, vector<16xf32>,
            %parallel_loop3A_427 = arith.mulf %sub3A_20, %parallel_loop3A_426 : vector<16xf32>
            %parallel_loop3A_428 = arith.addf %parallel_loop3A_423, %parallel_loop3A_427 : vector<16xf32>
            %parallel_loop3A_429 = arith.constant 0 : i32
            %parallel_loop3A_430 = arith.index_cast %parallel_loop3A_429 : i32 to index
            %parallel_loop3A_431 = arith.index_cast %parallel_loop3A_419 : i32 to index
            %parallel_loop3A_432 = tpu.vector_load %arg10[%parallel_loop3A_430, %parallel_loop3A_431] {strides = array<i32>} : memref<4x1280xf32, #tpu.memory_space<vmem>>, vector<16xf32>,
            %parallel_loop3A_433 = arith.mulf %select_n3A, %parallel_loop3A_432 : vector<16xf32>
            %parallel_loop3A_434 = arith.addf %parallel_loop3A_428, %parallel_loop3A_433 : vector<16xf32>
            %parallel_loop3A_435 = arith.constant 0 : i32
            %parallel_loop3A_436 = arith.index_cast %parallel_loop3A_435 : i32 to index
            %parallel_loop3A_437 = arith.index_cast %parallel_loop3A_419 : i32 to index
            %parallel_loop3A_438 = tpu.vector_load %arg15[%parallel_loop3A_436, %parallel_loop3A_437] {strides = array<i32>} : memref<4x1280xf32, #tpu.memory_space<vmem>>, vector<16xf32>,
            tpu.vector_store %arg15[%parallel_loop3A_436, %parallel_loop3A_437], %parallel_loop3A_434 {strides = array<i32>} : memref<4x1280xf32, #tpu.memory_space<vmem>>, vector<16xf32>,
          } {sc.loop_unroll_factor = 8 : i64, sc.parallel_access}
          %parallel_loop3A_410 = arith.constant 0 : i32
          %parallel_loop3A_411 = arith.constant 1280 : i32
          %parallel_loop3A_412 = arith.constant 16 : i32
          scf.for %parallel_loop3A_419 = %parallel_loop3A_410 to %parallel_loop3A_411 step %parallel_loop3A_412  : i32 {
            %parallel_loop3A_420 = arith.constant 1 : i32
            %parallel_loop3A_421 = arith.index_cast %parallel_loop3A_420 : i32 to index
            %parallel_loop3A_422 = arith.index_cast %parallel_loop3A_419 : i32 to index
            %parallel_loop3A_423 = tpu.vector_load %arg13[%parallel_loop3A_421, %parallel_loop3A_422] {strides = array<i32>} : memref<4x1280xf32, #tpu.memory_space<vmem>>, vector<16xf32>,
            %parallel_loop3A_424 = arith.index_cast %select_n3A_386 : i32 to index
            %parallel_loop3A_425 = arith.index_cast %parallel_loop3A_419 : i32 to index
            %parallel_loop3A_426 = tpu.vector_load %arg11[%parallel_loop3A_424, %parallel_loop3A_425] {strides = array<i32>} : memref<8x1280xf32, #tpu.memory_space<vmem>>, vector<16xf32>,
            %parallel_loop3A_427 = arith.mulf %sub3A_20, %parallel_loop3A_426 : vector<16xf32>
            %parallel_loop3A_428 = arith.addf %parallel_loop3A_423, %parallel_loop3A_427 : vector<16xf32>
            %parallel_loop3A_429 = arith.constant 1 : i32
            %parallel_loop3A_430 = arith.index_cast %parallel_loop3A_429 : i32 to index
            %parallel_loop3A_431 = arith.index_cast %parallel_loop3A_419 : i32 to index
            %parallel_loop3A_432 = tpu.vector_load %arg10[%parallel_loop3A_430, %parallel_loop3A_431] {strides = array<i32>} : memref<4x1280xf32, #tpu.memory_space<vmem>>, vector<16xf32>,
            %parallel_loop3A_433 = arith.mulf %select_n3A, %parallel_loop3A_432 : vector<16xf32>
            %parallel_loop3A_434 = arith.addf %parallel_loop3A_428, %parallel_loop3A_433 : vector<16xf32>
            %parallel_loop3A_435 = arith.constant 1 : i32
            %parallel_loop3A_436 = arith.index_cast %parallel_loop3A_435 : i32 to index
            %parallel_loop3A_437 = arith.index_cast %parallel_loop3A_419 : i32 to index
            %parallel_loop3A_438 = tpu.vector_load %arg15[%parallel_loop3A_436, %parallel_loop3A_437] {strides = array<i32>} : memref<4x1280xf32, #tpu.memory_space<vmem>>, vector<16xf32>,
            tpu.vector_store %arg15[%parallel_loop3A_436, %parallel_loop3A_437], %parallel_loop3A_434 {strides = array<i32>} : memref<4x1280xf32, #tpu.memory_space<vmem>>, vector<16xf32>,
          } {sc.loop_unroll_factor = 8 : i64, sc.parallel_access}
          %parallel_loop3A_413 = arith.constant 0 : i32
          %parallel_loop3A_414 = arith.constant 1280 : i32
          %parallel_loop3A_415 = arith.constant 16 : i32
          scf.for %parallel_loop3A_419 = %parallel_loop3A_413 to %parallel_loop3A_414 step %parallel_loop3A_415  : i32 {
            %parallel_loop3A_420 = arith.constant 2 : i32
            %parallel_loop3A_421 = arith.index_cast %parallel_loop3A_420 : i32 to index
            %parallel_loop3A_422 = arith.index_cast %parallel_loop3A_419 : i32 to index
            %parallel_loop3A_423 = tpu.vector_load %arg13[%parallel_loop3A_421, %parallel_loop3A_422] {strides = array<i32>} : memref<4x1280xf32, #tpu.memory_space<vmem>>, vector<16xf32>,
            %parallel_loop3A_424 = arith.index_cast %select_n3A_386 : i32 to index
            %parallel_loop3A_425 = arith.index_cast %parallel_loop3A_419 : i32 to index
            %parallel_loop3A_426 = tpu.vector_load %arg11[%parallel_loop3A_424, %parallel_loop3A_425] {strides = array<i32>} : memref<8x1280xf32, #tpu.memory_space<vmem>>, vector<16xf32>,
            %parallel_loop3A_427 = arith.mulf %sub3A_20, %parallel_loop3A_426 : vector<16xf32>
            %parallel_loop3A_428 = arith.addf %parallel_loop3A_423, %parallel_loop3A_427 : vector<16xf32>
            %parallel_loop3A_429 = arith.constant 2 : i32
            %parallel_loop3A_430 = arith.index_cast %parallel_loop3A_429 : i32 to index
            %parallel_loop3A_431 = arith.index_cast %parallel_loop3A_419 : i32 to index
            %parallel_loop3A_432 = tpu.vector_load %arg10[%parallel_loop3A_430, %parallel_loop3A_431] {strides = array<i32>} : memref<4x1280xf32, #tpu.memory_space<vmem>>, vector<16xf32>,
            %parallel_loop3A_433 = arith.mulf %select_n3A, %parallel_loop3A_432 : vector<16xf32>
            %parallel_loop3A_434 = arith.addf %parallel_loop3A_428, %parallel_loop3A_433 : vector<16xf32>
            %parallel_loop3A_435 = arith.constant 2 : i32
            %parallel_loop3A_436 = arith.index_cast %parallel_loop3A_435 : i32 to index
            %parallel_loop3A_437 = arith.index_cast %parallel_loop3A_419 : i32 to index
            %parallel_loop3A_438 = tpu.vector_load %arg15[%parallel_loop3A_436, %parallel_loop3A_437] {strides = array<i32>} : memref<4x1280xf32, #tpu.memory_space<vmem>>, vector<16xf32>,
            tpu.vector_store %arg15[%parallel_loop3A_436, %parallel_loop3A_437], %parallel_loop3A_434 {strides = array<i32>} : memref<4x1280xf32, #tpu.memory_space<vmem>>, vector<16xf32>,
          } {sc.loop_unroll_factor = 8 : i64, sc.parallel_access}
          %parallel_loop3A_416 = arith.constant 0 : i32
          %parallel_loop3A_417 = arith.constant 1280 : i32
          %parallel_loop3A_418 = arith.constant 16 : i32
          scf.for %parallel_loop3A_419 = %parallel_loop3A_416 to %parallel_loop3A_417 step %parallel_loop3A_418  : i32 {
            %parallel_loop3A_420 = arith.constant 3 : i32
            %parallel_loop3A_421 = arith.index_cast %parallel_loop3A_420 : i32 to index
            %parallel_loop3A_422 = arith.index_cast %parallel_loop3A_419 : i32 to index
            %parallel_loop3A_423 = tpu.vector_load %arg13[%parallel_loop3A_421, %parallel_loop3A_422] {strides = array<i32>} : memref<4x1280xf32, #tpu.memory_space<vmem>>, vector<16xf32>,
            %parallel_loop3A_424 = arith.index_cast %select_n3A_386 : i32 to index
            %parallel_loop3A_425 = arith.index_cast %parallel_loop3A_419 : i32 to index
            %parallel_loop3A_426 = tpu.vector_load %arg11[%parallel_loop3A_424, %parallel_loop3A_425] {strides = array<i32>} : memref<8x1280xf32, #tpu.memory_space<vmem>>, vector<16xf32>,
            %parallel_loop3A_427 = arith.mulf %sub3A_20, %parallel_loop3A_426 : vector<16xf32>
            %parallel_loop3A_428 = arith.addf %parallel_loop3A_423, %parallel_loop3A_427 : vector<16xf32>
            %parallel_loop3A_429 = arith.constant 3 : i32
            %parallel_loop3A_430 = arith.index_cast %parallel_loop3A_429 : i32 to index
            %parallel_loop3A_431 = arith.index_cast %parallel_loop3A_419 : i32 to index
            %parallel_loop3A_432 = tpu.vector_load %arg10[%parallel_loop3A_430, %parallel_loop3A_431] {strides = array<i32>} : memref<4x1280xf32, #tpu.memory_space<vmem>>, vector<16xf32>,
            %parallel_loop3A_433 = arith.mulf %select_n3A, %parallel_loop3A_432 : vector<16xf32>
            %parallel_loop3A_434 = arith.addf %parallel_loop3A_428, %parallel_loop3A_433 : vector<16xf32>
            %parallel_loop3A_435 = arith.constant 3 : i32
            %parallel_loop3A_436 = arith.index_cast %parallel_loop3A_435 : i32 to index
            %parallel_loop3A_437 = arith.index_cast %parallel_loop3A_419 : i32 to index
            %parallel_loop3A_438 = tpu.vector_load %arg15[%parallel_loop3A_436, %parallel_loop3A_437] {strides = array<i32>} : memref<4x1280xf32, #tpu.memory_space<vmem>>, vector<16xf32>,
            tpu.vector_store %arg15[%parallel_loop3A_436, %parallel_loop3A_437], %parallel_loop3A_434 {strides = array<i32>} : memref<4x1280xf32, #tpu.memory_space<vmem>>, vector<16xf32>,
          } {sc.loop_unroll_factor = 8 : i64, sc.parallel_access}
        } else {
        }
        %mul3A_397 = arith.constant 32 : i32
        %mul3A_398 = arith.muli %mul3A_397, %while3A_162 : i32
        %add3A_399 = arith.addi %add3A, %mul3A_398 : i32
        %dma_start3A_400 = arith.constant 0 : i32
        %dma_start3A_401 = arith.constant 0 : i32
        %dma_start3A_402 = tpu.memref_slice %arg8[%add3A_326, %add3A_399, %dma_start3A_400, %dma_start3A_401] : memref<8x1025x4x1280xf32, #tpu.memory_space<hbm>> -> memref<1x1x4x1280xf32, #tpu.memory_space<hbm>>
        %dma_start3A_403 = tpu.memref_squeeze %dma_start3A_402 : memref<1x1x4x1280xf32, #tpu.memory_space<hbm>> -> memref<4x1280xf32, #tpu.memory_space<hbm>>
        %dma_start3A_404 = arith.constant 0 : i32
        %dma_start3A_405 = arith.constant 0 : i32
        %dma_start3A_406 = tpu.memref_slice %arg8[%add3A_326, %add3A_399, %dma_start3A_404, %dma_start3A_405] : memref<8x1025x4x1280xf32, #tpu.memory_space<hbm>> -> memref<1x1x4x1280xf32, #tpu.memory_space<hbm>>
        %dma_start3A_407 = tpu.memref_squeeze %dma_start3A_406 : memref<1x1x4x1280xf32, #tpu.memory_space<hbm>> -> memref<4x1280xf32, #tpu.memory_space<hbm>>
        tpu.enqueue_dma source(%arg15 : memref<4x1280xf32, #tpu.memory_space<vmem>>) target(%dma_start3A_407 : memref<4x1280xf32, #tpu.memory_space<hbm>>) target_semaphore(%arg22 : memref<!tpu.dma_semaphore, #tpu.memory_space<semaphore_mem>>)
      }
      %scan3A_236 = arith.constant 4 : i32
      %add3A_237 = arith.constant 1 : i32
      %add3A_238 = arith.addi %while3A_162, %add3A_237 : i32
      %lt3A_239 = arith.cmpi slt, %add3A_238, %select_n3A_32 : i32
      %convert_element_type3A_240 = arith.extui %lt3A_239 : i1 to i32
      %cond3A_241 = arith.constant 0 : i32
      %cond3A_242 = arith.cmpi ne, %convert_element_type3A_240, %cond3A_241 : i32
      scf.if %cond3A_242 {
        %add3A_243 = arith.constant 1 : i32
        %add3A_244 = arith.addi %while3A_162, %add3A_243 : i32
        %mul3A_245 = arith.constant 32 : i32
        %mul3A_246 = arith.muli %mul3A_245, %add3A_244 : i32
        %add3A_247 = arith.addi %add3A, %mul3A_246 : i32
        %mul3A_248 = arith.constant 1280 : i32
        %mul3A_249 = arith.muli %add3A_247, %mul3A_248 : i32
        %add3A_250 = arith.constant 0 : i32
        %add3A_251 = arith.addi %add3A_250, %mul3A_249 : i32
        %dma_start3A_252 = arith.constant 0 : i32
        %dma_start3A_253 = arith.constant 0 : i32
        %dma_start3A_254 = arith.constant 0 : i32
        %dma_start3A_255 = tpu.memref_slice %arg9[%dma_start3A_252, %dma_start3A_253, %dma_start3A_254] : memref<4x8x1280xf32, #tpu.memory_space<vmem>> -> memref<1x8x1280xf32, #tpu.memory_space<vmem>>
        %dma_start3A_256 = tpu.memref_squeeze %dma_start3A_255 : memref<1x8x1280xf32, #tpu.memory_space<vmem>> -> memref<8x1280xf32, #tpu.memory_space<vmem>>
        %dma_start3A_257 = arith.constant 0 : i32
        %dma_start3A_258 = tpu.memref_slice %arg3[%dma_start3A_257, %add3A_251] : memref<9x5248000xf32, #tpu.memory_space<hbm>> -> memref<8x1280xf32, #tpu.memory_space<hbm>>
        %dma_start3A_259 = arith.constant 0 : i32
        %dma_start3A_260 = arith.constant 0 : i32
        %dma_start3A_261 = tpu.memref_slice %arg9[%dma_start3A_252, %dma_start3A_259, %dma_start3A_260] : memref<4x8x1280xf32, #tpu.memory_space<vmem>> -> memref<1x8x1280xf32, #tpu.memory_space<vmem>>
        %dma_start3A_262 = tpu.memref_squeeze %dma_start3A_261 : memref<1x8x1280xf32, #tpu.memory_space<vmem>> -> memref<8x1280xf32, #tpu.memory_space<vmem>>
        %dma_start3A_263 = arith.constant 0 : i32
        %dma_start3A_264 = tpu.memref_slice %arg3[%dma_start3A_263, %add3A_251] : memref<9x5248000xf32, #tpu.memory_space<hbm>> -> memref<8x1280xf32, #tpu.memory_space<hbm>>
        tpu.enqueue_dma source(%dma_start3A_264 : memref<8x1280xf32, #tpu.memory_space<hbm>>) target(%dma_start3A_262 : memref<8x1280xf32, #tpu.memory_space<vmem>>) target_semaphore(%arg18 : memref<!tpu.dma_semaphore, #tpu.memory_space<semaphore_mem>>)
        %add3A_265 = arith.constant 1312000 : i32
        %add3A_266 = arith.addi %add3A_265, %mul3A_249 : i32
        %dma_start3A_267 = arith.constant 1 : i32
        %dma_start3A_268 = arith.constant 0 : i32
        %dma_start3A_269 = arith.constant 0 : i32
        %dma_start3A_270 = tpu.memref_slice %arg9[%dma_start3A_267, %dma_start3A_268, %dma_start3A_269] : memref<4x8x1280xf32, #tpu.memory_space<vmem>> -> memref<1x8x1280xf32, #tpu.memory_space<vmem>>
        %dma_start3A_271 = tpu.memref_squeeze %dma_start3A_270 : memref<1x8x1280xf32, #tpu.memory_space<vmem>> -> memref<8x1280xf32, #tpu.memory_space<vmem>>
        %dma_start3A_272 = arith.constant 0 : i32
        %dma_start3A_273 = tpu.memref_slice %arg3[%dma_start3A_272, %add3A_266] : memref<9x5248000xf32, #tpu.memory_space<hbm>> -> memref<8x1280xf32, #tpu.memory_space<hbm>>
        %dma_start3A_274 = arith.constant 0 : i32
        %dma_start3A_275 = arith.constant 0 : i32
        %dma_start3A_276 = tpu.memref_slice %arg9[%dma_start3A_267, %dma_start3A_274, %dma_start3A_275] : memref<4x8x1280xf32, #tpu.memory_space<vmem>> -> memref<1x8x1280xf32, #tpu.memory_space<vmem>>
        %dma_start3A_277 = tpu.memref_squeeze %dma_start3A_276 : memref<1x8x1280xf32, #tpu.memory_space<vmem>> -> memref<8x1280xf32, #tpu.memory_space<vmem>>
        %dma_start3A_278 = arith.constant 0 : i32
        %dma_start3A_279 = tpu.memref_slice %arg3[%dma_start3A_278, %add3A_266] : memref<9x5248000xf32, #tpu.memory_space<hbm>> -> memref<8x1280xf32, #tpu.memory_space<hbm>>
        tpu.enqueue_dma source(%dma_start3A_279 : memref<8x1280xf32, #tpu.memory_space<hbm>>) target(%dma_start3A_277 : memref<8x1280xf32, #tpu.memory_space<vmem>>) target_semaphore(%arg18 : memref<!tpu.dma_semaphore, #tpu.memory_space<semaphore_mem>>)
        %add3A_280 = arith.constant 2624000 : i32
        %add3A_281 = arith.addi %add3A_280, %mul3A_249 : i32
        %dma_start3A_282 = arith.constant 2 : i32
        %dma_start3A_283 = arith.constant 0 : i32
        %dma_start3A_284 = arith.constant 0 : i32
        %dma_start3A_285 = tpu.memref_slice %arg9[%dma_start3A_282, %dma_start3A_283, %dma_start3A_284] : memref<4x8x1280xf32, #tpu.memory_space<vmem>> -> memref<1x8x1280xf32, #tpu.memory_space<vmem>>
        %dma_start3A_286 = tpu.memref_squeeze %dma_start3A_285 : memref<1x8x1280xf32, #tpu.memory_space<vmem>> -> memref<8x1280xf32, #tpu.memory_space<vmem>>
        %dma_start3A_287 = arith.constant 0 : i32
        %dma_start3A_288 = tpu.memref_slice %arg3[%dma_start3A_287, %add3A_281] : memref<9x5248000xf32, #tpu.memory_space<hbm>> -> memref<8x1280xf32, #tpu.memory_space<hbm>>
        %dma_start3A_289 = arith.constant 0 : i32
        %dma_start3A_290 = arith.constant 0 : i32
        %dma_start3A_291 = tpu.memref_slice %arg9[%dma_start3A_282, %dma_start3A_289, %dma_start3A_290] : memref<4x8x1280xf32, #tpu.memory_space<vmem>> -> memref<1x8x1280xf32, #tpu.memory_space<vmem>>
        %dma_start3A_292 = tpu.memref_squeeze %dma_start3A_291 : memref<1x8x1280xf32, #tpu.memory_space<vmem>> -> memref<8x1280xf32, #tpu.memory_space<vmem>>
        %dma_start3A_293 = arith.constant 0 : i32
        %dma_start3A_294 = tpu.memref_slice %arg3[%dma_start3A_293, %add3A_281] : memref<9x5248000xf32, #tpu.memory_space<hbm>> -> memref<8x1280xf32, #tpu.memory_space<hbm>>
        tpu.enqueue_dma source(%dma_start3A_294 : memref<8x1280xf32, #tpu.memory_space<hbm>>) target(%dma_start3A_292 : memref<8x1280xf32, #tpu.memory_space<vmem>>) target_semaphore(%arg18 : memref<!tpu.dma_semaphore, #tpu.memory_space<semaphore_mem>>)
        %add3A_295 = arith.constant 3936000 : i32
        %add3A_296 = arith.addi %add3A_295, %mul3A_249 : i32
        %dma_start3A_297 = arith.constant 3 : i32
        %dma_start3A_298 = arith.constant 0 : i32
        %dma_start3A_299 = arith.constant 0 : i32
        %dma_start3A_300 = tpu.memref_slice %arg9[%dma_start3A_297, %dma_start3A_298, %dma_start3A_299] : memref<4x8x1280xf32, #tpu.memory_space<vmem>> -> memref<1x8x1280xf32, #tpu.memory_space<vmem>>
        %dma_start3A_301 = tpu.memref_squeeze %dma_start3A_300 : memref<1x8x1280xf32, #tpu.memory_space<vmem>> -> memref<8x1280xf32, #tpu.memory_space<vmem>>
        %dma_start3A_302 = arith.constant 0 : i32
        %dma_start3A_303 = tpu.memref_slice %arg3[%dma_start3A_302, %add3A_296] : memref<9x5248000xf32, #tpu.memory_space<hbm>> -> memref<8x1280xf32, #tpu.memory_space<hbm>>
        %dma_start3A_304 = arith.constant 0 : i32
        %dma_start3A_305 = arith.constant 0 : i32
        %dma_start3A_306 = tpu.memref_slice %arg9[%dma_start3A_297, %dma_start3A_304, %dma_start3A_305] : memref<4x8x1280xf32, #tpu.memory_space<vmem>> -> memref<1x8x1280xf32, #tpu.memory_space<vmem>>
        %dma_start3A_307 = tpu.memref_squeeze %dma_start3A_306 : memref<1x8x1280xf32, #tpu.memory_space<vmem>> -> memref<8x1280xf32, #tpu.memory_space<vmem>>
        %dma_start3A_308 = arith.constant 0 : i32
        %dma_start3A_309 = tpu.memref_slice %arg3[%dma_start3A_308, %add3A_296] : memref<9x5248000xf32, #tpu.memory_space<hbm>> -> memref<8x1280xf32, #tpu.memory_space<hbm>>
        tpu.enqueue_dma source(%dma_start3A_309 : memref<8x1280xf32, #tpu.memory_space<hbm>>) target(%dma_start3A_307 : memref<8x1280xf32, #tpu.memory_space<vmem>>) target_semaphore(%arg18 : memref<!tpu.dma_semaphore, #tpu.memory_space<semaphore_mem>>)
        %jit3A_310 = arith.constant 8 : i32
        %div3A_311 = arith.divsi %add3A_247, %jit3A_310 : i32
        %sign3A_312 = arith.constant 0 : i32
        %sign3A_313 = arith.cmpi sgt, %add3A_247, %sign3A_312 : i32
        %sign3A_314 = arith.extui %sign3A_313 : i1 to i32
        %sign3A_315 = arith.constant 0 : i32
        %sign3A_316 = arith.cmpi slt, %add3A_247, %sign3A_315 : i32
        %sign3A_317 = arith.extui %sign3A_316 : i1 to i32
        %sign3A_318 = arith.subi %sign3A_314, %sign3A_317 : i32
        %sign3A_319 = arith.constant 0 : i32
        %sign3A_320 = arith.cmpi sgt, %jit3A_310, %sign3A_319 : i32
        %sign3A_321 = arith.extui %sign3A_320 : i1 to i32
        %sign3A_322 = arith.constant 0 : i32
        %sign3A_323 = arith.cmpi slt, %jit3A_310, %sign3A_322 : i32
        %sign3A_324 = arith.extui %sign3A_323 : i1 to i32
        %sign3A_325 = arith.subi %sign3A_321, %sign3A_324 : i32
        %ne3A_326 = arith.cmpi ne, %sign3A_318, %sign3A_325 : i32
        %rem3A_327 = arith.remsi %add3A_247, %jit3A_310 : i32
        %ne3A_328 = arith.constant 0 : i32
        %ne3A_329 = arith.cmpi ne, %rem3A_327, %ne3A_328 : i32
        %and3A_330 = arith.andi %ne3A_326, %ne3A_329 : i1
        %sub3A_331 = arith.constant 1 : i32
        %sub3A_332 = arith.subi %div3A_311, %sub3A_331 : i32
        %select_n3A_333 = arith.select %and3A_330, %sub3A_332, %div3A_311 : i32
        %mul3A_334 = arith.constant 8 : i32
        %mul3A_335 = arith.muli %select_n3A_333, %mul3A_334 : i32
        %dma_start3A_336 = arith.constant 0 : i32
        %dma_start3A_337 = tpu.memref_slice %arg5[%mul3A_335, %dma_start3A_336] : memref<1025x1280xf32, #tpu.memory_space<hbm>> -> memref<8x1280xf32, #tpu.memory_space<hbm>>
        %dma_start3A_338 = arith.constant 0 : i32
        %dma_start3A_339 = tpu.memref_slice %arg5[%mul3A_335, %dma_start3A_338] : memref<1025x1280xf32, #tpu.memory_space<hbm>> -> memref<8x1280xf32, #tpu.memory_space<hbm>>
        tpu.enqueue_dma source(%dma_start3A_339 : memref<8x1280xf32, #tpu.memory_space<hbm>>) target(%arg11 : memref<8x1280xf32, #tpu.memory_space<vmem>>) target_semaphore(%arg18 : memref<!tpu.dma_semaphore, #tpu.memory_space<semaphore_mem>>)
        %convert_element_type3A_340 = arith.extui %eq3A_28 : i1 to i32
        %cond3A_341 = arith.constant 0 : i32
        %cond3A_342 = arith.cmpi ne, %convert_element_type3A_340, %cond3A_341 : i32
        scf.if %cond3A_342 {
          %dma_start3A_343 = arith.constant 0 : i32
          %dma_start3A_344 = arith.constant 0 : i32
          %dma_start3A_345 = tpu.memref_slice %arg4[%add3A_247, %dma_start3A_343, %dma_start3A_344] : memref<1025x4x1280xf32, #tpu.memory_space<hbm>> -> memref<1x4x1280xf32, #tpu.memory_space<hbm>>
          %dma_start3A_346 = tpu.memref_squeeze %dma_start3A_345 : memref<1x4x1280xf32, #tpu.memory_space<hbm>> -> memref<4x1280xf32, #tpu.memory_space<hbm>>
          %dma_start3A_347 = arith.constant 0 : i32
          %dma_start3A_348 = arith.constant 0 : i32
          %dma_start3A_349 = tpu.memref_slice %arg4[%add3A_247, %dma_start3A_347, %dma_start3A_348] : memref<1025x4x1280xf32, #tpu.memory_space<hbm>> -> memref<1x4x1280xf32, #tpu.memory_space<hbm>>
          %dma_start3A_350 = tpu.memref_squeeze %dma_start3A_349 : memref<1x4x1280xf32, #tpu.memory_space<hbm>> -> memref<4x1280xf32, #tpu.memory_space<hbm>>
          tpu.enqueue_dma source(%dma_start3A_350 : memref<4x1280xf32, #tpu.memory_space<hbm>>) target(%arg10 : memref<4x1280xf32, #tpu.memory_space<vmem>>) target_semaphore(%arg18 : memref<!tpu.dma_semaphore, #tpu.memory_space<semaphore_mem>>)
        } else {
        }
      } else {
      }
    }
    %dma_wait3A = arith.constant 0 : i32
    %dma_wait3A_143 = arith.constant 0 : i32
    %dma_wait3A_144 = arith.constant 0 : i32
    %dma_wait3A_145 = arith.constant 0 : i32
    %dma_wait3A_146 = tpu.memref_slice %arg8[%dma_wait3A, %dma_wait3A_143, %dma_wait3A_144, %dma_wait3A_145] : memref<8x1025x4x1280xf32, #tpu.memory_space<hbm>> -> memref<1x1x4x1280xf32, #tpu.memory_space<hbm>>
    %dma_wait3A_147 = tpu.memref_squeeze %dma_wait3A_146 : memref<1x1x4x1280xf32, #tpu.memory_space<hbm>> -> memref<4x1280xf32, #tpu.memory_space<hbm>>
    %dma_wait3A_148 = arith.constant 0 : i32
    %dma_wait3A_149 = arith.constant 0 : i32
    %dma_wait3A_150 = tpu.memref_slice %arg8[%dma_wait3A, %dma_wait3A_143, %dma_wait3A_148, %dma_wait3A_149] : memref<8x1025x4x1280xf32, #tpu.memory_space<hbm>> -> memref<1x1x4x1280xf32, #tpu.memory_space<hbm>>
    %dma_wait3A_151 = tpu.memref_squeeze %dma_wait3A_150 : memref<1x1x4x1280xf32, #tpu.memory_space<hbm>> -> memref<4x1280xf32, #tpu.memory_space<hbm>>
    tpu.wait_dma2 semaphore(%arg21 : memref<!tpu.dma_semaphore, #tpu.memory_space<semaphore_mem>>) src(%arg14 : memref<4x1280xf32, #tpu.memory_space<vmem>>) dst(%dma_wait3A_151 : memref<4x1280xf32, #tpu.memory_space<hbm>>)
    %dma_wait3A_152 = arith.constant 0 : i32
    %dma_wait3A_153 = arith.constant 0 : i32
    %dma_wait3A_154 = arith.constant 0 : i32
    %dma_wait3A_155 = arith.constant 0 : i32
    %dma_wait3A_156 = tpu.memref_slice %arg8[%dma_wait3A_152, %dma_wait3A_153, %dma_wait3A_154, %dma_wait3A_155] : memref<8x1025x4x1280xf32, #tpu.memory_space<hbm>> -> memref<1x1x4x1280xf32, #tpu.memory_space<hbm>>
    %dma_wait3A_157 = tpu.memref_squeeze %dma_wait3A_156 : memref<1x1x4x1280xf32, #tpu.memory_space<hbm>> -> memref<4x1280xf32, #tpu.memory_space<hbm>>
    %dma_wait3A_158 = arith.constant 0 : i32
    %dma_wait3A_159 = arith.constant 0 : i32
    %dma_wait3A_160 = tpu.memref_slice %arg8[%dma_wait3A_152, %dma_wait3A_153, %dma_wait3A_158, %dma_wait3A_159] : memref<8x1025x4x1280xf32, #tpu.memory_space<hbm>> -> memref<1x1x4x1280xf32, #tpu.memory_space<hbm>>
    %dma_wait3A_161 = tpu.memref_squeeze %dma_wait3A_160 : memref<1x1x4x1280xf32, #tpu.memory_space<hbm>> -> memref<4x1280xf32, #tpu.memory_space<hbm>>
    tpu.wait_dma2 semaphore(%arg22 : memref<!tpu.dma_semaphore, #tpu.memory_space<semaphore_mem>>) src(%arg15 : memref<4x1280xf32, #tpu.memory_space<vmem>>) dst(%dma_wait3A_161 : memref<4x1280xf32, #tpu.memory_space<hbm>>)
    return
  }
}

module attributes {stable_mosaic.version = 14 : i64} {
  func.func @_stage8_body(%arg0: i32, %arg1: memref<8x32000xf32, #tpu.memory_space<vmem>>, %arg2: memref<8x32000xf32, #tpu.memory_space<vmem>>, %arg3: memref<8x32000xf32, #tpu.memory_space<vmem>>, %arg4: memref<8x32000xf32, #tpu.memory_space<vmem>>, %arg5: memref<25x4x1280xf32, #tpu.memory_space<vmem>>) attributes {dimension_semantics = [#tpu.dimension_semantics<arbitrary>], iteration_bounds = array<i64: 41>, scalar_prefetch = 0 : i64, scratch_operands = 0 : i64, tpu.core_type = #tpu.core_type<tc>, window_params = [{transform_indices = @transform_0, window_bounds = array<i64: 8, 32000>}, {transform_indices = @transform_1, window_bounds = array<i64: 8, 32000>}, {transform_indices = @transform_2, window_bounds = array<i64: 8, 32000>}, {transform_indices = @transform_3, window_bounds = array<i64: 8, 32000>}, {transform_indices = @transform_4, window_bounds = array<i64: 25, 4, 1280>}]} {
    %get3A = arith.constant 0 : index
    %get3A_0 = arith.constant 0 : index
    %get3A_1 = vector.load %arg1[%get3A, %get3A_0] : memref<8x32000xf32, #tpu.memory_space<vmem>>, vector<1x1280xf32>
    %get3A_2 = vector.shape_cast %get3A_1 : vector<1x1280xf32> to vector<1280xf32>
    %swap3A = arith.constant 0 : index
    %swap3A_3 = arith.constant 0 : index
    %swap3A_4 = arith.constant 0 : index
    %swap3A_5 = vector.load %arg5[%swap3A, %swap3A_3, %swap3A_4] : memref<25x4x1280xf32, #tpu.memory_space<vmem>>, vector<1x1x1280xf32>
    %swap3A_6 = vector.shape_cast %swap3A_5 : vector<1x1x1280xf32> to vector<1280xf32>
    %swap3A_7 = vector.shape_cast %get3A_2 : vector<1280xf32> to vector<1x1x1280xf32>
    tpu.vector_store %arg5[%swap3A, %swap3A_3, %swap3A_4], %swap3A_7 {strides = array<i32>} : memref<25x4x1280xf32, #tpu.memory_space<vmem>>, vector<1x1x1280xf32>,
    %get3A_8 = arith.constant 0 : index
    %get3A_9 = arith.constant 1280 : index
    %get3A_10 = vector.load %arg1[%get3A_8, %get3A_9] : memref<8x32000xf32, #tpu.memory_space<vmem>>, vector<1x1280xf32>
    %get3A_11 = vector.shape_cast %get3A_10 : vector<1x1280xf32> to vector<1280xf32>
    %swap3A_12 = arith.constant 1 : index
    %swap3A_13 = arith.constant 0 : index
    %swap3A_14 = arith.constant 0 : index
    %swap3A_15 = vector.load %arg5[%swap3A_12, %swap3A_13, %swap3A_14] : memref<25x4x1280xf32, #tpu.memory_space<vmem>>, vector<1x1x1280xf32>
    %swap3A_16 = vector.shape_cast %swap3A_15 : vector<1x1x1280xf32> to vector<1280xf32>
    %swap3A_17 = vector.shape_cast %get3A_11 : vector<1280xf32> to vector<1x1x1280xf32>
    tpu.vector_store %arg5[%swap3A_12, %swap3A_13, %swap3A_14], %swap3A_17 {strides = array<i32>} : memref<25x4x1280xf32, #tpu.memory_space<vmem>>, vector<1x1x1280xf32>,
    %get3A_18 = arith.constant 0 : index
    %get3A_19 = arith.constant 2560 : index
    %get3A_20 = vector.load %arg1[%get3A_18, %get3A_19] : memref<8x32000xf32, #tpu.memory_space<vmem>>, vector<1x1280xf32>
    %get3A_21 = vector.shape_cast %get3A_20 : vector<1x1280xf32> to vector<1280xf32>
    %swap3A_22 = arith.constant 2 : index
    %swap3A_23 = arith.constant 0 : index
    %swap3A_24 = arith.constant 0 : index
    %swap3A_25 = vector.load %arg5[%swap3A_22, %swap3A_23, %swap3A_24] : memref<25x4x1280xf32, #tpu.memory_space<vmem>>, vector<1x1x1280xf32>
    %swap3A_26 = vector.shape_cast %swap3A_25 : vector<1x1x1280xf32> to vector<1280xf32>
    %swap3A_27 = vector.shape_cast %get3A_21 : vector<1280xf32> to vector<1x1x1280xf32>
    tpu.vector_store %arg5[%swap3A_22, %swap3A_23, %swap3A_24], %swap3A_27 {strides = array<i32>} : memref<25x4x1280xf32, #tpu.memory_space<vmem>>, vector<1x1x1280xf32>,
    %get3A_28 = arith.constant 0 : index
    %get3A_29 = arith.constant 3840 : index
    %get3A_30 = vector.load %arg1[%get3A_28, %get3A_29] : memref<8x32000xf32, #tpu.memory_space<vmem>>, vector<1x1280xf32>
    %get3A_31 = vector.shape_cast %get3A_30 : vector<1x1280xf32> to vector<1280xf32>
    %swap3A_32 = arith.constant 3 : index
    %swap3A_33 = arith.constant 0 : index
    %swap3A_34 = arith.constant 0 : index
    %swap3A_35 = vector.load %arg5[%swap3A_32, %swap3A_33, %swap3A_34] : memref<25x4x1280xf32, #tpu.memory_space<vmem>>, vector<1x1x1280xf32>
    %swap3A_36 = vector.shape_cast %swap3A_35 : vector<1x1x1280xf32> to vector<1280xf32>
    %swap3A_37 = vector.shape_cast %get3A_31 : vector<1280xf32> to vector<1x1x1280xf32>
    tpu.vector_store %arg5[%swap3A_32, %swap3A_33, %swap3A_34], %swap3A_37 {strides = array<i32>} : memref<25x4x1280xf32, #tpu.memory_space<vmem>>, vector<1x1x1280xf32>,
    %get3A_38 = arith.constant 0 : index
    %get3A_39 = arith.constant 5120 : index
    %get3A_40 = vector.load %arg1[%get3A_38, %get3A_39] : memref<8x32000xf32, #tpu.memory_space<vmem>>, vector<1x1280xf32>
    %get3A_41 = vector.shape_cast %get3A_40 : vector<1x1280xf32> to vector<1280xf32>
    %swap3A_42 = arith.constant 4 : index
    %swap3A_43 = arith.constant 0 : index
    %swap3A_44 = arith.constant 0 : index
    %swap3A_45 = vector.load %arg5[%swap3A_42, %swap3A_43, %swap3A_44] : memref<25x4x1280xf32, #tpu.memory_space<vmem>>, vector<1x1x1280xf32>
    %swap3A_46 = vector.shape_cast %swap3A_45 : vector<1x1x1280xf32> to vector<1280xf32>
    %swap3A_47 = vector.shape_cast %get3A_41 : vector<1280xf32> to vector<1x1x1280xf32>
    tpu.vector_store %arg5[%swap3A_42, %swap3A_43, %swap3A_44], %swap3A_47 {strides = array<i32>} : memref<25x4x1280xf32, #tpu.memory_space<vmem>>, vector<1x1x1280xf32>,
    %get3A_48 = arith.constant 0 : index
    %get3A_49 = arith.constant 6400 : index
    %get3A_50 = vector.load %arg1[%get3A_48, %get3A_49] : memref<8x32000xf32, #tpu.memory_space<vmem>>, vector<1x1280xf32>
    %get3A_51 = vector.shape_cast %get3A_50 : vector<1x1280xf32> to vector<1280xf32>
    %swap3A_52 = arith.constant 5 : index
    %swap3A_53 = arith.constant 0 : index
    %swap3A_54 = arith.constant 0 : index
    %swap3A_55 = vector.load %arg5[%swap3A_52, %swap3A_53, %swap3A_54] : memref<25x4x1280xf32, #tpu.memory_space<vmem>>, vector<1x1x1280xf32>
    %swap3A_56 = vector.shape_cast %swap3A_55 : vector<1x1x1280xf32> to vector<1280xf32>
    %swap3A_57 = vector.shape_cast %get3A_51 : vector<1280xf32> to vector<1x1x1280xf32>
    tpu.vector_store %arg5[%swap3A_52, %swap3A_53, %swap3A_54], %swap3A_57 {strides = array<i32>} : memref<25x4x1280xf32, #tpu.memory_space<vmem>>, vector<1x1x1280xf32>,
    %get3A_58 = arith.constant 0 : index
    %get3A_59 = arith.constant 7680 : index
    %get3A_60 = vector.load %arg1[%get3A_58, %get3A_59] : memref<8x32000xf32, #tpu.memory_space<vmem>>, vector<1x1280xf32>
    %get3A_61 = vector.shape_cast %get3A_60 : vector<1x1280xf32> to vector<1280xf32>
    %swap3A_62 = arith.constant 6 : index
    %swap3A_63 = arith.constant 0 : index
    %swap3A_64 = arith.constant 0 : index
    %swap3A_65 = vector.load %arg5[%swap3A_62, %swap3A_63, %swap3A_64] : memref<25x4x1280xf32, #tpu.memory_space<vmem>>, vector<1x1x1280xf32>
    %swap3A_66 = vector.shape_cast %swap3A_65 : vector<1x1x1280xf32> to vector<1280xf32>
    %swap3A_67 = vector.shape_cast %get3A_61 : vector<1280xf32> to vector<1x1x1280xf32>
    tpu.vector_store %arg5[%swap3A_62, %swap3A_63, %swap3A_64], %swap3A_67 {strides = array<i32>} : memref<25x4x1280xf32, #tpu.memory_space<vmem>>, vector<1x1x1280xf32>,
    %get3A_68 = arith.constant 0 : index
    %get3A_69 = arith.constant 8960 : index
    %get3A_70 = vector.load %arg1[%get3A_68, %get3A_69] : memref<8x32000xf32, #tpu.memory_space<vmem>>, vector<1x1280xf32>
    %get3A_71 = vector.shape_cast %get3A_70 : vector<1x1280xf32> to vector<1280xf32>
    %swap3A_72 = arith.constant 7 : index
    %swap3A_73 = arith.constant 0 : index
    %swap3A_74 = arith.constant 0 : index
    %swap3A_75 = vector.load %arg5[%swap3A_72, %swap3A_73, %swap3A_74] : memref<25x4x1280xf32, #tpu.memory_space<vmem>>, vector<1x1x1280xf32>
    %swap3A_76 = vector.shape_cast %swap3A_75 : vector<1x1x1280xf32> to vector<1280xf32>
    %swap3A_77 = vector.shape_cast %get3A_71 : vector<1280xf32> to vector<1x1x1280xf32>
    tpu.vector_store %arg5[%swap3A_72, %swap3A_73, %swap3A_74], %swap3A_77 {strides = array<i32>} : memref<25x4x1280xf32, #tpu.memory_space<vmem>>, vector<1x1x1280xf32>,
    %get3A_78 = arith.constant 0 : index
    %get3A_79 = arith.constant 10240 : index
    %get3A_80 = vector.load %arg1[%get3A_78, %get3A_79] : memref<8x32000xf32, #tpu.memory_space<vmem>>, vector<1x1280xf32>
    %get3A_81 = vector.shape_cast %get3A_80 : vector<1x1280xf32> to vector<1280xf32>
    %swap3A_82 = arith.constant 8 : index
    %swap3A_83 = arith.constant 0 : index
    %swap3A_84 = arith.constant 0 : index
    %swap3A_85 = vector.load %arg5[%swap3A_82, %swap3A_83, %swap3A_84] : memref<25x4x1280xf32, #tpu.memory_space<vmem>>, vector<1x1x1280xf32>
    %swap3A_86 = vector.shape_cast %swap3A_85 : vector<1x1x1280xf32> to vector<1280xf32>
    %swap3A_87 = vector.shape_cast %get3A_81 : vector<1280xf32> to vector<1x1x1280xf32>
    tpu.vector_store %arg5[%swap3A_82, %swap3A_83, %swap3A_84], %swap3A_87 {strides = array<i32>} : memref<25x4x1280xf32, #tpu.memory_space<vmem>>, vector<1x1x1280xf32>,
    %get3A_88 = arith.constant 0 : index
    %get3A_89 = arith.constant 11520 : index
    %get3A_90 = vector.load %arg1[%get3A_88, %get3A_89] : memref<8x32000xf32, #tpu.memory_space<vmem>>, vector<1x1280xf32>
    %get3A_91 = vector.shape_cast %get3A_90 : vector<1x1280xf32> to vector<1280xf32>
    %swap3A_92 = arith.constant 9 : index
    %swap3A_93 = arith.constant 0 : index
    %swap3A_94 = arith.constant 0 : index
    %swap3A_95 = vector.load %arg5[%swap3A_92, %swap3A_93, %swap3A_94] : memref<25x4x1280xf32, #tpu.memory_space<vmem>>, vector<1x1x1280xf32>
    %swap3A_96 = vector.shape_cast %swap3A_95 : vector<1x1x1280xf32> to vector<1280xf32>
    %swap3A_97 = vector.shape_cast %get3A_91 : vector<1280xf32> to vector<1x1x1280xf32>
    tpu.vector_store %arg5[%swap3A_92, %swap3A_93, %swap3A_94], %swap3A_97 {strides = array<i32>} : memref<25x4x1280xf32, #tpu.memory_space<vmem>>, vector<1x1x1280xf32>,
    %get3A_98 = arith.constant 0 : index
    %get3A_99 = arith.constant 12800 : index
    %get3A_100 = vector.load %arg1[%get3A_98, %get3A_99] : memref<8x32000xf32, #tpu.memory_space<vmem>>, vector<1x1280xf32>
    %get3A_101 = vector.shape_cast %get3A_100 : vector<1x1280xf32> to vector<1280xf32>
    %swap3A_102 = arith.constant 10 : index
    %swap3A_103 = arith.constant 0 : index
    %swap3A_104 = arith.constant 0 : index
    %swap3A_105 = vector.load %arg5[%swap3A_102, %swap3A_103, %swap3A_104] : memref<25x4x1280xf32, #tpu.memory_space<vmem>>, vector<1x1x1280xf32>
    %swap3A_106 = vector.shape_cast %swap3A_105 : vector<1x1x1280xf32> to vector<1280xf32>
    %swap3A_107 = vector.shape_cast %get3A_101 : vector<1280xf32> to vector<1x1x1280xf32>
    tpu.vector_store %arg5[%swap3A_102, %swap3A_103, %swap3A_104], %swap3A_107 {strides = array<i32>} : memref<25x4x1280xf32, #tpu.memory_space<vmem>>, vector<1x1x1280xf32>,
    %get3A_108 = arith.constant 0 : index
    %get3A_109 = arith.constant 14080 : index
    %get3A_110 = vector.load %arg1[%get3A_108, %get3A_109] : memref<8x32000xf32, #tpu.memory_space<vmem>>, vector<1x1280xf32>
    %get3A_111 = vector.shape_cast %get3A_110 : vector<1x1280xf32> to vector<1280xf32>
    %swap3A_112 = arith.constant 11 : index
    %swap3A_113 = arith.constant 0 : index
    %swap3A_114 = arith.constant 0 : index
    %swap3A_115 = vector.load %arg5[%swap3A_112, %swap3A_113, %swap3A_114] : memref<25x4x1280xf32, #tpu.memory_space<vmem>>, vector<1x1x1280xf32>
    %swap3A_116 = vector.shape_cast %swap3A_115 : vector<1x1x1280xf32> to vector<1280xf32>
    %swap3A_117 = vector.shape_cast %get3A_111 : vector<1280xf32> to vector<1x1x1280xf32>
    tpu.vector_store %arg5[%swap3A_112, %swap3A_113, %swap3A_114], %swap3A_117 {strides = array<i32>} : memref<25x4x1280xf32, #tpu.memory_space<vmem>>, vector<1x1x1280xf32>,
    %get3A_118 = arith.constant 0 : index
    %get3A_119 = arith.constant 15360 : index
    %get3A_120 = vector.load %arg1[%get3A_118, %get3A_119] : memref<8x32000xf32, #tpu.memory_space<vmem>>, vector<1x1280xf32>
    %get3A_121 = vector.shape_cast %get3A_120 : vector<1x1280xf32> to vector<1280xf32>
    %swap3A_122 = arith.constant 12 : index
    %swap3A_123 = arith.constant 0 : index
    %swap3A_124 = arith.constant 0 : index
    %swap3A_125 = vector.load %arg5[%swap3A_122, %swap3A_123, %swap3A_124] : memref<25x4x1280xf32, #tpu.memory_space<vmem>>, vector<1x1x1280xf32>
    %swap3A_126 = vector.shape_cast %swap3A_125 : vector<1x1x1280xf32> to vector<1280xf32>
    %swap3A_127 = vector.shape_cast %get3A_121 : vector<1280xf32> to vector<1x1x1280xf32>
    tpu.vector_store %arg5[%swap3A_122, %swap3A_123, %swap3A_124], %swap3A_127 {strides = array<i32>} : memref<25x4x1280xf32, #tpu.memory_space<vmem>>, vector<1x1x1280xf32>,
    %get3A_128 = arith.constant 0 : index
    %get3A_129 = arith.constant 16640 : index
    %get3A_130 = vector.load %arg1[%get3A_128, %get3A_129] : memref<8x32000xf32, #tpu.memory_space<vmem>>, vector<1x1280xf32>
    %get3A_131 = vector.shape_cast %get3A_130 : vector<1x1280xf32> to vector<1280xf32>
    %swap3A_132 = arith.constant 13 : index
    %swap3A_133 = arith.constant 0 : index
    %swap3A_134 = arith.constant 0 : index
    %swap3A_135 = vector.load %arg5[%swap3A_132, %swap3A_133, %swap3A_134] : memref<25x4x1280xf32, #tpu.memory_space<vmem>>, vector<1x1x1280xf32>
    %swap3A_136 = vector.shape_cast %swap3A_135 : vector<1x1x1280xf32> to vector<1280xf32>
    %swap3A_137 = vector.shape_cast %get3A_131 : vector<1280xf32> to vector<1x1x1280xf32>
    tpu.vector_store %arg5[%swap3A_132, %swap3A_133, %swap3A_134], %swap3A_137 {strides = array<i32>} : memref<25x4x1280xf32, #tpu.memory_space<vmem>>, vector<1x1x1280xf32>,
    %get3A_138 = arith.constant 0 : index
    %get3A_139 = arith.constant 17920 : index
    %get3A_140 = vector.load %arg1[%get3A_138, %get3A_139] : memref<8x32000xf32, #tpu.memory_space<vmem>>, vector<1x1280xf32>
    %get3A_141 = vector.shape_cast %get3A_140 : vector<1x1280xf32> to vector<1280xf32>
    %swap3A_142 = arith.constant 14 : index
    %swap3A_143 = arith.constant 0 : index
    %swap3A_144 = arith.constant 0 : index
    %swap3A_145 = vector.load %arg5[%swap3A_142, %swap3A_143, %swap3A_144] : memref<25x4x1280xf32, #tpu.memory_space<vmem>>, vector<1x1x1280xf32>
    %swap3A_146 = vector.shape_cast %swap3A_145 : vector<1x1x1280xf32> to vector<1280xf32>
    %swap3A_147 = vector.shape_cast %get3A_141 : vector<1280xf32> to vector<1x1x1280xf32>
    tpu.vector_store %arg5[%swap3A_142, %swap3A_143, %swap3A_144], %swap3A_147 {strides = array<i32>} : memref<25x4x1280xf32, #tpu.memory_space<vmem>>, vector<1x1x1280xf32>,
    %get3A_148 = arith.constant 0 : index
    %get3A_149 = arith.constant 19200 : index
    %get3A_150 = vector.load %arg1[%get3A_148, %get3A_149] : memref<8x32000xf32, #tpu.memory_space<vmem>>, vector<1x1280xf32>
    %get3A_151 = vector.shape_cast %get3A_150 : vector<1x1280xf32> to vector<1280xf32>
    %swap3A_152 = arith.constant 15 : index
    %swap3A_153 = arith.constant 0 : index
    %swap3A_154 = arith.constant 0 : index
    %swap3A_155 = vector.load %arg5[%swap3A_152, %swap3A_153, %swap3A_154] : memref<25x4x1280xf32, #tpu.memory_space<vmem>>, vector<1x1x1280xf32>
    %swap3A_156 = vector.shape_cast %swap3A_155 : vector<1x1x1280xf32> to vector<1280xf32>
    %swap3A_157 = vector.shape_cast %get3A_151 : vector<1280xf32> to vector<1x1x1280xf32>
    tpu.vector_store %arg5[%swap3A_152, %swap3A_153, %swap3A_154], %swap3A_157 {strides = array<i32>} : memref<25x4x1280xf32, #tpu.memory_space<vmem>>, vector<1x1x1280xf32>,
    %get3A_158 = arith.constant 0 : index
    %get3A_159 = arith.constant 20480 : index
    %get3A_160 = vector.load %arg1[%get3A_158, %get3A_159] : memref<8x32000xf32, #tpu.memory_space<vmem>>, vector<1x1280xf32>
    %get3A_161 = vector.shape_cast %get3A_160 : vector<1x1280xf32> to vector<1280xf32>
    %swap3A_162 = arith.constant 16 : index
    %swap3A_163 = arith.constant 0 : index
    %swap3A_164 = arith.constant 0 : index
    %swap3A_165 = vector.load %arg5[%swap3A_162, %swap3A_163, %swap3A_164] : memref<25x4x1280xf32, #tpu.memory_space<vmem>>, vector<1x1x1280xf32>
    %swap3A_166 = vector.shape_cast %swap3A_165 : vector<1x1x1280xf32> to vector<1280xf32>
    %swap3A_167 = vector.shape_cast %get3A_161 : vector<1280xf32> to vector<1x1x1280xf32>
    tpu.vector_store %arg5[%swap3A_162, %swap3A_163, %swap3A_164], %swap3A_167 {strides = array<i32>} : memref<25x4x1280xf32, #tpu.memory_space<vmem>>, vector<1x1x1280xf32>,
    %get3A_168 = arith.constant 0 : index
    %get3A_169 = arith.constant 21760 : index
    %get3A_170 = vector.load %arg1[%get3A_168, %get3A_169] : memref<8x32000xf32, #tpu.memory_space<vmem>>, vector<1x1280xf32>
    %get3A_171 = vector.shape_cast %get3A_170 : vector<1x1280xf32> to vector<1280xf32>
    %swap3A_172 = arith.constant 17 : index
    %swap3A_173 = arith.constant 0 : index
    %swap3A_174 = arith.constant 0 : index
    %swap3A_175 = vector.load %arg5[%swap3A_172, %swap3A_173, %swap3A_174] : memref<25x4x1280xf32, #tpu.memory_space<vmem>>, vector<1x1x1280xf32>
    %swap3A_176 = vector.shape_cast %swap3A_175 : vector<1x1x1280xf32> to vector<1280xf32>
    %swap3A_177 = vector.shape_cast %get3A_171 : vector<1280xf32> to vector<1x1x1280xf32>
    tpu.vector_store %arg5[%swap3A_172, %swap3A_173, %swap3A_174], %swap3A_177 {strides = array<i32>} : memref<25x4x1280xf32, #tpu.memory_space<vmem>>, vector<1x1x1280xf32>,
    %get3A_178 = arith.constant 0 : index
    %get3A_179 = arith.constant 23040 : index
    %get3A_180 = vector.load %arg1[%get3A_178, %get3A_179] : memref<8x32000xf32, #tpu.memory_space<vmem>>, vector<1x1280xf32>
    %get3A_181 = vector.shape_cast %get3A_180 : vector<1x1280xf32> to vector<1280xf32>
    %swap3A_182 = arith.constant 18 : index
    %swap3A_183 = arith.constant 0 : index
    %swap3A_184 = arith.constant 0 : index
    %swap3A_185 = vector.load %arg5[%swap3A_182, %swap3A_183, %swap3A_184] : memref<25x4x1280xf32, #tpu.memory_space<vmem>>, vector<1x1x1280xf32>
    %swap3A_186 = vector.shape_cast %swap3A_185 : vector<1x1x1280xf32> to vector<1280xf32>
    %swap3A_187 = vector.shape_cast %get3A_181 : vector<1280xf32> to vector<1x1x1280xf32>
    tpu.vector_store %arg5[%swap3A_182, %swap3A_183, %swap3A_184], %swap3A_187 {strides = array<i32>} : memref<25x4x1280xf32, #tpu.memory_space<vmem>>, vector<1x1x1280xf32>,
    %get3A_188 = arith.constant 0 : index
    %get3A_189 = arith.constant 24320 : index
    %get3A_190 = vector.load %arg1[%get3A_188, %get3A_189] : memref<8x32000xf32, #tpu.memory_space<vmem>>, vector<1x1280xf32>
    %get3A_191 = vector.shape_cast %get3A_190 : vector<1x1280xf32> to vector<1280xf32>
    %swap3A_192 = arith.constant 19 : index
    %swap3A_193 = arith.constant 0 : index
    %swap3A_194 = arith.constant 0 : index
    %swap3A_195 = vector.load %arg5[%swap3A_192, %swap3A_193, %swap3A_194] : memref<25x4x1280xf32, #tpu.memory_space<vmem>>, vector<1x1x1280xf32>
    %swap3A_196 = vector.shape_cast %swap3A_195 : vector<1x1x1280xf32> to vector<1280xf32>
    %swap3A_197 = vector.shape_cast %get3A_191 : vector<1280xf32> to vector<1x1x1280xf32>
    tpu.vector_store %arg5[%swap3A_192, %swap3A_193, %swap3A_194], %swap3A_197 {strides = array<i32>} : memref<25x4x1280xf32, #tpu.memory_space<vmem>>, vector<1x1x1280xf32>,
    %get3A_198 = arith.constant 0 : index
    %get3A_199 = arith.constant 25600 : index
    %get3A_200 = vector.load %arg1[%get3A_198, %get3A_199] : memref<8x32000xf32, #tpu.memory_space<vmem>>, vector<1x1280xf32>
    %get3A_201 = vector.shape_cast %get3A_200 : vector<1x1280xf32> to vector<1280xf32>
    %swap3A_202 = arith.constant 20 : index
    %swap3A_203 = arith.constant 0 : index
    %swap3A_204 = arith.constant 0 : index
    %swap3A_205 = vector.load %arg5[%swap3A_202, %swap3A_203, %swap3A_204] : memref<25x4x1280xf32, #tpu.memory_space<vmem>>, vector<1x1x1280xf32>
    %swap3A_206 = vector.shape_cast %swap3A_205 : vector<1x1x1280xf32> to vector<1280xf32>
    %swap3A_207 = vector.shape_cast %get3A_201 : vector<1280xf32> to vector<1x1x1280xf32>
    tpu.vector_store %arg5[%swap3A_202, %swap3A_203, %swap3A_204], %swap3A_207 {strides = array<i32>} : memref<25x4x1280xf32, #tpu.memory_space<vmem>>, vector<1x1x1280xf32>,
    %get3A_208 = arith.constant 0 : index
    %get3A_209 = arith.constant 26880 : index
    %get3A_210 = vector.load %arg1[%get3A_208, %get3A_209] : memref<8x32000xf32, #tpu.memory_space<vmem>>, vector<1x1280xf32>
    %get3A_211 = vector.shape_cast %get3A_210 : vector<1x1280xf32> to vector<1280xf32>
    %swap3A_212 = arith.constant 21 : index
    %swap3A_213 = arith.constant 0 : index
    %swap3A_214 = arith.constant 0 : index
    %swap3A_215 = vector.load %arg5[%swap3A_212, %swap3A_213, %swap3A_214] : memref<25x4x1280xf32, #tpu.memory_space<vmem>>, vector<1x1x1280xf32>
    %swap3A_216 = vector.shape_cast %swap3A_215 : vector<1x1x1280xf32> to vector<1280xf32>
    %swap3A_217 = vector.shape_cast %get3A_211 : vector<1280xf32> to vector<1x1x1280xf32>
    tpu.vector_store %arg5[%swap3A_212, %swap3A_213, %swap3A_214], %swap3A_217 {strides = array<i32>} : memref<25x4x1280xf32, #tpu.memory_space<vmem>>, vector<1x1x1280xf32>,
    %get3A_218 = arith.constant 0 : index
    %get3A_219 = arith.constant 28160 : index
    %get3A_220 = vector.load %arg1[%get3A_218, %get3A_219] : memref<8x32000xf32, #tpu.memory_space<vmem>>, vector<1x1280xf32>
    %get3A_221 = vector.shape_cast %get3A_220 : vector<1x1280xf32> to vector<1280xf32>
    %swap3A_222 = arith.constant 22 : index
    %swap3A_223 = arith.constant 0 : index
    %swap3A_224 = arith.constant 0 : index
    %swap3A_225 = vector.load %arg5[%swap3A_222, %swap3A_223, %swap3A_224] : memref<25x4x1280xf32, #tpu.memory_space<vmem>>, vector<1x1x1280xf32>
    %swap3A_226 = vector.shape_cast %swap3A_225 : vector<1x1x1280xf32> to vector<1280xf32>
    %swap3A_227 = vector.shape_cast %get3A_221 : vector<1280xf32> to vector<1x1x1280xf32>
    tpu.vector_store %arg5[%swap3A_222, %swap3A_223, %swap3A_224], %swap3A_227 {strides = array<i32>} : memref<25x4x1280xf32, #tpu.memory_space<vmem>>, vector<1x1x1280xf32>,
    %get3A_228 = arith.constant 0 : index
    %get3A_229 = arith.constant 29440 : index
    %get3A_230 = vector.load %arg1[%get3A_228, %get3A_229] : memref<8x32000xf32, #tpu.memory_space<vmem>>, vector<1x1280xf32>
    %get3A_231 = vector.shape_cast %get3A_230 : vector<1x1280xf32> to vector<1280xf32>
    %swap3A_232 = arith.constant 23 : index
    %swap3A_233 = arith.constant 0 : index
    %swap3A_234 = arith.constant 0 : index
    %swap3A_235 = vector.load %arg5[%swap3A_232, %swap3A_233, %swap3A_234] : memref<25x4x1280xf32, #tpu.memory_space<vmem>>, vector<1x1x1280xf32>
    %swap3A_236 = vector.shape_cast %swap3A_235 : vector<1x1x1280xf32> to vector<1280xf32>
    %swap3A_237 = vector.shape_cast %get3A_231 : vector<1280xf32> to vector<1x1x1280xf32>
    tpu.vector_store %arg5[%swap3A_232, %swap3A_233, %swap3A_234], %swap3A_237 {strides = array<i32>} : memref<25x4x1280xf32, #tpu.memory_space<vmem>>, vector<1x1x1280xf32>,
    %get3A_238 = arith.constant 0 : index
    %get3A_239 = arith.constant 30720 : index
    %get3A_240 = vector.load %arg1[%get3A_238, %get3A_239] : memref<8x32000xf32, #tpu.memory_space<vmem>>, vector<1x1280xf32>
    %get3A_241 = vector.shape_cast %get3A_240 : vector<1x1280xf32> to vector<1280xf32>
    %swap3A_242 = arith.constant 24 : index
    %swap3A_243 = arith.constant 0 : index
    %swap3A_244 = arith.constant 0 : index
    %swap3A_245 = vector.load %arg5[%swap3A_242, %swap3A_243, %swap3A_244] : memref<25x4x1280xf32, #tpu.memory_space<vmem>>, vector<1x1x1280xf32>
    %swap3A_246 = vector.shape_cast %swap3A_245 : vector<1x1x1280xf32> to vector<1280xf32>
    %swap3A_247 = vector.shape_cast %get3A_241 : vector<1280xf32> to vector<1x1x1280xf32>
    tpu.vector_store %arg5[%swap3A_242, %swap3A_243, %swap3A_244], %swap3A_247 {strides = array<i32>} : memref<25x4x1280xf32, #tpu.memory_space<vmem>>, vector<1x1x1280xf32>,
    %get3A_248 = arith.constant 0 : index
    %get3A_249 = arith.constant 0 : index
    %get3A_250 = vector.load %arg2[%get3A_248, %get3A_249] : memref<8x32000xf32, #tpu.memory_space<vmem>>, vector<1x1280xf32>
    %get3A_251 = vector.shape_cast %get3A_250 : vector<1x1280xf32> to vector<1280xf32>
    %swap3A_252 = arith.constant 0 : index
    %swap3A_253 = arith.constant 1 : index
    %swap3A_254 = arith.constant 0 : index
    %swap3A_255 = vector.load %arg5[%swap3A_252, %swap3A_253, %swap3A_254] : memref<25x4x1280xf32, #tpu.memory_space<vmem>>, vector<1x1x1280xf32>
    %swap3A_256 = vector.shape_cast %swap3A_255 : vector<1x1x1280xf32> to vector<1280xf32>
    %swap3A_257 = vector.shape_cast %get3A_251 : vector<1280xf32> to vector<1x1x1280xf32>
    tpu.vector_store %arg5[%swap3A_252, %swap3A_253, %swap3A_254], %swap3A_257 {strides = array<i32>} : memref<25x4x1280xf32, #tpu.memory_space<vmem>>, vector<1x1x1280xf32>,
    %get3A_258 = arith.constant 0 : index
    %get3A_259 = arith.constant 1280 : index
    %get3A_260 = vector.load %arg2[%get3A_258, %get3A_259] : memref<8x32000xf32, #tpu.memory_space<vmem>>, vector<1x1280xf32>
    %get3A_261 = vector.shape_cast %get3A_260 : vector<1x1280xf32> to vector<1280xf32>
    %swap3A_262 = arith.constant 1 : index
    %swap3A_263 = arith.constant 1 : index
    %swap3A_264 = arith.constant 0 : index
    %swap3A_265 = vector.load %arg5[%swap3A_262, %swap3A_263, %swap3A_264] : memref<25x4x1280xf32, #tpu.memory_space<vmem>>, vector<1x1x1280xf32>
    %swap3A_266 = vector.shape_cast %swap3A_265 : vector<1x1x1280xf32> to vector<1280xf32>
    %swap3A_267 = vector.shape_cast %get3A_261 : vector<1280xf32> to vector<1x1x1280xf32>
    tpu.vector_store %arg5[%swap3A_262, %swap3A_263, %swap3A_264], %swap3A_267 {strides = array<i32>} : memref<25x4x1280xf32, #tpu.memory_space<vmem>>, vector<1x1x1280xf32>,
    %get3A_268 = arith.constant 0 : index
    %get3A_269 = arith.constant 2560 : index
    %get3A_270 = vector.load %arg2[%get3A_268, %get3A_269] : memref<8x32000xf32, #tpu.memory_space<vmem>>, vector<1x1280xf32>
    %get3A_271 = vector.shape_cast %get3A_270 : vector<1x1280xf32> to vector<1280xf32>
    %swap3A_272 = arith.constant 2 : index
    %swap3A_273 = arith.constant 1 : index
    %swap3A_274 = arith.constant 0 : index
    %swap3A_275 = vector.load %arg5[%swap3A_272, %swap3A_273, %swap3A_274] : memref<25x4x1280xf32, #tpu.memory_space<vmem>>, vector<1x1x1280xf32>
    %swap3A_276 = vector.shape_cast %swap3A_275 : vector<1x1x1280xf32> to vector<1280xf32>
    %swap3A_277 = vector.shape_cast %get3A_271 : vector<1280xf32> to vector<1x1x1280xf32>
    tpu.vector_store %arg5[%swap3A_272, %swap3A_273, %swap3A_274], %swap3A_277 {strides = array<i32>} : memref<25x4x1280xf32, #tpu.memory_space<vmem>>, vector<1x1x1280xf32>,
    %get3A_278 = arith.constant 0 : index
    %get3A_279 = arith.constant 3840 : index
    %get3A_280 = vector.load %arg2[%get3A_278, %get3A_279] : memref<8x32000xf32, #tpu.memory_space<vmem>>, vector<1x1280xf32>
    %get3A_281 = vector.shape_cast %get3A_280 : vector<1x1280xf32> to vector<1280xf32>
    %swap3A_282 = arith.constant 3 : index
    %swap3A_283 = arith.constant 1 : index
    %swap3A_284 = arith.constant 0 : index
    %swap3A_285 = vector.load %arg5[%swap3A_282, %swap3A_283, %swap3A_284] : memref<25x4x1280xf32, #tpu.memory_space<vmem>>, vector<1x1x1280xf32>
    %swap3A_286 = vector.shape_cast %swap3A_285 : vector<1x1x1280xf32> to vector<1280xf32>
    %swap3A_287 = vector.shape_cast %get3A_281 : vector<1280xf32> to vector<1x1x1280xf32>
    tpu.vector_store %arg5[%swap3A_282, %swap3A_283, %swap3A_284], %swap3A_287 {strides = array<i32>} : memref<25x4x1280xf32, #tpu.memory_space<vmem>>, vector<1x1x1280xf32>,
    %get3A_288 = arith.constant 0 : index
    %get3A_289 = arith.constant 5120 : index
    %get3A_290 = vector.load %arg2[%get3A_288, %get3A_289] : memref<8x32000xf32, #tpu.memory_space<vmem>>, vector<1x1280xf32>
    %get3A_291 = vector.shape_cast %get3A_290 : vector<1x1280xf32> to vector<1280xf32>
    %swap3A_292 = arith.constant 4 : index
    %swap3A_293 = arith.constant 1 : index
    %swap3A_294 = arith.constant 0 : index
    %swap3A_295 = vector.load %arg5[%swap3A_292, %swap3A_293, %swap3A_294] : memref<25x4x1280xf32, #tpu.memory_space<vmem>>, vector<1x1x1280xf32>
    %swap3A_296 = vector.shape_cast %swap3A_295 : vector<1x1x1280xf32> to vector<1280xf32>
    %swap3A_297 = vector.shape_cast %get3A_291 : vector<1280xf32> to vector<1x1x1280xf32>
    tpu.vector_store %arg5[%swap3A_292, %swap3A_293, %swap3A_294], %swap3A_297 {strides = array<i32>} : memref<25x4x1280xf32, #tpu.memory_space<vmem>>, vector<1x1x1280xf32>,
    %get3A_298 = arith.constant 0 : index
    %get3A_299 = arith.constant 6400 : index
    %get3A_300 = vector.load %arg2[%get3A_298, %get3A_299] : memref<8x32000xf32, #tpu.memory_space<vmem>>, vector<1x1280xf32>
    %get3A_301 = vector.shape_cast %get3A_300 : vector<1x1280xf32> to vector<1280xf32>
    %swap3A_302 = arith.constant 5 : index
    %swap3A_303 = arith.constant 1 : index
    %swap3A_304 = arith.constant 0 : index
    %swap3A_305 = vector.load %arg5[%swap3A_302, %swap3A_303, %swap3A_304] : memref<25x4x1280xf32, #tpu.memory_space<vmem>>, vector<1x1x1280xf32>
    %swap3A_306 = vector.shape_cast %swap3A_305 : vector<1x1x1280xf32> to vector<1280xf32>
    %swap3A_307 = vector.shape_cast %get3A_301 : vector<1280xf32> to vector<1x1x1280xf32>
    tpu.vector_store %arg5[%swap3A_302, %swap3A_303, %swap3A_304], %swap3A_307 {strides = array<i32>} : memref<25x4x1280xf32, #tpu.memory_space<vmem>>, vector<1x1x1280xf32>,
    %get3A_308 = arith.constant 0 : index
    %get3A_309 = arith.constant 7680 : index
    %get3A_310 = vector.load %arg2[%get3A_308, %get3A_309] : memref<8x32000xf32, #tpu.memory_space<vmem>>, vector<1x1280xf32>
    %get3A_311 = vector.shape_cast %get3A_310 : vector<1x1280xf32> to vector<1280xf32>
    %swap3A_312 = arith.constant 6 : index
    %swap3A_313 = arith.constant 1 : index
    %swap3A_314 = arith.constant 0 : index
    %swap3A_315 = vector.load %arg5[%swap3A_312, %swap3A_313, %swap3A_314] : memref<25x4x1280xf32, #tpu.memory_space<vmem>>, vector<1x1x1280xf32>
    %swap3A_316 = vector.shape_cast %swap3A_315 : vector<1x1x1280xf32> to vector<1280xf32>
    %swap3A_317 = vector.shape_cast %get3A_311 : vector<1280xf32> to vector<1x1x1280xf32>
    tpu.vector_store %arg5[%swap3A_312, %swap3A_313, %swap3A_314], %swap3A_317 {strides = array<i32>} : memref<25x4x1280xf32, #tpu.memory_space<vmem>>, vector<1x1x1280xf32>,
    %get3A_318 = arith.constant 0 : index
    %get3A_319 = arith.constant 8960 : index
    %get3A_320 = vector.load %arg2[%get3A_318, %get3A_319] : memref<8x32000xf32, #tpu.memory_space<vmem>>, vector<1x1280xf32>
    %get3A_321 = vector.shape_cast %get3A_320 : vector<1x1280xf32> to vector<1280xf32>
    %swap3A_322 = arith.constant 7 : index
    %swap3A_323 = arith.constant 1 : index
    %swap3A_324 = arith.constant 0 : index
    %swap3A_325 = vector.load %arg5[%swap3A_322, %swap3A_323, %swap3A_324] : memref<25x4x1280xf32, #tpu.memory_space<vmem>>, vector<1x1x1280xf32>
    %swap3A_326 = vector.shape_cast %swap3A_325 : vector<1x1x1280xf32> to vector<1280xf32>
    %swap3A_327 = vector.shape_cast %get3A_321 : vector<1280xf32> to vector<1x1x1280xf32>
    tpu.vector_store %arg5[%swap3A_322, %swap3A_323, %swap3A_324], %swap3A_327 {strides = array<i32>} : memref<25x4x1280xf32, #tpu.memory_space<vmem>>, vector<1x1x1280xf32>,
    %get3A_328 = arith.constant 0 : index
    %get3A_329 = arith.constant 10240 : index
    %get3A_330 = vector.load %arg2[%get3A_328, %get3A_329] : memref<8x32000xf32, #tpu.memory_space<vmem>>, vector<1x1280xf32>
    %get3A_331 = vector.shape_cast %get3A_330 : vector<1x1280xf32> to vector<1280xf32>
    %swap3A_332 = arith.constant 8 : index
    %swap3A_333 = arith.constant 1 : index
    %swap3A_334 = arith.constant 0 : index
    %swap3A_335 = vector.load %arg5[%swap3A_332, %swap3A_333, %swap3A_334] : memref<25x4x1280xf32, #tpu.memory_space<vmem>>, vector<1x1x1280xf32>
    %swap3A_336 = vector.shape_cast %swap3A_335 : vector<1x1x1280xf32> to vector<1280xf32>
    %swap3A_337 = vector.shape_cast %get3A_331 : vector<1280xf32> to vector<1x1x1280xf32>
    tpu.vector_store %arg5[%swap3A_332, %swap3A_333, %swap3A_334], %swap3A_337 {strides = array<i32>} : memref<25x4x1280xf32, #tpu.memory_space<vmem>>, vector<1x1x1280xf32>,
    %get3A_338 = arith.constant 0 : index
    %get3A_339 = arith.constant 11520 : index
    %get3A_340 = vector.load %arg2[%get3A_338, %get3A_339] : memref<8x32000xf32, #tpu.memory_space<vmem>>, vector<1x1280xf32>
    %get3A_341 = vector.shape_cast %get3A_340 : vector<1x1280xf32> to vector<1280xf32>
    %swap3A_342 = arith.constant 9 : index
    %swap3A_343 = arith.constant 1 : index
    %swap3A_344 = arith.constant 0 : index
    %swap3A_345 = vector.load %arg5[%swap3A_342, %swap3A_343, %swap3A_344] : memref<25x4x1280xf32, #tpu.memory_space<vmem>>, vector<1x1x1280xf32>
    %swap3A_346 = vector.shape_cast %swap3A_345 : vector<1x1x1280xf32> to vector<1280xf32>
    %swap3A_347 = vector.shape_cast %get3A_341 : vector<1280xf32> to vector<1x1x1280xf32>
    tpu.vector_store %arg5[%swap3A_342, %swap3A_343, %swap3A_344], %swap3A_347 {strides = array<i32>} : memref<25x4x1280xf32, #tpu.memory_space<vmem>>, vector<1x1x1280xf32>,
    %get3A_348 = arith.constant 0 : index
    %get3A_349 = arith.constant 12800 : index
    %get3A_350 = vector.load %arg2[%get3A_348, %get3A_349] : memref<8x32000xf32, #tpu.memory_space<vmem>>, vector<1x1280xf32>
    %get3A_351 = vector.shape_cast %get3A_350 : vector<1x1280xf32> to vector<1280xf32>
    %swap3A_352 = arith.constant 10 : index
    %swap3A_353 = arith.constant 1 : index
    %swap3A_354 = arith.constant 0 : index
    %swap3A_355 = vector.load %arg5[%swap3A_352, %swap3A_353, %swap3A_354] : memref<25x4x1280xf32, #tpu.memory_space<vmem>>, vector<1x1x1280xf32>
    %swap3A_356 = vector.shape_cast %swap3A_355 : vector<1x1x1280xf32> to vector<1280xf32>
    %swap3A_357 = vector.shape_cast %get3A_351 : vector<1280xf32> to vector<1x1x1280xf32>
    tpu.vector_store %arg5[%swap3A_352, %swap3A_353, %swap3A_354], %swap3A_357 {strides = array<i32>} : memref<25x4x1280xf32, #tpu.memory_space<vmem>>, vector<1x1x1280xf32>,
    %get3A_358 = arith.constant 0 : index
    %get3A_359 = arith.constant 14080 : index
    %get3A_360 = vector.load %arg2[%get3A_358, %get3A_359] : memref<8x32000xf32, #tpu.memory_space<vmem>>, vector<1x1280xf32>
    %get3A_361 = vector.shape_cast %get3A_360 : vector<1x1280xf32> to vector<1280xf32>
    %swap3A_362 = arith.constant 11 : index
    %swap3A_363 = arith.constant 1 : index
    %swap3A_364 = arith.constant 0 : index
    %swap3A_365 = vector.load %arg5[%swap3A_362, %swap3A_363, %swap3A_364] : memref<25x4x1280xf32, #tpu.memory_space<vmem>>, vector<1x1x1280xf32>
    %swap3A_366 = vector.shape_cast %swap3A_365 : vector<1x1x1280xf32> to vector<1280xf32>
    %swap3A_367 = vector.shape_cast %get3A_361 : vector<1280xf32> to vector<1x1x1280xf32>
    tpu.vector_store %arg5[%swap3A_362, %swap3A_363, %swap3A_364], %swap3A_367 {strides = array<i32>} : memref<25x4x1280xf32, #tpu.memory_space<vmem>>, vector<1x1x1280xf32>,
    %get3A_368 = arith.constant 0 : index
    %get3A_369 = arith.constant 15360 : index
    %get3A_370 = vector.load %arg2[%get3A_368, %get3A_369] : memref<8x32000xf32, #tpu.memory_space<vmem>>, vector<1x1280xf32>
    %get3A_371 = vector.shape_cast %get3A_370 : vector<1x1280xf32> to vector<1280xf32>
    %swap3A_372 = arith.constant 12 : index
    %swap3A_373 = arith.constant 1 : index
    %swap3A_374 = arith.constant 0 : index
    %swap3A_375 = vector.load %arg5[%swap3A_372, %swap3A_373, %swap3A_374] : memref<25x4x1280xf32, #tpu.memory_space<vmem>>, vector<1x1x1280xf32>
    %swap3A_376 = vector.shape_cast %swap3A_375 : vector<1x1x1280xf32> to vector<1280xf32>
    %swap3A_377 = vector.shape_cast %get3A_371 : vector<1280xf32> to vector<1x1x1280xf32>
    tpu.vector_store %arg5[%swap3A_372, %swap3A_373, %swap3A_374], %swap3A_377 {strides = array<i32>} : memref<25x4x1280xf32, #tpu.memory_space<vmem>>, vector<1x1x1280xf32>,
    %get3A_378 = arith.constant 0 : index
    %get3A_379 = arith.constant 16640 : index
    %get3A_380 = vector.load %arg2[%get3A_378, %get3A_379] : memref<8x32000xf32, #tpu.memory_space<vmem>>, vector<1x1280xf32>
    %get3A_381 = vector.shape_cast %get3A_380 : vector<1x1280xf32> to vector<1280xf32>
    %swap3A_382 = arith.constant 13 : index
    %swap3A_383 = arith.constant 1 : index
    %swap3A_384 = arith.constant 0 : index
    %swap3A_385 = vector.load %arg5[%swap3A_382, %swap3A_383, %swap3A_384] : memref<25x4x1280xf32, #tpu.memory_space<vmem>>, vector<1x1x1280xf32>
    %swap3A_386 = vector.shape_cast %swap3A_385 : vector<1x1x1280xf32> to vector<1280xf32>
    %swap3A_387 = vector.shape_cast %get3A_381 : vector<1280xf32> to vector<1x1x1280xf32>
    tpu.vector_store %arg5[%swap3A_382, %swap3A_383, %swap3A_384], %swap3A_387 {strides = array<i32>} : memref<25x4x1280xf32, #tpu.memory_space<vmem>>, vector<1x1x1280xf32>,
    %get3A_388 = arith.constant 0 : index
    %get3A_389 = arith.constant 17920 : index
    %get3A_390 = vector.load %arg2[%get3A_388, %get3A_389] : memref<8x32000xf32, #tpu.memory_space<vmem>>, vector<1x1280xf32>
    %get3A_391 = vector.shape_cast %get3A_390 : vector<1x1280xf32> to vector<1280xf32>
    %swap3A_392 = arith.constant 14 : index
    %swap3A_393 = arith.constant 1 : index
    %swap3A_394 = arith.constant 0 : index
    %swap3A_395 = vector.load %arg5[%swap3A_392, %swap3A_393, %swap3A_394] : memref<25x4x1280xf32, #tpu.memory_space<vmem>>, vector<1x1x1280xf32>
    %swap3A_396 = vector.shape_cast %swap3A_395 : vector<1x1x1280xf32> to vector<1280xf32>
    %swap3A_397 = vector.shape_cast %get3A_391 : vector<1280xf32> to vector<1x1x1280xf32>
    tpu.vector_store %arg5[%swap3A_392, %swap3A_393, %swap3A_394], %swap3A_397 {strides = array<i32>} : memref<25x4x1280xf32, #tpu.memory_space<vmem>>, vector<1x1x1280xf32>,
    %get3A_398 = arith.constant 0 : index
    %get3A_399 = arith.constant 19200 : index
    %get3A_400 = vector.load %arg2[%get3A_398, %get3A_399] : memref<8x32000xf32, #tpu.memory_space<vmem>>, vector<1x1280xf32>
    %get3A_401 = vector.shape_cast %get3A_400 : vector<1x1280xf32> to vector<1280xf32>
    %swap3A_402 = arith.constant 15 : index
    %swap3A_403 = arith.constant 1 : index
    %swap3A_404 = arith.constant 0 : index
    %swap3A_405 = vector.load %arg5[%swap3A_402, %swap3A_403, %swap3A_404] : memref<25x4x1280xf32, #tpu.memory_space<vmem>>, vector<1x1x1280xf32>
    %swap3A_406 = vector.shape_cast %swap3A_405 : vector<1x1x1280xf32> to vector<1280xf32>
    %swap3A_407 = vector.shape_cast %get3A_401 : vector<1280xf32> to vector<1x1x1280xf32>
    tpu.vector_store %arg5[%swap3A_402, %swap3A_403, %swap3A_404], %swap3A_407 {strides = array<i32>} : memref<25x4x1280xf32, #tpu.memory_space<vmem>>, vector<1x1x1280xf32>,
    %get3A_408 = arith.constant 0 : index
    %get3A_409 = arith.constant 20480 : index
    %get3A_410 = vector.load %arg2[%get3A_408, %get3A_409] : memref<8x32000xf32, #tpu.memory_space<vmem>>, vector<1x1280xf32>
    %get3A_411 = vector.shape_cast %get3A_410 : vector<1x1280xf32> to vector<1280xf32>
    %swap3A_412 = arith.constant 16 : index
    %swap3A_413 = arith.constant 1 : index
    %swap3A_414 = arith.constant 0 : index
    %swap3A_415 = vector.load %arg5[%swap3A_412, %swap3A_413, %swap3A_414] : memref<25x4x1280xf32, #tpu.memory_space<vmem>>, vector<1x1x1280xf32>
    %swap3A_416 = vector.shape_cast %swap3A_415 : vector<1x1x1280xf32> to vector<1280xf32>
    %swap3A_417 = vector.shape_cast %get3A_411 : vector<1280xf32> to vector<1x1x1280xf32>
    tpu.vector_store %arg5[%swap3A_412, %swap3A_413, %swap3A_414], %swap3A_417 {strides = array<i32>} : memref<25x4x1280xf32, #tpu.memory_space<vmem>>, vector<1x1x1280xf32>,
    %get3A_418 = arith.constant 0 : index
    %get3A_419 = arith.constant 21760 : index
    %get3A_420 = vector.load %arg2[%get3A_418, %get3A_419] : memref<8x32000xf32, #tpu.memory_space<vmem>>, vector<1x1280xf32>
    %get3A_421 = vector.shape_cast %get3A_420 : vector<1x1280xf32> to vector<1280xf32>
    %swap3A_422 = arith.constant 17 : index
    %swap3A_423 = arith.constant 1 : index
    %swap3A_424 = arith.constant 0 : index
    %swap3A_425 = vector.load %arg5[%swap3A_422, %swap3A_423, %swap3A_424] : memref<25x4x1280xf32, #tpu.memory_space<vmem>>, vector<1x1x1280xf32>
    %swap3A_426 = vector.shape_cast %swap3A_425 : vector<1x1x1280xf32> to vector<1280xf32>
    %swap3A_427 = vector.shape_cast %get3A_421 : vector<1280xf32> to vector<1x1x1280xf32>
    tpu.vector_store %arg5[%swap3A_422, %swap3A_423, %swap3A_424], %swap3A_427 {strides = array<i32>} : memref<25x4x1280xf32, #tpu.memory_space<vmem>>, vector<1x1x1280xf32>,
    %get3A_428 = arith.constant 0 : index
    %get3A_429 = arith.constant 23040 : index
    %get3A_430 = vector.load %arg2[%get3A_428, %get3A_429] : memref<8x32000xf32, #tpu.memory_space<vmem>>, vector<1x1280xf32>
    %get3A_431 = vector.shape_cast %get3A_430 : vector<1x1280xf32> to vector<1280xf32>
    %swap3A_432 = arith.constant 18 : index
    %swap3A_433 = arith.constant 1 : index
    %swap3A_434 = arith.constant 0 : index
    %swap3A_435 = vector.load %arg5[%swap3A_432, %swap3A_433, %swap3A_434] : memref<25x4x1280xf32, #tpu.memory_space<vmem>>, vector<1x1x1280xf32>
    %swap3A_436 = vector.shape_cast %swap3A_435 : vector<1x1x1280xf32> to vector<1280xf32>
    %swap3A_437 = vector.shape_cast %get3A_431 : vector<1280xf32> to vector<1x1x1280xf32>
    tpu.vector_store %arg5[%swap3A_432, %swap3A_433, %swap3A_434], %swap3A_437 {strides = array<i32>} : memref<25x4x1280xf32, #tpu.memory_space<vmem>>, vector<1x1x1280xf32>,
    %get3A_438 = arith.constant 0 : index
    %get3A_439 = arith.constant 24320 : index
    %get3A_440 = vector.load %arg2[%get3A_438, %get3A_439] : memref<8x32000xf32, #tpu.memory_space<vmem>>, vector<1x1280xf32>
    %get3A_441 = vector.shape_cast %get3A_440 : vector<1x1280xf32> to vector<1280xf32>
    %swap3A_442 = arith.constant 19 : index
    %swap3A_443 = arith.constant 1 : index
    %swap3A_444 = arith.constant 0 : index
    %swap3A_445 = vector.load %arg5[%swap3A_442, %swap3A_443, %swap3A_444] : memref<25x4x1280xf32, #tpu.memory_space<vmem>>, vector<1x1x1280xf32>
    %swap3A_446 = vector.shape_cast %swap3A_445 : vector<1x1x1280xf32> to vector<1280xf32>
    %swap3A_447 = vector.shape_cast %get3A_441 : vector<1280xf32> to vector<1x1x1280xf32>
    tpu.vector_store %arg5[%swap3A_442, %swap3A_443, %swap3A_444], %swap3A_447 {strides = array<i32>} : memref<25x4x1280xf32, #tpu.memory_space<vmem>>, vector<1x1x1280xf32>,
    %get3A_448 = arith.constant 0 : index
    %get3A_449 = arith.constant 25600 : index
    %get3A_450 = vector.load %arg2[%get3A_448, %get3A_449] : memref<8x32000xf32, #tpu.memory_space<vmem>>, vector<1x1280xf32>
    %get3A_451 = vector.shape_cast %get3A_450 : vector<1x1280xf32> to vector<1280xf32>
    %swap3A_452 = arith.constant 20 : index
    %swap3A_453 = arith.constant 1 : index
    %swap3A_454 = arith.constant 0 : index
    %swap3A_455 = vector.load %arg5[%swap3A_452, %swap3A_453, %swap3A_454] : memref<25x4x1280xf32, #tpu.memory_space<vmem>>, vector<1x1x1280xf32>
    %swap3A_456 = vector.shape_cast %swap3A_455 : vector<1x1x1280xf32> to vector<1280xf32>
    %swap3A_457 = vector.shape_cast %get3A_451 : vector<1280xf32> to vector<1x1x1280xf32>
    tpu.vector_store %arg5[%swap3A_452, %swap3A_453, %swap3A_454], %swap3A_457 {strides = array<i32>} : memref<25x4x1280xf32, #tpu.memory_space<vmem>>, vector<1x1x1280xf32>,
    %get3A_458 = arith.constant 0 : index
    %get3A_459 = arith.constant 26880 : index
    %get3A_460 = vector.load %arg2[%get3A_458, %get3A_459] : memref<8x32000xf32, #tpu.memory_space<vmem>>, vector<1x1280xf32>
    %get3A_461 = vector.shape_cast %get3A_460 : vector<1x1280xf32> to vector<1280xf32>
    %swap3A_462 = arith.constant 21 : index
    %swap3A_463 = arith.constant 1 : index
    %swap3A_464 = arith.constant 0 : index
    %swap3A_465 = vector.load %arg5[%swap3A_462, %swap3A_463, %swap3A_464] : memref<25x4x1280xf32, #tpu.memory_space<vmem>>, vector<1x1x1280xf32>
    %swap3A_466 = vector.shape_cast %swap3A_465 : vector<1x1x1280xf32> to vector<1280xf32>
    %swap3A_467 = vector.shape_cast %get3A_461 : vector<1280xf32> to vector<1x1x1280xf32>
    tpu.vector_store %arg5[%swap3A_462, %swap3A_463, %swap3A_464], %swap3A_467 {strides = array<i32>} : memref<25x4x1280xf32, #tpu.memory_space<vmem>>, vector<1x1x1280xf32>,
    %get3A_468 = arith.constant 0 : index
    %get3A_469 = arith.constant 28160 : index
    %get3A_470 = vector.load %arg2[%get3A_468, %get3A_469] : memref<8x32000xf32, #tpu.memory_space<vmem>>, vector<1x1280xf32>
    %get3A_471 = vector.shape_cast %get3A_470 : vector<1x1280xf32> to vector<1280xf32>
    %swap3A_472 = arith.constant 22 : index
    %swap3A_473 = arith.constant 1 : index
    %swap3A_474 = arith.constant 0 : index
    %swap3A_475 = vector.load %arg5[%swap3A_472, %swap3A_473, %swap3A_474] : memref<25x4x1280xf32, #tpu.memory_space<vmem>>, vector<1x1x1280xf32>
    %swap3A_476 = vector.shape_cast %swap3A_475 : vector<1x1x1280xf32> to vector<1280xf32>
    %swap3A_477 = vector.shape_cast %get3A_471 : vector<1280xf32> to vector<1x1x1280xf32>
    tpu.vector_store %arg5[%swap3A_472, %swap3A_473, %swap3A_474], %swap3A_477 {strides = array<i32>} : memref<25x4x1280xf32, #tpu.memory_space<vmem>>, vector<1x1x1280xf32>,
    %get3A_478 = arith.constant 0 : index
    %get3A_479 = arith.constant 29440 : index
    %get3A_480 = vector.load %arg2[%get3A_478, %get3A_479] : memref<8x32000xf32, #tpu.memory_space<vmem>>, vector<1x1280xf32>
    %get3A_481 = vector.shape_cast %get3A_480 : vector<1x1280xf32> to vector<1280xf32>
    %swap3A_482 = arith.constant 23 : index
    %swap3A_483 = arith.constant 1 : index
    %swap3A_484 = arith.constant 0 : index
    %swap3A_485 = vector.load %arg5[%swap3A_482, %swap3A_483, %swap3A_484] : memref<25x4x1280xf32, #tpu.memory_space<vmem>>, vector<1x1x1280xf32>
    %swap3A_486 = vector.shape_cast %swap3A_485 : vector<1x1x1280xf32> to vector<1280xf32>
    %swap3A_487 = vector.shape_cast %get3A_481 : vector<1280xf32> to vector<1x1x1280xf32>
    tpu.vector_store %arg5[%swap3A_482, %swap3A_483, %swap3A_484], %swap3A_487 {strides = array<i32>} : memref<25x4x1280xf32, #tpu.memory_space<vmem>>, vector<1x1x1280xf32>,
    %get3A_488 = arith.constant 0 : index
    %get3A_489 = arith.constant 30720 : index
    %get3A_490 = vector.load %arg2[%get3A_488, %get3A_489] : memref<8x32000xf32, #tpu.memory_space<vmem>>, vector<1x1280xf32>
    %get3A_491 = vector.shape_cast %get3A_490 : vector<1x1280xf32> to vector<1280xf32>
    %swap3A_492 = arith.constant 24 : index
    %swap3A_493 = arith.constant 1 : index
    %swap3A_494 = arith.constant 0 : index
    %swap3A_495 = vector.load %arg5[%swap3A_492, %swap3A_493, %swap3A_494] : memref<25x4x1280xf32, #tpu.memory_space<vmem>>, vector<1x1x1280xf32>
    %swap3A_496 = vector.shape_cast %swap3A_495 : vector<1x1x1280xf32> to vector<1280xf32>
    %swap3A_497 = vector.shape_cast %get3A_491 : vector<1280xf32> to vector<1x1x1280xf32>
    tpu.vector_store %arg5[%swap3A_492, %swap3A_493, %swap3A_494], %swap3A_497 {strides = array<i32>} : memref<25x4x1280xf32, #tpu.memory_space<vmem>>, vector<1x1x1280xf32>,
    %get3A_498 = arith.constant 0 : index
    %get3A_499 = arith.constant 0 : index
    %get3A_500 = vector.load %arg3[%get3A_498, %get3A_499] : memref<8x32000xf32, #tpu.memory_space<vmem>>, vector<1x1280xf32>
    %get3A_501 = vector.shape_cast %get3A_500 : vector<1x1280xf32> to vector<1280xf32>
    %swap3A_502 = arith.constant 0 : index
    %swap3A_503 = arith.constant 2 : index
    %swap3A_504 = arith.constant 0 : index
    %swap3A_505 = vector.load %arg5[%swap3A_502, %swap3A_503, %swap3A_504] : memref<25x4x1280xf32, #tpu.memory_space<vmem>>, vector<1x1x1280xf32>
    %swap3A_506 = vector.shape_cast %swap3A_505 : vector<1x1x1280xf32> to vector<1280xf32>
    %swap3A_507 = vector.shape_cast %get3A_501 : vector<1280xf32> to vector<1x1x1280xf32>
    tpu.vector_store %arg5[%swap3A_502, %swap3A_503, %swap3A_504], %swap3A_507 {strides = array<i32>} : memref<25x4x1280xf32, #tpu.memory_space<vmem>>, vector<1x1x1280xf32>,
    %get3A_508 = arith.constant 0 : index
    %get3A_509 = arith.constant 1280 : index
    %get3A_510 = vector.load %arg3[%get3A_508, %get3A_509] : memref<8x32000xf32, #tpu.memory_space<vmem>>, vector<1x1280xf32>
    %get3A_511 = vector.shape_cast %get3A_510 : vector<1x1280xf32> to vector<1280xf32>
    %swap3A_512 = arith.constant 1 : index
    %swap3A_513 = arith.constant 2 : index
    %swap3A_514 = arith.constant 0 : index
    %swap3A_515 = vector.load %arg5[%swap3A_512, %swap3A_513, %swap3A_514] : memref<25x4x1280xf32, #tpu.memory_space<vmem>>, vector<1x1x1280xf32>
    %swap3A_516 = vector.shape_cast %swap3A_515 : vector<1x1x1280xf32> to vector<1280xf32>
    %swap3A_517 = vector.shape_cast %get3A_511 : vector<1280xf32> to vector<1x1x1280xf32>
    tpu.vector_store %arg5[%swap3A_512, %swap3A_513, %swap3A_514], %swap3A_517 {strides = array<i32>} : memref<25x4x1280xf32, #tpu.memory_space<vmem>>, vector<1x1x1280xf32>,
    %get3A_518 = arith.constant 0 : index
    %get3A_519 = arith.constant 2560 : index
    %get3A_520 = vector.load %arg3[%get3A_518, %get3A_519] : memref<8x32000xf32, #tpu.memory_space<vmem>>, vector<1x1280xf32>
    %get3A_521 = vector.shape_cast %get3A_520 : vector<1x1280xf32> to vector<1280xf32>
    %swap3A_522 = arith.constant 2 : index
    %swap3A_523 = arith.constant 2 : index
    %swap3A_524 = arith.constant 0 : index
    %swap3A_525 = vector.load %arg5[%swap3A_522, %swap3A_523, %swap3A_524] : memref<25x4x1280xf32, #tpu.memory_space<vmem>>, vector<1x1x1280xf32>
    %swap3A_526 = vector.shape_cast %swap3A_525 : vector<1x1x1280xf32> to vector<1280xf32>
    %swap3A_527 = vector.shape_cast %get3A_521 : vector<1280xf32> to vector<1x1x1280xf32>
    tpu.vector_store %arg5[%swap3A_522, %swap3A_523, %swap3A_524], %swap3A_527 {strides = array<i32>} : memref<25x4x1280xf32, #tpu.memory_space<vmem>>, vector<1x1x1280xf32>,
    %get3A_528 = arith.constant 0 : index
    %get3A_529 = arith.constant 3840 : index
    %get3A_530 = vector.load %arg3[%get3A_528, %get3A_529] : memref<8x32000xf32, #tpu.memory_space<vmem>>, vector<1x1280xf32>
    %get3A_531 = vector.shape_cast %get3A_530 : vector<1x1280xf32> to vector<1280xf32>
    %swap3A_532 = arith.constant 3 : index
    %swap3A_533 = arith.constant 2 : index
    %swap3A_534 = arith.constant 0 : index
    %swap3A_535 = vector.load %arg5[%swap3A_532, %swap3A_533, %swap3A_534] : memref<25x4x1280xf32, #tpu.memory_space<vmem>>, vector<1x1x1280xf32>
    %swap3A_536 = vector.shape_cast %swap3A_535 : vector<1x1x1280xf32> to vector<1280xf32>
    %swap3A_537 = vector.shape_cast %get3A_531 : vector<1280xf32> to vector<1x1x1280xf32>
    tpu.vector_store %arg5[%swap3A_532, %swap3A_533, %swap3A_534], %swap3A_537 {strides = array<i32>} : memref<25x4x1280xf32, #tpu.memory_space<vmem>>, vector<1x1x1280xf32>,
    %get3A_538 = arith.constant 0 : index
    %get3A_539 = arith.constant 5120 : index
    %get3A_540 = vector.load %arg3[%get3A_538, %get3A_539] : memref<8x32000xf32, #tpu.memory_space<vmem>>, vector<1x1280xf32>
    %get3A_541 = vector.shape_cast %get3A_540 : vector<1x1280xf32> to vector<1280xf32>
    %swap3A_542 = arith.constant 4 : index
    %swap3A_543 = arith.constant 2 : index
    %swap3A_544 = arith.constant 0 : index
    %swap3A_545 = vector.load %arg5[%swap3A_542, %swap3A_543, %swap3A_544] : memref<25x4x1280xf32, #tpu.memory_space<vmem>>, vector<1x1x1280xf32>
    %swap3A_546 = vector.shape_cast %swap3A_545 : vector<1x1x1280xf32> to vector<1280xf32>
    %swap3A_547 = vector.shape_cast %get3A_541 : vector<1280xf32> to vector<1x1x1280xf32>
    tpu.vector_store %arg5[%swap3A_542, %swap3A_543, %swap3A_544], %swap3A_547 {strides = array<i32>} : memref<25x4x1280xf32, #tpu.memory_space<vmem>>, vector<1x1x1280xf32>,
    %get3A_548 = arith.constant 0 : index
    %get3A_549 = arith.constant 6400 : index
    %get3A_550 = vector.load %arg3[%get3A_548, %get3A_549] : memref<8x32000xf32, #tpu.memory_space<vmem>>, vector<1x1280xf32>
    %get3A_551 = vector.shape_cast %get3A_550 : vector<1x1280xf32> to vector<1280xf32>
    %swap3A_552 = arith.constant 5 : index
    %swap3A_553 = arith.constant 2 : index
    %swap3A_554 = arith.constant 0 : index
    %swap3A_555 = vector.load %arg5[%swap3A_552, %swap3A_553, %swap3A_554] : memref<25x4x1280xf32, #tpu.memory_space<vmem>>, vector<1x1x1280xf32>
    %swap3A_556 = vector.shape_cast %swap3A_555 : vector<1x1x1280xf32> to vector<1280xf32>
    %swap3A_557 = vector.shape_cast %get3A_551 : vector<1280xf32> to vector<1x1x1280xf32>
    tpu.vector_store %arg5[%swap3A_552, %swap3A_553, %swap3A_554], %swap3A_557 {strides = array<i32>} : memref<25x4x1280xf32, #tpu.memory_space<vmem>>, vector<1x1x1280xf32>,
    %get3A_558 = arith.constant 0 : index
    %get3A_559 = arith.constant 7680 : index
    %get3A_560 = vector.load %arg3[%get3A_558, %get3A_559] : memref<8x32000xf32, #tpu.memory_space<vmem>>, vector<1x1280xf32>
    %get3A_561 = vector.shape_cast %get3A_560 : vector<1x1280xf32> to vector<1280xf32>
    %swap3A_562 = arith.constant 6 : index
    %swap3A_563 = arith.constant 2 : index
    %swap3A_564 = arith.constant 0 : index
    %swap3A_565 = vector.load %arg5[%swap3A_562, %swap3A_563, %swap3A_564] : memref<25x4x1280xf32, #tpu.memory_space<vmem>>, vector<1x1x1280xf32>
    %swap3A_566 = vector.shape_cast %swap3A_565 : vector<1x1x1280xf32> to vector<1280xf32>
    %swap3A_567 = vector.shape_cast %get3A_561 : vector<1280xf32> to vector<1x1x1280xf32>
    tpu.vector_store %arg5[%swap3A_562, %swap3A_563, %swap3A_564], %swap3A_567 {strides = array<i32>} : memref<25x4x1280xf32, #tpu.memory_space<vmem>>, vector<1x1x1280xf32>,
    %get3A_568 = arith.constant 0 : index
    %get3A_569 = arith.constant 8960 : index
    %get3A_570 = vector.load %arg3[%get3A_568, %get3A_569] : memref<8x32000xf32, #tpu.memory_space<vmem>>, vector<1x1280xf32>
    %get3A_571 = vector.shape_cast %get3A_570 : vector<1x1280xf32> to vector<1280xf32>
    %swap3A_572 = arith.constant 7 : index
    %swap3A_573 = arith.constant 2 : index
    %swap3A_574 = arith.constant 0 : index
    %swap3A_575 = vector.load %arg5[%swap3A_572, %swap3A_573, %swap3A_574] : memref<25x4x1280xf32, #tpu.memory_space<vmem>>, vector<1x1x1280xf32>
    %swap3A_576 = vector.shape_cast %swap3A_575 : vector<1x1x1280xf32> to vector<1280xf32>
    %swap3A_577 = vector.shape_cast %get3A_571 : vector<1280xf32> to vector<1x1x1280xf32>
    tpu.vector_store %arg5[%swap3A_572, %swap3A_573, %swap3A_574], %swap3A_577 {strides = array<i32>} : memref<25x4x1280xf32, #tpu.memory_space<vmem>>, vector<1x1x1280xf32>,
    %get3A_578 = arith.constant 0 : index
    %get3A_579 = arith.constant 10240 : index
    %get3A_580 = vector.load %arg3[%get3A_578, %get3A_579] : memref<8x32000xf32, #tpu.memory_space<vmem>>, vector<1x1280xf32>
    %get3A_581 = vector.shape_cast %get3A_580 : vector<1x1280xf32> to vector<1280xf32>
    %swap3A_582 = arith.constant 8 : index
    %swap3A_583 = arith.constant 2 : index
    %swap3A_584 = arith.constant 0 : index
    %swap3A_585 = vector.load %arg5[%swap3A_582, %swap3A_583, %swap3A_584] : memref<25x4x1280xf32, #tpu.memory_space<vmem>>, vector<1x1x1280xf32>
    %swap3A_586 = vector.shape_cast %swap3A_585 : vector<1x1x1280xf32> to vector<1280xf32>
    %swap3A_587 = vector.shape_cast %get3A_581 : vector<1280xf32> to vector<1x1x1280xf32>
    tpu.vector_store %arg5[%swap3A_582, %swap3A_583, %swap3A_584], %swap3A_587 {strides = array<i32>} : memref<25x4x1280xf32, #tpu.memory_space<vmem>>, vector<1x1x1280xf32>,
    %get3A_588 = arith.constant 0 : index
    %get3A_589 = arith.constant 11520 : index
    %get3A_590 = vector.load %arg3[%get3A_588, %get3A_589] : memref<8x32000xf32, #tpu.memory_space<vmem>>, vector<1x1280xf32>
    %get3A_591 = vector.shape_cast %get3A_590 : vector<1x1280xf32> to vector<1280xf32>
    %swap3A_592 = arith.constant 9 : index
    %swap3A_593 = arith.constant 2 : index
    %swap3A_594 = arith.constant 0 : index
    %swap3A_595 = vector.load %arg5[%swap3A_592, %swap3A_593, %swap3A_594] : memref<25x4x1280xf32, #tpu.memory_space<vmem>>, vector<1x1x1280xf32>
    %swap3A_596 = vector.shape_cast %swap3A_595 : vector<1x1x1280xf32> to vector<1280xf32>
    %swap3A_597 = vector.shape_cast %get3A_591 : vector<1280xf32> to vector<1x1x1280xf32>
    tpu.vector_store %arg5[%swap3A_592, %swap3A_593, %swap3A_594], %swap3A_597 {strides = array<i32>} : memref<25x4x1280xf32, #tpu.memory_space<vmem>>, vector<1x1x1280xf32>,
    %get3A_598 = arith.constant 0 : index
    %get3A_599 = arith.constant 12800 : index
    %get3A_600 = vector.load %arg3[%get3A_598, %get3A_599] : memref<8x32000xf32, #tpu.memory_space<vmem>>, vector<1x1280xf32>
    %get3A_601 = vector.shape_cast %get3A_600 : vector<1x1280xf32> to vector<1280xf32>
    %swap3A_602 = arith.constant 10 : index
    %swap3A_603 = arith.constant 2 : index
    %swap3A_604 = arith.constant 0 : index
    %swap3A_605 = vector.load %arg5[%swap3A_602, %swap3A_603, %swap3A_604] : memref<25x4x1280xf32, #tpu.memory_space<vmem>>, vector<1x1x1280xf32>
    %swap3A_606 = vector.shape_cast %swap3A_605 : vector<1x1x1280xf32> to vector<1280xf32>
    %swap3A_607 = vector.shape_cast %get3A_601 : vector<1280xf32> to vector<1x1x1280xf32>
    tpu.vector_store %arg5[%swap3A_602, %swap3A_603, %swap3A_604], %swap3A_607 {strides = array<i32>} : memref<25x4x1280xf32, #tpu.memory_space<vmem>>, vector<1x1x1280xf32>,
    %get3A_608 = arith.constant 0 : index
    %get3A_609 = arith.constant 14080 : index
    %get3A_610 = vector.load %arg3[%get3A_608, %get3A_609] : memref<8x32000xf32, #tpu.memory_space<vmem>>, vector<1x1280xf32>
    %get3A_611 = vector.shape_cast %get3A_610 : vector<1x1280xf32> to vector<1280xf32>
    %swap3A_612 = arith.constant 11 : index
    %swap3A_613 = arith.constant 2 : index
    %swap3A_614 = arith.constant 0 : index
    %swap3A_615 = vector.load %arg5[%swap3A_612, %swap3A_613, %swap3A_614] : memref<25x4x1280xf32, #tpu.memory_space<vmem>>, vector<1x1x1280xf32>
    %swap3A_616 = vector.shape_cast %swap3A_615 : vector<1x1x1280xf32> to vector<1280xf32>
    %swap3A_617 = vector.shape_cast %get3A_611 : vector<1280xf32> to vector<1x1x1280xf32>
    tpu.vector_store %arg5[%swap3A_612, %swap3A_613, %swap3A_614], %swap3A_617 {strides = array<i32>} : memref<25x4x1280xf32, #tpu.memory_space<vmem>>, vector<1x1x1280xf32>,
    %get3A_618 = arith.constant 0 : index
    %get3A_619 = arith.constant 15360 : index
    %get3A_620 = vector.load %arg3[%get3A_618, %get3A_619] : memref<8x32000xf32, #tpu.memory_space<vmem>>, vector<1x1280xf32>
    %get3A_621 = vector.shape_cast %get3A_620 : vector<1x1280xf32> to vector<1280xf32>
    %swap3A_622 = arith.constant 12 : index
    %swap3A_623 = arith.constant 2 : index
    %swap3A_624 = arith.constant 0 : index
    %swap3A_625 = vector.load %arg5[%swap3A_622, %swap3A_623, %swap3A_624] : memref<25x4x1280xf32, #tpu.memory_space<vmem>>, vector<1x1x1280xf32>
    %swap3A_626 = vector.shape_cast %swap3A_625 : vector<1x1x1280xf32> to vector<1280xf32>
    %swap3A_627 = vector.shape_cast %get3A_621 : vector<1280xf32> to vector<1x1x1280xf32>
    tpu.vector_store %arg5[%swap3A_622, %swap3A_623, %swap3A_624], %swap3A_627 {strides = array<i32>} : memref<25x4x1280xf32, #tpu.memory_space<vmem>>, vector<1x1x1280xf32>,
    %get3A_628 = arith.constant 0 : index
    %get3A_629 = arith.constant 16640 : index
    %get3A_630 = vector.load %arg3[%get3A_628, %get3A_629] : memref<8x32000xf32, #tpu.memory_space<vmem>>, vector<1x1280xf32>
    %get3A_631 = vector.shape_cast %get3A_630 : vector<1x1280xf32> to vector<1280xf32>
    %swap3A_632 = arith.constant 13 : index
    %swap3A_633 = arith.constant 2 : index
    %swap3A_634 = arith.constant 0 : index
    %swap3A_635 = vector.load %arg5[%swap3A_632, %swap3A_633, %swap3A_634] : memref<25x4x1280xf32, #tpu.memory_space<vmem>>, vector<1x1x1280xf32>
    %swap3A_636 = vector.shape_cast %swap3A_635 : vector<1x1x1280xf32> to vector<1280xf32>
    %swap3A_637 = vector.shape_cast %get3A_631 : vector<1280xf32> to vector<1x1x1280xf32>
    tpu.vector_store %arg5[%swap3A_632, %swap3A_633, %swap3A_634], %swap3A_637 {strides = array<i32>} : memref<25x4x1280xf32, #tpu.memory_space<vmem>>, vector<1x1x1280xf32>,
    %get3A_638 = arith.constant 0 : index
    %get3A_639 = arith.constant 17920 : index
    %get3A_640 = vector.load %arg3[%get3A_638, %get3A_639] : memref<8x32000xf32, #tpu.memory_space<vmem>>, vector<1x1280xf32>
    %get3A_641 = vector.shape_cast %get3A_640 : vector<1x1280xf32> to vector<1280xf32>
    %swap3A_642 = arith.constant 14 : index
    %swap3A_643 = arith.constant 2 : index
    %swap3A_644 = arith.constant 0 : index
    %swap3A_645 = vector.load %arg5[%swap3A_642, %swap3A_643, %swap3A_644] : memref<25x4x1280xf32, #tpu.memory_space<vmem>>, vector<1x1x1280xf32>
    %swap3A_646 = vector.shape_cast %swap3A_645 : vector<1x1x1280xf32> to vector<1280xf32>
    %swap3A_647 = vector.shape_cast %get3A_641 : vector<1280xf32> to vector<1x1x1280xf32>
    tpu.vector_store %arg5[%swap3A_642, %swap3A_643, %swap3A_644], %swap3A_647 {strides = array<i32>} : memref<25x4x1280xf32, #tpu.memory_space<vmem>>, vector<1x1x1280xf32>,
    %get3A_648 = arith.constant 0 : index
    %get3A_649 = arith.constant 19200 : index
    %get3A_650 = vector.load %arg3[%get3A_648, %get3A_649] : memref<8x32000xf32, #tpu.memory_space<vmem>>, vector<1x1280xf32>
    %get3A_651 = vector.shape_cast %get3A_650 : vector<1x1280xf32> to vector<1280xf32>
    %swap3A_652 = arith.constant 15 : index
    %swap3A_653 = arith.constant 2 : index
    %swap3A_654 = arith.constant 0 : index
    %swap3A_655 = vector.load %arg5[%swap3A_652, %swap3A_653, %swap3A_654] : memref<25x4x1280xf32, #tpu.memory_space<vmem>>, vector<1x1x1280xf32>
    %swap3A_656 = vector.shape_cast %swap3A_655 : vector<1x1x1280xf32> to vector<1280xf32>
    %swap3A_657 = vector.shape_cast %get3A_651 : vector<1280xf32> to vector<1x1x1280xf32>
    tpu.vector_store %arg5[%swap3A_652, %swap3A_653, %swap3A_654], %swap3A_657 {strides = array<i32>} : memref<25x4x1280xf32, #tpu.memory_space<vmem>>, vector<1x1x1280xf32>,
    %get3A_658 = arith.constant 0 : index
    %get3A_659 = arith.constant 20480 : index
    %get3A_660 = vector.load %arg3[%get3A_658, %get3A_659] : memref<8x32000xf32, #tpu.memory_space<vmem>>, vector<1x1280xf32>
    %get3A_661 = vector.shape_cast %get3A_660 : vector<1x1280xf32> to vector<1280xf32>
    %swap3A_662 = arith.constant 16 : index
    %swap3A_663 = arith.constant 2 : index
    %swap3A_664 = arith.constant 0 : index
    %swap3A_665 = vector.load %arg5[%swap3A_662, %swap3A_663, %swap3A_664] : memref<25x4x1280xf32, #tpu.memory_space<vmem>>, vector<1x1x1280xf32>
    %swap3A_666 = vector.shape_cast %swap3A_665 : vector<1x1x1280xf32> to vector<1280xf32>
    %swap3A_667 = vector.shape_cast %get3A_661 : vector<1280xf32> to vector<1x1x1280xf32>
    tpu.vector_store %arg5[%swap3A_662, %swap3A_663, %swap3A_664], %swap3A_667 {strides = array<i32>} : memref<25x4x1280xf32, #tpu.memory_space<vmem>>, vector<1x1x1280xf32>,
    %get3A_668 = arith.constant 0 : index
    %get3A_669 = arith.constant 21760 : index
    %get3A_670 = vector.load %arg3[%get3A_668, %get3A_669] : memref<8x32000xf32, #tpu.memory_space<vmem>>, vector<1x1280xf32>
    %get3A_671 = vector.shape_cast %get3A_670 : vector<1x1280xf32> to vector<1280xf32>
    %swap3A_672 = arith.constant 17 : index
    %swap3A_673 = arith.constant 2 : index
    %swap3A_674 = arith.constant 0 : index
    %swap3A_675 = vector.load %arg5[%swap3A_672, %swap3A_673, %swap3A_674] : memref<25x4x1280xf32, #tpu.memory_space<vmem>>, vector<1x1x1280xf32>
    %swap3A_676 = vector.shape_cast %swap3A_675 : vector<1x1x1280xf32> to vector<1280xf32>
    %swap3A_677 = vector.shape_cast %get3A_671 : vector<1280xf32> to vector<1x1x1280xf32>
    tpu.vector_store %arg5[%swap3A_672, %swap3A_673, %swap3A_674], %swap3A_677 {strides = array<i32>} : memref<25x4x1280xf32, #tpu.memory_space<vmem>>, vector<1x1x1280xf32>,
    %get3A_678 = arith.constant 0 : index
    %get3A_679 = arith.constant 23040 : index
    %get3A_680 = vector.load %arg3[%get3A_678, %get3A_679] : memref<8x32000xf32, #tpu.memory_space<vmem>>, vector<1x1280xf32>
    %get3A_681 = vector.shape_cast %get3A_680 : vector<1x1280xf32> to vector<1280xf32>
    %swap3A_682 = arith.constant 18 : index
    %swap3A_683 = arith.constant 2 : index
    %swap3A_684 = arith.constant 0 : index
    %swap3A_685 = vector.load %arg5[%swap3A_682, %swap3A_683, %swap3A_684] : memref<25x4x1280xf32, #tpu.memory_space<vmem>>, vector<1x1x1280xf32>
    %swap3A_686 = vector.shape_cast %swap3A_685 : vector<1x1x1280xf32> to vector<1280xf32>
    %swap3A_687 = vector.shape_cast %get3A_681 : vector<1280xf32> to vector<1x1x1280xf32>
    tpu.vector_store %arg5[%swap3A_682, %swap3A_683, %swap3A_684], %swap3A_687 {strides = array<i32>} : memref<25x4x1280xf32, #tpu.memory_space<vmem>>, vector<1x1x1280xf32>,
    %get3A_688 = arith.constant 0 : index
    %get3A_689 = arith.constant 24320 : index
    %get3A_690 = vector.load %arg3[%get3A_688, %get3A_689] : memref<8x32000xf32, #tpu.memory_space<vmem>>, vector<1x1280xf32>
    %get3A_691 = vector.shape_cast %get3A_690 : vector<1x1280xf32> to vector<1280xf32>
    %swap3A_692 = arith.constant 19 : index
    %swap3A_693 = arith.constant 2 : index
    %swap3A_694 = arith.constant 0 : index
    %swap3A_695 = vector.load %arg5[%swap3A_692, %swap3A_693, %swap3A_694] : memref<25x4x1280xf32, #tpu.memory_space<vmem>>, vector<1x1x1280xf32>
    %swap3A_696 = vector.shape_cast %swap3A_695 : vector<1x1x1280xf32> to vector<1280xf32>
    %swap3A_697 = vector.shape_cast %get3A_691 : vector<1280xf32> to vector<1x1x1280xf32>
    tpu.vector_store %arg5[%swap3A_692, %swap3A_693, %swap3A_694], %swap3A_697 {strides = array<i32>} : memref<25x4x1280xf32, #tpu.memory_space<vmem>>, vector<1x1x1280xf32>,
    %get3A_698 = arith.constant 0 : index
    %get3A_699 = arith.constant 25600 : index
    %get3A_700 = vector.load %arg3[%get3A_698, %get3A_699] : memref<8x32000xf32, #tpu.memory_space<vmem>>, vector<1x1280xf32>
    %get3A_701 = vector.shape_cast %get3A_700 : vector<1x1280xf32> to vector<1280xf32>
    %swap3A_702 = arith.constant 20 : index
    %swap3A_703 = arith.constant 2 : index
    %swap3A_704 = arith.constant 0 : index
    %swap3A_705 = vector.load %arg5[%swap3A_702, %swap3A_703, %swap3A_704] : memref<25x4x1280xf32, #tpu.memory_space<vmem>>, vector<1x1x1280xf32>
    %swap3A_706 = vector.shape_cast %swap3A_705 : vector<1x1x1280xf32> to vector<1280xf32>
    %swap3A_707 = vector.shape_cast %get3A_701 : vector<1280xf32> to vector<1x1x1280xf32>
    tpu.vector_store %arg5[%swap3A_702, %swap3A_703, %swap3A_704], %swap3A_707 {strides = array<i32>} : memref<25x4x1280xf32, #tpu.memory_space<vmem>>, vector<1x1x1280xf32>,
    %get3A_708 = arith.constant 0 : index
    %get3A_709 = arith.constant 26880 : index
    %get3A_710 = vector.load %arg3[%get3A_708, %get3A_709] : memref<8x32000xf32, #tpu.memory_space<vmem>>, vector<1x1280xf32>
    %get3A_711 = vector.shape_cast %get3A_710 : vector<1x1280xf32> to vector<1280xf32>
    %swap3A_712 = arith.constant 21 : index
    %swap3A_713 = arith.constant 2 : index
    %swap3A_714 = arith.constant 0 : index
    %swap3A_715 = vector.load %arg5[%swap3A_712, %swap3A_713, %swap3A_714] : memref<25x4x1280xf32, #tpu.memory_space<vmem>>, vector<1x1x1280xf32>
    %swap3A_716 = vector.shape_cast %swap3A_715 : vector<1x1x1280xf32> to vector<1280xf32>
    %swap3A_717 = vector.shape_cast %get3A_711 : vector<1280xf32> to vector<1x1x1280xf32>
    tpu.vector_store %arg5[%swap3A_712, %swap3A_713, %swap3A_714], %swap3A_717 {strides = array<i32>} : memref<25x4x1280xf32, #tpu.memory_space<vmem>>, vector<1x1x1280xf32>,
    %get3A_718 = arith.constant 0 : index
    %get3A_719 = arith.constant 28160 : index
    %get3A_720 = vector.load %arg3[%get3A_718, %get3A_719] : memref<8x32000xf32, #tpu.memory_space<vmem>>, vector<1x1280xf32>
    %get3A_721 = vector.shape_cast %get3A_720 : vector<1x1280xf32> to vector<1280xf32>
    %swap3A_722 = arith.constant 22 : index
    %swap3A_723 = arith.constant 2 : index
    %swap3A_724 = arith.constant 0 : index
    %swap3A_725 = vector.load %arg5[%swap3A_722, %swap3A_723, %swap3A_724] : memref<25x4x1280xf32, #tpu.memory_space<vmem>>, vector<1x1x1280xf32>
    %swap3A_726 = vector.shape_cast %swap3A_725 : vector<1x1x1280xf32> to vector<1280xf32>
    %swap3A_727 = vector.shape_cast %get3A_721 : vector<1280xf32> to vector<1x1x1280xf32>
    tpu.vector_store %arg5[%swap3A_722, %swap3A_723, %swap3A_724], %swap3A_727 {strides = array<i32>} : memref<25x4x1280xf32, #tpu.memory_space<vmem>>, vector<1x1x1280xf32>,
    %get3A_728 = arith.constant 0 : index
    %get3A_729 = arith.constant 29440 : index
    %get3A_730 = vector.load %arg3[%get3A_728, %get3A_729] : memref<8x32000xf32, #tpu.memory_space<vmem>>, vector<1x1280xf32>
    %get3A_731 = vector.shape_cast %get3A_730 : vector<1x1280xf32> to vector<1280xf32>
    %swap3A_732 = arith.constant 23 : index
    %swap3A_733 = arith.constant 2 : index
    %swap3A_734 = arith.constant 0 : index
    %swap3A_735 = vector.load %arg5[%swap3A_732, %swap3A_733, %swap3A_734] : memref<25x4x1280xf32, #tpu.memory_space<vmem>>, vector<1x1x1280xf32>
    %swap3A_736 = vector.shape_cast %swap3A_735 : vector<1x1x1280xf32> to vector<1280xf32>
    %swap3A_737 = vector.shape_cast %get3A_731 : vector<1280xf32> to vector<1x1x1280xf32>
    tpu.vector_store %arg5[%swap3A_732, %swap3A_733, %swap3A_734], %swap3A_737 {strides = array<i32>} : memref<25x4x1280xf32, #tpu.memory_space<vmem>>, vector<1x1x1280xf32>,
    %get3A_738 = arith.constant 0 : index
    %get3A_739 = arith.constant 30720 : index
    %get3A_740 = vector.load %arg3[%get3A_738, %get3A_739] : memref<8x32000xf32, #tpu.memory_space<vmem>>, vector<1x1280xf32>
    %get3A_741 = vector.shape_cast %get3A_740 : vector<1x1280xf32> to vector<1280xf32>
    %swap3A_742 = arith.constant 24 : index
    %swap3A_743 = arith.constant 2 : index
    %swap3A_744 = arith.constant 0 : index
    %swap3A_745 = vector.load %arg5[%swap3A_742, %swap3A_743, %swap3A_744] : memref<25x4x1280xf32, #tpu.memory_space<vmem>>, vector<1x1x1280xf32>
    %swap3A_746 = vector.shape_cast %swap3A_745 : vector<1x1x1280xf32> to vector<1280xf32>
    %swap3A_747 = vector.shape_cast %get3A_741 : vector<1280xf32> to vector<1x1x1280xf32>
    tpu.vector_store %arg5[%swap3A_742, %swap3A_743, %swap3A_744], %swap3A_747 {strides = array<i32>} : memref<25x4x1280xf32, #tpu.memory_space<vmem>>, vector<1x1x1280xf32>,
    %get3A_748 = arith.constant 0 : index
    %get3A_749 = arith.constant 0 : index
    %get3A_750 = vector.load %arg4[%get3A_748, %get3A_749] : memref<8x32000xf32, #tpu.memory_space<vmem>>, vector<1x1280xf32>
    %get3A_751 = vector.shape_cast %get3A_750 : vector<1x1280xf32> to vector<1280xf32>
    %swap3A_752 = arith.constant 0 : index
    %swap3A_753 = arith.constant 3 : index
    %swap3A_754 = arith.constant 0 : index
    %swap3A_755 = vector.load %arg5[%swap3A_752, %swap3A_753, %swap3A_754] : memref<25x4x1280xf32, #tpu.memory_space<vmem>>, vector<1x1x1280xf32>
    %swap3A_756 = vector.shape_cast %swap3A_755 : vector<1x1x1280xf32> to vector<1280xf32>
    %swap3A_757 = vector.shape_cast %get3A_751 : vector<1280xf32> to vector<1x1x1280xf32>
    tpu.vector_store %arg5[%swap3A_752, %swap3A_753, %swap3A_754], %swap3A_757 {strides = array<i32>} : memref<25x4x1280xf32, #tpu.memory_space<vmem>>, vector<1x1x1280xf32>,
    %get3A_758 = arith.constant 0 : index
    %get3A_759 = arith.constant 1280 : index
    %get3A_760 = vector.load %arg4[%get3A_758, %get3A_759] : memref<8x32000xf32, #tpu.memory_space<vmem>>, vector<1x1280xf32>
    %get3A_761 = vector.shape_cast %get3A_760 : vector<1x1280xf32> to vector<1280xf32>
    %swap3A_762 = arith.constant 1 : index
    %swap3A_763 = arith.constant 3 : index
    %swap3A_764 = arith.constant 0 : index
    %swap3A_765 = vector.load %arg5[%swap3A_762, %swap3A_763, %swap3A_764] : memref<25x4x1280xf32, #tpu.memory_space<vmem>>, vector<1x1x1280xf32>
    %swap3A_766 = vector.shape_cast %swap3A_765 : vector<1x1x1280xf32> to vector<1280xf32>
    %swap3A_767 = vector.shape_cast %get3A_761 : vector<1280xf32> to vector<1x1x1280xf32>
    tpu.vector_store %arg5[%swap3A_762, %swap3A_763, %swap3A_764], %swap3A_767 {strides = array<i32>} : memref<25x4x1280xf32, #tpu.memory_space<vmem>>, vector<1x1x1280xf32>,
    %get3A_768 = arith.constant 0 : index
    %get3A_769 = arith.constant 2560 : index
    %get3A_770 = vector.load %arg4[%get3A_768, %get3A_769] : memref<8x32000xf32, #tpu.memory_space<vmem>>, vector<1x1280xf32>
    %get3A_771 = vector.shape_cast %get3A_770 : vector<1x1280xf32> to vector<1280xf32>
    %swap3A_772 = arith.constant 2 : index
    %swap3A_773 = arith.constant 3 : index
    %swap3A_774 = arith.constant 0 : index
    %swap3A_775 = vector.load %arg5[%swap3A_772, %swap3A_773, %swap3A_774] : memref<25x4x1280xf32, #tpu.memory_space<vmem>>, vector<1x1x1280xf32>
    %swap3A_776 = vector.shape_cast %swap3A_775 : vector<1x1x1280xf32> to vector<1280xf32>
    %swap3A_777 = vector.shape_cast %get3A_771 : vector<1280xf32> to vector<1x1x1280xf32>
    tpu.vector_store %arg5[%swap3A_772, %swap3A_773, %swap3A_774], %swap3A_777 {strides = array<i32>} : memref<25x4x1280xf32, #tpu.memory_space<vmem>>, vector<1x1x1280xf32>,
    %get3A_778 = arith.constant 0 : index
    %get3A_779 = arith.constant 3840 : index
    %get3A_780 = vector.load %arg4[%get3A_778, %get3A_779] : memref<8x32000xf32, #tpu.memory_space<vmem>>, vector<1x1280xf32>
    %get3A_781 = vector.shape_cast %get3A_780 : vector<1x1280xf32> to vector<1280xf32>
    %swap3A_782 = arith.constant 3 : index
    %swap3A_783 = arith.constant 3 : index
    %swap3A_784 = arith.constant 0 : index
    %swap3A_785 = vector.load %arg5[%swap3A_782, %swap3A_783, %swap3A_784] : memref<25x4x1280xf32, #tpu.memory_space<vmem>>, vector<1x1x1280xf32>
    %swap3A_786 = vector.shape_cast %swap3A_785 : vector<1x1x1280xf32> to vector<1280xf32>
    %swap3A_787 = vector.shape_cast %get3A_781 : vector<1280xf32> to vector<1x1x1280xf32>
    tpu.vector_store %arg5[%swap3A_782, %swap3A_783, %swap3A_784], %swap3A_787 {strides = array<i32>} : memref<25x4x1280xf32, #tpu.memory_space<vmem>>, vector<1x1x1280xf32>,
    %get3A_788 = arith.constant 0 : index
    %get3A_789 = arith.constant 5120 : index
    %get3A_790 = vector.load %arg4[%get3A_788, %get3A_789] : memref<8x32000xf32, #tpu.memory_space<vmem>>, vector<1x1280xf32>
    %get3A_791 = vector.shape_cast %get3A_790 : vector<1x1280xf32> to vector<1280xf32>
    %swap3A_792 = arith.constant 4 : index
    %swap3A_793 = arith.constant 3 : index
    %swap3A_794 = arith.constant 0 : index
    %swap3A_795 = vector.load %arg5[%swap3A_792, %swap3A_793, %swap3A_794] : memref<25x4x1280xf32, #tpu.memory_space<vmem>>, vector<1x1x1280xf32>
    %swap3A_796 = vector.shape_cast %swap3A_795 : vector<1x1x1280xf32> to vector<1280xf32>
    %swap3A_797 = vector.shape_cast %get3A_791 : vector<1280xf32> to vector<1x1x1280xf32>
    tpu.vector_store %arg5[%swap3A_792, %swap3A_793, %swap3A_794], %swap3A_797 {strides = array<i32>} : memref<25x4x1280xf32, #tpu.memory_space<vmem>>, vector<1x1x1280xf32>,
    %get3A_798 = arith.constant 0 : index
    %get3A_799 = arith.constant 6400 : index
    %get3A_800 = vector.load %arg4[%get3A_798, %get3A_799] : memref<8x32000xf32, #tpu.memory_space<vmem>>, vector<1x1280xf32>
    %get3A_801 = vector.shape_cast %get3A_800 : vector<1x1280xf32> to vector<1280xf32>
    %swap3A_802 = arith.constant 5 : index
    %swap3A_803 = arith.constant 3 : index
    %swap3A_804 = arith.constant 0 : index
    %swap3A_805 = vector.load %arg5[%swap3A_802, %swap3A_803, %swap3A_804] : memref<25x4x1280xf32, #tpu.memory_space<vmem>>, vector<1x1x1280xf32>
    %swap3A_806 = vector.shape_cast %swap3A_805 : vector<1x1x1280xf32> to vector<1280xf32>
    %swap3A_807 = vector.shape_cast %get3A_801 : vector<1280xf32> to vector<1x1x1280xf32>
    tpu.vector_store %arg5[%swap3A_802, %swap3A_803, %swap3A_804], %swap3A_807 {strides = array<i32>} : memref<25x4x1280xf32, #tpu.memory_space<vmem>>, vector<1x1x1280xf32>,
    %get3A_808 = arith.constant 0 : index
    %get3A_809 = arith.constant 7680 : index
    %get3A_810 = vector.load %arg4[%get3A_808, %get3A_809] : memref<8x32000xf32, #tpu.memory_space<vmem>>, vector<1x1280xf32>
    %get3A_811 = vector.shape_cast %get3A_810 : vector<1x1280xf32> to vector<1280xf32>
    %swap3A_812 = arith.constant 6 : index
    %swap3A_813 = arith.constant 3 : index
    %swap3A_814 = arith.constant 0 : index
    %swap3A_815 = vector.load %arg5[%swap3A_812, %swap3A_813, %swap3A_814] : memref<25x4x1280xf32, #tpu.memory_space<vmem>>, vector<1x1x1280xf32>
    %swap3A_816 = vector.shape_cast %swap3A_815 : vector<1x1x1280xf32> to vector<1280xf32>
    %swap3A_817 = vector.shape_cast %get3A_811 : vector<1280xf32> to vector<1x1x1280xf32>
    tpu.vector_store %arg5[%swap3A_812, %swap3A_813, %swap3A_814], %swap3A_817 {strides = array<i32>} : memref<25x4x1280xf32, #tpu.memory_space<vmem>>, vector<1x1x1280xf32>,
    %get3A_818 = arith.constant 0 : index
    %get3A_819 = arith.constant 8960 : index
    %get3A_820 = vector.load %arg4[%get3A_818, %get3A_819] : memref<8x32000xf32, #tpu.memory_space<vmem>>, vector<1x1280xf32>
    %get3A_821 = vector.shape_cast %get3A_820 : vector<1x1280xf32> to vector<1280xf32>
    %swap3A_822 = arith.constant 7 : index
    %swap3A_823 = arith.constant 3 : index
    %swap3A_824 = arith.constant 0 : index
    %swap3A_825 = vector.load %arg5[%swap3A_822, %swap3A_823, %swap3A_824] : memref<25x4x1280xf32, #tpu.memory_space<vmem>>, vector<1x1x1280xf32>
    %swap3A_826 = vector.shape_cast %swap3A_825 : vector<1x1x1280xf32> to vector<1280xf32>
    %swap3A_827 = vector.shape_cast %get3A_821 : vector<1280xf32> to vector<1x1x1280xf32>
    tpu.vector_store %arg5[%swap3A_822, %swap3A_823, %swap3A_824], %swap3A_827 {strides = array<i32>} : memref<25x4x1280xf32, #tpu.memory_space<vmem>>, vector<1x1x1280xf32>,
    %get3A_828 = arith.constant 0 : index
    %get3A_829 = arith.constant 10240 : index
    %get3A_830 = vector.load %arg4[%get3A_828, %get3A_829] : memref<8x32000xf32, #tpu.memory_space<vmem>>, vector<1x1280xf32>
    %get3A_831 = vector.shape_cast %get3A_830 : vector<1x1280xf32> to vector<1280xf32>
    %swap3A_832 = arith.constant 8 : index
    %swap3A_833 = arith.constant 3 : index
    %swap3A_834 = arith.constant 0 : index
    %swap3A_835 = vector.load %arg5[%swap3A_832, %swap3A_833, %swap3A_834] : memref<25x4x1280xf32, #tpu.memory_space<vmem>>, vector<1x1x1280xf32>
    %swap3A_836 = vector.shape_cast %swap3A_835 : vector<1x1x1280xf32> to vector<1280xf32>
    %swap3A_837 = vector.shape_cast %get3A_831 : vector<1280xf32> to vector<1x1x1280xf32>
    tpu.vector_store %arg5[%swap3A_832, %swap3A_833, %swap3A_834], %swap3A_837 {strides = array<i32>} : memref<25x4x1280xf32, #tpu.memory_space<vmem>>, vector<1x1x1280xf32>,
    %get3A_838 = arith.constant 0 : index
    %get3A_839 = arith.constant 11520 : index
    %get3A_840 = vector.load %arg4[%get3A_838, %get3A_839] : memref<8x32000xf32, #tpu.memory_space<vmem>>, vector<1x1280xf32>
    %get3A_841 = vector.shape_cast %get3A_840 : vector<1x1280xf32> to vector<1280xf32>
    %swap3A_842 = arith.constant 9 : index
    %swap3A_843 = arith.constant 3 : index
    %swap3A_844 = arith.constant 0 : index
    %swap3A_845 = vector.load %arg5[%swap3A_842, %swap3A_843, %swap3A_844] : memref<25x4x1280xf32, #tpu.memory_space<vmem>>, vector<1x1x1280xf32>
    %swap3A_846 = vector.shape_cast %swap3A_845 : vector<1x1x1280xf32> to vector<1280xf32>
    %swap3A_847 = vector.shape_cast %get3A_841 : vector<1280xf32> to vector<1x1x1280xf32>
    tpu.vector_store %arg5[%swap3A_842, %swap3A_843, %swap3A_844], %swap3A_847 {strides = array<i32>} : memref<25x4x1280xf32, #tpu.memory_space<vmem>>, vector<1x1x1280xf32>,
    %get3A_848 = arith.constant 0 : index
    %get3A_849 = arith.constant 12800 : index
    %get3A_850 = vector.load %arg4[%get3A_848, %get3A_849] : memref<8x32000xf32, #tpu.memory_space<vmem>>, vector<1x1280xf32>
    %get3A_851 = vector.shape_cast %get3A_850 : vector<1x1280xf32> to vector<1280xf32>
    %swap3A_852 = arith.constant 10 : index
    %swap3A_853 = arith.constant 3 : index
    %swap3A_854 = arith.constant 0 : index
    %swap3A_855 = vector.load %arg5[%swap3A_852, %swap3A_853, %swap3A_854] : memref<25x4x1280xf32, #tpu.memory_space<vmem>>, vector<1x1x1280xf32>
    %swap3A_856 = vector.shape_cast %swap3A_855 : vector<1x1x1280xf32> to vector<1280xf32>
    %swap3A_857 = vector.shape_cast %get3A_851 : vector<1280xf32> to vector<1x1x1280xf32>
    tpu.vector_store %arg5[%swap3A_852, %swap3A_853, %swap3A_854], %swap3A_857 {strides = array<i32>} : memref<25x4x1280xf32, #tpu.memory_space<vmem>>, vector<1x1x1280xf32>,
    %get3A_858 = arith.constant 0 : index
    %get3A_859 = arith.constant 14080 : index
    %get3A_860 = vector.load %arg4[%get3A_858, %get3A_859] : memref<8x32000xf32, #tpu.memory_space<vmem>>, vector<1x1280xf32>
    %get3A_861 = vector.shape_cast %get3A_860 : vector<1x1280xf32> to vector<1280xf32>
    %swap3A_862 = arith.constant 11 : index
    %swap3A_863 = arith.constant 3 : index
    %swap3A_864 = arith.constant 0 : index
    %swap3A_865 = vector.load %arg5[%swap3A_862, %swap3A_863, %swap3A_864] : memref<25x4x1280xf32, #tpu.memory_space<vmem>>, vector<1x1x1280xf32>
    %swap3A_866 = vector.shape_cast %swap3A_865 : vector<1x1x1280xf32> to vector<1280xf32>
    %swap3A_867 = vector.shape_cast %get3A_861 : vector<1280xf32> to vector<1x1x1280xf32>
    tpu.vector_store %arg5[%swap3A_862, %swap3A_863, %swap3A_864], %swap3A_867 {strides = array<i32>} : memref<25x4x1280xf32, #tpu.memory_space<vmem>>, vector<1x1x1280xf32>,
    %get3A_868 = arith.constant 0 : index
    %get3A_869 = arith.constant 15360 : index
    %get3A_870 = vector.load %arg4[%get3A_868, %get3A_869] : memref<8x32000xf32, #tpu.memory_space<vmem>>, vector<1x1280xf32>
    %get3A_871 = vector.shape_cast %get3A_870 : vector<1x1280xf32> to vector<1280xf32>
    %swap3A_872 = arith.constant 12 : index
    %swap3A_873 = arith.constant 3 : index
    %swap3A_874 = arith.constant 0 : index
    %swap3A_875 = vector.load %arg5[%swap3A_872, %swap3A_873, %swap3A_874] : memref<25x4x1280xf32, #tpu.memory_space<vmem>>, vector<1x1x1280xf32>
    %swap3A_876 = vector.shape_cast %swap3A_875 : vector<1x1x1280xf32> to vector<1280xf32>
    %swap3A_877 = vector.shape_cast %get3A_871 : vector<1280xf32> to vector<1x1x1280xf32>
    tpu.vector_store %arg5[%swap3A_872, %swap3A_873, %swap3A_874], %swap3A_877 {strides = array<i32>} : memref<25x4x1280xf32, #tpu.memory_space<vmem>>, vector<1x1x1280xf32>,
    %get3A_878 = arith.constant 0 : index
    %get3A_879 = arith.constant 16640 : index
    %get3A_880 = vector.load %arg4[%get3A_878, %get3A_879] : memref<8x32000xf32, #tpu.memory_space<vmem>>, vector<1x1280xf32>
    %get3A_881 = vector.shape_cast %get3A_880 : vector<1x1280xf32> to vector<1280xf32>
    %swap3A_882 = arith.constant 13 : index
    %swap3A_883 = arith.constant 3 : index
    %swap3A_884 = arith.constant 0 : index
    %swap3A_885 = vector.load %arg5[%swap3A_882, %swap3A_883, %swap3A_884] : memref<25x4x1280xf32, #tpu.memory_space<vmem>>, vector<1x1x1280xf32>
    %swap3A_886 = vector.shape_cast %swap3A_885 : vector<1x1x1280xf32> to vector<1280xf32>
    %swap3A_887 = vector.shape_cast %get3A_881 : vector<1280xf32> to vector<1x1x1280xf32>
    tpu.vector_store %arg5[%swap3A_882, %swap3A_883, %swap3A_884], %swap3A_887 {strides = array<i32>} : memref<25x4x1280xf32, #tpu.memory_space<vmem>>, vector<1x1x1280xf32>,
    %get3A_888 = arith.constant 0 : index
    %get3A_889 = arith.constant 17920 : index
    %get3A_890 = vector.load %arg4[%get3A_888, %get3A_889] : memref<8x32000xf32, #tpu.memory_space<vmem>>, vector<1x1280xf32>
    %get3A_891 = vector.shape_cast %get3A_890 : vector<1x1280xf32> to vector<1280xf32>
    %swap3A_892 = arith.constant 14 : index
    %swap3A_893 = arith.constant 3 : index
    %swap3A_894 = arith.constant 0 : index
    %swap3A_895 = vector.load %arg5[%swap3A_892, %swap3A_893, %swap3A_894] : memref<25x4x1280xf32, #tpu.memory_space<vmem>>, vector<1x1x1280xf32>
    %swap3A_896 = vector.shape_cast %swap3A_895 : vector<1x1x1280xf32> to vector<1280xf32>
    %swap3A_897 = vector.shape_cast %get3A_891 : vector<1280xf32> to vector<1x1x1280xf32>
    tpu.vector_store %arg5[%swap3A_892, %swap3A_893, %swap3A_894], %swap3A_897 {strides = array<i32>} : memref<25x4x1280xf32, #tpu.memory_space<vmem>>, vector<1x1x1280xf32>,
    %get3A_898 = arith.constant 0 : index
    %get3A_899 = arith.constant 19200 : index
    %get3A_900 = vector.load %arg4[%get3A_898, %get3A_899] : memref<8x32000xf32, #tpu.memory_space<vmem>>, vector<1x1280xf32>
    %get3A_901 = vector.shape_cast %get3A_900 : vector<1x1280xf32> to vector<1280xf32>
    %swap3A_902 = arith.constant 15 : index
    %swap3A_903 = arith.constant 3 : index
    %swap3A_904 = arith.constant 0 : index
    %swap3A_905 = vector.load %arg5[%swap3A_902, %swap3A_903, %swap3A_904] : memref<25x4x1280xf32, #tpu.memory_space<vmem>>, vector<1x1x1280xf32>
    %swap3A_906 = vector.shape_cast %swap3A_905 : vector<1x1x1280xf32> to vector<1280xf32>
    %swap3A_907 = vector.shape_cast %get3A_901 : vector<1280xf32> to vector<1x1x1280xf32>
    tpu.vector_store %arg5[%swap3A_902, %swap3A_903, %swap3A_904], %swap3A_907 {strides = array<i32>} : memref<25x4x1280xf32, #tpu.memory_space<vmem>>, vector<1x1x1280xf32>,
    %get3A_908 = arith.constant 0 : index
    %get3A_909 = arith.constant 20480 : index
    %get3A_910 = vector.load %arg4[%get3A_908, %get3A_909] : memref<8x32000xf32, #tpu.memory_space<vmem>>, vector<1x1280xf32>
    %get3A_911 = vector.shape_cast %get3A_910 : vector<1x1280xf32> to vector<1280xf32>
    %swap3A_912 = arith.constant 16 : index
    %swap3A_913 = arith.constant 3 : index
    %swap3A_914 = arith.constant 0 : index
    %swap3A_915 = vector.load %arg5[%swap3A_912, %swap3A_913, %swap3A_914] : memref<25x4x1280xf32, #tpu.memory_space<vmem>>, vector<1x1x1280xf32>
    %swap3A_916 = vector.shape_cast %swap3A_915 : vector<1x1x1280xf32> to vector<1280xf32>
    %swap3A_917 = vector.shape_cast %get3A_911 : vector<1280xf32> to vector<1x1x1280xf32>
    tpu.vector_store %arg5[%swap3A_912, %swap3A_913, %swap3A_914], %swap3A_917 {strides = array<i32>} : memref<25x4x1280xf32, #tpu.memory_space<vmem>>, vector<1x1x1280xf32>,
    %get3A_918 = arith.constant 0 : index
    %get3A_919 = arith.constant 21760 : index
    %get3A_920 = vector.load %arg4[%get3A_918, %get3A_919] : memref<8x32000xf32, #tpu.memory_space<vmem>>, vector<1x1280xf32>
    %get3A_921 = vector.shape_cast %get3A_920 : vector<1x1280xf32> to vector<1280xf32>
    %swap3A_922 = arith.constant 17 : index
    %swap3A_923 = arith.constant 3 : index
    %swap3A_924 = arith.constant 0 : index
    %swap3A_925 = vector.load %arg5[%swap3A_922, %swap3A_923, %swap3A_924] : memref<25x4x1280xf32, #tpu.memory_space<vmem>>, vector<1x1x1280xf32>
    %swap3A_926 = vector.shape_cast %swap3A_925 : vector<1x1x1280xf32> to vector<1280xf32>
    %swap3A_927 = vector.shape_cast %get3A_921 : vector<1280xf32> to vector<1x1x1280xf32>
    tpu.vector_store %arg5[%swap3A_922, %swap3A_923, %swap3A_924], %swap3A_927 {strides = array<i32>} : memref<25x4x1280xf32, #tpu.memory_space<vmem>>, vector<1x1x1280xf32>,
    %get3A_928 = arith.constant 0 : index
    %get3A_929 = arith.constant 23040 : index
    %get3A_930 = vector.load %arg4[%get3A_928, %get3A_929] : memref<8x32000xf32, #tpu.memory_space<vmem>>, vector<1x1280xf32>
    %get3A_931 = vector.shape_cast %get3A_930 : vector<1x1280xf32> to vector<1280xf32>
    %swap3A_932 = arith.constant 18 : index
    %swap3A_933 = arith.constant 3 : index
    %swap3A_934 = arith.constant 0 : index
    %swap3A_935 = vector.load %arg5[%swap3A_932, %swap3A_933, %swap3A_934] : memref<25x4x1280xf32, #tpu.memory_space<vmem>>, vector<1x1x1280xf32>
    %swap3A_936 = vector.shape_cast %swap3A_935 : vector<1x1x1280xf32> to vector<1280xf32>
    %swap3A_937 = vector.shape_cast %get3A_931 : vector<1280xf32> to vector<1x1x1280xf32>
    tpu.vector_store %arg5[%swap3A_932, %swap3A_933, %swap3A_934], %swap3A_937 {strides = array<i32>} : memref<25x4x1280xf32, #tpu.memory_space<vmem>>, vector<1x1x1280xf32>,
    %get3A_938 = arith.constant 0 : index
    %get3A_939 = arith.constant 24320 : index
    %get3A_940 = vector.load %arg4[%get3A_938, %get3A_939] : memref<8x32000xf32, #tpu.memory_space<vmem>>, vector<1x1280xf32>
    %get3A_941 = vector.shape_cast %get3A_940 : vector<1x1280xf32> to vector<1280xf32>
    %swap3A_942 = arith.constant 19 : index
    %swap3A_943 = arith.constant 3 : index
    %swap3A_944 = arith.constant 0 : index
    %swap3A_945 = vector.load %arg5[%swap3A_942, %swap3A_943, %swap3A_944] : memref<25x4x1280xf32, #tpu.memory_space<vmem>>, vector<1x1x1280xf32>
    %swap3A_946 = vector.shape_cast %swap3A_945 : vector<1x1x1280xf32> to vector<1280xf32>
    %swap3A_947 = vector.shape_cast %get3A_941 : vector<1280xf32> to vector<1x1x1280xf32>
    tpu.vector_store %arg5[%swap3A_942, %swap3A_943, %swap3A_944], %swap3A_947 {strides = array<i32>} : memref<25x4x1280xf32, #tpu.memory_space<vmem>>, vector<1x1x1280xf32>,
    %get3A_948 = arith.constant 0 : index
    %get3A_949 = arith.constant 25600 : index
    %get3A_950 = vector.load %arg4[%get3A_948, %get3A_949] : memref<8x32000xf32, #tpu.memory_space<vmem>>, vector<1x1280xf32>
    %get3A_951 = vector.shape_cast %get3A_950 : vector<1x1280xf32> to vector<1280xf32>
    %swap3A_952 = arith.constant 20 : index
    %swap3A_953 = arith.constant 3 : index
    %swap3A_954 = arith.constant 0 : index
    %swap3A_955 = vector.load %arg5[%swap3A_952, %swap3A_953, %swap3A_954] : memref<25x4x1280xf32, #tpu.memory_space<vmem>>, vector<1x1x1280xf32>
    %swap3A_956 = vector.shape_cast %swap3A_955 : vector<1x1x1280xf32> to vector<1280xf32>
    %swap3A_957 = vector.shape_cast %get3A_951 : vector<1280xf32> to vector<1x1x1280xf32>
    tpu.vector_store %arg5[%swap3A_952, %swap3A_953, %swap3A_954], %swap3A_957 {strides = array<i32>} : memref<25x4x1280xf32, #tpu.memory_space<vmem>>, vector<1x1x1280xf32>,
    %get3A_958 = arith.constant 0 : index
    %get3A_959 = arith.constant 26880 : index
    %get3A_960 = vector.load %arg4[%get3A_958, %get3A_959] : memref<8x32000xf32, #tpu.memory_space<vmem>>, vector<1x1280xf32>
    %get3A_961 = vector.shape_cast %get3A_960 : vector<1x1280xf32> to vector<1280xf32>
    %swap3A_962 = arith.constant 21 : index
    %swap3A_963 = arith.constant 3 : index
    %swap3A_964 = arith.constant 0 : index
    %swap3A_965 = vector.load %arg5[%swap3A_962, %swap3A_963, %swap3A_964] : memref<25x4x1280xf32, #tpu.memory_space<vmem>>, vector<1x1x1280xf32>
    %swap3A_966 = vector.shape_cast %swap3A_965 : vector<1x1x1280xf32> to vector<1280xf32>
    %swap3A_967 = vector.shape_cast %get3A_961 : vector<1280xf32> to vector<1x1x1280xf32>
    tpu.vector_store %arg5[%swap3A_962, %swap3A_963, %swap3A_964], %swap3A_967 {strides = array<i32>} : memref<25x4x1280xf32, #tpu.memory_space<vmem>>, vector<1x1x1280xf32>,
    %get3A_968 = arith.constant 0 : index
    %get3A_969 = arith.constant 28160 : index
    %get3A_970 = vector.load %arg4[%get3A_968, %get3A_969] : memref<8x32000xf32, #tpu.memory_space<vmem>>, vector<1x1280xf32>
    %get3A_971 = vector.shape_cast %get3A_970 : vector<1x1280xf32> to vector<1280xf32>
    %swap3A_972 = arith.constant 22 : index
    %swap3A_973 = arith.constant 3 : index
    %swap3A_974 = arith.constant 0 : index
    %swap3A_975 = vector.load %arg5[%swap3A_972, %swap3A_973, %swap3A_974] : memref<25x4x1280xf32, #tpu.memory_space<vmem>>, vector<1x1x1280xf32>
    %swap3A_976 = vector.shape_cast %swap3A_975 : vector<1x1x1280xf32> to vector<1280xf32>
    %swap3A_977 = vector.shape_cast %get3A_971 : vector<1280xf32> to vector<1x1x1280xf32>
    tpu.vector_store %arg5[%swap3A_972, %swap3A_973, %swap3A_974], %swap3A_977 {strides = array<i32>} : memref<25x4x1280xf32, #tpu.memory_space<vmem>>, vector<1x1x1280xf32>,
    %get3A_978 = arith.constant 0 : index
    %get3A_979 = arith.constant 29440 : index
    %get3A_980 = vector.load %arg4[%get3A_978, %get3A_979] : memref<8x32000xf32, #tpu.memory_space<vmem>>, vector<1x1280xf32>
    %get3A_981 = vector.shape_cast %get3A_980 : vector<1x1280xf32> to vector<1280xf32>
    %swap3A_982 = arith.constant 23 : index
    %swap3A_983 = arith.constant 3 : index
    %swap3A_984 = arith.constant 0 : index
    %swap3A_985 = vector.load %arg5[%swap3A_982, %swap3A_983, %swap3A_984] : memref<25x4x1280xf32, #tpu.memory_space<vmem>>, vector<1x1x1280xf32>
    %swap3A_986 = vector.shape_cast %swap3A_985 : vector<1x1x1280xf32> to vector<1280xf32>
    %swap3A_987 = vector.shape_cast %get3A_981 : vector<1280xf32> to vector<1x1x1280xf32>
    tpu.vector_store %arg5[%swap3A_982, %swap3A_983, %swap3A_984], %swap3A_987 {strides = array<i32>} : memref<25x4x1280xf32, #tpu.memory_space<vmem>>, vector<1x1x1280xf32>,
    %get3A_988 = arith.constant 0 : index
    %get3A_989 = arith.constant 30720 : index
    %get3A_990 = vector.load %arg4[%get3A_988, %get3A_989] : memref<8x32000xf32, #tpu.memory_space<vmem>>, vector<1x1280xf32>
    %get3A_991 = vector.shape_cast %get3A_990 : vector<1x1280xf32> to vector<1280xf32>
    %swap3A_992 = arith.constant 24 : index
    %swap3A_993 = arith.constant 3 : index
    %swap3A_994 = arith.constant 0 : index
    %swap3A_995 = vector.load %arg5[%swap3A_992, %swap3A_993, %swap3A_994] : memref<25x4x1280xf32, #tpu.memory_space<vmem>>, vector<1x1x1280xf32>
    %swap3A_996 = vector.shape_cast %swap3A_995 : vector<1x1x1280xf32> to vector<1280xf32>
    %swap3A_997 = vector.shape_cast %get3A_991 : vector<1280xf32> to vector<1x1x1280xf32>
    tpu.vector_store %arg5[%swap3A_992, %swap3A_993, %swap3A_994], %swap3A_997 {strides = array<i32>} : memref<25x4x1280xf32, #tpu.memory_space<vmem>>, vector<1x1x1280xf32>,
    return
  }
  func.func @transform_0(%arg0: i32) -> (i32, i32) {
    %add3A = arith.constant 0 : i32
    %add3A_0 = arith.addi %add3A, %arg0 : i32
    %c1_i32 = arith.constant 1 : i32
    %c0_i32 = arith.constant 0 : i32
    return %c1_i32, %add3A_0 : i32, i32
  }
  func.func @transform_1(%arg0: i32) -> (i32, i32) {
    %add3A = arith.constant 41 : i32
    %add3A_0 = arith.addi %add3A, %arg0 : i32
    %c1_i32 = arith.constant 1 : i32
    %c0_i32 = arith.constant 0 : i32
    return %c1_i32, %add3A_0 : i32, i32
  }
  func.func @transform_2(%arg0: i32) -> (i32, i32) {
    %add3A = arith.constant 82 : i32
    %add3A_0 = arith.addi %add3A, %arg0 : i32
    %c1_i32 = arith.constant 1 : i32
    %c0_i32 = arith.constant 0 : i32
    return %c1_i32, %add3A_0 : i32, i32
  }
  func.func @transform_3(%arg0: i32) -> (i32, i32) {
    %add3A = arith.constant 123 : i32
    %add3A_0 = arith.addi %add3A, %arg0 : i32
    %c1_i32 = arith.constant 1 : i32
    %c0_i32 = arith.constant 0 : i32
    return %c1_i32, %add3A_0 : i32, i32
  }
  func.func @transform_4(%arg0: i32) -> (i32, i32, i32) {
    %c0_i32 = arith.constant 0 : i32
    %c0_i32_0 = arith.constant 0 : i32
    %c0_i32_1 = arith.constant 0 : i32
    return %arg0, %c0_i32, %c0_i32_0 : i32, i32, i32
  }
}

</mosaic_0001>

<sc_bundles>
// kernel: kernel.4.cloned.1.call-start
scs
__scs_entry_jumppad:
0x0: {  	(pc) =	sbr.rel $0x88, $3  }
0x1: {  	(tag) =	ssettag $0x0;
	lr =	simm.s32 $0x1  }
0x2: {  	[smem:$0x3F9C] =	sst lr;
	_ =	strace $0xD0000000  }
0x3: {  	_ = 	snop  }
0x4: {  	_ = 	snop  }
0x5: {  	_ = 	snop  }
0x6: {  	_ = 	snop  }
0x7: {  	_ = 	snop  }
__scs_overlays_trampoline_lowered:
0x8: {  	[smem:$0x3FAB] =	sst s0  }
0x9: {  	[smem:$0x3FAC] =	sst s1  }
0xa: {  	[smem:$0x3FAD] =	sst s2  }
0xb: {  	[smem:$0x3FAE] =	sst s3  }
0xc: {  	[smem:$0x3FAF] =	sst s4  }
0xd: {  	[smem:$0x3FB0] =	sst s5  }
0xe: {  	[smem:$0x3FB1] =	sst s6  }
0xf: {  	[smem:$0x3FB2] =	sst s7  }
0x10: {  	[smem:$0x3FB3] =	sst s8  }
0x11: {  	[smem:$0x3FB4] =	sst s9;
	s0 =	simm.s32 @!p0 $0x0  }
0x12: {  	s1 =	sld [smem:$0x3F9A];
	s0 =	simm.s32 @p0 $0x1  }
0x13: {  	[smem:$0x3FB5] =	sst s0;
	s0 =	simm.s32 @!p1 $0x0  }
0x14: {  	s2 =	sld [smem:$0x3F99];
	s0 =	simm.s32 @p1 $0x1  }
0x15: {  	[smem:$0x3FB6] =	sst s0;
	s0 =	simm.s32 @!p2 $0x0  }
0x16: {  	s3 =	sld [smem:$0x3FDB];
	s0 =	simm.s32 @p2 $0x1  }
0x17: {  	s4 =	simm.s32 $0x1BF5;
	[smem:$0x3FB8] =	sst s0  }
0x18: {  	s0 =	sld [smem:$0x3F9B];
	_ =	swait.ge [sflag:s4], $0x0  }
0x19: {  	s7 =	sld [smem:$0x3F9C]  }
0x1a: {  	s8 =	sadd.s32 $0xFFFFE003, lr  }
0x1b: {  	s9 =	sadd.s32 $0xFFFFFEF7, lr;
	s5 =	simm.s32 $0xFFFFFFFF;
	p2 =	slt.u32 s8, $0xFFFFF086  }
0x1c: {  	p1 =	slt.u32 s9, $0xF7A;
	s5 =	simm.s32 @!p2 $0x0  }
0x1d: {  	s5 =	simm.s32 @p1 $0x1;
	p0 =	seq.s32 s7, s2  }
0x1e: {  	s7 =	smul.u32 @!p0 $0xF7A, s2;
	p2 =	seq.s32 @!p0 s5, $0x0  }
0x1f: {  	s9 =	smul.u32 $0xF7A, s1;
	s8 =	simm.s32 @!p0 $0x1BF5;
	p2 =	por !p2, p0  }
0x20: {  	[sflag:s8] =	ssyncset.s32 @!p0 $0xFFFFF086;
	s6 =	sadd.s32 @!p0 s3, s7;
	s7 =	simm.s32 @!p0 $0x108  }
0x21: {  	s3 =	sadd.s32 s3, s9;
	s6 =	sadd.s32 @!p0 $0x88, s6;
	s7 =	simm.s32 @p2 $0x1082  }
0x22: {  	[simem:s7], [sflag:s8] =	dma.local @!p0 [hbm:s6], $0xF7A  }
0x23: {  	s9 =	sor.u32 $0xD0000000, s2;
	s6 =	simm.s32 $0x108;
	_ =	swait.ge @!p0 [sflag:s8], $0x0  }
0x24: {  	s3 =	sadd.s32 $0x88, s3;
	s6 =	simm.s32 @!p1 $0x1082;
	[sflag:s4] =	ssyncset.s32 $0xFFFFF086  }
0x25: {  	[simem:s6], [sflag:s4] =	dma.local [hbm:s3], $0xF7A  }
0x26: {  	[smem:$0x3F9C] =	sst s1;
	(tag) =	ssettag s2;
	_ =	strace s9  }
0x27: {  	s1 =	sld [smem:$0x3FAC]  }
0x28: {  	s2 =	sld [smem:$0x3FAD]  }
0x29: {  	s4 =	sld [smem:$0x3FAF]  }
0x2a: {  	p0 =	seq.s32 s5, $0x0;
	s5 =	sld [smem:$0x3FB0]  }
0x2b: {  	s6 =	sld [smem:$0x3FB1]  }
0x2c: {  	s7 =	sld [smem:$0x3FB2]  }
0x2d: {  	s3 =	simm.s32 $0x108;
	s8 =	sld [smem:$0x3FB3]  }
0x2e: {  	s3 =	simm.s32 @!p0 $0x1082;
	s9 =	sld [smem:$0x3FB4]  }
0x2f: {  	lr =	sadd.s32 s0, s3;
	s0 =	sld [smem:$0x3FAB]  }
0x30: {  	s3 =	sld [smem:$0x3FAE]  }
0x31: {  	[smem:$0x3FB7] =	sst s10  }
0x32: {  	s10 =	sld [smem:$0x3FB5];
	_ =	sdelay $0x3  }
0x33: {  	p0 =	seq.s32 s10, $0x1;
	s10 =	sld [smem:$0x3FB7];
	_ =	sdelay $0x3  }
0x34: {  	[smem:$0x3FB7] =	sst s10  }
0x35: {  	s10 =	sld [smem:$0x3FB6];
	_ =	sdelay $0x3  }
0x36: {  	p1 =	seq.s32 s10, $0x1;
	s10 =	sld [smem:$0x3FB7];
	_ =	sdelay $0x3  }
0x37: {  	[smem:$0x3FB7] =	sst s10  }
0x38: {  	s10 =	sld [smem:$0x3FB8]  }
0x39: {  	_ = 	snop;
	(pc) =	sbr.ind lr, $3  }
0x3a: {  	_ = 	snop  }
0x3b: {  	_ = 	snop  }
0x3c: {  	p2 =	seq.s32 s10, $0x1;
	s10 =	sld [smem:$0x3FB7]  }
0x3d: {  	_ =	shalt  }
0x3e: {  	_ =	shalt  }
0x3f: {  	_ =	shalt  }
0x40: {  	_ =	shalt  }
0x41: {  	_ =	shalt  }
0x42: {  	_ =	shalt  }
0x43: {  	_ =	shalt  }
0x44: {  	_ =	shalt  }
0x45: {  	_ =	shalt  }
0x46: {  	_ =	shalt  }
0x47: {  	_ =	shalt  }
0x48: {  	_ =	shalt  }
0x49: {  	_ =	shalt  }
0x4a: {  	_ =	shalt  }
0x4b: {  	_ =	shalt  }
0x4c: {  	_ =	shalt  }
0x4d: {  	_ =	shalt  }
0x4e: {  	_ =	shalt  }
0x4f: {  	_ =	shalt  }
0x50: {  	_ =	shalt  }
0x51: {  	_ =	shalt  }
0x52: {  	_ =	shalt  }
0x53: {  	_ =	shalt  }
0x54: {  	_ =	shalt  }
0x55: {  	_ =	shalt  }
0x56: {  	_ =	shalt  }
0x57: {  	_ =	shalt  }
0x58: {  	_ =	shalt  }
0x59: {  	_ =	shalt  }
0x5a: {  	_ =	shalt  }
0x5b: {  	_ =	shalt  }
0x5c: {  	_ =	shalt  }
0x5d: {  	_ =	shalt  }
0x5e: {  	_ =	shalt  }
0x5f: {  	_ =	shalt  }
0x60: {  	_ =	shalt  }
0x61: {  	_ =	shalt  }
0x62: {  	_ =	shalt  }
0x63: {  	_ =	shalt  }
0x64: {  	_ =	shalt  }
0x65: {  	_ =	shalt  }
0x66: {  	_ =	shalt  }
0x67: {  	_ =	shalt  }
0x68: {  	_ =	shalt  }
0x69: {  	_ =	shalt  }
0x6a: {  	_ =	shalt  }
0x6b: {  	_ =	shalt  }
0x6c: {  	_ =	shalt  }
0x6d: {  	_ =	shalt  }
0x6e: {  	_ =	shalt  }
0x6f: {  	_ =	shalt  }
0x70: {  	_ =	shalt  }
0x71: {  	_ =	shalt  }
0x72: {  	_ =	shalt  }
0x73: {  	_ =	shalt  }
0x74: {  	_ =	shalt  }
0x75: {  	_ =	shalt  }
0x76: {  	_ =	shalt  }
0x77: {  	_ =	shalt  }
0x78: {  	_ =	shalt  }
0x79: {  	_ =	shalt  }
0x7a: {  	_ =	shalt  }
0x7b: {  	_ =	shalt  }
0x7c: {  	_ =	shalt  }
0x7d: {  	_ =	shalt  }
0x7e: {  	_ =	shalt  }
0x7f: {  	_ =	shalt  }
0x80: {  	_ =	shalt  }
0x81: {  	_ =	shalt  }
0x82: {  	_ =	shalt  }
0x83: {  	_ =	shalt  }
0x84: {  	_ =	shalt  }
0x85: {  	_ =	shalt  }
0x86: {  	_ =	shalt  }
0x87: {  	_ =	shalt  }
.Lfunc_end0:
.L_simem_size_0:
called_computation_lowered:
.L_overlay_start_0:
0x88: {  	s2 =	sld [smem:$0x3FD9]  }
0x89: {  	s3 =	sld [smem:$0x3FFE];
	_ =	sdelay $0x1  }
0x8a: {  	s1 =	srdreg.scid  }
0x8b: {  	s0 =	sand.u32 $0x1, s1  }
0x8c: {  	s17 =	sshll.u32 s0, $0xA;
	s2 =	sadd.s32 s3, s2  }
0x8d: {  	s2 =	sadd.s32 s2, s17  }
0x8e: {  	[smem:$0x3FC3] =	sst s2  }
0x8f: {  	_ = 	snop  }
0x90: {  	s2 =	sld [smem:$0x3FC9]  }
0x91: {  	s18 =	sld [smem:$0x3FC6]  }
0x92: {  	s4 =	sld [smem:$0x3FC5]  }
0x93: {  	s5 =	sld [smem:$0x3FD0];
	(tm) =	ssettm $0x1  }
0x94: {  	s6 =	sld [smem:$0x3FFB];
	_ =	sdelay $0x3  }
0x95: {  	_ =	strace s6  }
0x96: {  	s6 =	sld [smem:$0x3FFC];
	_ =	sdelay $0x3  }
0x97: {  	_ =	strace s6  }
0x98: {  	s6 =	sld [smem:$0x3FFD];
	_ =	sdelay $0x3  }
0x99: {  	_ =	strace s6  }
0x9a: {  	_ =	strace $0x8FFFFFFF  }
0x9b: {  	s19 =	sld [smem:$0x3FDB];
	_ =	sdelay $0x1  }
0x9c: {  	s7 =	simm.s32 $_scs_section_size  }
0x9d: {  	s8 =	simm.s32 $_size__tile_overlayer_lowered;
	s9 =	simm.s32 $_tile_overlayer_lowered  }
0x9e: {  	s22 =	simm.s32 $0x1BFF;
	s21 =	sshll.u32 s9, $0x1;
	s6 =	sadd.s32 s7, s19  }
0x9f: {  	s10 =	simm.s32 $0x0;
	s20 =	sshll.u32 s8, $0x1;
	s8 =	sadd.s32 s21, s6  }
0xa0: {  	[timem:s10], [sflag:s22] =	dma.local [hbm:s8], s20  }
0xa1: {  	_ =	swait.ge [sflag:s22], s20  }
0xa2: {  	s7 =	ssub.s32 $0x0, s20;
	[sflag:s22] =	ssyncset.done $0x0  }
0xa3: {  	[sflag:s22] =	ssyncadd.s32 s7;
	_ =	sdelay $0x1  }
0xa4: {  	s23 =	simm.s32 $0x1B8B  }
0xa5: {  	_ =	swait.ge [sflag:s23], $0x1  }
0xa6: {  	[sflag:s23] =	ssyncset.done $0x0  }
0xa7: {  	s25 =	simm.s32 $0x1B8E;
	s24 =	sld [smem:$0x3FFE];
	[sflag:s23] =	ssyncadd.s32 $0xFFFFFFFF  }
0xa8: {  	s26 =	simm.s32 $execute0_lowered;
	[smem:$0x3FD2] =	sst s25  }
0xa9: {  	s8 =	sshll.u32 s26, $0x1;
	_ =	strace $0x80000046;
	[dreg:$0x1] =	wrdreg $0xFFFFFFFF  }
0xaa: {  	s28 =	simm.s32 $_size_execute0_lowered;
	s6 =	sadd.s32 s6, s8;
	[dreg:$0x0] =	wrdreg $0x0  }
0xab: {  	s8 =	sshll.u32 s28, $0x1;
	[dreg:$0x2] =	wrdreg s6  }
0xac: {  	[dreg:$0x3] =	wrdreg s8  }
0xad: {  	[dreg:$0x4] =	wrdreg $0xC0  }
0xae: {  	_ =	task [dreg:s10], $0x5FFFF  }
0xaf: {  	[dreg:$0x1] =	wrdreg $0xFFFFFFFF  }
0xb0: {  	[dreg:$0x0] =	wrdreg $0x60  }
0xb1: {  	[dreg:$0x2] =	wrdreg s2  }
0xb2: {  	[dreg:$0x3] =	wrdreg s4  }
0xb3: {  	[dreg:$0x4] =	wrdreg s24  }
0xb4: {  	[dreg:$0x5] =	wrdreg s18  }
0xb5: {  	[dreg:$0x6] =	wrdreg s5  }
0xb6: {  	[dreg:$0x7] =	wrdreg $0x9  }
0xb7: {  	_ =	task.clear_ibuf [dreg:s10], $0x8FFFF;
	_ =	strace $0x90000046  }
0xb8: {  	s29 =	simm.s32 $0x9;
	_ =	strace $0x80000048  }
0xb9: {  	_ =	swait.ge [sflag:s29], $0x1  }
0xba: {  	[sflag:s29] =	ssyncadd.s32 $0xFFFFFFFF  }
0xbb: {  	_ =	strace $0x90000048  }
0xbc: {  	_ =	sfence  }
0xbd: {  	s30 =	sld [smem:$0x0];
	_ =	sdelay $0x2  }
0xbe: {  	s31 =	sshll.u32 s1, $0xD;
	s1 =	sshrl.u32 s1, $0x2  }
0xbf: {  	s3 =	sand.u32 $0x4000, s31;
	s1 =	sadd.s32 s1, s30  }
0xc0: {  	s0 =	sor.u32 s3, s0;
	s1 =	sshll.u32 s1, $0x11  }
0xc1: {  	s0 =	sor.u32 s1, s0  }
0xc2: {  	s0 =	sadd.s32 $0x8F2B, s0  }
0xc3: {  	[sflag:s0] =	ssyncadd.remote.s32 $0x1  }
0xc4: {  	_ =	sfence.sel $0xFFFF  }
0xc5: {  	[dreg:$0x0] =	wrdreg $0xFFFFFFFF;
	(pc) =	sbr.abs _section_cstart, $3  }
0xc6: {  	[dreg:$0x1] =	wrdreg $0xFFFFFFFF  }
0xc7: {  	_ =	task.clear_ibuf [dreg:s10], $0x2FFFF;
	_ =	strace $0x9FFFFFFF  }
0xc8: {  	(tm) =	ssettm $0x7FFFFFFF  }
0xc9: {  	_ =	shalt  }
tec
execute0_lowered:
.L_overlay_start_1:
0x0: {  	(tag) =	ssettag $0x1  }
0x1: {  	s1 =	rddreg [dreg:$0x0]  }
0x2: {  	s9 =	rddreg [dreg:$0x1]  }
0x3: {  	s0 =	rddreg [dreg:$0x2]  }
0x4: {  	s10 =	rddreg [dreg:$0x3]  }
0x5: {  	s4 =	rddreg [dreg:$0x4];
	s6 =	simm.s32 $0x0  }
0x6: {  	s2 =	srdreg.scid;
	s12 =	stileid.u32;
	s11 =	simm.s32 $0x21  }
0x7: {  	s29 =	simm.s32 $0xDC00;
	s30 =	simm.s32 $0x1;
	s31 =	simm.s32 $0x2  }
0x8: {  	[smem:$0x7FF] =	sst s6;
	s2 =	sand.u32 $0x1, s2;
	s3 =	sshll.u32 s12, $0x1  }
0x9: {  	s13 =	sadd.s32 $0x800, s0;
	s14 =	sadd.s32 $0xA0C00, s0;
	s0 =	sadd.s32 $0xA0E00, s0  }
0xa: {  	s19 =	sshrl.u32 s12, $0x2;
	s23 =	sshll.u32 s12, $0xA;
	_ =	strace $0x80000047  }
0xb: {  	s8 =	sor.u32 s2, s3;
	[dreg:$0x7] =	wrdreg s14;
	s21 =	smul.u32 $0x500, s19  }
0xc: {  	s5 =	ssub.s32 $0x2, s2;
	[dreg:$0x8] =	wrdreg s0;
	s7 =	smul.u32 $0x2800, s8  }
0xd: {  	s2 =	sshll.u32 s2, $0x9;
	[dreg:$0x6] =	wrdreg s13;
	s17 =	smul.u32 $0x500, s8  }
0xe: {  	s15 =	sshrl.u32 s5, $0x1;
	p0 =	seq.s32 s8, $0x0;
	s22 =	smul.u32 $0x280, s8  }
0xf: {  	s2 =	sor.u32 s2, s23;
	s23 =	simm.s32 $0x11800;
	s16 =	ssub.s32 s5, s15  }
0x10: {  	s2 =	sshrl.u32 s2, $0x2;
	s18 =	sshrl.u32 s7, $0x3;
	s3 =	sadd.s32 s9, s17  }
0x11: {  	s25 =	sadd.s32 s13, s22;
	s26 =	sadd.s32 s1, s22;
	[dreg:$0x9] =	wrdreg s3  }
0x12: {  	s0 =	smax.u32 s16, $0x1;
	s5 =	sadd.s32 s9, s18;
	[dreg:$0xe] =	wrdreg s25  }
0x13: {  	s28 =	sand.u32 $0x380, s2;
	[dreg:$0xf] =	wrdreg s26;
	s20 =	sadd.s32 $0x140500, s5  }
.Ltmp0:
0x14: {  	[dreg:$0xa] =	wrdreg s20;
	s20 =	sor.u32 $0xB440, s28;
	(pc) =	sbr.rel .LBB2_1-.Ltmp0, $4  }
0x15: {  	s11 =	simm.s32 @!p0 $0x20;
	s3 =	sadd.s32 s10, s21;
	[dreg:$0x10] =	wrdreg s0;
	v1 =	vmov s20  }
0x16: {  	s7 =	simm.s32 $0x0;
	s24 =	sadd.s32 $0x280A00, s5;
	[dreg:$0xd] =	wrdreg s3  }
0x17: {  	s0 =	simm.s32 $0xF000;
	s5 =	sadd.s32 $0x3C0F00, s5;
	[dreg:$0xb] =	wrdreg s24  }
0x18: {  	v0 =	vlaneseq.u32;
	s21 =	simm.s32 $0x3;
	[dreg:$0xc] =	wrdreg s5;
	s5 =	simm.s32 $0x10400  }
.LBB2_49:
0x19: {  	s2 =	simm.s32 $0x4  }
0x1a: {  	_ =	swait.ge [sflag:s2], $0x1400  }
0x1b: {  	[sflag:s2] =	ssyncset.done $0x0  }
0x1c: {  	s3 =	simm.s32 $0x5;
	[sflag:s2] =	ssyncadd.s32 $0xFFFFEC00  }
0x1d: {  	_ =	swait.ge [sflag:s3], $0x1400  }
0x1e: {  	s7 =	rddreg [dreg:$0x11]  }
0x1f: {  	s28 =	rddreg [dreg:$0x10];
	s7 =	sadd.s32 $0x1, s7  }
0x20: {  	p0 =	sne.s32 s7, s28  }
.Ltmp1:
0x21: {  	_ = 	snop;
	(pc) =	sbr.rel @!p0 .LBB2_50-.Ltmp1, $3  }
0x22: {  	_ =	sdelay $0x1  }
0x23: {  	[sflag:s3] =	ssyncset.done $0x0  }
0x24: {  	[sflag:s3] =	ssyncadd.s32 $0xFFFFEC00  }
.LBB2_1:
0x25: {  	[dreg:$0x11] =	wrdreg s7  }
0x26: {  	s2 =	rddreg [dreg:$0x7];
	s3 =	simm.s32 $0x12C00;
	s10 =	simm.s32 $0x6  }
0x27: {  	[tilespmem:s3], [sflag:$0x6] =	stream.linear.gather [hbm4b:s2+s6], $0x80, $0x38;
	[tilespmem:$0x12D00] =	vst v63  }
0x28: {  	_ =	swait.ge [sflag:s10], $0x80  }
0x29: {  	[sflag:s10] =	ssyncset.done $0x0  }
0x2a: {  	s13 =	simm.s32 $0x12C80;
	s12 =	rddreg [dreg:$0x8];
	[sflag:s10] =	ssyncadd.s32 $0xFFFFFF80  }
0x2b: {  	[tilespmem:s13], [sflag:$0x6] =	stream.linear.gather [hbm4b:s12+s6], $0x80, $0x38;
	[tilespmem:$0x12D00] =	vst v63  }
0x2c: {  	_ =	swait.ge [sflag:s10], $0x80  }
0x2d: {  	[sflag:s10] =	ssyncset.done $0x0  }
0x2e: {  	[sflag:s10] =	ssyncadd.s32 $0xFFFFFF80  }
0x2f: {  	v3 =	vld [tilespmem:$0x12C80];
	_ =	sdelay $0x4  }
0x30: {  	v4 =	vand.u32 $0x7FFFFFFF, v3  }
0x31: {  	v2 =	vld [tilespmem:$0x12C00];
	v4 =	vadd.f32 v4, v4;
	_ =	sdelay $0x1  }
0x32: {  	v4 =	vmul.f32 $1.442695020e+00, v4;
	_ =	sdelay $0x1  }
0x33: {  	(erf) = vpow2.f32 v4  }
0x34: {  	v5 =	vxor.u32 $0x80000000, v2  }
0x35: {  	(xrf0) =	vmax.scan.msk.u32 $0xffff, v5;
	_ =	sdelay $0x5  }
0x36: {  	v4, _, _ =	vpop (xrf0)  }
0x37: {  	(v2sf) =	vpush v4, $0xF;
	v4 =	vpop (erf)  }
0x38: {  	v4 =	vadd.f32 $1.000000000e+00, v4;
	_ =	sdelay $0x1  }
0x39: {  	(erf) = vrcp.f32 v4;
	_ =	sdelay $0x1  }
0x3a: {  	s14 =	rddreg [dreg:$0x9]  }
0x3b: {  	[tilespmem:s6], [sflag:$0x1] =	stream.linear.gather [hbm4b:s14+s6], $0x2800, $0x38;
	[tilespmem:$0x12D00] =	vst v63  }
0x3c: {  	s16 =	simm.s32 $0x2800;
	s15 =	rddreg [dreg:$0xa]  }
0x3d: {  	[tilespmem:s16], [sflag:$0x1] =	stream.linear.gather [hbm4b:s15+s6], $0x2800, $0x38;
	[tilespmem:$0x12D00] =	vst v63  }
0x3e: {  	s18 =	simm.s32 $0x5000;
	s17 =	rddreg [dreg:$0xb]  }
0x3f: {  	[tilespmem:s18], [sflag:$0x1] =	stream.linear.gather [hbm4b:s17+s6], $0x2800, $0x38;
	[tilespmem:$0x12D00] =	vst v63  }
0x40: {  	s22 =	simm.s32 $0x7800;
	s19 =	rddreg [dreg:$0xc]  }
0x41: {  	[tilespmem:s22], [sflag:$0x1] =	stream.linear.gather [hbm4b:s19+s6], $0x2800, $0x38;
	v4 =	vpop (erf);
	[tilespmem:$0x12D00] =	vst v63  }
0x42: {  	s25 =	simm.s32 $0xB400;
	s24 =	rddreg [dreg:$0xd];
	v4 =	vadd.f32 v4, v4  }
0x43: {  	[tilespmem:s25], [sflag:$0x1] =	stream.linear.gather [hbm4b:s24+s6], $0x2800, $0x38;
	[tilespmem:$0x12D00] =	vst v63  }
0x44: {  	s28 =	spop (v2sf);
	v4 =	vsub.f32 $1.000000000e+00, v4  }
.Ltmp2:
0x45: {  	p0 =	sne.s32 s28, $0x80000008;
	(pc) =	sbr.rel .LBB2_2-.Ltmp2, $4  }
0x46: {  	s7 =	rddreg [dreg:$0xe];
	s2 =	simm.s32 @!p0 $0x0;
	s3 =	simm.s32 @!p0 $0xA000;
	v5 =	vsub.f32 $0.0e+00, v4  }
0x47: {  	vm0 =	vlt.f32 v3, $0.0e+00;
	[tilespmem:s3], [sflag:$0x1] =	stream.linear.gather @!p0 [hbm4b:s7+s2], $0x1400, $0x38;
	[tilespmem:$0x12D00] =	vst v63  }
0x48: {  	s9 =	simm.s32 $0x0;
	s26 =	rddreg [dreg:$0xf];
	v3 =	vsel vm0, v5, v4  }
0x49: {  	[tilespmem:s29], [sflag:$0x2] =	stream.linear.gather [hbm4b:s26+s6], $0x1400, $0x38;
	v4 =	vsub.f32 $1.000000000e+00, v3;
	[tilespmem:$0x12D00] =	vst v63  }
.LBB2_48:
0x4a: {  	s2 =	smul.u32 @!p1 $0x2800, s13;
	_ =	sdelay $0x1  }
0x4b: {  	s3 =	rddreg [dreg:$0x1];
	s2 =	sshrl.u32 @!p1 s2, $0x3  }
0x4c: {  	s2 =	sadd.s32 @!p1 s3, s2;
	s3 =	simm.s32 @!p1 $0x0  }
0x4d: {  	[tilespmem:s3], [sflag:$0x1] =	stream.linear.gather @!p1 [hbm4b:s2+s3], $0x2800, $0x38;
	[tilespmem:$0x12D00] =	vst v63  }
0x4e: {  	s9 =	simm.s32 @!p1 $0x2800;
	s7 =	sadd.s32 @!p1 $0x140500, s2  }
0x4f: {  	[tilespmem:s9], [sflag:$0x1] =	stream.linear.gather @!p1 [hbm4b:s7+s3], $0x2800, $0x38;
	[tilespmem:$0x12D00] =	vst v63  }
0x50: {  	s7 =	sadd.s32 @!p1 $0x280A00, s2;
	s9 =	simm.s32 @!p1 $0x5000  }
0x51: {  	[tilespmem:s9], [sflag:$0x1] =	stream.linear.gather @!p1 [hbm4b:s7+s3], $0x2800, $0x38;
	[tilespmem:$0x12D00] =	vst v63  }
0x52: {  	s7 =	sshrl.u32 @!p1 s13, $0x3  }
0x53: {  	s2 =	sadd.s32 @!p1 $0x3C0F00, s2;
	s9 =	simm.s32 @!p1 $0x7800;
	s7 =	smul.u32 @!p1 $0x500, s7  }
0x54: {  	[tilespmem:s9], [sflag:$0x1] =	stream.linear.gather @!p1 [hbm4b:s2+s3], $0x2800, $0x38;
	[tilespmem:$0x12D00] =	vst v63  }
0x55: {  	s2 =	rddreg [dreg:$0x3]  }
0x56: {  	p2 =	sne.s32 @!p1 s28, $0x80000008;
	s2 =	sadd.s32 @!p1 s2, s7;
	s7 =	simm.s32 @!p1 $0xB400  }
0x57: {  	[tilespmem:s7], [sflag:$0x1] =	stream.linear.gather @!p1 [hbm4b:s2+s3], $0x2800, $0x38;
	[tilespmem:$0x12D00] =	vst v63  }
0x58: {  	p1 =	por p2, p1;
	s2 =	rddreg [dreg:$0x6]  }
0x59: {  	s2 =	sadd.s32 @!p1 s2, s12;
	s3 =	simm.s32 @!p1 $0x0;
	s7 =	simm.s32 @!p1 $0xA000  }
0x5a: {  	[tilespmem:s7], [sflag:$0x1] =	stream.linear.gather @!p1 [hbm4b:s2+s3], $0x1400, $0x38;
	[tilespmem:$0x12D00] =	vst v63  }
0x5b: {  	p1 =	sne.s32 s10, s11  }
.Ltmp3:
0x5c: {  	_ = 	snop;
	(pc) =	sbr.rel @!p1 .LBB2_49-.Ltmp3, $2  }
0x5d: {  	_ =	sdelay $0x2  }
0x5e: {  	s9 =	smov.u32 s10  }
.LBB2_2:
0x5f: {  	_ =	swait.ge [sflag:s30], $0x2800  }
0x60: {  	[sflag:s30] =	ssyncset.done $0x0  }
0x61: {  	[sflag:s30] =	ssyncadd.s32 $0xFFFFD800  }
0x62: {  	_ =	swait.ge [sflag:s30], $0x2800  }
0x63: {  	[sflag:s30] =	ssyncset.done $0x0  }
0x64: {  	[sflag:s30] =	ssyncadd.s32 $0xFFFFD800  }
0x65: {  	_ =	swait.ge [sflag:s30], $0x2800  }
0x66: {  	[sflag:s30] =	ssyncset.done $0x0  }
0x67: {  	[sflag:s30] =	ssyncadd.s32 $0xFFFFD800  }
0x68: {  	_ =	swait.ge [sflag:s30], $0x2800  }
0x69: {  	[sflag:s30] =	ssyncset.done $0x0  }
0x6a: {  	s2 =	sshll.u32 s9, $0x5;
	s10 =	sadd.s32 $0x1, s9;
	[sflag:s30] =	ssyncadd.s32 $0xFFFFD800  }
0x6b: {  	s3 =	simm.s32 @!p0 $0x1;
	s2 =	sor.u32 s8, s2;
	_ =	swait.ge [sflag:s30], $0x2800  }
.Ltmp4:
0x6c: {  	s7 =	sshll.u32 s10, $0x5;
	[sflag:s30] =	ssyncset.done $0x0;
	(pc) =	sbr.rel .LBB2_3-.Ltmp4, $4  }
0x6d: {  	s14 =	smul.u32 $0x1400, s2;
	s13 =	sor.u32 s8, s7;
	[sflag:s30] =	ssyncadd.s32 $0xFFFFD800  }
0x6e: {  	s26 =	smul.u32 $0x1400, s13;
	_ =	swait.ge @!p0 [sflag:s3], $0x1400  }
0x6f: {  	s16 =	simm.s32 $0x0;
	p1 =	sge.u32 s10, s11;
	[sflag:s3] =	ssyncset.done @!p0 $0x0  }
0x70: {  	s15 =	sadd.s32 $0xA02800, s14;
	s12 =	sshrl.u32 s26, $0x3;
	[sflag:s3] =	ssyncadd.s32 @!p0 $0xFFFFEC00  }
.LBB2_46:
0x71: {  	v8 =	vadd.f32 v8, v10;
	v9 =	vmul.f32 v9, v3  }
0x72: {  	v62 =	vadd.f32 v16, v14;
	v7 =	vadd.f32 v7, v11;
	v63 =	vmul.f32 v13, v3  }
0x73: {  	[tilespmem:s19+$0xFFFFFFC0] =	vst v15;
	v5 =	vadd.f32 v5, v12;
	v8 =	vadd.f32 v9, v8  }
0x74: {  	[tilespmem:s19+$0xFFFFFFD0] =	vst v62;
	v7 =	vadd.f32 v63, v7  }
0x75: {  	v5 =	vadd.f32 v6, v5;
	[tilespmem:s19+$0xFFFFFFE0] =	vst v8  }
0x76: {  	[tilespmem:s19+$0xFFFFFFF0] =	vst v7  }
0x77: {  	[tilespmem:s19+$0xFFFFFF90] =	vst v5  }
.LBB2_47:
0x78: {  	s16 =	sadd.s32 $0x1, s16  }
0x79: {  	p2 =	sne.s32 s16, $0x4  }
.Ltmp5:
0x7a: {  	_ = 	snop;
	(pc) =	sbr.rel @!p2 .LBB2_48-.Ltmp5, $3  }
0x7b: {  	_ =	sdelay $0x1  }
0x7c: {  	s2 =	sadd.s32 s4, s17  }
0x7d: {  	[hbm4b:s2+s6] =	stream.linear.scatter [tilespmem:s23], [sflag:$0x5], $0x1400, $0x38;
	[tilespmem:$0x12D00] =	vst v63  }
.LBB2_3:
0x7e: {  	s18 =	sshllo.u32 s16, $0x1  }
0x7f: {  	s2 =	smul.u32 $0x501400, s18  }
0x80: {  	_ =	swait.ge [sflag:s31], $0x1400  }
0x81: {  	s26 =	sshll.u32 s16, $0x1;
	s3 =	sor.u32 s9, s16;
	s2 =	sadd.s32 s14, s2  }
0x82: {  	[sflag:s31] =	ssyncset.done $0x0;
	p2 =	seq.s32 s3, $0x0;
	s17 =	sshrl.u32 s2, $0x3  }
0x83: {  	v5 =	vmov s26;
	[sflag:s31] =	ssyncadd.s32 $0xFFFFEC00;
	s3 =	simm.s32 @!p2 $0x4;
	s2 =	sadd.s32 s1, s17  }
0x84: {  	vm0 =	veq.s32 v5, v0;
	[tilespmem:s0], [sflag:$0x3] =	stream.linear.gather [hbm4b:s2+s6], $0x1400, $0x38;
	[tilespmem:$0x12D00] =	vst v63  }
0x85: {  	v5 =	vnsel vm0, $0x0, v2;
	_ =	swait.ge @!p2 [sflag:s3], $0x1400  }
0x86: {  	(xrf0) =	vadd.scan.msk.s32 $0xffff, v5;
	_ =	sdelay $0x5  }
0x87: {  	v5, _, _ =	vpop (xrf0)  }
0x88: {  	(v2sf) =	vpush v5, $0xF;
	_ =	sdelay $0xe  }
0x89: {  	s2 =	spop (v2sf)  }
0x8a: {  	p3 =	sgt.s32 s2, $0x7  }
.Ltmp6:
0x8b: {  	_ = 	snop;
	(pc) =	sbr.rel @p3 .LBB2_13-.Ltmp6, $3  }
0x8c: {  	_ =	sdelay $0x1  }
0x8d: {  	[sflag:s3] =	ssyncset.done @!p2 $0x0  }
0x8e: {  	[sflag:s3] =	ssyncadd.s32 @!p2 $0xFFFFEC00  }
0x8f: {  	v5 =	vld [tilespmem:s20+$0x30]  }
0x90: {  	v8 =	vld [tilespmem:s20+$0xFFFFFFC0]  }
0x91: {  	v9 =	vld [tilespmem:s20+$0xFFFFFFD0]  }
0x92: {  	v10 =	vld [tilespmem:s20+$0xFFFFFFE0]  }
0x93: {  	v11 =	vld [tilespmem:s20+$0xFFFFFFF0]  }
0x94: {  	s3 =	sshrl.u32 s2, $0x3;
	v12 =	vld [tilespmem:s20+$0x0]  }
0x95: {  	s26 =	sand.u32 $0x7, s2;
	v13 =	vld [tilespmem:s20+$0x10];
	s3 =	smul.u32 $0xA000, s3  }
0x96: {  	s24 =	simm.s32 $0xDC40;
	v14 =	vld [tilespmem:s20+$0x20];
	s2 =	sshll.u32 s26, $0x9  }
0x97: {  	v6 =	vld [tilespmem:s24+$0x30];
	s2 =	sor.u32 s2, s3  }
0x98: {  	v16 =	vld [tilespmem:s24+$0xFFFFFFD0];
	s19 =	sshra.s32 s2, $0x2  }
0x99: {  	v18 =	vld [tilespmem:s24+$0xFFFFFFE0];
	s22 =	sor.u32 $0x40, s19  }
0x9a: {  	v7 =	vld [tilespmem:s22+$0x30]  }
0x9b: {  	v20 =	vld [tilespmem:s24+$0xFFFFFFF0]  }
0x9c: {  	v17 =	vld [tilespmem:s22+$0xFFFFFFD0]  }
0x9d: {  	v5 =	vmul.f32 v5, v4;
	v19 =	vld [tilespmem:s22+$0xFFFFFFE0]  }
0x9e: {  	v15 =	vld [tilespmem:s22+$0xFFFFFFC0]  }
0x9f: {  	v9 =	vmul.f32 v9, v4;
	v5 =	vadd.f32 v5, v6;
	v6 =	vmul.f32 v7, v3;
	v7 =	vld [tilespmem:s22+$0xFFFFFFF0]  }
0xa0: {  	v10 =	vmul.f32 v10, v4;
	v11 =	vmul.f32 v11, v4;
	v21 =	vld [tilespmem:s22+$0x0]  }
0xa1: {  	v12 =	vmul.f32 v12, v4;
	v9 =	vadd.f32 v9, v16;
	v16 =	vmul.f32 v17, v3;
	v17 =	vld [tilespmem:s24+$0x0]  }
0xa2: {  	v18 =	vadd.f32 v10, v18;
	v10 =	vld [tilespmem:s24+$0x10];
	v19 =	vmul.f32 v19, v3;
	v6 =	vadd.f32 v6, v5  }
0xa3: {  	s3 =	simm.s32 $0x10440;
	v20 =	vadd.f32 v11, v20;
	v16 =	vadd.f32 v16, v9;
	v5 =	vmul.f32 v8, v4;
	v9 =	vld [tilespmem:s22+$0x10]  }
0xa4: {  	v11 =	vld [tilespmem:s24+$0x20];
	v8 =	vmul.f32 v13, v4;
	v18 =	vadd.f32 v19, v18;
	[tilespmem:s3+$0x30] =	vst v6;
	v19 =	vmul.f32 v7, v3  }
0xa5: {  	v13 =	vld [tilespmem:s22+$0x20];
	v6 =	vmul.f32 v15, v3;
	[tilespmem:s3+$0xFFFFFFD0] =	vst v16;
	v16 =	vmul.f32 v21, v3  }
0xa6: {  	s25 =	sadd.s32 $0x400, s20;
	s2 =	simm.s32 $0x0;
	[tilespmem:s3+$0xFFFFFFE0] =	vst v18;
	v7 =	vmul.f32 v14, v4;
	v14 =	vadd.f32 v12, v17;
	v12 =	vld [tilespmem:s24+$0xFFFFFFC0];
	v15 =	vadd.f32 v19, v20  }
.LBB2_5:
0xa7: {  	v17 =	vld [tilespmem:s25+$0x30];
	s2 =	sadd.s32 $0x80, s2;
	v8 =	vadd.f32 v8, v10;
	s24 =	sadd.s32 $0x200, s24  }
0xa8: {  	s22 =	sadd.s32 $0x400, s22;
	v10 =	vld [tilespmem:s24+$0x30];
	p3 =	slt.u32 s2, $0x480;
	[tilespmem:s3+$0xFFFFFFF0] =	vst v15;
	v14 =	vadd.f32 v16, v14;
	v9 =	vmul.f32 v9, v3  }
0xa9: {  	v15 =	vld [tilespmem:s22+$0x30];
	v7 =	vadd.f32 v7, v11  }
0xaa: {  	v11 =	vld [tilespmem:s25+$0xFFFFFFC0];
	[tilespmem:s3+$0x0] =	vst v14;
	v8 =	vadd.f32 v9, v8;
	v9 =	vmul.f32 v13, v3  }
0xab: {  	v13 =	vld [tilespmem:s25+$0xFFFFFFD0];
	v5 =	vadd.f32 v5, v12  }
0xac: {  	v12 =	vld [tilespmem:s25+$0xFFFFFFE0];
	v14 =	vmul.f32 v17, v4;
	[tilespmem:s3+$0x10] =	vst v8;
	v7 =	vadd.f32 v9, v7  }
0xad: {  	v8 =	vld [tilespmem:s25+$0xFFFFFFF0];
	v6 =	vadd.f32 v6, v5  }
0xae: {  	v9 =	vld [tilespmem:s25+$0x0];
	v10 =	vadd.f32 v14, v10;
	v14 =	vmul.f32 v15, v3;
	[tilespmem:s3+$0x20] =	vst v7  }
0xaf: {  	v5 =	vmul.f32 v11, v4;
	v7 =	vld [tilespmem:s25+$0x10];
	[tilespmem:s3+$0xFFFFFFC0] =	vst v6  }
0xb0: {  	v11 =	vmul.f32 v13, v4;
	v6 =	vld [tilespmem:s25+$0x20];
	v10 =	vadd.f32 v14, v10  }
0xb1: {  	s3 =	sadd.s32 $0x200, s3;
	v13 =	vld [tilespmem:s22+$0xFFFFFFC0];
	v12 =	vmul.f32 v12, v4  }
0xb2: {  	v14 =	vld [tilespmem:s24+$0xFFFFFFD0];
	v15 =	vmul.f32 v8, v4;
	[tilespmem:s3+$0x30] =	vst v10  }
0xb3: {  	v10 =	vld [tilespmem:s22+$0xFFFFFFD0];
	v16 =	vmul.f32 v9, v4  }
0xb4: {  	v9 =	vld [tilespmem:s24+$0xFFFFFFE0];
	v8 =	vmul.f32 v7, v4  }
0xb5: {  	v17 =	vld [tilespmem:s22+$0xFFFFFFE0];
	v7 =	vmul.f32 v6, v4  }
0xb6: {  	v6 =	vmul.f32 v13, v3;
	v13 =	vld [tilespmem:s24+$0xFFFFFFF0]  }
0xb7: {  	v11 =	vadd.f32 v11, v14;
	v14 =	vld [tilespmem:s22+$0xFFFFFFF0]  }
0xb8: {  	v10 =	vmul.f32 v10, v3;
	v18 =	vld [tilespmem:s24+$0x0]  }
0xb9: {  	v12 =	vadd.f32 v12, v9;
	v19 =	vld [tilespmem:s22+$0x0]  }
.Ltmp7:
0xba: {  	v11 =	vadd.f32 v10, v11;
	v17 =	vmul.f32 v17, v3;
	v10 =	vld [tilespmem:s24+$0x10];
	(pc) =	sbr.rel @p3 .LBB2_5-.Ltmp7, $4  }
0xbb: {  	v15 =	vadd.f32 v15, v13;
	v9 =	vld [tilespmem:s22+$0x10]  }
0xbc: {  	[tilespmem:s3+$0xFFFFFFD0] =	vst v11;
	v17 =	vadd.f32 v17, v12;
	v20 =	vmul.f32 v14, v3;
	v11 =	vld [tilespmem:s24+$0x20]  }
0xbd: {  	v14 =	vadd.f32 v16, v18;
	v13 =	vld [tilespmem:s22+$0x20]  }
0xbe: {  	s25 =	sadd.s32 $0x400, s25;
	v12 =	vld [tilespmem:s24+$0xFFFFFFC0];
	[tilespmem:s3+$0xFFFFFFE0] =	vst v17;
	v15 =	vadd.f32 v20, v15;
	v16 =	vmul.f32 v19, v3  }
0xbf: {  	_ =	sdelay $0x1  }
0xc0: {  	v8 =	vadd.f32 v8, v10;
	v9 =	vmul.f32 v9, v3  }
0xc1: {  	v10 =	vadd.f32 v16, v14;
	v7 =	vadd.f32 v7, v11;
	v11 =	vmul.f32 v13, v3  }
0xc2: {  	[tilespmem:s3+$0xFFFFFFF0] =	vst v15;
	v8 =	vadd.f32 v9, v8;
	v5 =	vadd.f32 v5, v12  }
0xc3: {  	[tilespmem:s3+$0x0] =	vst v10;
	v7 =	vadd.f32 v11, v7  }
0xc4: {  	[tilespmem:s3+$0x10] =	vst v8;
	v5 =	vadd.f32 v6, v5  }
0xc5: {  	[tilespmem:s3+$0x20] =	vst v7  }
0xc6: {  	[tilespmem:s3+$0xFFFFFFC0] =	vst v5  }
0xc7: {  	s24 =	simm.s32 $0xDCF0;
	v5 =	vld [tilespmem:s20+$0x30]  }
0xc8: {  	s22 =	sadd.s32 $0x2870, s19;
	v6 =	vld [tilespmem:s24+$0x0]  }
0xc9: {  	v7 =	vld [tilespmem:s22+$0x0]  }
0xca: {  	v8 =	vld [tilespmem:s20+$0xFFFFFFC0]  }
0xcb: {  	v9 =	vld [tilespmem:s20+$0xFFFFFFD0]  }
0xcc: {  	v10 =	vld [tilespmem:s20+$0xFFFFFFE0]  }
0xcd: {  	v11 =	vld [tilespmem:s20+$0xFFFFFFF0]  }
0xce: {  	v12 =	vld [tilespmem:s20+$0x0]  }
0xcf: {  	v13 =	vld [tilespmem:s20+$0x10]  }
0xd0: {  	v14 =	vld [tilespmem:s20+$0x20]  }
0xd1: {  	v15 =	vld [tilespmem:s22+$0xFFFFFF90]  }
0xd2: {  	v16 =	vld [tilespmem:s24+$0xFFFFFFA0]  }
0xd3: {  	v17 =	vld [tilespmem:s22+$0xFFFFFFA0]  }
0xd4: {  	v19 =	vld [tilespmem:s22+$0xFFFFFFB0]  }
0xd5: {  	v18 =	vld [tilespmem:s24+$0xFFFFFFB0];
	v5 =	vmul.f32 v5, v4  }
0xd6: {  	v20 =	vld [tilespmem:s24+$0xFFFFFFC0]  }
0xd7: {  	v9 =	vmul.f32 v9, v4;
	v5 =	vadd.f32 v5, v6;
	v6 =	vmul.f32 v7, v3;
	v7 =	vld [tilespmem:s22+$0xFFFFFFC0]  }
0xd8: {  	v21 =	vld [tilespmem:s22+$0xFFFFFFD0];
	v10 =	vmul.f32 v10, v4;
	v11 =	vmul.f32 v11, v4  }
0xd9: {  	v19 =	vmul.f32 v19, v3;
	v9 =	vadd.f32 v9, v16;
	v16 =	vmul.f32 v17, v3;
	v17 =	vld [tilespmem:s24+$0xFFFFFFD0]  }
0xda: {  	v12 =	vmul.f32 v12, v4;
	v18 =	vadd.f32 v10, v18;
	v10 =	vld [tilespmem:s24+$0xFFFFFFE0];
	v6 =	vadd.f32 v6, v5  }
0xdb: {  	s3 =	simm.s32 $0x104F0;
	v20 =	vadd.f32 v11, v20;
	v16 =	vadd.f32 v16, v9;
	v5 =	vmul.f32 v8, v4;
	v9 =	vld [tilespmem:s22+$0xFFFFFFE0]  }
0xdc: {  	v11 =	vld [tilespmem:s24+$0xFFFFFFF0];
	v8 =	vmul.f32 v13, v4;
	v18 =	vadd.f32 v19, v18;
	[tilespmem:s3+$0x0] =	vst v6;
	v19 =	vmul.f32 v7, v3  }
0xdd: {  	v13 =	vld [tilespmem:s22+$0xFFFFFFF0];
	v6 =	vmul.f32 v15, v3;
	[tilespmem:s3+$0xFFFFFFA0] =	vst v16;
	v16 =	vmul.f32 v21, v3  }
0xde: {  	s2 =	simm.s32 $0x0;
	s25 =	sadd.s32 $0x400, s20;
	[tilespmem:s3+$0xFFFFFFB0] =	vst v18;
	v7 =	vmul.f32 v14, v4;
	v14 =	vadd.f32 v12, v17;
	v12 =	vld [tilespmem:s24+$0xFFFFFF90];
	v15 =	vadd.f32 v19, v20  }
.LBB2_7:
0xdf: {  	v17 =	vld [tilespmem:s25+$0x30];
	s2 =	sadd.s32 $0x80, s2;
	v8 =	vadd.f32 v8, v10;
	s24 =	sadd.s32 $0x200, s24  }
0xe0: {  	s22 =	sadd.s32 $0x400, s22;
	v10 =	vld [tilespmem:s24+$0x0];
	p3 =	slt.u32 s2, $0x480;
	[tilespmem:s3+$0xFFFFFFC0] =	vst v15;
	v14 =	vadd.f32 v16, v14;
	v9 =	vmul.f32 v9, v3  }
0xe1: {  	v15 =	vld [tilespmem:s22+$0x0];
	v7 =	vadd.f32 v7, v11  }
0xe2: {  	v11 =	vld [tilespmem:s25+$0xFFFFFFC0];
	[tilespmem:s3+$0xFFFFFFD0] =	vst v14;
	v8 =	vadd.f32 v9, v8;
	v9 =	vmul.f32 v13, v3  }
0xe3: {  	v13 =	vld [tilespmem:s25+$0xFFFFFFD0];
	v5 =	vadd.f32 v5, v12  }
0xe4: {  	v12 =	vld [tilespmem:s25+$0xFFFFFFE0];
	v14 =	vmul.f32 v17, v4;
	[tilespmem:s3+$0xFFFFFFE0] =	vst v8;
	v7 =	vadd.f32 v9, v7  }
0xe5: {  	v8 =	vld [tilespmem:s25+$0xFFFFFFF0];
	v6 =	vadd.f32 v6, v5  }
0xe6: {  	v9 =	vld [tilespmem:s25+$0x0];
	v10 =	vadd.f32 v14, v10;
	v14 =	vmul.f32 v15, v3;
	[tilespmem:s3+$0xFFFFFFF0] =	vst v7  }
0xe7: {  	v5 =	vmul.f32 v11, v4;
	v7 =	vld [tilespmem:s25+$0x10];
	[tilespmem:s3+$0xFFFFFF90] =	vst v6  }
0xe8: {  	v11 =	vmul.f32 v13, v4;
	v6 =	vld [tilespmem:s25+$0x20];
	v10 =	vadd.f32 v14, v10  }
0xe9: {  	s3 =	sadd.s32 $0x200, s3;
	v13 =	vld [tilespmem:s22+$0xFFFFFF90];
	v12 =	vmul.f32 v12, v4  }
0xea: {  	v14 =	vld [tilespmem:s24+$0xFFFFFFA0];
	v15 =	vmul.f32 v8, v4;
	[tilespmem:s3+$0x0] =	vst v10  }
0xeb: {  	v10 =	vld [tilespmem:s22+$0xFFFFFFA0];
	v16 =	vmul.f32 v9, v4  }
0xec: {  	v9 =	vld [tilespmem:s24+$0xFFFFFFB0];
	v8 =	vmul.f32 v7, v4  }
0xed: {  	v17 =	vld [tilespmem:s22+$0xFFFFFFB0];
	v7 =	vmul.f32 v6, v4  }
0xee: {  	v6 =	vmul.f32 v13, v3;
	v13 =	vld [tilespmem:s24+$0xFFFFFFC0]  }
0xef: {  	v11 =	vadd.f32 v11, v14;
	v14 =	vld [tilespmem:s22+$0xFFFFFFC0]  }
0xf0: {  	v10 =	vmul.f32 v10, v3;
	v18 =	vld [tilespmem:s24+$0xFFFFFFD0]  }
0xf1: {  	v12 =	vadd.f32 v12, v9;
	v19 =	vld [tilespmem:s22+$0xFFFFFFD0]  }
.Ltmp8:
0xf2: {  	v11 =	vadd.f32 v10, v11;
	v17 =	vmul.f32 v17, v3;
	v10 =	vld [tilespmem:s24+$0xFFFFFFE0];
	(pc) =	sbr.rel @p3 .LBB2_7-.Ltmp8, $4  }
0xf3: {  	v15 =	vadd.f32 v15, v13;
	v9 =	vld [tilespmem:s22+$0xFFFFFFE0]  }
0xf4: {  	[tilespmem:s3+$0xFFFFFFA0] =	vst v11;
	v17 =	vadd.f32 v17, v12;
	v20 =	vmul.f32 v14, v3;
	v11 =	vld [tilespmem:s24+$0xFFFFFFF0]  }
0xf5: {  	v14 =	vadd.f32 v16, v18;
	v13 =	vld [tilespmem:s22+$0xFFFFFFF0]  }
0xf6: {  	s25 =	sadd.s32 $0x400, s25;
	v12 =	vld [tilespmem:s24+$0xFFFFFF90];
	[tilespmem:s3+$0xFFFFFFB0] =	vst v17;
	v15 =	vadd.f32 v20, v15;
	v16 =	vmul.f32 v19, v3  }
0xf7: {  	_ =	sdelay $0x1  }
0xf8: {  	v8 =	vadd.f32 v8, v10;
	v9 =	vmul.f32 v9, v3  }
0xf9: {  	v10 =	vadd.f32 v16, v14;
	v7 =	vadd.f32 v7, v11;
	v11 =	vmul.f32 v13, v3  }
0xfa: {  	[tilespmem:s3+$0xFFFFFFC0] =	vst v15;
	v8 =	vadd.f32 v9, v8;
	v5 =	vadd.f32 v5, v12  }
0xfb: {  	[tilespmem:s3+$0xFFFFFFD0] =	vst v10;
	v7 =	vadd.f32 v11, v7  }
0xfc: {  	[tilespmem:s3+$0xFFFFFFE0] =	vst v8;
	v5 =	vadd.f32 v6, v5  }
0xfd: {  	[tilespmem:s3+$0xFFFFFFF0] =	vst v7  }
0xfe: {  	s2 =	simm.s32 $0x0;
	[tilespmem:s3+$0xFFFFFF90] =	vst v5  }
0xff: {  	v6 =	vld.idx.msk [tilespmem:v1+s2+$0x30 ss:$0x1], $0xffff  }
0x100: {  	s22 =	simm.s32 $0xDD70;
	v7 =	vld.idx.msk [tilespmem:v1+s2+$0xFFFFFFC0 ss:$0x1], $0xffff  }
0x101: {  	v9 =	vld [tilespmem:s22+$0x0]  }
0x102: {  	v10 =	vld.idx.msk [tilespmem:v1+s2+$0xFFFFFFD0 ss:$0x1], $0xffff  }
0x103: {  	v11 =	vld.idx.msk [tilespmem:v1+s2+$0xFFFFFFE0 ss:$0x1], $0xffff  }
0x104: {  	v5 =	vmov s19;
	v13 =	vld.idx.msk [tilespmem:v1+s2+$0xFFFFFFF0 ss:$0x1], $0xffff  }
0x105: {  	v14 =	vld.idx.msk [tilespmem:v1+s2+$0x0 ss:$0x1], $0xffff  }
0x106: {  	v15 =	vld.idx.msk [tilespmem:v1+s2+$0x10 ss:$0x1], $0xffff  }
0x107: {  	v16 =	vld.idx.msk [tilespmem:v1+s2+$0x20 ss:$0x1], $0xffff  }
0x108: {  	v28 =	vld [tilespmem:s22+$0xFFFFFFA0]  }
0x109: {  	v8 =	vld.idx.msk [tilespmem:v5+s2+$0x5070 ss:$0x1], $0xffff  }
0x10a: {  	v17 =	vld.idx.msk [tilespmem:v5+s2+$0x5000 ss:$0x1], $0xffff  }
0x10b: {  	v18 =	vld.idx.msk [tilespmem:v5+s2+$0x5010 ss:$0x1], $0xffff  }
0x10c: {  	v19 =	vld.idx.msk [tilespmem:v5+s2+$0x5020 ss:$0x1], $0xffff  }
0x10d: {  	v20 =	vld.idx.msk [tilespmem:v5+s2+$0x5030 ss:$0x1], $0xffff  }
0x10e: {  	v24 =	vld.idx.msk [tilespmem:v5+s2+$0x5040 ss:$0x1], $0xffff;
	v21 =	vmul.f32 v6, v4;
	v6 =	vmul.f32 v7, v4  }
0x10f: {  	v25 =	vld.idx.msk [tilespmem:v5+s2+$0x5050 ss:$0x1], $0xffff;
	v26 =	vmul.f32 v10, v4;
	v12 =	vmul.f32 v11, v4  }
0x110: {  	v27 =	vld.idx.msk [tilespmem:v5+s2+$0x5060 ss:$0x1], $0xffff;
	v10 =	vmul.f32 v13, v4;
	v11 =	vmul.f32 v14, v4  }
0x111: {  	v22 =	vld [tilespmem:s22+$0xFFFFFFB0];
	v13 =	vadd.f32 v21, v9;
	v9 =	vmul.f32 v15, v4;
	v23 =	vmul.f32 v8, v3  }
0x112: {  	v21 =	vld [tilespmem:s22+$0xFFFFFFC0];
	v8 =	vmul.f32 v16, v4;
	v7 =	vmul.f32 v17, v3  }
0x113: {  	v18 =	vmul.f32 v18, v3;
	v17 =	vmul.f32 v19, v3;
	v13 =	vadd.f32 v23, v13;
	v23 =	vld [tilespmem:s22+$0xFFFFFFD0]  }
0x114: {  	s3 =	simm.s32 $0x10570;
	v16 =	vmul.f32 v20, v3;
	v15 =	vmul.f32 v24, v3;
	v19 =	vld [tilespmem:s22+$0xFFFFFFE0]  }
0x115: {  	s19 =	simm.s32 $0x1000;
	s2 =	simm.s32 $0x0;
	v24 =	vadd.f32 v26, v28;
	v20 =	vld [tilespmem:s22+$0xFFFFFFF0];
	v14 =	vmul.f32 v27, v3;
	[tilespmem:s3+$0x0] =	vst v13;
	v13 =	vmul.f32 v25, v3  }
.LBB2_9:
0x116: {  	s7 =	sshra.s32 s19, $0x2;
	s2 =	sadd.s32 $0x80, s2;
	v25 =	vld [tilespmem:s22+$0xFFFFFF90];
	v12 =	vadd.f32 v12, v22  }
0x117: {  	v22 =	vld.idx.msk [tilespmem:v1+s7+$0x30 ss:$0x1], $0xffff;
	p3 =	slt.u32 s2, $0x480;
	v18 =	vadd.f32 v18, v24;
	v10 =	vadd.f32 v10, v21  }
0x118: {  	v21 =	vld.idx.msk [tilespmem:v1+s7+$0xFFFFFFC0 ss:$0x1], $0xffff;
	v12 =	vadd.f32 v17, v12;
	v11 =	vadd.f32 v11, v23  }
0x119: {  	s22 =	sadd.s32 $0x200, s22;
	v17 =	vld.idx.msk [tilespmem:v5+s7+$0x5070 ss:$0x1], $0xffff;
	[tilespmem:s3+$0xFFFFFFA0] =	vst v18;
	v10 =	vadd.f32 v16, v10;
	v9 =	vadd.f32 v9, v19  }
0x11a: {  	v16 =	vld [tilespmem:s22+$0x0];
	[tilespmem:s3+$0xFFFFFFB0] =	vst v12;
	v11 =	vadd.f32 v15, v11;
	v8 =	vadd.f32 v8, v20  }
0x11b: {  	v12 =	vld.idx.msk [tilespmem:v1+s7+$0xFFFFFFD0 ss:$0x1], $0xffff;
	v6 =	vadd.f32 v6, v25;
	[tilespmem:s3+$0xFFFFFFC0] =	vst v10;
	v9 =	vadd.f32 v13, v9  }
0x11c: {  	v10 =	vld.idx.msk [tilespmem:v1+s7+$0xFFFFFFE0 ss:$0x1], $0xffff;
	[tilespmem:s3+$0xFFFFFFD0] =	vst v11;
	v8 =	vadd.f32 v14, v8  }
0x11d: {  	v13 =	vmul.f32 v22, v4;
	v11 =	vld.idx.msk [tilespmem:v1+s7+$0xFFFFFFF0 ss:$0x1], $0xffff;
	v7 =	vadd.f32 v7, v6;
	[tilespmem:s3+$0xFFFFFFE0] =	vst v9  }
0x11e: {  	v6 =	vmul.f32 v21, v4;
	v9 =	vld.idx.msk [tilespmem:v1+s7+$0x0 ss:$0x1], $0xffff;
	[tilespmem:s3+$0xFFFFFFF0] =	vst v8  }
0x11f: {  	v14 =	vmul.f32 v17, v3;
	v8 =	vld.idx.msk [tilespmem:v1+s7+$0x10 ss:$0x1], $0xffff;
	v13 =	vadd.f32 v13, v16;
	[tilespmem:s3+$0xFFFFFF90] =	vst v7  }
0x120: {  	v7 =	vld.idx.msk [tilespmem:v1+s7+$0x20 ss:$0x1], $0xffff  }
0x121: {  	v20 =	vmul.f32 v12, v4;
	v15 =	vld.idx.msk [tilespmem:v5+s7+$0x5000 ss:$0x1], $0xffff;
	v13 =	vadd.f32 v14, v13  }
0x122: {  	s3 =	sadd.s32 $0x200, s3;
	v12 =	vmul.f32 v10, v4;
	v14 =	vld.idx.msk [tilespmem:v5+s7+$0x5010 ss:$0x1], $0xffff  }
0x123: {  	v10 =	vmul.f32 v11, v4;
	v16 =	vld.idx.msk [tilespmem:v5+s7+$0x5020 ss:$0x1], $0xffff;
	[tilespmem:s3+$0x0] =	vst v13  }
0x124: {  	v11 =	vmul.f32 v9, v4;
	v13 =	vld.idx.msk [tilespmem:v5+s7+$0x5030 ss:$0x1], $0xffff  }
0x125: {  	v9 =	vmul.f32 v8, v4;
	v19 =	vld.idx.msk [tilespmem:v5+s7+$0x5040 ss:$0x1], $0xffff  }
0x126: {  	v8 =	vmul.f32 v7, v4;
	v24 =	vld.idx.msk [tilespmem:v5+s7+$0x5050 ss:$0x1], $0xffff  }
0x127: {  	v7 =	vmul.f32 v15, v3;
	v25 =	vld.idx.msk [tilespmem:v5+s7+$0x5060 ss:$0x1], $0xffff  }
0x128: {  	v18 =	vmul.f32 v14, v3;
	v26 =	vld [tilespmem:s22+$0xFFFFFFA0]  }
.Ltmp9:
0x129: {  	v17 =	vmul.f32 v16, v3;
	v22 =	vld [tilespmem:s22+$0xFFFFFFB0];
	(pc) =	sbr.rel @p3 .LBB2_9-.Ltmp9, $4  }
0x12a: {  	v16 =	vmul.f32 v13, v3;
	v21 =	vld [tilespmem:s22+$0xFFFFFFC0]  }
0x12b: {  	v15 =	vmul.f32 v19, v3;
	v23 =	vld [tilespmem:s22+$0xFFFFFFD0]  }
0x12c: {  	v13 =	vmul.f32 v24, v3;
	v19 =	vld [tilespmem:s22+$0xFFFFFFE0]  }
0x12d: {  	s19 =	sadd.s32 $0x1000, s19;
	v14 =	vmul.f32 v25, v3;
	v24 =	vadd.f32 v20, v26;
	v20 =	vld [tilespmem:s22+$0xFFFFFFF0]  }
0x12e: {  	v25 =	vld [tilespmem:s22+$0xFFFFFF90];
	v12 =	vadd.f32 v12, v22  }
0x12f: {  	v18 =	vadd.f32 v18, v24;
	v10 =	vadd.f32 v10, v21  }
0x130: {  	v12 =	vadd.f32 v17, v12;
	v11 =	vadd.f32 v11, v23  }
0x131: {  	[tilespmem:s3+$0xFFFFFFA0] =	vst v18;
	v10 =	vadd.f32 v16, v10;
	v9 =	vadd.f32 v9, v19  }
0x132: {  	[tilespmem:s3+$0xFFFFFFB0] =	vst v12;
	v11 =	vadd.f32 v15, v11;
	v8 =	vadd.f32 v8, v20  }
0x133: {  	v6 =	vadd.f32 v6, v25;
	[tilespmem:s3+$0xFFFFFFC0] =	vst v10;
	v9 =	vadd.f32 v13, v9  }
0x134: {  	[tilespmem:s3+$0xFFFFFFD0] =	vst v11;
	v8 =	vadd.f32 v14, v8  }
0x135: {  	v6 =	vadd.f32 v7, v6;
	[tilespmem:s3+$0xFFFFFFE0] =	vst v9  }
0x136: {  	[tilespmem:s3+$0xFFFFFFF0] =	vst v8  }
0x137: {  	s2 =	simm.s32 $0x0;
	[tilespmem:s3+$0xFFFFFF90] =	vst v6  }
0x138: {  	v6 =	vld.idx.msk [tilespmem:v1+s2+$0x30 ss:$0x1], $0xffff  }
0x139: {  	v7 =	vld.idx.msk [tilespmem:v1+s2+$0xFFFFFFC0 ss:$0x1], $0xffff  }
0x13a: {  	s19 =	simm.s32 $0xDDF0;
	v8 =	vld.idx.msk [tilespmem:v5+s2+$0x7870 ss:$0x1], $0xffff  }
0x13b: {  	v9 =	vld [tilespmem:s19+$0x0]  }
0x13c: {  	v10 =	vld.idx.msk [tilespmem:v1+s2+$0xFFFFFFD0 ss:$0x1], $0xffff  }
0x13d: {  	v11 =	vld.idx.msk [tilespmem:v1+s2+$0xFFFFFFE0 ss:$0x1], $0xffff  }
0x13e: {  	v13 =	vld.idx.msk [tilespmem:v1+s2+$0xFFFFFFF0 ss:$0x1], $0xffff  }
0x13f: {  	v14 =	vld.idx.msk [tilespmem:v1+s2+$0x0 ss:$0x1], $0xffff  }
0x140: {  	v15 =	vld.idx.msk [tilespmem:v1+s2+$0x10 ss:$0x1], $0xffff  }
0x141: {  	v16 =	vld.idx.msk [tilespmem:v1+s2+$0x20 ss:$0x1], $0xffff  }
0x142: {  	v17 =	vld.idx.msk [tilespmem:v5+s2+$0x7800 ss:$0x1], $0xffff  }
0x143: {  	v18 =	vld.idx.msk [tilespmem:v5+s2+$0x7810 ss:$0x1], $0xffff  }
0x144: {  	v19 =	vld.idx.msk [tilespmem:v5+s2+$0x7820 ss:$0x1], $0xffff  }
0x145: {  	v20 =	vld.idx.msk [tilespmem:v5+s2+$0x7830 ss:$0x1], $0xffff  }
0x146: {  	v24 =	vld.idx.msk [tilespmem:v5+s2+$0x7840 ss:$0x1], $0xffff  }
0x147: {  	v25 =	vld.idx.msk [tilespmem:v5+s2+$0x7850 ss:$0x1], $0xffff;
	v21 =	vmul.f32 v6, v4;
	v6 =	vmul.f32 v7, v4  }
0x148: {  	v27 =	vld.idx.msk [tilespmem:v5+s2+$0x7860 ss:$0x1], $0xffff;
	v23 =	vmul.f32 v8, v3;
	v26 =	vmul.f32 v10, v4  }
0x149: {  	v28 =	vld [tilespmem:s19+$0xFFFFFFA0];
	v12 =	vmul.f32 v11, v4;
	v10 =	vmul.f32 v13, v4  }
0x14a: {  	v22 =	vld [tilespmem:s19+$0xFFFFFFB0];
	v11 =	vmul.f32 v14, v4;
	v8 =	vmul.f32 v16, v4;
	v13 =	vadd.f32 v21, v9  }
0x14b: {  	v7 =	vmul.f32 v17, v3;
	v18 =	vmul.f32 v18, v3;
	v21 =	vld [tilespmem:s19+$0xFFFFFFC0]  }
0x14c: {  	v17 =	vmul.f32 v19, v3;
	v16 =	vmul.f32 v20, v3;
	v13 =	vadd.f32 v23, v13;
	v23 =	vld [tilespmem:s19+$0xFFFFFFD0]  }
0x14d: {  	s3 =	simm.s32 $0x105F0;
	v19 =	vld [tilespmem:s19+$0xFFFFFFE0];
	v14 =	vmul.f32 v27, v3;
	v9 =	vmul.f32 v15, v4  }
0x14e: {  	s22 =	simm.s32 $0x1000;
	s2 =	simm.s32 $0x0;
	v20 =	vld [tilespmem:s19+$0xFFFFFFF0];
	v15 =	vmul.f32 v24, v3;
	v24 =	vadd.f32 v26, v28;
	[tilespmem:s3+$0x0] =	vst v13;
	v13 =	vmul.f32 v25, v3  }
.LBB2_11:
0x14f: {  	s7 =	sshra.s32 s22, $0x2;
	s2 =	sadd.s32 $0x80, s2;
	v25 =	vld [tilespmem:s19+$0xFFFFFF90];
	v12 =	vadd.f32 v12, v22  }
0x150: {  	v22 =	vld.idx.msk [tilespmem:v1+s7+$0x30 ss:$0x1], $0xffff;
	p3 =	slt.u32 s2, $0x480;
	v18 =	vadd.f32 v18, v24;
	v10 =	vadd.f32 v10, v21  }
0x151: {  	v21 =	vld.idx.msk [tilespmem:v1+s7+$0xFFFFFFC0 ss:$0x1], $0xffff;
	v12 =	vadd.f32 v17, v12;
	v11 =	vadd.f32 v11, v23  }
0x152: {  	s19 =	sadd.s32 $0x200, s19;
	v17 =	vld.idx.msk [tilespmem:v5+s7+$0x7870 ss:$0x1], $0xffff;
	[tilespmem:s3+$0xFFFFFFA0] =	vst v18;
	v10 =	vadd.f32 v16, v10;
	v9 =	vadd.f32 v9, v19  }
0x153: {  	v16 =	vld [tilespmem:s19+$0x0];
	[tilespmem:s3+$0xFFFFFFB0] =	vst v12;
	v11 =	vadd.f32 v15, v11;
	v8 =	vadd.f32 v8, v20  }
0x154: {  	v12 =	vld.idx.msk [tilespmem:v1+s7+$0xFFFFFFD0 ss:$0x1], $0xffff;
	v6 =	vadd.f32 v6, v25;
	[tilespmem:s3+$0xFFFFFFC0] =	vst v10;
	v9 =	vadd.f32 v13, v9  }
0x155: {  	v10 =	vld.idx.msk [tilespmem:v1+s7+$0xFFFFFFE0 ss:$0x1], $0xffff;
	[tilespmem:s3+$0xFFFFFFD0] =	vst v11;
	v8 =	vadd.f32 v14, v8  }
0x156: {  	v13 =	vmul.f32 v22, v4;
	v11 =	vld.idx.msk [tilespmem:v1+s7+$0xFFFFFFF0 ss:$0x1], $0xffff;
	v7 =	vadd.f32 v7, v6;
	[tilespmem:s3+$0xFFFFFFE0] =	vst v9  }
0x157: {  	v6 =	vmul.f32 v21, v4;
	v9 =	vld.idx.msk [tilespmem:v1+s7+$0x0 ss:$0x1], $0xffff;
	[tilespmem:s3+$0xFFFFFFF0] =	vst v8  }
0x158: {  	v14 =	vmul.f32 v17, v3;
	v8 =	vld.idx.msk [tilespmem:v1+s7+$0x10 ss:$0x1], $0xffff;
	v13 =	vadd.f32 v13, v16;
	[tilespmem:s3+$0xFFFFFF90] =	vst v7  }
0x159: {  	v7 =	vld.idx.msk [tilespmem:v1+s7+$0x20 ss:$0x1], $0xffff  }
0x15a: {  	v20 =	vmul.f32 v12, v4;
	v15 =	vld.idx.msk [tilespmem:v5+s7+$0x7800 ss:$0x1], $0xffff;
	v13 =	vadd.f32 v14, v13  }
0x15b: {  	s3 =	sadd.s32 $0x200, s3;
	v12 =	vmul.f32 v10, v4;
	v14 =	vld.idx.msk [tilespmem:v5+s7+$0x7810 ss:$0x1], $0xffff  }
0x15c: {  	v10 =	vmul.f32 v11, v4;
	v16 =	vld.idx.msk [tilespmem:v5+s7+$0x7820 ss:$0x1], $0xffff;
	[tilespmem:s3+$0x0] =	vst v13  }
0x15d: {  	v11 =	vmul.f32 v9, v4;
	v13 =	vld.idx.msk [tilespmem:v5+s7+$0x7830 ss:$0x1], $0xffff  }
0x15e: {  	v9 =	vmul.f32 v8, v4;
	v19 =	vld.idx.msk [tilespmem:v5+s7+$0x7840 ss:$0x1], $0xffff  }
0x15f: {  	v8 =	vmul.f32 v7, v4;
	v24 =	vld.idx.msk [tilespmem:v5+s7+$0x7850 ss:$0x1], $0xffff  }
0x160: {  	v7 =	vmul.f32 v15, v3;
	v25 =	vld.idx.msk [tilespmem:v5+s7+$0x7860 ss:$0x1], $0xffff  }
0x161: {  	v18 =	vmul.f32 v14, v3;
	v26 =	vld [tilespmem:s19+$0xFFFFFFA0]  }
.Ltmp10:
0x162: {  	v17 =	vmul.f32 v16, v3;
	v22 =	vld [tilespmem:s19+$0xFFFFFFB0];
	(pc) =	sbr.rel @p3 .LBB2_11-.Ltmp10, $4  }
0x163: {  	v16 =	vmul.f32 v13, v3;
	v21 =	vld [tilespmem:s19+$0xFFFFFFC0]  }
0x164: {  	v15 =	vmul.f32 v19, v3;
	v23 =	vld [tilespmem:s19+$0xFFFFFFD0]  }
0x165: {  	v13 =	vmul.f32 v24, v3;
	v19 =	vld [tilespmem:s19+$0xFFFFFFE0]  }
0x166: {  	s22 =	sadd.s32 $0x1000, s22;
	v14 =	vmul.f32 v25, v3;
	v24 =	vadd.f32 v20, v26;
	v20 =	vld [tilespmem:s19+$0xFFFFFFF0]  }
0x167: {  	v5 =	vld [tilespmem:s19+$0xFFFFFF90];
	v12 =	vadd.f32 v12, v22  }
0x168: {  	v18 =	vadd.f32 v18, v24;
	v10 =	vadd.f32 v10, v21  }
0x169: {  	v12 =	vadd.f32 v17, v12;
	v11 =	vadd.f32 v11, v23  }
0x16a: {  	[tilespmem:s3+$0xFFFFFFA0] =	vst v18;
	v10 =	vadd.f32 v16, v10;
	v9 =	vadd.f32 v9, v19  }
0x16b: {  	[tilespmem:s3+$0xFFFFFFB0] =	vst v12;
	v11 =	vadd.f32 v15, v11;
	v8 =	vadd.f32 v8, v20  }
.Ltmp11:
0x16c: {  	v5 =	vadd.f32 v6, v5;
	[tilespmem:s3+$0xFFFFFFC0] =	vst v10;
	v6 =	vadd.f32 v13, v9;
	(pc) =	sbr.rel .LBB2_23-.Ltmp11, $4  }
0x16d: {  	[tilespmem:s3+$0xFFFFFFD0] =	vst v11;
	v8 =	vadd.f32 v14, v8  }
0x16e: {  	v5 =	vadd.f32 v7, v5;
	[tilespmem:s3+$0xFFFFFFE0] =	vst v6  }
0x16f: {  	[tilespmem:s3+$0xFFFFFFF0] =	vst v8  }
0x170: {  	[tilespmem:s3+$0xFFFFFF90] =	vst v5  }
.LBB2_13:
0x171: {  	p3 =	sne.s32 s2, $0x8  }
.Ltmp12:
0x172: {  	_ = 	snop;
	(pc) =	sbr.rel @p3 .LBB2_23-.Ltmp12, $1  }
0x173: {  	_ =	sdelay $0x3  }
0x174: {  	v5 =	vld [tilespmem:s20+$0x30]  }
0x175: {  	v8 =	vld [tilespmem:s20+$0xFFFFFFC0]  }
0x176: {  	v9 =	vld [tilespmem:s20+$0xFFFFFFD0]  }
0x177: {  	v10 =	vld [tilespmem:s20+$0xFFFFFFE0]  }
0x178: {  	v11 =	vld [tilespmem:s20+$0xFFFFFFF0]  }
0x179: {  	v12 =	vld [tilespmem:s20+$0x0]  }
0x17a: {  	v13 =	vld [tilespmem:s20+$0x10]  }
0x17b: {  	s3 =	simm.s32 $0xDC40;
	v14 =	vld [tilespmem:s20+$0x20]  }
0x17c: {  	s19 =	simm.s32 $0xA040;
	v6 =	vld [tilespmem:s3+$0x30]  }
0x17d: {  	v7 =	vld [tilespmem:s19+$0x30]  }
0x17e: {  	v15 =	vld [tilespmem:s19+$0xFFFFFFC0]  }
0x17f: {  	v16 =	vld [tilespmem:s3+$0xFFFFFFD0]  }
0x180: {  	v17 =	vld [tilespmem:s19+$0xFFFFFFD0]  }
0x181: {  	v18 =	vld [tilespmem:s3+$0xFFFFFFE0]  }
0x182: {  	v19 =	vld [tilespmem:s19+$0xFFFFFFE0];
	v5 =	vmul.f32 v5, v4  }
0x183: {  	v20 =	vld [tilespmem:s3+$0xFFFFFFF0];
	v9 =	vmul.f32 v9, v4  }
0x184: {  	v10 =	vmul.f32 v10, v4;
	v5 =	vadd.f32 v5, v6;
	v6 =	vmul.f32 v7, v3;
	v7 =	vld [tilespmem:s19+$0xFFFFFFF0]  }
0x185: {  	v21 =	vld [tilespmem:s19+$0x0];
	v9 =	vadd.f32 v9, v16;
	v16 =	vmul.f32 v17, v3  }
0x186: {  	v11 =	vmul.f32 v11, v4;
	v17 =	vld [tilespmem:s3+$0x0];
	v18 =	vadd.f32 v10, v18  }
0x187: {  	v19 =	vmul.f32 v19, v3;
	v6 =	vadd.f32 v6, v5;
	v16 =	vadd.f32 v16, v9;
	v9 =	vld [tilespmem:s3+$0x10]  }
0x188: {  	s26 =	simm.s32 $0x10440;
	v22 =	vmul.f32 v12, v4;
	v20 =	vadd.f32 v11, v20;
	v10 =	vld [tilespmem:s19+$0x10];
	v5 =	vmul.f32 v8, v4  }
0x189: {  	v11 =	vld [tilespmem:s3+$0x20];
	v8 =	vmul.f32 v13, v4;
	v18 =	vadd.f32 v19, v18;
	[tilespmem:s26+$0x30] =	vst v6;
	v19 =	vmul.f32 v7, v3  }
0x18a: {  	s2 =	simm.s32 $0x0;
	s25 =	simm.s32 $0xDCF0;
	v12 =	vld [tilespmem:s19+$0x20];
	v6 =	vmul.f32 v15, v3;
	[tilespmem:s26+$0xFFFFFFD0] =	vst v16;
	v16 =	vmul.f32 v21, v3  }
0x18b: {  	s22 =	simm.s32 $0xA0F0;
	s24 =	simm.s32 $0x104F0;
	s7 =	sadd.s32 $0x400, s20;
	v13 =	vld [tilespmem:s3+$0xFFFFFFC0];
	[tilespmem:s26+$0xFFFFFFE0] =	vst v18;
	v7 =	vmul.f32 v14, v4;
	v14 =	vadd.f32 v22, v17;
	v15 =	vadd.f32 v19, v20  }
.LBB2_15:
0x18c: {  	v17 =	vld [tilespmem:s7+$0x30];
	s2 =	sadd.s32 $0x80, s2;
	v8 =	vadd.f32 v8, v9;
	s3 =	sadd.s32 $0x200, s3  }
0x18d: {  	s19 =	sadd.s32 $0x200, s19;
	v9 =	vld [tilespmem:s3+$0x30];
	p3 =	slt.u32 s2, $0x480;
	[tilespmem:s26+$0xFFFFFFF0] =	vst v15;
	v14 =	vadd.f32 v16, v14;
	v10 =	vmul.f32 v10, v3  }
0x18e: {  	v15 =	vld [tilespmem:s19+$0x30];
	v7 =	vadd.f32 v7, v11  }
0x18f: {  	v11 =	vld [tilespmem:s7+$0xFFFFFFC0];
	[tilespmem:s26+$0x0] =	vst v14;
	v8 =	vadd.f32 v10, v8;
	v10 =	vmul.f32 v12, v3  }
0x190: {  	v12 =	vld [tilespmem:s7+$0xFFFFFFD0];
	v5 =	vadd.f32 v5, v13  }
0x191: {  	v13 =	vld [tilespmem:s7+$0xFFFFFFE0];
	v14 =	vmul.f32 v17, v4;
	[tilespmem:s26+$0x10] =	vst v8;
	v7 =	vadd.f32 v10, v7  }
0x192: {  	v8 =	vld [tilespmem:s7+$0xFFFFFFF0];
	v6 =	vadd.f32 v6, v5  }
0x193: {  	v10 =	vld [tilespmem:s7+$0x0];
	v9 =	vadd.f32 v14, v9;
	v14 =	vmul.f32 v15, v3;
	[tilespmem:s26+$0x20] =	vst v7  }
0x194: {  	v5 =	vmul.f32 v11, v4;
	v7 =	vld [tilespmem:s7+$0x10];
	[tilespmem:s26+$0xFFFFFFC0] =	vst v6  }
0x195: {  	v11 =	vmul.f32 v12, v4;
	v6 =	vld [tilespmem:s7+$0x20];
	v9 =	vadd.f32 v14, v9  }
0x196: {  	s26 =	sadd.s32 $0x200, s26;
	v12 =	vld [tilespmem:s19+$0xFFFFFFC0];
	v13 =	vmul.f32 v13, v4  }
0x197: {  	v14 =	vld [tilespmem:s3+$0xFFFFFFD0];
	v15 =	vmul.f32 v8, v4;
	[tilespmem:s26+$0x30] =	vst v9  }
0x198: {  	v9 =	vld [tilespmem:s19+$0xFFFFFFD0];
	v16 =	vmul.f32 v10, v4  }
0x199: {  	v10 =	vld [tilespmem:s3+$0xFFFFFFE0];
	v8 =	vmul.f32 v7, v4  }
0x19a: {  	v17 =	vld [tilespmem:s19+$0xFFFFFFE0];
	v7 =	vmul.f32 v6, v4  }
0x19b: {  	v6 =	vmul.f32 v12, v3;
	v12 =	vld [tilespmem:s3+$0xFFFFFFF0]  }
0x19c: {  	v11 =	vadd.f32 v11, v14;
	v14 =	vld [tilespmem:s19+$0xFFFFFFF0]  }
0x19d: {  	v9 =	vmul.f32 v9, v3;
	v18 =	vld [tilespmem:s3+$0x0]  }
0x19e: {  	v13 =	vadd.f32 v13, v10;
	v19 =	vld [tilespmem:s19+$0x0]  }
.Ltmp13:
0x19f: {  	v11 =	vadd.f32 v9, v11;
	v17 =	vmul.f32 v17, v3;
	v9 =	vld [tilespmem:s3+$0x10];
	(pc) =	sbr.rel @p3 .LBB2_15-.Ltmp13, $4  }
0x1a0: {  	v15 =	vadd.f32 v15, v12;
	v10 =	vld [tilespmem:s19+$0x10]  }
0x1a1: {  	[tilespmem:s26+$0xFFFFFFD0] =	vst v11;
	v17 =	vadd.f32 v17, v13;
	v20 =	vmul.f32 v14, v3;
	v11 =	vld [tilespmem:s3+$0x20]  }
0x1a2: {  	v14 =	vadd.f32 v16, v18;
	v12 =	vld [tilespmem:s19+$0x20]  }
0x1a3: {  	s7 =	sadd.s32 $0x400, s7;
	v13 =	vld [tilespmem:s3+$0xFFFFFFC0];
	[tilespmem:s26+$0xFFFFFFE0] =	vst v17;
	v15 =	vadd.f32 v20, v15;
	v16 =	vmul.f32 v19, v3  }
0x1a4: {  	_ =	sdelay $0x1  }
0x1a5: {  	v8 =	vadd.f32 v8, v9;
	v9 =	vmul.f32 v10, v3  }
0x1a6: {  	v10 =	vadd.f32 v16, v14;
	v7 =	vadd.f32 v7, v11;
	v11 =	vmul.f32 v12, v3  }
0x1a7: {  	[tilespmem:s26+$0xFFFFFFF0] =	vst v15;
	v8 =	vadd.f32 v9, v8;
	v5 =	vadd.f32 v5, v13  }
0x1a8: {  	[tilespmem:s26+$0x0] =	vst v10;
	v7 =	vadd.f32 v11, v7  }
0x1a9: {  	[tilespmem:s26+$0x10] =	vst v8;
	v5 =	vadd.f32 v6, v5  }
0x1aa: {  	[tilespmem:s26+$0x20] =	vst v7  }
0x1ab: {  	[tilespmem:s26+$0xFFFFFFC0] =	vst v5  }
0x1ac: {  	v5 =	vld [tilespmem:s20+$0x30]  }
0x1ad: {  	v6 =	vld [tilespmem:s25+$0x0]  }
0x1ae: {  	v7 =	vld [tilespmem:s22+$0x0]  }
0x1af: {  	v8 =	vld [tilespmem:s20+$0xFFFFFFC0]  }
0x1b0: {  	v9 =	vld [tilespmem:s20+$0xFFFFFFD0]  }
0x1b1: {  	v10 =	vld [tilespmem:s20+$0xFFFFFFE0]  }
0x1b2: {  	v11 =	vld [tilespmem:s20+$0xFFFFFFF0]  }
0x1b3: {  	v12 =	vld [tilespmem:s20+$0x0]  }
0x1b4: {  	v13 =	vld [tilespmem:s20+$0x10]  }
0x1b5: {  	v14 =	vld [tilespmem:s20+$0x20]  }
0x1b6: {  	v15 =	vld [tilespmem:s22+$0xFFFFFF90]  }
0x1b7: {  	v16 =	vld [tilespmem:s25+$0xFFFFFFA0]  }
0x1b8: {  	v17 =	vld [tilespmem:s22+$0xFFFFFFA0]  }
0x1b9: {  	v19 =	vld [tilespmem:s22+$0xFFFFFFB0]  }
0x1ba: {  	v18 =	vld [tilespmem:s25+$0xFFFFFFB0];
	v5 =	vmul.f32 v5, v4  }
0x1bb: {  	v20 =	vld [tilespmem:s25+$0xFFFFFFC0]  }
0x1bc: {  	v9 =	vmul.f32 v9, v4;
	v5 =	vadd.f32 v5, v6;
	v6 =	vmul.f32 v7, v3;
	v7 =	vld [tilespmem:s22+$0xFFFFFFC0]  }
0x1bd: {  	v21 =	vld [tilespmem:s22+$0xFFFFFFD0];
	v10 =	vmul.f32 v10, v4;
	v11 =	vmul.f32 v11, v4  }
0x1be: {  	v19 =	vmul.f32 v19, v3;
	v9 =	vadd.f32 v9, v16;
	v16 =	vmul.f32 v17, v3;
	v17 =	vld [tilespmem:s25+$0xFFFFFFD0]  }
0x1bf: {  	v22 =	vmul.f32 v12, v4;
	v18 =	vadd.f32 v10, v18;
	v10 =	vld [tilespmem:s25+$0xFFFFFFE0];
	v6 =	vadd.f32 v6, v5  }
0x1c0: {  	v20 =	vadd.f32 v11, v20;
	v16 =	vadd.f32 v16, v9;
	v5 =	vmul.f32 v8, v4;
	v9 =	vld [tilespmem:s22+$0xFFFFFFE0]  }
0x1c1: {  	v11 =	vld [tilespmem:s25+$0xFFFFFFF0];
	v8 =	vmul.f32 v13, v4;
	v18 =	vadd.f32 v19, v18;
	[tilespmem:s24+$0x0] =	vst v6;
	v19 =	vmul.f32 v7, v3  }
0x1c2: {  	s2 =	simm.s32 $0x0;
	s19 =	simm.s32 $0x10570;
	v12 =	vld [tilespmem:s22+$0xFFFFFFF0];
	v6 =	vmul.f32 v15, v3;
	[tilespmem:s24+$0xFFFFFFA0] =	vst v16;
	v16 =	vmul.f32 v21, v3  }
0x1c3: {  	s3 =	simm.s32 $0xA170;
	s7 =	sadd.s32 $0x400, s20;
	s26 =	simm.s32 $0xDD70;
	v13 =	vld [tilespmem:s25+$0xFFFFFF90];
	[tilespmem:s24+$0xFFFFFFB0] =	vst v18;
	v7 =	vmul.f32 v14, v4;
	v14 =	vadd.f32 v22, v17;
	v15 =	vadd.f32 v19, v20  }
.LBB2_17:
0x1c4: {  	v17 =	vld [tilespmem:s7+$0x30];
	s2 =	sadd.s32 $0x80, s2;
	v8 =	vadd.f32 v8, v10;
	s25 =	sadd.s32 $0x200, s25  }
0x1c5: {  	s22 =	sadd.s32 $0x200, s22;
	v10 =	vld [tilespmem:s25+$0x0];
	p3 =	slt.u32 s2, $0x480;
	[tilespmem:s24+$0xFFFFFFC0] =	vst v15;
	v14 =	vadd.f32 v16, v14;
	v9 =	vmul.f32 v9, v3  }
0x1c6: {  	v15 =	vld [tilespmem:s22+$0x0];
	v7 =	vadd.f32 v7, v11  }
0x1c7: {  	v11 =	vld [tilespmem:s7+$0xFFFFFFC0];
	[tilespmem:s24+$0xFFFFFFD0] =	vst v14;
	v8 =	vadd.f32 v9, v8;
	v9 =	vmul.f32 v12, v3  }
0x1c8: {  	v12 =	vld [tilespmem:s7+$0xFFFFFFD0];
	v5 =	vadd.f32 v5, v13  }
0x1c9: {  	v13 =	vld [tilespmem:s7+$0xFFFFFFE0];
	v14 =	vmul.f32 v17, v4;
	[tilespmem:s24+$0xFFFFFFE0] =	vst v8;
	v7 =	vadd.f32 v9, v7  }
0x1ca: {  	v8 =	vld [tilespmem:s7+$0xFFFFFFF0];
	v6 =	vadd.f32 v6, v5  }
0x1cb: {  	v9 =	vld [tilespmem:s7+$0x0];
	v10 =	vadd.f32 v14, v10;
	v14 =	vmul.f32 v15, v3;
	[tilespmem:s24+$0xFFFFFFF0] =	vst v7  }
0x1cc: {  	v5 =	vmul.f32 v11, v4;
	v7 =	vld [tilespmem:s7+$0x10];
	[tilespmem:s24+$0xFFFFFF90] =	vst v6  }
0x1cd: {  	v11 =	vmul.f32 v12, v4;
	v6 =	vld [tilespmem:s7+$0x20];
	v10 =	vadd.f32 v14, v10  }
0x1ce: {  	s24 =	sadd.s32 $0x200, s24;
	v12 =	vld [tilespmem:s22+$0xFFFFFF90];
	v13 =	vmul.f32 v13, v4  }
0x1cf: {  	v14 =	vld [tilespmem:s25+$0xFFFFFFA0];
	v15 =	vmul.f32 v8, v4;
	[tilespmem:s24+$0x0] =	vst v10  }
0x1d0: {  	v10 =	vld [tilespmem:s22+$0xFFFFFFA0];
	v16 =	vmul.f32 v9, v4  }
0x1d1: {  	v9 =	vld [tilespmem:s25+$0xFFFFFFB0];
	v8 =	vmul.f32 v7, v4  }
0x1d2: {  	v17 =	vld [tilespmem:s22+$0xFFFFFFB0];
	v7 =	vmul.f32 v6, v4  }
0x1d3: {  	v6 =	vmul.f32 v12, v3;
	v12 =	vld [tilespmem:s25+$0xFFFFFFC0]  }
0x1d4: {  	v11 =	vadd.f32 v11, v14;
	v14 =	vld [tilespmem:s22+$0xFFFFFFC0]  }
0x1d5: {  	v10 =	vmul.f32 v10, v3;
	v18 =	vld [tilespmem:s25+$0xFFFFFFD0]  }
0x1d6: {  	v13 =	vadd.f32 v13, v9;
	v19 =	vld [tilespmem:s22+$0xFFFFFFD0]  }
.Ltmp14:
0x1d7: {  	v11 =	vadd.f32 v10, v11;
	v17 =	vmul.f32 v17, v3;
	v10 =	vld [tilespmem:s25+$0xFFFFFFE0];
	(pc) =	sbr.rel @p3 .LBB2_17-.Ltmp14, $4  }
0x1d8: {  	v15 =	vadd.f32 v15, v12;
	v9 =	vld [tilespmem:s22+$0xFFFFFFE0]  }
0x1d9: {  	[tilespmem:s24+$0xFFFFFFA0] =	vst v11;
	v17 =	vadd.f32 v17, v13;
	v20 =	vmul.f32 v14, v3;
	v11 =	vld [tilespmem:s25+$0xFFFFFFF0]  }
0x1da: {  	v14 =	vadd.f32 v16, v18;
	v12 =	vld [tilespmem:s22+$0xFFFFFFF0]  }
0x1db: {  	s7 =	sadd.s32 $0x400, s7;
	v13 =	vld [tilespmem:s25+$0xFFFFFF90];
	[tilespmem:s24+$0xFFFFFFB0] =	vst v17;
	v15 =	vadd.f32 v20, v15;
	v16 =	vmul.f32 v19, v3  }
0x1dc: {  	_ =	sdelay $0x1  }
0x1dd: {  	v8 =	vadd.f32 v8, v10;
	v9 =	vmul.f32 v9, v3  }
0x1de: {  	v10 =	vadd.f32 v16, v14;
	v7 =	vadd.f32 v7, v11;
	v11 =	vmul.f32 v12, v3  }
0x1df: {  	[tilespmem:s24+$0xFFFFFFC0] =	vst v15;
	v8 =	vadd.f32 v9, v8;
	v5 =	vadd.f32 v5, v13  }
0x1e0: {  	[tilespmem:s24+$0xFFFFFFD0] =	vst v10;
	v7 =	vadd.f32 v11, v7  }
0x1e1: {  	[tilespmem:s24+$0xFFFFFFE0] =	vst v8;
	v5 =	vadd.f32 v6, v5  }
0x1e2: {  	[tilespmem:s24+$0xFFFFFFF0] =	vst v7  }
0x1e3: {  	[tilespmem:s24+$0xFFFFFF90] =	vst v5  }
0x1e4: {  	v5 =	vld [tilespmem:s20+$0x30]  }
0x1e5: {  	v6 =	vld [tilespmem:s26+$0x0]  }
0x1e6: {  	v7 =	vld [tilespmem:s3+$0x0]  }
0x1e7: {  	v8 =	vld [tilespmem:s20+$0xFFFFFFC0]  }
0x1e8: {  	v9 =	vld [tilespmem:s20+$0xFFFFFFD0]  }
0x1e9: {  	v10 =	vld [tilespmem:s20+$0xFFFFFFE0]  }
0x1ea: {  	v11 =	vld [tilespmem:s20+$0xFFFFFFF0]  }
0x1eb: {  	v12 =	vld [tilespmem:s20+$0x0]  }
0x1ec: {  	v13 =	vld [tilespmem:s20+$0x10]  }
0x1ed: {  	v14 =	vld [tilespmem:s20+$0x20]  }
0x1ee: {  	v15 =	vld [tilespmem:s3+$0xFFFFFF90]  }
0x1ef: {  	v16 =	vld [tilespmem:s26+$0xFFFFFFA0]  }
0x1f0: {  	v17 =	vld [tilespmem:s3+$0xFFFFFFA0]  }
0x1f1: {  	v19 =	vld [tilespmem:s3+$0xFFFFFFB0]  }
0x1f2: {  	v18 =	vld [tilespmem:s26+$0xFFFFFFB0];
	v5 =	vmul.f32 v5, v4  }
0x1f3: {  	v20 =	vld [tilespmem:s26+$0xFFFFFFC0]  }
0x1f4: {  	v9 =	vmul.f32 v9, v4;
	v5 =	vadd.f32 v5, v6;
	v6 =	vmul.f32 v7, v3;
	v7 =	vld [tilespmem:s3+$0xFFFFFFC0]  }
0x1f5: {  	v21 =	vld [tilespmem:s3+$0xFFFFFFD0];
	v10 =	vmul.f32 v10, v4;
	v11 =	vmul.f32 v11, v4  }
0x1f6: {  	v19 =	vmul.f32 v19, v3;
	v9 =	vadd.f32 v9, v16;
	v16 =	vmul.f32 v17, v3;
	v17 =	vld [tilespmem:s26+$0xFFFFFFD0]  }
0x1f7: {  	v22 =	vmul.f32 v12, v4;
	v18 =	vadd.f32 v10, v18;
	v10 =	vld [tilespmem:s26+$0xFFFFFFE0];
	v6 =	vadd.f32 v6, v5  }
0x1f8: {  	v20 =	vadd.f32 v11, v20;
	v16 =	vadd.f32 v16, v9;
	v5 =	vmul.f32 v8, v4;
	v9 =	vld [tilespmem:s3+$0xFFFFFFE0]  }
0x1f9: {  	v11 =	vld [tilespmem:s26+$0xFFFFFFF0];
	v8 =	vmul.f32 v13, v4;
	v18 =	vadd.f32 v19, v18;
	[tilespmem:s19+$0x0] =	vst v6;
	v19 =	vmul.f32 v7, v3  }
0x1fa: {  	s2 =	simm.s32 $0x0;
	s25 =	simm.s32 $0xDDF0;
	v12 =	vld [tilespmem:s3+$0xFFFFFFF0];
	v6 =	vmul.f32 v15, v3;
	[tilespmem:s19+$0xFFFFFFA0] =	vst v16;
	v16 =	vmul.f32 v21, v3  }
0x1fb: {  	s22 =	simm.s32 $0xA1F0;
	s7 =	sadd.s32 $0x400, s20;
	s24 =	simm.s32 $0x105F0;
	v13 =	vld [tilespmem:s26+$0xFFFFFF90];
	[tilespmem:s19+$0xFFFFFFB0] =	vst v18;
	v7 =	vmul.f32 v14, v4;
	v14 =	vadd.f32 v22, v17;
	v15 =	vadd.f32 v19, v20  }
.LBB2_19:
0x1fc: {  	v17 =	vld [tilespmem:s7+$0x30];
	s2 =	sadd.s32 $0x80, s2;
	v8 =	vadd.f32 v8, v10;
	s26 =	sadd.s32 $0x200, s26  }
0x1fd: {  	s3 =	sadd.s32 $0x200, s3;
	v10 =	vld [tilespmem:s26+$0x0];
	p3 =	slt.u32 s2, $0x480;
	[tilespmem:s19+$0xFFFFFFC0] =	vst v15;
	v14 =	vadd.f32 v16, v14;
	v9 =	vmul.f32 v9, v3  }
0x1fe: {  	v15 =	vld [tilespmem:s3+$0x0];
	v7 =	vadd.f32 v7, v11  }
0x1ff: {  	v11 =	vld [tilespmem:s7+$0xFFFFFFC0];
	[tilespmem:s19+$0xFFFFFFD0] =	vst v14;
	v8 =	vadd.f32 v9, v8;
	v9 =	vmul.f32 v12, v3  }
0x200: {  	v12 =	vld [tilespmem:s7+$0xFFFFFFD0];
	v5 =	vadd.f32 v5, v13  }
0x201: {  	v13 =	vld [tilespmem:s7+$0xFFFFFFE0];
	v14 =	vmul.f32 v17, v4;
	[tilespmem:s19+$0xFFFFFFE0] =	vst v8;
	v7 =	vadd.f32 v9, v7  }
0x202: {  	v8 =	vld [tilespmem:s7+$0xFFFFFFF0];
	v6 =	vadd.f32 v6, v5  }
0x203: {  	v9 =	vld [tilespmem:s7+$0x0];
	v10 =	vadd.f32 v14, v10;
	v14 =	vmul.f32 v15, v3;
	[tilespmem:s19+$0xFFFFFFF0] =	vst v7  }
0x204: {  	v5 =	vmul.f32 v11, v4;
	v7 =	vld [tilespmem:s7+$0x10];
	[tilespmem:s19+$0xFFFFFF90] =	vst v6  }
0x205: {  	v11 =	vmul.f32 v12, v4;
	v6 =	vld [tilespmem:s7+$0x20];
	v10 =	vadd.f32 v14, v10  }
0x206: {  	s19 =	sadd.s32 $0x200, s19;
	v12 =	vld [tilespmem:s3+$0xFFFFFF90];
	v13 =	vmul.f32 v13, v4  }
0x207: {  	v14 =	vld [tilespmem:s26+$0xFFFFFFA0];
	v15 =	vmul.f32 v8, v4;
	[tilespmem:s19+$0x0] =	vst v10  }
0x208: {  	v10 =	vld [tilespmem:s3+$0xFFFFFFA0];
	v16 =	vmul.f32 v9, v4  }
0x209: {  	v9 =	vld [tilespmem:s26+$0xFFFFFFB0];
	v8 =	vmul.f32 v7, v4  }
0x20a: {  	v17 =	vld [tilespmem:s3+$0xFFFFFFB0];
	v7 =	vmul.f32 v6, v4  }
0x20b: {  	v6 =	vmul.f32 v12, v3;
	v12 =	vld [tilespmem:s26+$0xFFFFFFC0]  }
0x20c: {  	v11 =	vadd.f32 v11, v14;
	v14 =	vld [tilespmem:s3+$0xFFFFFFC0]  }
0x20d: {  	v10 =	vmul.f32 v10, v3;
	v18 =	vld [tilespmem:s26+$0xFFFFFFD0]  }
0x20e: {  	v13 =	vadd.f32 v13, v9;
	v19 =	vld [tilespmem:s3+$0xFFFFFFD0]  }
.Ltmp15:
0x20f: {  	v11 =	vadd.f32 v10, v11;
	v17 =	vmul.f32 v17, v3;
	v10 =	vld [tilespmem:s26+$0xFFFFFFE0];
	(pc) =	sbr.rel @p3 .LBB2_19-.Ltmp15, $4  }
0x210: {  	v15 =	vadd.f32 v15, v12;
	v9 =	vld [tilespmem:s3+$0xFFFFFFE0]  }
0x211: {  	[tilespmem:s19+$0xFFFFFFA0] =	vst v11;
	v17 =	vadd.f32 v17, v13;
	v20 =	vmul.f32 v14, v3;
	v11 =	vld [tilespmem:s26+$0xFFFFFFF0]  }
0x212: {  	v14 =	vadd.f32 v16, v18;
	v12 =	vld [tilespmem:s3+$0xFFFFFFF0]  }
0x213: {  	s7 =	sadd.s32 $0x400, s7;
	v13 =	vld [tilespmem:s26+$0xFFFFFF90];
	[tilespmem:s19+$0xFFFFFFB0] =	vst v17;
	v15 =	vadd.f32 v20, v15;
	v16 =	vmul.f32 v19, v3  }
0x214: {  	_ =	sdelay $0x1  }
0x215: {  	v8 =	vadd.f32 v8, v10;
	v9 =	vmul.f32 v9, v3  }
0x216: {  	v10 =	vadd.f32 v16, v14;
	v7 =	vadd.f32 v7, v11;
	v11 =	vmul.f32 v12, v3  }
0x217: {  	[tilespmem:s19+$0xFFFFFFC0] =	vst v15;
	v8 =	vadd.f32 v9, v8;
	v5 =	vadd.f32 v5, v13  }
0x218: {  	[tilespmem:s19+$0xFFFFFFD0] =	vst v10;
	v7 =	vadd.f32 v11, v7  }
0x219: {  	[tilespmem:s19+$0xFFFFFFE0] =	vst v8;
	v5 =	vadd.f32 v6, v5  }
0x21a: {  	[tilespmem:s19+$0xFFFFFFF0] =	vst v7  }
0x21b: {  	[tilespmem:s19+$0xFFFFFF90] =	vst v5  }
0x21c: {  	v5 =	vld [tilespmem:s20+$0x30]  }
0x21d: {  	v6 =	vld [tilespmem:s25+$0x0]  }
0x21e: {  	v7 =	vld [tilespmem:s22+$0x0]  }
0x21f: {  	v8 =	vld [tilespmem:s20+$0xFFFFFFC0]  }
0x220: {  	v9 =	vld [tilespmem:s20+$0xFFFFFFD0]  }
0x221: {  	v10 =	vld [tilespmem:s20+$0xFFFFFFE0]  }
0x222: {  	v11 =	vld [tilespmem:s20+$0xFFFFFFF0]  }
0x223: {  	v12 =	vld [tilespmem:s20+$0x0]  }
0x224: {  	v13 =	vld [tilespmem:s20+$0x10]  }
0x225: {  	v14 =	vld [tilespmem:s20+$0x20]  }
0x226: {  	v15 =	vld [tilespmem:s22+$0xFFFFFF90]  }
0x227: {  	v16 =	vld [tilespmem:s25+$0xFFFFFFA0]  }
0x228: {  	v17 =	vld [tilespmem:s22+$0xFFFFFFA0]  }
0x229: {  	v19 =	vld [tilespmem:s22+$0xFFFFFFB0]  }
0x22a: {  	v18 =	vld [tilespmem:s25+$0xFFFFFFB0];
	v5 =	vmul.f32 v5, v4  }
0x22b: {  	v20 =	vld [tilespmem:s25+$0xFFFFFFC0]  }
0x22c: {  	v9 =	vmul.f32 v9, v4;
	v5 =	vadd.f32 v5, v6;
	v6 =	vmul.f32 v7, v3;
	v7 =	vld [tilespmem:s22+$0xFFFFFFC0]  }
0x22d: {  	v21 =	vld [tilespmem:s22+$0xFFFFFFD0];
	v10 =	vmul.f32 v10, v4;
	v11 =	vmul.f32 v11, v4  }
0x22e: {  	v19 =	vmul.f32 v19, v3;
	v9 =	vadd.f32 v9, v16;
	v16 =	vmul.f32 v17, v3;
	v17 =	vld [tilespmem:s25+$0xFFFFFFD0]  }
0x22f: {  	v12 =	vmul.f32 v12, v4;
	v18 =	vadd.f32 v10, v18;
	v10 =	vld [tilespmem:s25+$0xFFFFFFE0];
	v6 =	vadd.f32 v6, v5  }
0x230: {  	v20 =	vadd.f32 v11, v20;
	v16 =	vadd.f32 v16, v9;
	v5 =	vmul.f32 v8, v4;
	v9 =	vld [tilespmem:s22+$0xFFFFFFE0]  }
0x231: {  	v11 =	vld [tilespmem:s25+$0xFFFFFFF0];
	v8 =	vmul.f32 v13, v4;
	v18 =	vadd.f32 v19, v18;
	[tilespmem:s24+$0x0] =	vst v6;
	v19 =	vmul.f32 v7, v3  }
0x232: {  	v13 =	vld [tilespmem:s22+$0xFFFFFFF0];
	v6 =	vmul.f32 v15, v3;
	[tilespmem:s24+$0xFFFFFFA0] =	vst v16;
	v16 =	vmul.f32 v21, v3  }
0x233: {  	s2 =	simm.s32 $0x0;
	s3 =	sadd.s32 $0x400, s20;
	[tilespmem:s24+$0xFFFFFFB0] =	vst v18;
	v7 =	vmul.f32 v14, v4;
	v14 =	vadd.f32 v12, v17;
	v12 =	vld [tilespmem:s25+$0xFFFFFF90];
	v15 =	vadd.f32 v19, v20  }
.LBB2_21:
0x234: {  	v17 =	vld [tilespmem:s3+$0x30];
	s2 =	sadd.s32 $0x80, s2;
	v8 =	vadd.f32 v8, v10;
	s25 =	sadd.s32 $0x200, s25  }
0x235: {  	s22 =	sadd.s32 $0x200, s22;
	v10 =	vld [tilespmem:s25+$0x0];
	p3 =	slt.u32 s2, $0x480;
	[tilespmem:s24+$0xFFFFFFC0] =	vst v15;
	v14 =	vadd.f32 v16, v14;
	v9 =	vmul.f32 v9, v3  }
0x236: {  	v15 =	vld [tilespmem:s22+$0x0];
	v7 =	vadd.f32 v7, v11  }
0x237: {  	v11 =	vld [tilespmem:s3+$0xFFFFFFC0];
	[tilespmem:s24+$0xFFFFFFD0] =	vst v14;
	v8 =	vadd.f32 v9, v8;
	v9 =	vmul.f32 v13, v3  }
0x238: {  	v13 =	vld [tilespmem:s3+$0xFFFFFFD0];
	v5 =	vadd.f32 v5, v12  }
0x239: {  	v12 =	vld [tilespmem:s3+$0xFFFFFFE0];
	v14 =	vmul.f32 v17, v4;
	[tilespmem:s24+$0xFFFFFFE0] =	vst v8;
	v7 =	vadd.f32 v9, v7  }
0x23a: {  	v8 =	vld [tilespmem:s3+$0xFFFFFFF0];
	v6 =	vadd.f32 v6, v5  }
0x23b: {  	v9 =	vld [tilespmem:s3+$0x0];
	v10 =	vadd.f32 v14, v10;
	v14 =	vmul.f32 v15, v3;
	[tilespmem:s24+$0xFFFFFFF0] =	vst v7  }
0x23c: {  	v5 =	vmul.f32 v11, v4;
	v7 =	vld [tilespmem:s3+$0x10];
	[tilespmem:s24+$0xFFFFFF90] =	vst v6  }
0x23d: {  	v11 =	vmul.f32 v13, v4;
	v6 =	vld [tilespmem:s3+$0x20];
	v10 =	vadd.f32 v14, v10  }
0x23e: {  	s24 =	sadd.s32 $0x200, s24;
	v13 =	vld [tilespmem:s22+$0xFFFFFF90];
	v12 =	vmul.f32 v12, v4  }
0x23f: {  	v14 =	vld [tilespmem:s25+$0xFFFFFFA0];
	v15 =	vmul.f32 v8, v4;
	[tilespmem:s24+$0x0] =	vst v10  }
0x240: {  	v10 =	vld [tilespmem:s22+$0xFFFFFFA0];
	v16 =	vmul.f32 v9, v4  }
0x241: {  	v9 =	vld [tilespmem:s25+$0xFFFFFFB0];
	v8 =	vmul.f32 v7, v4  }
0x242: {  	v17 =	vld [tilespmem:s22+$0xFFFFFFB0];
	v7 =	vmul.f32 v6, v4  }
0x243: {  	v6 =	vmul.f32 v13, v3;
	v13 =	vld [tilespmem:s25+$0xFFFFFFC0]  }
0x244: {  	v11 =	vadd.f32 v11, v14;
	v14 =	vld [tilespmem:s22+$0xFFFFFFC0]  }
0x245: {  	v10 =	vmul.f32 v10, v3;
	v18 =	vld [tilespmem:s25+$0xFFFFFFD0]  }
0x246: {  	v12 =	vadd.f32 v12, v9;
	v19 =	vld [tilespmem:s22+$0xFFFFFFD0]  }
.Ltmp16:
0x247: {  	v11 =	vadd.f32 v10, v11;
	v17 =	vmul.f32 v17, v3;
	v10 =	vld [tilespmem:s25+$0xFFFFFFE0];
	(pc) =	sbr.rel @p3 .LBB2_21-.Ltmp16, $4  }
0x248: {  	v15 =	vadd.f32 v15, v13;
	v9 =	vld [tilespmem:s22+$0xFFFFFFE0]  }
0x249: {  	[tilespmem:s24+$0xFFFFFFA0] =	vst v11;
	v17 =	vadd.f32 v17, v12;
	v20 =	vmul.f32 v14, v3;
	v11 =	vld [tilespmem:s25+$0xFFFFFFF0]  }
0x24a: {  	v14 =	vadd.f32 v16, v18;
	v13 =	vld [tilespmem:s22+$0xFFFFFFF0]  }
0x24b: {  	s3 =	sadd.s32 $0x400, s3;
	v12 =	vld [tilespmem:s25+$0xFFFFFF90];
	[tilespmem:s24+$0xFFFFFFB0] =	vst v17;
	v15 =	vadd.f32 v20, v15;
	v16 =	vmul.f32 v19, v3  }
0x24c: {  	_ =	sdelay $0x1  }
0x24d: {  	v8 =	vadd.f32 v8, v10;
	v9 =	vmul.f32 v9, v3  }
0x24e: {  	v62 =	vadd.f32 v16, v14;
	v7 =	vadd.f32 v7, v11;
	v63 =	vmul.f32 v13, v3  }
0x24f: {  	[tilespmem:s24+$0xFFFFFFC0] =	vst v15;
	v8 =	vadd.f32 v9, v8;
	v5 =	vadd.f32 v5, v12  }
0x250: {  	[tilespmem:s24+$0xFFFFFFD0] =	vst v62;
	v7 =	vadd.f32 v63, v7  }
0x251: {  	[tilespmem:s24+$0xFFFFFFE0] =	vst v8;
	v5 =	vadd.f32 v6, v5  }
0x252: {  	[tilespmem:s24+$0xFFFFFFF0] =	vst v7  }
0x253: {  	[tilespmem:s24+$0xFFFFFF90] =	vst v5  }
.LBB2_23:
0x254: {  	s2 =	smul.u32 $0xA02800, s16;
	_ =	sdelay $0x1  }
0x255: {  	s3 =	sadd.s32 s14, s2  }
0x256: {  	p3 =	seq.s32 s16, $0x3;
	s3 =	sshrl.u32 s3, $0x3  }
.Ltmp17:
0x257: {  	s3 =	sadd.s32 s4, s3;
	(pc) =	sbr.rel @!p3 .LBB2_24-.Ltmp17, $4  }
0x258: {  	[hbm4b:s3+s6] =	stream.linear.scatter [tilespmem:s5], [sflag:$0x4], $0x1400, $0x38;
	[tilespmem:$0x12D00] =	vst v63  }
0x259: {  	_ =	swait.ge [sflag:s21], $0x1400  }
0x25a: {  	[sflag:s21] =	ssyncset.done $0x0  }
0x25b: {  	[sflag:s21] =	ssyncadd.s32 $0xFFFFEC00  }
.Ltmp18:
0x25c: {  	(pc) =	sbr.rel @p1 .LBB2_27-.Ltmp18, $4  }
.Ltmp19:
0x25d: {  	(pc) =	sbr.rel @!p1 .LBB2_26-.Ltmp19, $4  }
0x25e: {  	_ = 	snop  }
0x25f: {  	_ = 	snop  }
0x260: {  	s2 =	smov.u32 s12  }
0x261: {  	_ = 	snop  }
.LBB2_24:
0x262: {  	s2 =	sadd.s32 s2, s15  }
0x263: {  	s2 =	sshrl.u32 s2, $0x3  }
.LBB2_26:
0x264: {  	s2 =	sadd.s32 s1, s2  }
0x265: {  	[tilespmem:s29], [sflag:$0x2] =	stream.linear.gather [hbm4b:s2+s6], $0x1400, $0x38;
	[tilespmem:$0x12D00] =	vst v63  }
.LBB2_27:
0x266: {  	v5 =	vmov s18  }
0x267: {  	s3 =	simm.s32 @!p2 $0x5;
	vm0 =	veq.s32 v5, v0  }
0x268: {  	_ =	swait.ge @!p2 [sflag:s3], $0x1400;
	v5 =	vnsel vm0, $0x0, v2  }
0x269: {  	(xrf0) =	vadd.scan.msk.s32 $0xffff, v5;
	_ =	sdelay $0x5  }
0x26a: {  	v5, _, _ =	vpop (xrf0)  }
0x26b: {  	(v2sf) =	vpush v5, $0xF;
	_ =	sdelay $0xe  }
0x26c: {  	s2 =	spop (v2sf)  }
0x26d: {  	p3 =	sgt.s32 s2, $0x7  }
.Ltmp20:
0x26e: {  	_ = 	snop;
	(pc) =	sbr.rel @p3 .LBB2_37-.Ltmp20, $3  }
0x26f: {  	_ =	sdelay $0x1  }
0x270: {  	[sflag:s3] =	ssyncset.done @!p2 $0x0  }
0x271: {  	[sflag:s3] =	ssyncadd.s32 @!p2 $0xFFFFEC00  }
0x272: {  	v5 =	vld [tilespmem:s20+$0x30]  }
0x273: {  	v8 =	vld [tilespmem:s20+$0xFFFFFFC0]  }
0x274: {  	v9 =	vld [tilespmem:s20+$0xFFFFFFD0]  }
0x275: {  	v10 =	vld [tilespmem:s20+$0xFFFFFFE0]  }
0x276: {  	v11 =	vld [tilespmem:s20+$0xFFFFFFF0]  }
0x277: {  	s3 =	sshrl.u32 s2, $0x3;
	v12 =	vld [tilespmem:s20+$0x0]  }
0x278: {  	s26 =	sand.u32 $0x7, s2;
	v13 =	vld [tilespmem:s20+$0x10];
	s3 =	smul.u32 $0xA000, s3  }
0x279: {  	s22 =	simm.s32 $0xF040;
	v14 =	vld [tilespmem:s20+$0x20];
	s2 =	sshll.u32 s26, $0x9  }
0x27a: {  	v6 =	vld [tilespmem:s22+$0x30];
	s2 =	sor.u32 s2, s3  }
0x27b: {  	v16 =	vld [tilespmem:s22+$0xFFFFFFD0];
	s18 =	sshra.s32 s2, $0x2  }
0x27c: {  	v18 =	vld [tilespmem:s22+$0xFFFFFFE0];
	s19 =	sor.u32 $0x40, s18  }
0x27d: {  	v7 =	vld [tilespmem:s19+$0x30]  }
0x27e: {  	v20 =	vld [tilespmem:s22+$0xFFFFFFF0]  }
0x27f: {  	v17 =	vld [tilespmem:s19+$0xFFFFFFD0]  }
0x280: {  	v5 =	vmul.f32 v5, v4;
	v19 =	vld [tilespmem:s19+$0xFFFFFFE0]  }
0x281: {  	v15 =	vld [tilespmem:s19+$0xFFFFFFC0]  }
0x282: {  	v9 =	vmul.f32 v9, v4;
	v5 =	vadd.f32 v5, v6;
	v6 =	vmul.f32 v7, v3;
	v7 =	vld [tilespmem:s19+$0xFFFFFFF0]  }
0x283: {  	v10 =	vmul.f32 v10, v4;
	v11 =	vmul.f32 v11, v4;
	v21 =	vld [tilespmem:s19+$0x0]  }
0x284: {  	v12 =	vmul.f32 v12, v4;
	v9 =	vadd.f32 v9, v16;
	v16 =	vmul.f32 v17, v3;
	v17 =	vld [tilespmem:s22+$0x0]  }
0x285: {  	v18 =	vadd.f32 v10, v18;
	v10 =	vld [tilespmem:s22+$0x10];
	v19 =	vmul.f32 v19, v3;
	v6 =	vadd.f32 v6, v5  }
0x286: {  	s3 =	simm.s32 $0x11840;
	v20 =	vadd.f32 v11, v20;
	v16 =	vadd.f32 v16, v9;
	v5 =	vmul.f32 v8, v4;
	v9 =	vld [tilespmem:s19+$0x10]  }
0x287: {  	v11 =	vld [tilespmem:s22+$0x20];
	v8 =	vmul.f32 v13, v4;
	v18 =	vadd.f32 v19, v18;
	[tilespmem:s3+$0x30] =	vst v6;
	v19 =	vmul.f32 v7, v3  }
0x288: {  	v13 =	vld [tilespmem:s19+$0x20];
	v6 =	vmul.f32 v15, v3;
	[tilespmem:s3+$0xFFFFFFD0] =	vst v16;
	v16 =	vmul.f32 v21, v3  }
0x289: {  	s7 =	sadd.s32 $0x400, s20;
	s2 =	simm.s32 $0x0;
	[tilespmem:s3+$0xFFFFFFE0] =	vst v18;
	v7 =	vmul.f32 v14, v4;
	v14 =	vadd.f32 v12, v17;
	v12 =	vld [tilespmem:s22+$0xFFFFFFC0];
	v15 =	vadd.f32 v19, v20  }
.LBB2_29:
0x28a: {  	v17 =	vld [tilespmem:s7+$0x30];
	s2 =	sadd.s32 $0x80, s2;
	v8 =	vadd.f32 v8, v10;
	s22 =	sadd.s32 $0x200, s22  }
0x28b: {  	s19 =	sadd.s32 $0x400, s19;
	v10 =	vld [tilespmem:s22+$0x30];
	p2 =	slt.u32 s2, $0x480;
	[tilespmem:s3+$0xFFFFFFF0] =	vst v15;
	v14 =	vadd.f32 v16, v14;
	v9 =	vmul.f32 v9, v3  }
0x28c: {  	v15 =	vld [tilespmem:s19+$0x30];
	v7 =	vadd.f32 v7, v11  }
0x28d: {  	v11 =	vld [tilespmem:s7+$0xFFFFFFC0];
	[tilespmem:s3+$0x0] =	vst v14;
	v8 =	vadd.f32 v9, v8;
	v9 =	vmul.f32 v13, v3  }
0x28e: {  	v13 =	vld [tilespmem:s7+$0xFFFFFFD0];
	v5 =	vadd.f32 v5, v12  }
0x28f: {  	v12 =	vld [tilespmem:s7+$0xFFFFFFE0];
	v14 =	vmul.f32 v17, v4;
	[tilespmem:s3+$0x10] =	vst v8;
	v7 =	vadd.f32 v9, v7  }
0x290: {  	v8 =	vld [tilespmem:s7+$0xFFFFFFF0];
	v6 =	vadd.f32 v6, v5  }
0x291: {  	v9 =	vld [tilespmem:s7+$0x0];
	v10 =	vadd.f32 v14, v10;
	v14 =	vmul.f32 v15, v3;
	[tilespmem:s3+$0x20] =	vst v7  }
0x292: {  	v5 =	vmul.f32 v11, v4;
	v7 =	vld [tilespmem:s7+$0x10];
	[tilespmem:s3+$0xFFFFFFC0] =	vst v6  }
0x293: {  	v11 =	vmul.f32 v13, v4;
	v6 =	vld [tilespmem:s7+$0x20];
	v10 =	vadd.f32 v14, v10  }
0x294: {  	s3 =	sadd.s32 $0x200, s3;
	v13 =	vld [tilespmem:s19+$0xFFFFFFC0];
	v12 =	vmul.f32 v12, v4  }
0x295: {  	v14 =	vld [tilespmem:s22+$0xFFFFFFD0];
	v15 =	vmul.f32 v8, v4;
	[tilespmem:s3+$0x30] =	vst v10  }
0x296: {  	v10 =	vld [tilespmem:s19+$0xFFFFFFD0];
	v16 =	vmul.f32 v9, v4  }
0x297: {  	v9 =	vld [tilespmem:s22+$0xFFFFFFE0];
	v8 =	vmul.f32 v7, v4  }
0x298: {  	v17 =	vld [tilespmem:s19+$0xFFFFFFE0];
	v7 =	vmul.f32 v6, v4  }
0x299: {  	v6 =	vmul.f32 v13, v3;
	v13 =	vld [tilespmem:s22+$0xFFFFFFF0]  }
0x29a: {  	v11 =	vadd.f32 v11, v14;
	v14 =	vld [tilespmem:s19+$0xFFFFFFF0]  }
0x29b: {  	v10 =	vmul.f32 v10, v3;
	v18 =	vld [tilespmem:s22+$0x0]  }
0x29c: {  	v12 =	vadd.f32 v12, v9;
	v19 =	vld [tilespmem:s19+$0x0]  }
.Ltmp21:
0x29d: {  	v11 =	vadd.f32 v10, v11;
	v17 =	vmul.f32 v17, v3;
	v10 =	vld [tilespmem:s22+$0x10];
	(pc) =	sbr.rel @p2 .LBB2_29-.Ltmp21, $4  }
0x29e: {  	v15 =	vadd.f32 v15, v13;
	v9 =	vld [tilespmem:s19+$0x10]  }
0x29f: {  	[tilespmem:s3+$0xFFFFFFD0] =	vst v11;
	v17 =	vadd.f32 v17, v12;
	v20 =	vmul.f32 v14, v3;
	v11 =	vld [tilespmem:s22+$0x20]  }
0x2a0: {  	v14 =	vadd.f32 v16, v18;
	v13 =	vld [tilespmem:s19+$0x20]  }
0x2a1: {  	s7 =	sadd.s32 $0x400, s7;
	v12 =	vld [tilespmem:s22+$0xFFFFFFC0];
	[tilespmem:s3+$0xFFFFFFE0] =	vst v17;
	v15 =	vadd.f32 v20, v15;
	v16 =	vmul.f32 v19, v3  }
0x2a2: {  	_ =	sdelay $0x1  }
0x2a3: {  	v8 =	vadd.f32 v8, v10;
	v9 =	vmul.f32 v9, v3  }
0x2a4: {  	v10 =	vadd.f32 v16, v14;
	v7 =	vadd.f32 v7, v11;
	v11 =	vmul.f32 v13, v3  }
0x2a5: {  	[tilespmem:s3+$0xFFFFFFF0] =	vst v15;
	v8 =	vadd.f32 v9, v8;
	v5 =	vadd.f32 v5, v12  }
0x2a6: {  	[tilespmem:s3+$0x0] =	vst v10;
	v7 =	vadd.f32 v11, v7  }
0x2a7: {  	[tilespmem:s3+$0x10] =	vst v8;
	v5 =	vadd.f32 v6, v5  }
0x2a8: {  	[tilespmem:s3+$0x20] =	vst v7  }
0x2a9: {  	[tilespmem:s3+$0xFFFFFFC0] =	vst v5  }
0x2aa: {  	s22 =	simm.s32 $0xF0F0;
	v5 =	vld [tilespmem:s20+$0x30]  }
0x2ab: {  	s19 =	sadd.s32 $0x2870, s18;
	v6 =	vld [tilespmem:s22+$0x0]  }
0x2ac: {  	v7 =	vld [tilespmem:s19+$0x0]  }
0x2ad: {  	v8 =	vld [tilespmem:s20+$0xFFFFFFC0]  }
0x2ae: {  	v9 =	vld [tilespmem:s20+$0xFFFFFFD0]  }
0x2af: {  	v10 =	vld [tilespmem:s20+$0xFFFFFFE0]  }
0x2b0: {  	v11 =	vld [tilespmem:s20+$0xFFFFFFF0]  }
0x2b1: {  	v12 =	vld [tilespmem:s20+$0x0]  }
0x2b2: {  	v13 =	vld [tilespmem:s20+$0x10]  }
0x2b3: {  	v14 =	vld [tilespmem:s20+$0x20]  }
0x2b4: {  	v15 =	vld [tilespmem:s19+$0xFFFFFF90]  }
0x2b5: {  	v16 =	vld [tilespmem:s22+$0xFFFFFFA0]  }
0x2b6: {  	v17 =	vld [tilespmem:s19+$0xFFFFFFA0]  }
0x2b7: {  	v19 =	vld [tilespmem:s19+$0xFFFFFFB0]  }
0x2b8: {  	v18 =	vld [tilespmem:s22+$0xFFFFFFB0];
	v5 =	vmul.f32 v5, v4  }
0x2b9: {  	v20 =	vld [tilespmem:s22+$0xFFFFFFC0]  }
0x2ba: {  	v9 =	vmul.f32 v9, v4;
	v5 =	vadd.f32 v5, v6;
	v6 =	vmul.f32 v7, v3;
	v7 =	vld [tilespmem:s19+$0xFFFFFFC0]  }
0x2bb: {  	v21 =	vld [tilespmem:s19+$0xFFFFFFD0];
	v10 =	vmul.f32 v10, v4;
	v11 =	vmul.f32 v11, v4  }
0x2bc: {  	v19 =	vmul.f32 v19, v3;
	v9 =	vadd.f32 v9, v16;
	v16 =	vmul.f32 v17, v3;
	v17 =	vld [tilespmem:s22+$0xFFFFFFD0]  }
0x2bd: {  	v12 =	vmul.f32 v12, v4;
	v18 =	vadd.f32 v10, v18;
	v10 =	vld [tilespmem:s22+$0xFFFFFFE0];
	v6 =	vadd.f32 v6, v5  }
0x2be: {  	s3 =	simm.s32 $0x118F0;
	v20 =	vadd.f32 v11, v20;
	v16 =	vadd.f32 v16, v9;
	v5 =	vmul.f32 v8, v4;
	v9 =	vld [tilespmem:s19+$0xFFFFFFE0]  }
0x2bf: {  	v11 =	vld [tilespmem:s22+$0xFFFFFFF0];
	v8 =	vmul.f32 v13, v4;
	v18 =	vadd.f32 v19, v18;
	[tilespmem:s3+$0x0] =	vst v6;
	v19 =	vmul.f32 v7, v3  }
0x2c0: {  	v13 =	vld [tilespmem:s19+$0xFFFFFFF0];
	v6 =	vmul.f32 v15, v3;
	[tilespmem:s3+$0xFFFFFFA0] =	vst v16;
	v16 =	vmul.f32 v21, v3  }
0x2c1: {  	s2 =	simm.s32 $0x0;
	s7 =	sadd.s32 $0x400, s20;
	[tilespmem:s3+$0xFFFFFFB0] =	vst v18;
	v7 =	vmul.f32 v14, v4;
	v14 =	vadd.f32 v12, v17;
	v12 =	vld [tilespmem:s22+$0xFFFFFF90];
	v15 =	vadd.f32 v19, v20  }
.LBB2_31:
0x2c2: {  	v17 =	vld [tilespmem:s7+$0x30];
	s2 =	sadd.s32 $0x80, s2;
	v8 =	vadd.f32 v8, v10;
	s22 =	sadd.s32 $0x200, s22  }
0x2c3: {  	s19 =	sadd.s32 $0x400, s19;
	v10 =	vld [tilespmem:s22+$0x0];
	p2 =	slt.u32 s2, $0x480;
	[tilespmem:s3+$0xFFFFFFC0] =	vst v15;
	v14 =	vadd.f32 v16, v14;
	v9 =	vmul.f32 v9, v3  }
0x2c4: {  	v15 =	vld [tilespmem:s19+$0x0];
	v7 =	vadd.f32 v7, v11  }
0x2c5: {  	v11 =	vld [tilespmem:s7+$0xFFFFFFC0];
	[tilespmem:s3+$0xFFFFFFD0] =	vst v14;
	v8 =	vadd.f32 v9, v8;
	v9 =	vmul.f32 v13, v3  }
0x2c6: {  	v13 =	vld [tilespmem:s7+$0xFFFFFFD0];
	v5 =	vadd.f32 v5, v12  }
0x2c7: {  	v12 =	vld [tilespmem:s7+$0xFFFFFFE0];
	v14 =	vmul.f32 v17, v4;
	[tilespmem:s3+$0xFFFFFFE0] =	vst v8;
	v7 =	vadd.f32 v9, v7  }
0x2c8: {  	v8 =	vld [tilespmem:s7+$0xFFFFFFF0];
	v6 =	vadd.f32 v6, v5  }
0x2c9: {  	v9 =	vld [tilespmem:s7+$0x0];
	v10 =	vadd.f32 v14, v10;
	v14 =	vmul.f32 v15, v3;
	[tilespmem:s3+$0xFFFFFFF0] =	vst v7  }
0x2ca: {  	v5 =	vmul.f32 v11, v4;
	v7 =	vld [tilespmem:s7+$0x10];
	[tilespmem:s3+$0xFFFFFF90] =	vst v6  }
0x2cb: {  	v11 =	vmul.f32 v13, v4;
	v6 =	vld [tilespmem:s7+$0x20];
	v10 =	vadd.f32 v14, v10  }
0x2cc: {  	s3 =	sadd.s32 $0x200, s3;
	v13 =	vld [tilespmem:s19+$0xFFFFFF90];
	v12 =	vmul.f32 v12, v4  }
0x2cd: {  	v14 =	vld [tilespmem:s22+$0xFFFFFFA0];
	v15 =	vmul.f32 v8, v4;
	[tilespmem:s3+$0x0] =	vst v10  }
0x2ce: {  	v10 =	vld [tilespmem:s19+$0xFFFFFFA0];
	v16 =	vmul.f32 v9, v4  }
0x2cf: {  	v9 =	vld [tilespmem:s22+$0xFFFFFFB0];
	v8 =	vmul.f32 v7, v4  }
0x2d0: {  	v17 =	vld [tilespmem:s19+$0xFFFFFFB0];
	v7 =	vmul.f32 v6, v4  }
0x2d1: {  	v6 =	vmul.f32 v13, v3;
	v13 =	vld [tilespmem:s22+$0xFFFFFFC0]  }
0x2d2: {  	v11 =	vadd.f32 v11, v14;
	v14 =	vld [tilespmem:s19+$0xFFFFFFC0]  }
0x2d3: {  	v10 =	vmul.f32 v10, v3;
	v18 =	vld [tilespmem:s22+$0xFFFFFFD0]  }
0x2d4: {  	v12 =	vadd.f32 v12, v9;
	v19 =	vld [tilespmem:s19+$0xFFFFFFD0]  }
.Ltmp22:
0x2d5: {  	v11 =	vadd.f32 v10, v11;
	v17 =	vmul.f32 v17, v3;
	v10 =	vld [tilespmem:s22+$0xFFFFFFE0];
	(pc) =	sbr.rel @p2 .LBB2_31-.Ltmp22, $4  }
0x2d6: {  	v15 =	vadd.f32 v15, v13;
	v9 =	vld [tilespmem:s19+$0xFFFFFFE0]  }
0x2d7: {  	[tilespmem:s3+$0xFFFFFFA0] =	vst v11;
	v17 =	vadd.f32 v17, v12;
	v20 =	vmul.f32 v14, v3;
	v11 =	vld [tilespmem:s22+$0xFFFFFFF0]  }
0x2d8: {  	v14 =	vadd.f32 v16, v18;
	v13 =	vld [tilespmem:s19+$0xFFFFFFF0]  }
0x2d9: {  	s7 =	sadd.s32 $0x400, s7;
	v12 =	vld [tilespmem:s22+$0xFFFFFF90];
	[tilespmem:s3+$0xFFFFFFB0] =	vst v17;
	v15 =	vadd.f32 v20, v15;
	v16 =	vmul.f32 v19, v3  }
0x2da: {  	_ =	sdelay $0x1  }
0x2db: {  	v8 =	vadd.f32 v8, v10;
	v9 =	vmul.f32 v9, v3  }
0x2dc: {  	v10 =	vadd.f32 v16, v14;
	v7 =	vadd.f32 v7, v11;
	v11 =	vmul.f32 v13, v3  }
0x2dd: {  	[tilespmem:s3+$0xFFFFFFC0] =	vst v15;
	v8 =	vadd.f32 v9, v8;
	v5 =	vadd.f32 v5, v12  }
0x2de: {  	[tilespmem:s3+$0xFFFFFFD0] =	vst v10;
	v7 =	vadd.f32 v11, v7  }
0x2df: {  	[tilespmem:s3+$0xFFFFFFE0] =	vst v8;
	v5 =	vadd.f32 v6, v5  }
0x2e0: {  	[tilespmem:s3+$0xFFFFFFF0] =	vst v7  }
0x2e1: {  	s2 =	simm.s32 $0x0;
	[tilespmem:s3+$0xFFFFFF90] =	vst v5  }
0x2e2: {  	v6 =	vld.idx.msk [tilespmem:v1+s2+$0x30 ss:$0x1], $0xffff  }
0x2e3: {  	s19 =	simm.s32 $0xF170;
	v7 =	vld.idx.msk [tilespmem:v1+s2+$0xFFFFFFC0 ss:$0x1], $0xffff  }
0x2e4: {  	v9 =	vld [tilespmem:s19+$0x0]  }
0x2e5: {  	v10 =	vld.idx.msk [tilespmem:v1+s2+$0xFFFFFFD0 ss:$0x1], $0xffff  }
0x2e6: {  	v11 =	vld.idx.msk [tilespmem:v1+s2+$0xFFFFFFE0 ss:$0x1], $0xffff  }
0x2e7: {  	v5 =	vmov s18;
	v13 =	vld.idx.msk [tilespmem:v1+s2+$0xFFFFFFF0 ss:$0x1], $0xffff  }
0x2e8: {  	v14 =	vld.idx.msk [tilespmem:v1+s2+$0x0 ss:$0x1], $0xffff  }
0x2e9: {  	v15 =	vld.idx.msk [tilespmem:v1+s2+$0x10 ss:$0x1], $0xffff  }
0x2ea: {  	v16 =	vld.idx.msk [tilespmem:v1+s2+$0x20 ss:$0x1], $0xffff  }
0x2eb: {  	v28 =	vld [tilespmem:s19+$0xFFFFFFA0]  }
0x2ec: {  	v8 =	vld.idx.msk [tilespmem:v5+s2+$0x5070 ss:$0x1], $0xffff  }
0x2ed: {  	v17 =	vld.idx.msk [tilespmem:v5+s2+$0x5000 ss:$0x1], $0xffff  }
0x2ee: {  	v18 =	vld.idx.msk [tilespmem:v5+s2+$0x5010 ss:$0x1], $0xffff  }
0x2ef: {  	v19 =	vld.idx.msk [tilespmem:v5+s2+$0x5020 ss:$0x1], $0xffff  }
0x2f0: {  	v20 =	vld.idx.msk [tilespmem:v5+s2+$0x5030 ss:$0x1], $0xffff  }
0x2f1: {  	v24 =	vld.idx.msk [tilespmem:v5+s2+$0x5040 ss:$0x1], $0xffff;
	v21 =	vmul.f32 v6, v4;
	v6 =	vmul.f32 v7, v4  }
0x2f2: {  	v25 =	vld.idx.msk [tilespmem:v5+s2+$0x5050 ss:$0x1], $0xffff;
	v26 =	vmul.f32 v10, v4;
	v12 =	vmul.f32 v11, v4  }
0x2f3: {  	v27 =	vld.idx.msk [tilespmem:v5+s2+$0x5060 ss:$0x1], $0xffff;
	v10 =	vmul.f32 v13, v4;
	v11 =	vmul.f32 v14, v4  }
0x2f4: {  	v22 =	vld [tilespmem:s19+$0xFFFFFFB0];
	v13 =	vadd.f32 v21, v9;
	v9 =	vmul.f32 v15, v4;
	v23 =	vmul.f32 v8, v3  }
0x2f5: {  	v21 =	vld [tilespmem:s19+$0xFFFFFFC0];
	v8 =	vmul.f32 v16, v4;
	v7 =	vmul.f32 v17, v3  }
0x2f6: {  	v18 =	vmul.f32 v18, v3;
	v17 =	vmul.f32 v19, v3;
	v13 =	vadd.f32 v23, v13;
	v23 =	vld [tilespmem:s19+$0xFFFFFFD0]  }
0x2f7: {  	s3 =	simm.s32 $0x11970;
	v16 =	vmul.f32 v20, v3;
	v15 =	vmul.f32 v24, v3;
	v19 =	vld [tilespmem:s19+$0xFFFFFFE0]  }
0x2f8: {  	s7 =	simm.s32 $0x1000;
	s2 =	simm.s32 $0x0;
	v24 =	vadd.f32 v26, v28;
	v20 =	vld [tilespmem:s19+$0xFFFFFFF0];
	v14 =	vmul.f32 v27, v3;
	[tilespmem:s3+$0x0] =	vst v13;
	v13 =	vmul.f32 v25, v3  }
.LBB2_33:
0x2f9: {  	s18 =	sshra.s32 s7, $0x2;
	s2 =	sadd.s32 $0x80, s2;
	v25 =	vld [tilespmem:s19+$0xFFFFFF90];
	v12 =	vadd.f32 v12, v22  }
0x2fa: {  	v22 =	vld.idx.msk [tilespmem:v1+s18+$0x30 ss:$0x1], $0xffff;
	p2 =	slt.u32 s2, $0x480;
	v18 =	vadd.f32 v18, v24;
	v10 =	vadd.f32 v10, v21  }
0x2fb: {  	v21 =	vld.idx.msk [tilespmem:v1+s18+$0xFFFFFFC0 ss:$0x1], $0xffff;
	v12 =	vadd.f32 v17, v12;
	v11 =	vadd.f32 v11, v23  }
0x2fc: {  	s19 =	sadd.s32 $0x200, s19;
	v17 =	vld.idx.msk [tilespmem:v5+s18+$0x5070 ss:$0x1], $0xffff;
	[tilespmem:s3+$0xFFFFFFA0] =	vst v18;
	v10 =	vadd.f32 v16, v10;
	v9 =	vadd.f32 v9, v19  }
0x2fd: {  	v16 =	vld [tilespmem:s19+$0x0];
	[tilespmem:s3+$0xFFFFFFB0] =	vst v12;
	v11 =	vadd.f32 v15, v11;
	v8 =	vadd.f32 v8, v20  }
0x2fe: {  	v12 =	vld.idx.msk [tilespmem:v1+s18+$0xFFFFFFD0 ss:$0x1], $0xffff;
	v6 =	vadd.f32 v6, v25;
	[tilespmem:s3+$0xFFFFFFC0] =	vst v10;
	v9 =	vadd.f32 v13, v9  }
0x2ff: {  	v10 =	vld.idx.msk [tilespmem:v1+s18+$0xFFFFFFE0 ss:$0x1], $0xffff;
	[tilespmem:s3+$0xFFFFFFD0] =	vst v11;
	v8 =	vadd.f32 v14, v8  }
0x300: {  	v13 =	vmul.f32 v22, v4;
	v11 =	vld.idx.msk [tilespmem:v1+s18+$0xFFFFFFF0 ss:$0x1], $0xffff;
	v7 =	vadd.f32 v7, v6;
	[tilespmem:s3+$0xFFFFFFE0] =	vst v9  }
0x301: {  	v6 =	vmul.f32 v21, v4;
	v9 =	vld.idx.msk [tilespmem:v1+s18+$0x0 ss:$0x1], $0xffff;
	[tilespmem:s3+$0xFFFFFFF0] =	vst v8  }
0x302: {  	v14 =	vmul.f32 v17, v3;
	v8 =	vld.idx.msk [tilespmem:v1+s18+$0x10 ss:$0x1], $0xffff;
	v13 =	vadd.f32 v13, v16;
	[tilespmem:s3+$0xFFFFFF90] =	vst v7  }
0x303: {  	v7 =	vld.idx.msk [tilespmem:v1+s18+$0x20 ss:$0x1], $0xffff  }
0x304: {  	v20 =	vmul.f32 v12, v4;
	v15 =	vld.idx.msk [tilespmem:v5+s18+$0x5000 ss:$0x1], $0xffff;
	v13 =	vadd.f32 v14, v13  }
0x305: {  	s3 =	sadd.s32 $0x200, s3;
	v12 =	vmul.f32 v10, v4;
	v14 =	vld.idx.msk [tilespmem:v5+s18+$0x5010 ss:$0x1], $0xffff  }
0x306: {  	v10 =	vmul.f32 v11, v4;
	v16 =	vld.idx.msk [tilespmem:v5+s18+$0x5020 ss:$0x1], $0xffff;
	[tilespmem:s3+$0x0] =	vst v13  }
0x307: {  	v11 =	vmul.f32 v9, v4;
	v13 =	vld.idx.msk [tilespmem:v5+s18+$0x5030 ss:$0x1], $0xffff  }
0x308: {  	v9 =	vmul.f32 v8, v4;
	v19 =	vld.idx.msk [tilespmem:v5+s18+$0x5040 ss:$0x1], $0xffff  }
0x309: {  	v8 =	vmul.f32 v7, v4;
	v24 =	vld.idx.msk [tilespmem:v5+s18+$0x5050 ss:$0x1], $0xffff  }
0x30a: {  	v7 =	vmul.f32 v15, v3;
	v25 =	vld.idx.msk [tilespmem:v5+s18+$0x5060 ss:$0x1], $0xffff  }
0x30b: {  	v18 =	vmul.f32 v14, v3;
	v26 =	vld [tilespmem:s19+$0xFFFFFFA0]  }
.Ltmp23:
0x30c: {  	v17 =	vmul.f32 v16, v3;
	v22 =	vld [tilespmem:s19+$0xFFFFFFB0];
	(pc) =	sbr.rel @p2 .LBB2_33-.Ltmp23, $4  }
0x30d: {  	v16 =	vmul.f32 v13, v3;
	v21 =	vld [tilespmem:s19+$0xFFFFFFC0]  }
0x30e: {  	v15 =	vmul.f32 v19, v3;
	v23 =	vld [tilespmem:s19+$0xFFFFFFD0]  }
0x30f: {  	v13 =	vmul.f32 v24, v3;
	v19 =	vld [tilespmem:s19+$0xFFFFFFE0]  }
0x310: {  	s7 =	sadd.s32 $0x1000, s7;
	v14 =	vmul.f32 v25, v3;
	v24 =	vadd.f32 v20, v26;
	v20 =	vld [tilespmem:s19+$0xFFFFFFF0]  }
0x311: {  	v25 =	vld [tilespmem:s19+$0xFFFFFF90];
	v12 =	vadd.f32 v12, v22  }
0x312: {  	v18 =	vadd.f32 v18, v24;
	v10 =	vadd.f32 v10, v21  }
0x313: {  	v12 =	vadd.f32 v17, v12;
	v11 =	vadd.f32 v11, v23  }
0x314: {  	[tilespmem:s3+$0xFFFFFFA0] =	vst v18;
	v10 =	vadd.f32 v16, v10;
	v9 =	vadd.f32 v9, v19  }
0x315: {  	[tilespmem:s3+$0xFFFFFFB0] =	vst v12;
	v11 =	vadd.f32 v15, v11;
	v8 =	vadd.f32 v8, v20  }
0x316: {  	v6 =	vadd.f32 v6, v25;
	[tilespmem:s3+$0xFFFFFFC0] =	vst v10;
	v9 =	vadd.f32 v13, v9  }
0x317: {  	[tilespmem:s3+$0xFFFFFFD0] =	vst v11;
	v8 =	vadd.f32 v14, v8  }
0x318: {  	v6 =	vadd.f32 v7, v6;
	[tilespmem:s3+$0xFFFFFFE0] =	vst v9  }
0x319: {  	[tilespmem:s3+$0xFFFFFFF0] =	vst v8  }
0x31a: {  	s2 =	simm.s32 $0x0;
	[tilespmem:s3+$0xFFFFFF90] =	vst v6  }
0x31b: {  	v6 =	vld.idx.msk [tilespmem:v1+s2+$0x30 ss:$0x1], $0xffff  }
0x31c: {  	v7 =	vld.idx.msk [tilespmem:v1+s2+$0xFFFFFFC0 ss:$0x1], $0xffff  }
0x31d: {  	s18 =	simm.s32 $0xF1F0;
	v8 =	vld.idx.msk [tilespmem:v5+s2+$0x7870 ss:$0x1], $0xffff  }
0x31e: {  	v9 =	vld [tilespmem:s18+$0x0]  }
0x31f: {  	v10 =	vld.idx.msk [tilespmem:v1+s2+$0xFFFFFFD0 ss:$0x1], $0xffff  }
0x320: {  	v11 =	vld.idx.msk [tilespmem:v1+s2+$0xFFFFFFE0 ss:$0x1], $0xffff  }
0x321: {  	v13 =	vld.idx.msk [tilespmem:v1+s2+$0xFFFFFFF0 ss:$0x1], $0xffff  }
0x322: {  	v14 =	vld.idx.msk [tilespmem:v1+s2+$0x0 ss:$0x1], $0xffff  }
0x323: {  	v15 =	vld.idx.msk [tilespmem:v1+s2+$0x10 ss:$0x1], $0xffff  }
0x324: {  	v16 =	vld.idx.msk [tilespmem:v1+s2+$0x20 ss:$0x1], $0xffff  }
0x325: {  	v17 =	vld.idx.msk [tilespmem:v5+s2+$0x7800 ss:$0x1], $0xffff  }
0x326: {  	v18 =	vld.idx.msk [tilespmem:v5+s2+$0x7810 ss:$0x1], $0xffff  }
0x327: {  	v19 =	vld.idx.msk [tilespmem:v5+s2+$0x7820 ss:$0x1], $0xffff  }
0x328: {  	v20 =	vld.idx.msk [tilespmem:v5+s2+$0x7830 ss:$0x1], $0xffff  }
0x329: {  	v24 =	vld.idx.msk [tilespmem:v5+s2+$0x7840 ss:$0x1], $0xffff  }
0x32a: {  	v25 =	vld.idx.msk [tilespmem:v5+s2+$0x7850 ss:$0x1], $0xffff;
	v21 =	vmul.f32 v6, v4;
	v6 =	vmul.f32 v7, v4  }
0x32b: {  	v27 =	vld.idx.msk [tilespmem:v5+s2+$0x7860 ss:$0x1], $0xffff;
	v23 =	vmul.f32 v8, v3;
	v26 =	vmul.f32 v10, v4  }
0x32c: {  	v28 =	vld [tilespmem:s18+$0xFFFFFFA0];
	v12 =	vmul.f32 v11, v4;
	v10 =	vmul.f32 v13, v4  }
0x32d: {  	v22 =	vld [tilespmem:s18+$0xFFFFFFB0];
	v11 =	vmul.f32 v14, v4;
	v8 =	vmul.f32 v16, v4;
	v13 =	vadd.f32 v21, v9  }
0x32e: {  	v7 =	vmul.f32 v17, v3;
	v18 =	vmul.f32 v18, v3;
	v21 =	vld [tilespmem:s18+$0xFFFFFFC0]  }
0x32f: {  	v17 =	vmul.f32 v19, v3;
	v16 =	vmul.f32 v20, v3;
	v13 =	vadd.f32 v23, v13;
	v23 =	vld [tilespmem:s18+$0xFFFFFFD0]  }
0x330: {  	s3 =	simm.s32 $0x119F0;
	v19 =	vld [tilespmem:s18+$0xFFFFFFE0];
	v14 =	vmul.f32 v27, v3;
	v9 =	vmul.f32 v15, v4  }
0x331: {  	s7 =	simm.s32 $0x1000;
	s2 =	simm.s32 $0x0;
	v20 =	vld [tilespmem:s18+$0xFFFFFFF0];
	v15 =	vmul.f32 v24, v3;
	v24 =	vadd.f32 v26, v28;
	[tilespmem:s3+$0x0] =	vst v13;
	v13 =	vmul.f32 v25, v3  }
.LBB2_35:
0x332: {  	s19 =	sshra.s32 s7, $0x2;
	s2 =	sadd.s32 $0x80, s2;
	v25 =	vld [tilespmem:s18+$0xFFFFFF90];
	v12 =	vadd.f32 v12, v22  }
0x333: {  	v22 =	vld.idx.msk [tilespmem:v1+s19+$0x30 ss:$0x1], $0xffff;
	p2 =	slt.u32 s2, $0x480;
	v18 =	vadd.f32 v18, v24;
	v10 =	vadd.f32 v10, v21  }
0x334: {  	v21 =	vld.idx.msk [tilespmem:v1+s19+$0xFFFFFFC0 ss:$0x1], $0xffff;
	v12 =	vadd.f32 v17, v12;
	v11 =	vadd.f32 v11, v23  }
0x335: {  	s18 =	sadd.s32 $0x200, s18;
	v17 =	vld.idx.msk [tilespmem:v5+s19+$0x7870 ss:$0x1], $0xffff;
	[tilespmem:s3+$0xFFFFFFA0] =	vst v18;
	v10 =	vadd.f32 v16, v10;
	v9 =	vadd.f32 v9, v19  }
0x336: {  	v16 =	vld [tilespmem:s18+$0x0];
	[tilespmem:s3+$0xFFFFFFB0] =	vst v12;
	v11 =	vadd.f32 v15, v11;
	v8 =	vadd.f32 v8, v20  }
0x337: {  	v12 =	vld.idx.msk [tilespmem:v1+s19+$0xFFFFFFD0 ss:$0x1], $0xffff;
	v6 =	vadd.f32 v6, v25;
	[tilespmem:s3+$0xFFFFFFC0] =	vst v10;
	v9 =	vadd.f32 v13, v9  }
0x338: {  	v10 =	vld.idx.msk [tilespmem:v1+s19+$0xFFFFFFE0 ss:$0x1], $0xffff;
	[tilespmem:s3+$0xFFFFFFD0] =	vst v11;
	v8 =	vadd.f32 v14, v8  }
0x339: {  	v13 =	vmul.f32 v22, v4;
	v11 =	vld.idx.msk [tilespmem:v1+s19+$0xFFFFFFF0 ss:$0x1], $0xffff;
	v7 =	vadd.f32 v7, v6;
	[tilespmem:s3+$0xFFFFFFE0] =	vst v9  }
0x33a: {  	v6 =	vmul.f32 v21, v4;
	v9 =	vld.idx.msk [tilespmem:v1+s19+$0x0 ss:$0x1], $0xffff;
	[tilespmem:s3+$0xFFFFFFF0] =	vst v8  }
0x33b: {  	v14 =	vmul.f32 v17, v3;
	v8 =	vld.idx.msk [tilespmem:v1+s19+$0x10 ss:$0x1], $0xffff;
	v13 =	vadd.f32 v13, v16;
	[tilespmem:s3+$0xFFFFFF90] =	vst v7  }
0x33c: {  	v7 =	vld.idx.msk [tilespmem:v1+s19+$0x20 ss:$0x1], $0xffff  }
0x33d: {  	v20 =	vmul.f32 v12, v4;
	v15 =	vld.idx.msk [tilespmem:v5+s19+$0x7800 ss:$0x1], $0xffff;
	v13 =	vadd.f32 v14, v13  }
0x33e: {  	s3 =	sadd.s32 $0x200, s3;
	v12 =	vmul.f32 v10, v4;
	v14 =	vld.idx.msk [tilespmem:v5+s19+$0x7810 ss:$0x1], $0xffff  }
0x33f: {  	v10 =	vmul.f32 v11, v4;
	v16 =	vld.idx.msk [tilespmem:v5+s19+$0x7820 ss:$0x1], $0xffff;
	[tilespmem:s3+$0x0] =	vst v13  }
0x340: {  	v11 =	vmul.f32 v9, v4;
	v13 =	vld.idx.msk [tilespmem:v5+s19+$0x7830 ss:$0x1], $0xffff  }
0x341: {  	v9 =	vmul.f32 v8, v4;
	v19 =	vld.idx.msk [tilespmem:v5+s19+$0x7840 ss:$0x1], $0xffff  }
0x342: {  	v8 =	vmul.f32 v7, v4;
	v24 =	vld.idx.msk [tilespmem:v5+s19+$0x7850 ss:$0x1], $0xffff  }
0x343: {  	v7 =	vmul.f32 v15, v3;
	v25 =	vld.idx.msk [tilespmem:v5+s19+$0x7860 ss:$0x1], $0xffff  }
0x344: {  	v18 =	vmul.f32 v14, v3;
	v26 =	vld [tilespmem:s18+$0xFFFFFFA0]  }
.Ltmp24:
0x345: {  	v17 =	vmul.f32 v16, v3;
	v22 =	vld [tilespmem:s18+$0xFFFFFFB0];
	(pc) =	sbr.rel @p2 .LBB2_35-.Ltmp24, $4  }
0x346: {  	v16 =	vmul.f32 v13, v3;
	v21 =	vld [tilespmem:s18+$0xFFFFFFC0]  }
0x347: {  	v15 =	vmul.f32 v19, v3;
	v23 =	vld [tilespmem:s18+$0xFFFFFFD0]  }
0x348: {  	v13 =	vmul.f32 v24, v3;
	v19 =	vld [tilespmem:s18+$0xFFFFFFE0]  }
0x349: {  	s7 =	sadd.s32 $0x1000, s7;
	v14 =	vmul.f32 v25, v3;
	v24 =	vadd.f32 v20, v26;
	v20 =	vld [tilespmem:s18+$0xFFFFFFF0]  }
0x34a: {  	v5 =	vld [tilespmem:s18+$0xFFFFFF90];
	v12 =	vadd.f32 v12, v22  }
0x34b: {  	v18 =	vadd.f32 v18, v24;
	v10 =	vadd.f32 v10, v21  }
0x34c: {  	v12 =	vadd.f32 v17, v12;
	v11 =	vadd.f32 v11, v23  }
0x34d: {  	[tilespmem:s3+$0xFFFFFFA0] =	vst v18;
	v10 =	vadd.f32 v16, v10;
	v9 =	vadd.f32 v9, v19  }
0x34e: {  	[tilespmem:s3+$0xFFFFFFB0] =	vst v12;
	v11 =	vadd.f32 v15, v11;
	v8 =	vadd.f32 v8, v20  }
.Ltmp25:
0x34f: {  	v5 =	vadd.f32 v6, v5;
	[tilespmem:s3+$0xFFFFFFC0] =	vst v10;
	v6 =	vadd.f32 v13, v9;
	(pc) =	sbr.rel .LBB2_47-.Ltmp25, $4  }
0x350: {  	[tilespmem:s3+$0xFFFFFFD0] =	vst v11;
	v8 =	vadd.f32 v14, v8  }
0x351: {  	v5 =	vadd.f32 v7, v5;
	[tilespmem:s3+$0xFFFFFFE0] =	vst v6  }
0x352: {  	[tilespmem:s3+$0xFFFFFFF0] =	vst v8  }
0x353: {  	[tilespmem:s3+$0xFFFFFF90] =	vst v5  }
.LBB2_37:
0x354: {  	p2 =	sne.s32 s2, $0x8  }
.Ltmp26:
0x355: {  	_ = 	snop;
	(pc) =	sbr.rel @p2 .LBB2_47-.Ltmp26, $1  }
0x356: {  	_ =	sdelay $0x3  }
0x357: {  	v5 =	vld [tilespmem:s20+$0x30]  }
0x358: {  	v8 =	vld [tilespmem:s20+$0xFFFFFFC0]  }
0x359: {  	v9 =	vld [tilespmem:s20+$0xFFFFFFD0]  }
0x35a: {  	v10 =	vld [tilespmem:s20+$0xFFFFFFE0]  }
0x35b: {  	v11 =	vld [tilespmem:s20+$0xFFFFFFF0]  }
0x35c: {  	v12 =	vld [tilespmem:s20+$0x0]  }
0x35d: {  	v13 =	vld [tilespmem:s20+$0x10]  }
0x35e: {  	s3 =	simm.s32 $0xF040;
	v14 =	vld [tilespmem:s20+$0x20]  }
0x35f: {  	s18 =	simm.s32 $0xA040;
	v6 =	vld [tilespmem:s3+$0x30]  }
0x360: {  	v7 =	vld [tilespmem:s18+$0x30]  }
0x361: {  	v15 =	vld [tilespmem:s18+$0xFFFFFFC0]  }
0x362: {  	v16 =	vld [tilespmem:s3+$0xFFFFFFD0]  }
0x363: {  	v17 =	vld [tilespmem:s18+$0xFFFFFFD0]  }
0x364: {  	v18 =	vld [tilespmem:s3+$0xFFFFFFE0]  }
0x365: {  	v19 =	vld [tilespmem:s18+$0xFFFFFFE0];
	v5 =	vmul.f32 v5, v4  }
0x366: {  	v20 =	vld [tilespmem:s3+$0xFFFFFFF0];
	v9 =	vmul.f32 v9, v4  }
0x367: {  	v10 =	vmul.f32 v10, v4;
	v5 =	vadd.f32 v5, v6;
	v6 =	vmul.f32 v7, v3;
	v7 =	vld [tilespmem:s18+$0xFFFFFFF0]  }
0x368: {  	v21 =	vld [tilespmem:s18+$0x0];
	v9 =	vadd.f32 v9, v16;
	v16 =	vmul.f32 v17, v3  }
0x369: {  	v11 =	vmul.f32 v11, v4;
	v17 =	vld [tilespmem:s3+$0x0];
	v18 =	vadd.f32 v10, v18  }
0x36a: {  	v19 =	vmul.f32 v19, v3;
	v6 =	vadd.f32 v6, v5;
	v16 =	vadd.f32 v16, v9;
	v9 =	vld [tilespmem:s3+$0x10]  }
0x36b: {  	s25 =	simm.s32 $0x11840;
	v22 =	vmul.f32 v12, v4;
	v20 =	vadd.f32 v11, v20;
	v10 =	vld [tilespmem:s18+$0x10];
	v5 =	vmul.f32 v8, v4  }
0x36c: {  	v11 =	vld [tilespmem:s3+$0x20];
	v8 =	vmul.f32 v13, v4;
	v18 =	vadd.f32 v19, v18;
	[tilespmem:s25+$0x30] =	vst v6;
	v19 =	vmul.f32 v7, v3  }
0x36d: {  	s2 =	simm.s32 $0x0;
	s24 =	simm.s32 $0xF0F0;
	v12 =	vld [tilespmem:s18+$0x20];
	v6 =	vmul.f32 v15, v3;
	[tilespmem:s25+$0xFFFFFFD0] =	vst v16;
	v16 =	vmul.f32 v21, v3  }
0x36e: {  	s22 =	simm.s32 $0xA0F0;
	s19 =	simm.s32 $0x118F0;
	s7 =	sadd.s32 $0x400, s20;
	v13 =	vld [tilespmem:s3+$0xFFFFFFC0];
	[tilespmem:s25+$0xFFFFFFE0] =	vst v18;
	v7 =	vmul.f32 v14, v4;
	v14 =	vadd.f32 v22, v17;
	v15 =	vadd.f32 v19, v20  }
.LBB2_39:
0x36f: {  	v17 =	vld [tilespmem:s7+$0x30];
	s2 =	sadd.s32 $0x80, s2;
	v8 =	vadd.f32 v8, v9;
	s3 =	sadd.s32 $0x200, s3  }
0x370: {  	s18 =	sadd.s32 $0x200, s18;
	v9 =	vld [tilespmem:s3+$0x30];
	p2 =	slt.u32 s2, $0x480;
	[tilespmem:s25+$0xFFFFFFF0] =	vst v15;
	v14 =	vadd.f32 v16, v14;
	v10 =	vmul.f32 v10, v3  }
0x371: {  	v15 =	vld [tilespmem:s18+$0x30];
	v7 =	vadd.f32 v7, v11  }
0x372: {  	v11 =	vld [tilespmem:s7+$0xFFFFFFC0];
	[tilespmem:s25+$0x0] =	vst v14;
	v8 =	vadd.f32 v10, v8;
	v10 =	vmul.f32 v12, v3  }
0x373: {  	v12 =	vld [tilespmem:s7+$0xFFFFFFD0];
	v5 =	vadd.f32 v5, v13  }
0x374: {  	v13 =	vld [tilespmem:s7+$0xFFFFFFE0];
	v14 =	vmul.f32 v17, v4;
	[tilespmem:s25+$0x10] =	vst v8;
	v7 =	vadd.f32 v10, v7  }
0x375: {  	v8 =	vld [tilespmem:s7+$0xFFFFFFF0];
	v6 =	vadd.f32 v6, v5  }
0x376: {  	v10 =	vld [tilespmem:s7+$0x0];
	v9 =	vadd.f32 v14, v9;
	v14 =	vmul.f32 v15, v3;
	[tilespmem:s25+$0x20] =	vst v7  }
0x377: {  	v5 =	vmul.f32 v11, v4;
	v7 =	vld [tilespmem:s7+$0x10];
	[tilespmem:s25+$0xFFFFFFC0] =	vst v6  }
0x378: {  	v11 =	vmul.f32 v12, v4;
	v6 =	vld [tilespmem:s7+$0x20];
	v9 =	vadd.f32 v14, v9  }
0x379: {  	s25 =	sadd.s32 $0x200, s25;
	v12 =	vld [tilespmem:s18+$0xFFFFFFC0];
	v13 =	vmul.f32 v13, v4  }
0x37a: {  	v14 =	vld [tilespmem:s3+$0xFFFFFFD0];
	v15 =	vmul.f32 v8, v4;
	[tilespmem:s25+$0x30] =	vst v9  }
0x37b: {  	v9 =	vld [tilespmem:s18+$0xFFFFFFD0];
	v16 =	vmul.f32 v10, v4  }
0x37c: {  	v10 =	vld [tilespmem:s3+$0xFFFFFFE0];
	v8 =	vmul.f32 v7, v4  }
0x37d: {  	v17 =	vld [tilespmem:s18+$0xFFFFFFE0];
	v7 =	vmul.f32 v6, v4  }
0x37e: {  	v6 =	vmul.f32 v12, v3;
	v12 =	vld [tilespmem:s3+$0xFFFFFFF0]  }
0x37f: {  	v11 =	vadd.f32 v11, v14;
	v14 =	vld [tilespmem:s18+$0xFFFFFFF0]  }
0x380: {  	v9 =	vmul.f32 v9, v3;
	v18 =	vld [tilespmem:s3+$0x0]  }
0x381: {  	v13 =	vadd.f32 v13, v10;
	v19 =	vld [tilespmem:s18+$0x0]  }
.Ltmp27:
0x382: {  	v11 =	vadd.f32 v9, v11;
	v17 =	vmul.f32 v17, v3;
	v9 =	vld [tilespmem:s3+$0x10];
	(pc) =	sbr.rel @p2 .LBB2_39-.Ltmp27, $4  }
0x383: {  	v15 =	vadd.f32 v15, v12;
	v10 =	vld [tilespmem:s18+$0x10]  }
0x384: {  	[tilespmem:s25+$0xFFFFFFD0] =	vst v11;
	v17 =	vadd.f32 v17, v13;
	v20 =	vmul.f32 v14, v3;
	v11 =	vld [tilespmem:s3+$0x20]  }
0x385: {  	v14 =	vadd.f32 v16, v18;
	v12 =	vld [tilespmem:s18+$0x20]  }
0x386: {  	s7 =	sadd.s32 $0x400, s7;
	v13 =	vld [tilespmem:s3+$0xFFFFFFC0];
	[tilespmem:s25+$0xFFFFFFE0] =	vst v17;
	v15 =	vadd.f32 v20, v15;
	v16 =	vmul.f32 v19, v3  }
0x387: {  	_ =	sdelay $0x1  }
0x388: {  	v8 =	vadd.f32 v8, v9;
	v9 =	vmul.f32 v10, v3  }
0x389: {  	v10 =	vadd.f32 v16, v14;
	v7 =	vadd.f32 v7, v11;
	v11 =	vmul.f32 v12, v3  }
0x38a: {  	[tilespmem:s25+$0xFFFFFFF0] =	vst v15;
	v8 =	vadd.f32 v9, v8;
	v5 =	vadd.f32 v5, v13  }
0x38b: {  	[tilespmem:s25+$0x0] =	vst v10;
	v7 =	vadd.f32 v11, v7  }
0x38c: {  	[tilespmem:s25+$0x10] =	vst v8;
	v5 =	vadd.f32 v6, v5  }
0x38d: {  	[tilespmem:s25+$0x20] =	vst v7  }
0x38e: {  	[tilespmem:s25+$0xFFFFFFC0] =	vst v5  }
0x38f: {  	v5 =	vld [tilespmem:s20+$0x30]  }
0x390: {  	v6 =	vld [tilespmem:s24+$0x0]  }
0x391: {  	v7 =	vld [tilespmem:s22+$0x0]  }
0x392: {  	v8 =	vld [tilespmem:s20+$0xFFFFFFC0]  }
0x393: {  	v9 =	vld [tilespmem:s20+$0xFFFFFFD0]  }
0x394: {  	v10 =	vld [tilespmem:s20+$0xFFFFFFE0]  }
0x395: {  	v11 =	vld [tilespmem:s20+$0xFFFFFFF0]  }
0x396: {  	v12 =	vld [tilespmem:s20+$0x0]  }
0x397: {  	v13 =	vld [tilespmem:s20+$0x10]  }
0x398: {  	v14 =	vld [tilespmem:s20+$0x20]  }
0x399: {  	v15 =	vld [tilespmem:s22+$0xFFFFFF90]  }
0x39a: {  	v16 =	vld [tilespmem:s24+$0xFFFFFFA0]  }
0x39b: {  	v17 =	vld [tilespmem:s22+$0xFFFFFFA0]  }
0x39c: {  	v19 =	vld [tilespmem:s22+$0xFFFFFFB0]  }
0x39d: {  	v18 =	vld [tilespmem:s24+$0xFFFFFFB0];
	v5 =	vmul.f32 v5, v4  }
0x39e: {  	v20 =	vld [tilespmem:s24+$0xFFFFFFC0]  }
0x39f: {  	v9 =	vmul.f32 v9, v4;
	v5 =	vadd.f32 v5, v6;
	v6 =	vmul.f32 v7, v3;
	v7 =	vld [tilespmem:s22+$0xFFFFFFC0]  }
0x3a0: {  	v21 =	vld [tilespmem:s22+$0xFFFFFFD0];
	v10 =	vmul.f32 v10, v4;
	v11 =	vmul.f32 v11, v4  }
0x3a1: {  	v19 =	vmul.f32 v19, v3;
	v9 =	vadd.f32 v9, v16;
	v16 =	vmul.f32 v17, v3;
	v17 =	vld [tilespmem:s24+$0xFFFFFFD0]  }
0x3a2: {  	v22 =	vmul.f32 v12, v4;
	v18 =	vadd.f32 v10, v18;
	v10 =	vld [tilespmem:s24+$0xFFFFFFE0];
	v6 =	vadd.f32 v6, v5  }
0x3a3: {  	v20 =	vadd.f32 v11, v20;
	v16 =	vadd.f32 v16, v9;
	v5 =	vmul.f32 v8, v4;
	v9 =	vld [tilespmem:s22+$0xFFFFFFE0]  }
0x3a4: {  	v11 =	vld [tilespmem:s24+$0xFFFFFFF0];
	v8 =	vmul.f32 v13, v4;
	v18 =	vadd.f32 v19, v18;
	[tilespmem:s19+$0x0] =	vst v6;
	v19 =	vmul.f32 v7, v3  }
0x3a5: {  	s2 =	simm.s32 $0x0;
	s18 =	simm.s32 $0x11970;
	v12 =	vld [tilespmem:s22+$0xFFFFFFF0];
	v6 =	vmul.f32 v15, v3;
	[tilespmem:s19+$0xFFFFFFA0] =	vst v16;
	v16 =	vmul.f32 v21, v3  }
0x3a6: {  	s3 =	simm.s32 $0xA170;
	s7 =	sadd.s32 $0x400, s20;
	s25 =	simm.s32 $0xF170;
	v13 =	vld [tilespmem:s24+$0xFFFFFF90];
	[tilespmem:s19+$0xFFFFFFB0] =	vst v18;
	v7 =	vmul.f32 v14, v4;
	v14 =	vadd.f32 v22, v17;
	v15 =	vadd.f32 v19, v20  }
.LBB2_41:
0x3a7: {  	v17 =	vld [tilespmem:s7+$0x30];
	s2 =	sadd.s32 $0x80, s2;
	v8 =	vadd.f32 v8, v10;
	s24 =	sadd.s32 $0x200, s24  }
0x3a8: {  	s22 =	sadd.s32 $0x200, s22;
	v10 =	vld [tilespmem:s24+$0x0];
	p2 =	slt.u32 s2, $0x480;
	[tilespmem:s19+$0xFFFFFFC0] =	vst v15;
	v14 =	vadd.f32 v16, v14;
	v9 =	vmul.f32 v9, v3  }
0x3a9: {  	v15 =	vld [tilespmem:s22+$0x0];
	v7 =	vadd.f32 v7, v11  }
0x3aa: {  	v11 =	vld [tilespmem:s7+$0xFFFFFFC0];
	[tilespmem:s19+$0xFFFFFFD0] =	vst v14;
	v8 =	vadd.f32 v9, v8;
	v9 =	vmul.f32 v12, v3  }
0x3ab: {  	v12 =	vld [tilespmem:s7+$0xFFFFFFD0];
	v5 =	vadd.f32 v5, v13  }
0x3ac: {  	v13 =	vld [tilespmem:s7+$0xFFFFFFE0];
	v14 =	vmul.f32 v17, v4;
	[tilespmem:s19+$0xFFFFFFE0] =	vst v8;
	v7 =	vadd.f32 v9, v7  }
0x3ad: {  	v8 =	vld [tilespmem:s7+$0xFFFFFFF0];
	v6 =	vadd.f32 v6, v5  }
0x3ae: {  	v9 =	vld [tilespmem:s7+$0x0];
	v10 =	vadd.f32 v14, v10;
	v14 =	vmul.f32 v15, v3;
	[tilespmem:s19+$0xFFFFFFF0] =	vst v7  }
0x3af: {  	v5 =	vmul.f32 v11, v4;
	v7 =	vld [tilespmem:s7+$0x10];
	[tilespmem:s19+$0xFFFFFF90] =	vst v6  }
0x3b0: {  	v11 =	vmul.f32 v12, v4;
	v6 =	vld [tilespmem:s7+$0x20];
	v10 =	vadd.f32 v14, v10  }
0x3b1: {  	s19 =	sadd.s32 $0x200, s19;
	v12 =	vld [tilespmem:s22+$0xFFFFFF90];
	v13 =	vmul.f32 v13, v4  }
0x3b2: {  	v14 =	vld [tilespmem:s24+$0xFFFFFFA0];
	v15 =	vmul.f32 v8, v4;
	[tilespmem:s19+$0x0] =	vst v10  }
0x3b3: {  	v10 =	vld [tilespmem:s22+$0xFFFFFFA0];
	v16 =	vmul.f32 v9, v4  }
0x3b4: {  	v9 =	vld [tilespmem:s24+$0xFFFFFFB0];
	v8 =	vmul.f32 v7, v4  }
0x3b5: {  	v17 =	vld [tilespmem:s22+$0xFFFFFFB0];
	v7 =	vmul.f32 v6, v4  }
0x3b6: {  	v6 =	vmul.f32 v12, v3;
	v12 =	vld [tilespmem:s24+$0xFFFFFFC0]  }
0x3b7: {  	v11 =	vadd.f32 v11, v14;
	v14 =	vld [tilespmem:s22+$0xFFFFFFC0]  }
0x3b8: {  	v10 =	vmul.f32 v10, v3;
	v18 =	vld [tilespmem:s24+$0xFFFFFFD0]  }
0x3b9: {  	v13 =	vadd.f32 v13, v9;
	v19 =	vld [tilespmem:s22+$0xFFFFFFD0]  }
.Ltmp28:
0x3ba: {  	v11 =	vadd.f32 v10, v11;
	v17 =	vmul.f32 v17, v3;
	v10 =	vld [tilespmem:s24+$0xFFFFFFE0];
	(pc) =	sbr.rel @p2 .LBB2_41-.Ltmp28, $4  }
0x3bb: {  	v15 =	vadd.f32 v15, v12;
	v9 =	vld [tilespmem:s22+$0xFFFFFFE0]  }
0x3bc: {  	[tilespmem:s19+$0xFFFFFFA0] =	vst v11;
	v17 =	vadd.f32 v17, v13;
	v20 =	vmul.f32 v14, v3;
	v11 =	vld [tilespmem:s24+$0xFFFFFFF0]  }
0x3bd: {  	v14 =	vadd.f32 v16, v18;
	v12 =	vld [tilespmem:s22+$0xFFFFFFF0]  }
0x3be: {  	s7 =	sadd.s32 $0x400, s7;
	v13 =	vld [tilespmem:s24+$0xFFFFFF90];
	[tilespmem:s19+$0xFFFFFFB0] =	vst v17;
	v15 =	vadd.f32 v20, v15;
	v16 =	vmul.f32 v19, v3  }
0x3bf: {  	_ =	sdelay $0x1  }
0x3c0: {  	v8 =	vadd.f32 v8, v10;
	v9 =	vmul.f32 v9, v3  }
0x3c1: {  	v10 =	vadd.f32 v16, v14;
	v7 =	vadd.f32 v7, v11;
	v11 =	vmul.f32 v12, v3  }
0x3c2: {  	[tilespmem:s19+$0xFFFFFFC0] =	vst v15;
	v8 =	vadd.f32 v9, v8;
	v5 =	vadd.f32 v5, v13  }
0x3c3: {  	[tilespmem:s19+$0xFFFFFFD0] =	vst v10;
	v7 =	vadd.f32 v11, v7  }
0x3c4: {  	[tilespmem:s19+$0xFFFFFFE0] =	vst v8;
	v5 =	vadd.f32 v6, v5  }
0x3c5: {  	[tilespmem:s19+$0xFFFFFFF0] =	vst v7  }
0x3c6: {  	[tilespmem:s19+$0xFFFFFF90] =	vst v5  }
0x3c7: {  	v5 =	vld [tilespmem:s20+$0x30]  }
0x3c8: {  	v6 =	vld [tilespmem:s25+$0x0]  }
0x3c9: {  	v7 =	vld [tilespmem:s3+$0x0]  }
0x3ca: {  	v8 =	vld [tilespmem:s20+$0xFFFFFFC0]  }
0x3cb: {  	v9 =	vld [tilespmem:s20+$0xFFFFFFD0]  }
0x3cc: {  	v10 =	vld [tilespmem:s20+$0xFFFFFFE0]  }
0x3cd: {  	v11 =	vld [tilespmem:s20+$0xFFFFFFF0]  }
0x3ce: {  	v12 =	vld [tilespmem:s20+$0x0]  }
0x3cf: {  	v13 =	vld [tilespmem:s20+$0x10]  }
0x3d0: {  	v14 =	vld [tilespmem:s20+$0x20]  }
0x3d1: {  	v15 =	vld [tilespmem:s3+$0xFFFFFF90]  }
0x3d2: {  	v16 =	vld [tilespmem:s25+$0xFFFFFFA0]  }
0x3d3: {  	v17 =	vld [tilespmem:s3+$0xFFFFFFA0]  }
0x3d4: {  	v19 =	vld [tilespmem:s3+$0xFFFFFFB0]  }
0x3d5: {  	v18 =	vld [tilespmem:s25+$0xFFFFFFB0];
	v5 =	vmul.f32 v5, v4  }
0x3d6: {  	v20 =	vld [tilespmem:s25+$0xFFFFFFC0]  }
0x3d7: {  	v9 =	vmul.f32 v9, v4;
	v5 =	vadd.f32 v5, v6;
	v6 =	vmul.f32 v7, v3;
	v7 =	vld [tilespmem:s3+$0xFFFFFFC0]  }
0x3d8: {  	v21 =	vld [tilespmem:s3+$0xFFFFFFD0];
	v10 =	vmul.f32 v10, v4;
	v11 =	vmul.f32 v11, v4  }
0x3d9: {  	v19 =	vmul.f32 v19, v3;
	v9 =	vadd.f32 v9, v16;
	v16 =	vmul.f32 v17, v3;
	v17 =	vld [tilespmem:s25+$0xFFFFFFD0]  }
0x3da: {  	v22 =	vmul.f32 v12, v4;
	v18 =	vadd.f32 v10, v18;
	v10 =	vld [tilespmem:s25+$0xFFFFFFE0];
	v6 =	vadd.f32 v6, v5  }
0x3db: {  	v20 =	vadd.f32 v11, v20;
	v16 =	vadd.f32 v16, v9;
	v5 =	vmul.f32 v8, v4;
	v9 =	vld [tilespmem:s3+$0xFFFFFFE0]  }
0x3dc: {  	v11 =	vld [tilespmem:s25+$0xFFFFFFF0];
	v8 =	vmul.f32 v13, v4;
	v18 =	vadd.f32 v19, v18;
	[tilespmem:s18+$0x0] =	vst v6;
	v19 =	vmul.f32 v7, v3  }
0x3dd: {  	s2 =	simm.s32 $0x0;
	s24 =	simm.s32 $0xF1F0;
	v12 =	vld [tilespmem:s3+$0xFFFFFFF0];
	v6 =	vmul.f32 v15, v3;
	[tilespmem:s18+$0xFFFFFFA0] =	vst v16;
	v16 =	vmul.f32 v21, v3  }
0x3de: {  	s22 =	simm.s32 $0xA1F0;
	s7 =	sadd.s32 $0x400, s20;
	s19 =	simm.s32 $0x119F0;
	v13 =	vld [tilespmem:s25+$0xFFFFFF90];
	[tilespmem:s18+$0xFFFFFFB0] =	vst v18;
	v7 =	vmul.f32 v14, v4;
	v14 =	vadd.f32 v22, v17;
	v15 =	vadd.f32 v19, v20  }
.LBB2_43:
0x3df: {  	v17 =	vld [tilespmem:s7+$0x30];
	s2 =	sadd.s32 $0x80, s2;
	v8 =	vadd.f32 v8, v10;
	s25 =	sadd.s32 $0x200, s25  }
0x3e0: {  	s3 =	sadd.s32 $0x200, s3;
	v10 =	vld [tilespmem:s25+$0x0];
	p2 =	slt.u32 s2, $0x480;
	[tilespmem:s18+$0xFFFFFFC0] =	vst v15;
	v14 =	vadd.f32 v16, v14;
	v9 =	vmul.f32 v9, v3  }
0x3e1: {  	v15 =	vld [tilespmem:s3+$0x0];
	v7 =	vadd.f32 v7, v11  }
0x3e2: {  	v11 =	vld [tilespmem:s7+$0xFFFFFFC0];
	[tilespmem:s18+$0xFFFFFFD0] =	vst v14;
	v8 =	vadd.f32 v9, v8;
	v9 =	vmul.f32 v12, v3  }
0x3e3: {  	v12 =	vld [tilespmem:s7+$0xFFFFFFD0];
	v5 =	vadd.f32 v5, v13  }
0x3e4: {  	v13 =	vld [tilespmem:s7+$0xFFFFFFE0];
	v14 =	vmul.f32 v17, v4;
	[tilespmem:s18+$0xFFFFFFE0] =	vst v8;
	v7 =	vadd.f32 v9, v7  }
0x3e5: {  	v8 =	vld [tilespmem:s7+$0xFFFFFFF0];
	v6 =	vadd.f32 v6, v5  }
0x3e6: {  	v9 =	vld [tilespmem:s7+$0x0];
	v10 =	vadd.f32 v14, v10;
	v14 =	vmul.f32 v15, v3;
	[tilespmem:s18+$0xFFFFFFF0] =	vst v7  }
0x3e7: {  	v5 =	vmul.f32 v11, v4;
	v7 =	vld [tilespmem:s7+$0x10];
	[tilespmem:s18+$0xFFFFFF90] =	vst v6  }
0x3e8: {  	v11 =	vmul.f32 v12, v4;
	v6 =	vld [tilespmem:s7+$0x20];
	v10 =	vadd.f32 v14, v10  }
0x3e9: {  	s18 =	sadd.s32 $0x200, s18;
	v12 =	vld [tilespmem:s3+$0xFFFFFF90];
	v13 =	vmul.f32 v13, v4  }
0x3ea: {  	v14 =	vld [tilespmem:s25+$0xFFFFFFA0];
	v15 =	vmul.f32 v8, v4;
	[tilespmem:s18+$0x0] =	vst v10  }
0x3eb: {  	v10 =	vld [tilespmem:s3+$0xFFFFFFA0];
	v16 =	vmul.f32 v9, v4  }
0x3ec: {  	v9 =	vld [tilespmem:s25+$0xFFFFFFB0];
	v8 =	vmul.f32 v7, v4  }
0x3ed: {  	v17 =	vld [tilespmem:s3+$0xFFFFFFB0];
	v7 =	vmul.f32 v6, v4  }
0x3ee: {  	v6 =	vmul.f32 v12, v3;
	v12 =	vld [tilespmem:s25+$0xFFFFFFC0]  }
0x3ef: {  	v11 =	vadd.f32 v11, v14;
	v14 =	vld [tilespmem:s3+$0xFFFFFFC0]  }
0x3f0: {  	v10 =	vmul.f32 v10, v3;
	v18 =	vld [tilespmem:s25+$0xFFFFFFD0]  }
0x3f1: {  	v13 =	vadd.f32 v13, v9;
	v19 =	vld [tilespmem:s3+$0xFFFFFFD0]  }
.Ltmp29:
0x3f2: {  	v11 =	vadd.f32 v10, v11;
	v17 =	vmul.f32 v17, v3;
	v10 =	vld [tilespmem:s25+$0xFFFFFFE0];
	(pc) =	sbr.rel @p2 .LBB2_43-.Ltmp29, $4  }
0x3f3: {  	v15 =	vadd.f32 v15, v12;
	v9 =	vld [tilespmem:s3+$0xFFFFFFE0]  }
0x3f4: {  	[tilespmem:s18+$0xFFFFFFA0] =	vst v11;
	v17 =	vadd.f32 v17, v13;
	v20 =	vmul.f32 v14, v3;
	v11 =	vld [tilespmem:s25+$0xFFFFFFF0]  }
0x3f5: {  	v14 =	vadd.f32 v16, v18;
	v12 =	vld [tilespmem:s3+$0xFFFFFFF0]  }
0x3f6: {  	s7 =	sadd.s32 $0x400, s7;
	v13 =	vld [tilespmem:s25+$0xFFFFFF90];
	[tilespmem:s18+$0xFFFFFFB0] =	vst v17;
	v15 =	vadd.f32 v20, v15;
	v16 =	vmul.f32 v19, v3  }
0x3f7: {  	_ =	sdelay $0x1  }
0x3f8: {  	v8 =	vadd.f32 v8, v10;
	v9 =	vmul.f32 v9, v3  }
0x3f9: {  	v10 =	vadd.f32 v16, v14;
	v7 =	vadd.f32 v7, v11;
	v11 =	vmul.f32 v12, v3  }
0x3fa: {  	[tilespmem:s18+$0xFFFFFFC0] =	vst v15;
	v8 =	vadd.f32 v9, v8;
	v5 =	vadd.f32 v5, v13  }
0x3fb: {  	[tilespmem:s18+$0xFFFFFFD0] =	vst v10;
	v7 =	vadd.f32 v11, v7  }
0x3fc: {  	[tilespmem:s18+$0xFFFFFFE0] =	vst v8;
	v5 =	vadd.f32 v6, v5  }
0x3fd: {  	[tilespmem:s18+$0xFFFFFFF0] =	vst v7  }
0x3fe: {  	[tilespmem:s18+$0xFFFFFF90] =	vst v5  }
0x3ff: {  	v5 =	vld [tilespmem:s20+$0x30]  }
0x400: {  	v6 =	vld [tilespmem:s24+$0x0]  }
0x401: {  	v7 =	vld [tilespmem:s22+$0x0]  }
0x402: {  	v8 =	vld [tilespmem:s20+$0xFFFFFFC0]  }
0x403: {  	v9 =	vld [tilespmem:s20+$0xFFFFFFD0]  }
0x404: {  	v10 =	vld [tilespmem:s20+$0xFFFFFFE0]  }
0x405: {  	v11 =	vld [tilespmem:s20+$0xFFFFFFF0]  }
0x406: {  	v12 =	vld [tilespmem:s20+$0x0]  }
0x407: {  	v13 =	vld [tilespmem:s20+$0x10]  }
0x408: {  	v14 =	vld [tilespmem:s20+$0x20]  }
0x409: {  	v15 =	vld [tilespmem:s22+$0xFFFFFF90]  }
0x40a: {  	v16 =	vld [tilespmem:s24+$0xFFFFFFA0]  }
0x40b: {  	v17 =	vld [tilespmem:s22+$0xFFFFFFA0]  }
0x40c: {  	v19 =	vld [tilespmem:s22+$0xFFFFFFB0]  }
0x40d: {  	v18 =	vld [tilespmem:s24+$0xFFFFFFB0];
	v5 =	vmul.f32 v5, v4  }
0x40e: {  	v20 =	vld [tilespmem:s24+$0xFFFFFFC0]  }
0x40f: {  	v9 =	vmul.f32 v9, v4;
	v5 =	vadd.f32 v5, v6;
	v6 =	vmul.f32 v7, v3;
	v7 =	vld [tilespmem:s22+$0xFFFFFFC0]  }
0x410: {  	v21 =	vld [tilespmem:s22+$0xFFFFFFD0];
	v10 =	vmul.f32 v10, v4;
	v11 =	vmul.f32 v11, v4  }
0x411: {  	v19 =	vmul.f32 v19, v3;
	v9 =	vadd.f32 v9, v16;
	v16 =	vmul.f32 v17, v3;
	v17 =	vld [tilespmem:s24+$0xFFFFFFD0]  }
0x412: {  	v12 =	vmul.f32 v12, v4;
	v18 =	vadd.f32 v10, v18;
	v10 =	vld [tilespmem:s24+$0xFFFFFFE0];
	v6 =	vadd.f32 v6, v5  }
0x413: {  	v20 =	vadd.f32 v11, v20;
	v16 =	vadd.f32 v16, v9;
	v5 =	vmul.f32 v8, v4;
	v9 =	vld [tilespmem:s22+$0xFFFFFFE0]  }
0x414: {  	v11 =	vld [tilespmem:s24+$0xFFFFFFF0];
	v8 =	vmul.f32 v13, v4;
	v18 =	vadd.f32 v19, v18;
	[tilespmem:s19+$0x0] =	vst v6;
	v19 =	vmul.f32 v7, v3  }
0x415: {  	v13 =	vld [tilespmem:s22+$0xFFFFFFF0];
	v6 =	vmul.f32 v15, v3;
	[tilespmem:s19+$0xFFFFFFA0] =	vst v16;
	v16 =	vmul.f32 v21, v3  }
0x416: {  	s2 =	simm.s32 $0x0;
	s3 =	sadd.s32 $0x400, s20;
	[tilespmem:s19+$0xFFFFFFB0] =	vst v18;
	v7 =	vmul.f32 v14, v4;
	v14 =	vadd.f32 v12, v17;
	v12 =	vld [tilespmem:s24+$0xFFFFFF90];
	v15 =	vadd.f32 v19, v20  }
.LBB2_45:
0x417: {  	v17 =	vld [tilespmem:s3+$0x30];
	s2 =	sadd.s32 $0x80, s2;
	v8 =	vadd.f32 v8, v10;
	s24 =	sadd.s32 $0x200, s24  }
0x418: {  	v14 =	vadd.f32 v16, v14;
	v9 =	vmul.f32 v9, v3;
	s22 =	sadd.s32 $0x200, s22;
	v10 =	vld [tilespmem:s24+$0x0];
	p2 =	slt.u32 s2, $0x480;
	[tilespmem:s19+$0xFFFFFFC0] =	vst v15  }
0x419: {  	v7 =	vadd.f32 v7, v11;
	v15 =	vld [tilespmem:s22+$0x0]  }
0x41a: {  	v8 =	vadd.f32 v9, v8;
	v9 =	vmul.f32 v13, v3;
	v11 =	vld [tilespmem:s3+$0xFFFFFFC0];
	[tilespmem:s19+$0xFFFFFFD0] =	vst v14  }
0x41b: {  	v5 =	vadd.f32 v5, v12;
	v13 =	vld [tilespmem:s3+$0xFFFFFFD0]  }
0x41c: {  	v7 =	vadd.f32 v9, v7;
	v12 =	vld [tilespmem:s3+$0xFFFFFFE0];
	v14 =	vmul.f32 v17, v4;
	[tilespmem:s19+$0xFFFFFFE0] =	vst v8  }
0x41d: {  	v6 =	vadd.f32 v6, v5;
	v8 =	vld [tilespmem:s3+$0xFFFFFFF0]  }
0x41e: {  	v9 =	vld [tilespmem:s3+$0x0];
	v10 =	vadd.f32 v14, v10;
	v14 =	vmul.f32 v15, v3;
	[tilespmem:s19+$0xFFFFFFF0] =	vst v7  }
0x41f: {  	v5 =	vmul.f32 v11, v4;
	v7 =	vld [tilespmem:s3+$0x10];
	[tilespmem:s19+$0xFFFFFF90] =	vst v6  }
0x420: {  	v11 =	vmul.f32 v13, v4;
	v6 =	vld [tilespmem:s3+$0x20];
	v10 =	vadd.f32 v14, v10  }
0x421: {  	s19 =	sadd.s32 $0x200, s19;
	v13 =	vld [tilespmem:s22+$0xFFFFFF90];
	v12 =	vmul.f32 v12, v4  }
0x422: {  	v14 =	vld [tilespmem:s24+$0xFFFFFFA0];
	v15 =	vmul.f32 v8, v4;
	[tilespmem:s19+$0x0] =	vst v10  }
0x423: {  	v10 =	vld [tilespmem:s22+$0xFFFFFFA0];
	v16 =	vmul.f32 v9, v4  }
0x424: {  	v9 =	vld [tilespmem:s24+$0xFFFFFFB0];
	v8 =	vmul.f32 v7, v4  }
0x425: {  	v17 =	vld [tilespmem:s22+$0xFFFFFFB0];
	v7 =	vmul.f32 v6, v4  }
0x426: {  	v6 =	vmul.f32 v13, v3;
	v13 =	vld [tilespmem:s24+$0xFFFFFFC0]  }
0x427: {  	v11 =	vadd.f32 v11, v14;
	v14 =	vld [tilespmem:s22+$0xFFFFFFC0]  }
0x428: {  	v10 =	vmul.f32 v10, v3;
	v18 =	vld [tilespmem:s24+$0xFFFFFFD0]  }
0x429: {  	v12 =	vadd.f32 v12, v9;
	v19 =	vld [tilespmem:s22+$0xFFFFFFD0]  }
.Ltmp30:
0x42a: {  	v11 =	vadd.f32 v10, v11;
	v17 =	vmul.f32 v17, v3;
	v10 =	vld [tilespmem:s24+$0xFFFFFFE0];
	(pc) =	sbr.rel @p2 .LBB2_45-.Ltmp30, $4  }
0x42b: {  	v15 =	vadd.f32 v15, v13;
	v9 =	vld [tilespmem:s22+$0xFFFFFFE0]  }
0x42c: {  	[tilespmem:s19+$0xFFFFFFA0] =	vst v11;
	v17 =	vadd.f32 v17, v12;
	v20 =	vmul.f32 v14, v3;
	v11 =	vld [tilespmem:s24+$0xFFFFFFF0]  }
0x42d: {  	v14 =	vadd.f32 v16, v18;
	v13 =	vld [tilespmem:s22+$0xFFFFFFF0]  }
0x42e: {  	s3 =	sadd.s32 $0x400, s3;
	v12 =	vld [tilespmem:s24+$0xFFFFFF90];
	[tilespmem:s19+$0xFFFFFFB0] =	vst v17;
	v15 =	vadd.f32 v20, v15;
	v16 =	vmul.f32 v19, v3  }
.Ltmp31:
0x42f: {  	_ = 	snop;
	(pc) =	sbr.rel .LBB2_46-.Ltmp31, $1  }
0x430: {  	_ =	sdelay $0x3  }
.LBB2_50:
0x431: {  	_ =	sfence.sel $0x180000  }
0x432: {  	[bflag:$0x0] =	sbarrier.arrive $0xFFFF  }
0x433: {  	_ =	strace $0x90000047  }
0x434: {  	s0 =	stileid.u32;
	[bflag:$0x2] =	sbarrier.arrive $0xFFFF  }
0x435: {  	p0 =	sne.s32 s0, $0x0;
	s0 =	rddreg [dreg:$0x5]  }
0x436: {  	s0 =	sadd.s32 @!p0 $0x100000, s0  }
0x437: {  	[sflag:s0] =	ssyncadd.tile.s32 @!p0 $0x1;
	_ =	shalt  }
.Lfunc_end2:
_tile_overlayer_lowered:
.L_overlay_start_2:
0x438: {  	(tag) =	ssettag $0x2  }
0x439: {  	s0 =	rddreg [dreg:$0x0];
	s2 =	stileid.u32  }
0x43a: {  	s1 =	rddreg [dreg:$0x1];
	p0 =	sne.s32 s2, $0x0  }
0x43b: {  	s3 =	rddreg [dreg:$0x2];
	[bflag:$0x3] =	sbarrier.arrive $0xFFFF;
	s2 =	simm.s32 @!p0 $0x1C06  }
0x43c: {  	[timem:s3], [sflag:s2] =	dma.local @!p0 [hbm:s0], s1  }
0x43d: {  	s0 =	simm.s32 @!p0 $0x6  }
0x43e: {  	_ =	swait.ge @!p0 [sflag:s0], s1  }
0x43f: {  	s1 =	ssub.s32 @!p0 $0x0, s1;
	[sflag:s0] =	ssyncset.done @!p0 $0x0  }
0x440: {  	[sflag:s0] =	ssyncadd.s32 @!p0 s1  }
0x441: {  	[bflag:$0x3] =	sbarrier.arrive $0xFFFF  }
0x442: {  	_ =	shalt  }

</sc_bundles>
